<compile_context>
chip_gen: v7x
topology: tpu7x:2x2x1
jax: 0.10.2.dev20260603
libtpu: 0.0.44.dev20260713+nightly
codegen_flags: <defaults>
</compile_context>

<pallas_src>
import functools

import jax
import jax.numpy as jnp
from jax import lax
from jax.experimental import pallas as pl
from jax.experimental.pallas import tpu as pltpu
from jax.experimental.pallas import tpu_sc as plsc

N = 10000
E = 320000
IN = 128
HID = 16
HEADS = 8
OUT = 64

NP = 10240
BM = 256
GRID = NP // BM

NC = 2
NS = 16
L = 16
B = 128
CPT = 80
NCHUNK_P = NC * NS * CPT
EP = NCHUNK_P * B
B2 = 256
CPT2 = 40
NCHUNK_P2 = NC * NS * CPT2
ROWS = NP // NS

_mesh = plsc.VectorSubcoreMesh(
    core_axis_name="c", subcore_axis_name="s", num_cores=NC, num_subcores=NS)
_scparams = pltpu.CompilerParams(
    use_tc_tiling_on_sc=False, needs_layout_passes=False)


def _bcast(v, idx):
    dn = lax.GatherDimensionNumbers(
        offset_dims=(), collapsed_slice_dims=(0,), start_index_map=(0,))
    return lax.gather(v, idx[:, None], dn, (1,),
                      mode=lax.GatherScatterMode.PROMISE_IN_BOUNDS)


def _tc1_body(x_ref, w_ref, a_ref, h_ref, sa_ref, sb_ref, mx_ref):
    h = jnp.dot(x_ref[...], w_ref[...], preferred_element_type=jnp.float32)
    h_ref[...] = h
    s = jnp.dot(h, a_ref[...], preferred_element_type=jnp.float32)
    sa_ref[...] = s
    sb_ref[...] = jnp.concatenate([s[:, 8:], s[:, :8]], axis=1)
    m = jnp.max(s, axis=0, keepdims=True)

    @pl.when(pl.program_id(0) == 0)
    def _():
        mx_ref[...] = m

    @pl.when(pl.program_id(0) != 0)
    def _():
        mx_ref[...] = jnp.maximum(mx_ref[...], m)


def _tc1(x_pad, W1, A1):
    return pl.pallas_call(
        _tc1_body,
        grid=(GRID,),
        in_specs=[
            pl.BlockSpec((BM, IN), lambda i: (i, 0)),
            pl.BlockSpec((IN, HEADS * HID), lambda i: (0, 0)),
            pl.BlockSpec((HEADS * HID, 16), lambda i: (0, 0)),
        ],
        out_specs=[
            pl.BlockSpec((BM, HEADS * HID), lambda i: (i, 0)),
            pl.BlockSpec((BM, 16), lambda i: (i, 0)),
            pl.BlockSpec((BM, 16), lambda i: (i, 0)),
            pl.BlockSpec((1, 16), lambda i: (0, 0)),
        ],
        out_shape=[
            jax.ShapeDtypeStruct((NP, HEADS * HID), jnp.float32),
            jax.ShapeDtypeStruct((NP, 16), jnp.float32),
            jax.ShapeDtypeStruct((NP, 16), jnp.float32),
            jax.ShapeDtypeStruct((1, 16), jnp.float32),
        ],
    )(x_pad, W1, A1)


def _tc2_body(p0_ref, p1_ref, b_ref, w_ref, a_ref, h_ref, sa_ref, mx_ref):
    t = jnp.maximum(p0_ref[...] + p1_ref[...] + b_ref[...], 0.0)
    h = jnp.dot(t, w_ref[...], preferred_element_type=jnp.float32)
    h_ref[...] = h
    s = jnp.dot(h, a_ref[...], preferred_element_type=jnp.float32)
    sa_ref[...] = s
    m = jnp.max(s, axis=0, keepdims=True)

    @pl.when(pl.program_id(0) == 0)
    def _():
        mx_ref[...] = m

    @pl.when(pl.program_id(0) != 0)
    def _():
        mx_ref[...] = jnp.maximum(mx_ref[...], m)


def _tc2(p0, p1, b1r, W2, A2):
    return pl.pallas_call(
        _tc2_body,
        grid=(GRID,),
        in_specs=[
            pl.BlockSpec((BM, HEADS * HID), lambda i: (i, 0)),
            pl.BlockSpec((BM, HEADS * HID), lambda i: (i, 0)),
            pl.BlockSpec((1, HEADS * HID), lambda i: (0, 0)),
            pl.BlockSpec((HEADS * HID, OUT), lambda i: (0, 0)),
            pl.BlockSpec((OUT, 16), lambda i: (0, 0)),
        ],
        out_specs=[
            pl.BlockSpec((BM, OUT), lambda i: (i, 0)),
            pl.BlockSpec((BM, 16), lambda i: (i, 0)),
            pl.BlockSpec((1, 16), lambda i: (0, 0)),
        ],
        out_shape=[
            jax.ShapeDtypeStruct((NP, OUT), jnp.float32),
            jax.ShapeDtypeStruct((NP, 16), jnp.float32),
            jax.ShapeDtypeStruct((1, 16), jnp.float32),
        ],
    )(p0, p1, b1r, W2, A2)


def _tc3_body(q0_ref, q1_ref, b_ref, o_ref):
    o = q0_ref[...] + q1_ref[...] + b_ref[...]
    m = jnp.max(o, axis=1, keepdims=True)
    z = o - m
    lse = jnp.log(jnp.sum(jnp.exp(z), axis=1, keepdims=True))
    o_ref[...] = z - lse


def _tc3(q0, q1, b2r):
    return pl.pallas_call(
        _tc3_body,
        grid=(GRID,),
        in_specs=[
            pl.BlockSpec((BM, OUT), lambda i: (i, 0)),
            pl.BlockSpec((BM, OUT), lambda i: (i, 0)),
            pl.BlockSpec((1, OUT), lambda i: (0, 0)),
        ],
        out_specs=pl.BlockSpec((BM, OUT), lambda i: (i, 0)),
        out_shape=jax.ShapeDtypeStruct((NP, OUT), jnp.float32),
    )(q0, q1, b2r)


def _tcradd_body(a_ref, b_ref, o_ref):
    o_ref[...] = 1.0 / (a_ref[...] + b_ref[...] + 1e-16)


def _tc_radd(a, b):
    rows, cols = a.shape
    bm = min(rows, BM)
    return pl.pallas_call(
        _tcradd_body,
        grid=(rows // bm,),
        in_specs=[
            pl.BlockSpec((bm, cols), lambda i: (i, 0)),
            pl.BlockSpec((bm, cols), lambda i: (i, 0)),
        ],
        out_specs=pl.BlockSpec((bm, cols), lambda i: (i, 0)),
        out_shape=jax.ShapeDtypeStruct((rows, cols), jnp.float32),
    )(a, b)


@functools.partial(
    pl.kernel,
    out_type=[
        jax.ShapeDtypeStruct((NC, NP, 16), jnp.float32),
        jax.ShapeDtypeStruct((EP, 16), jnp.float32),
    ],
    mesh=_mesh,
    compiler_params=_scparams,
    scratch_types=[
        pltpu.VMEM((CPT2, B2), jnp.int32),
        pltpu.VMEM((CPT2, B2), jnp.int32),
        pltpu.VMEM((B2, 16), jnp.float32),
        pltpu.VMEM((B2, 16), jnp.float32),
        pltpu.VMEM((B2, 16), jnp.float32),
        pltpu.VMEM((B2, 16), jnp.float32),
        pltpu.VMEM((B2, 16), jnp.float32),
        pltpu.VMEM((B2, 16), jnp.float32),
        pltpu.VMEM((L,), jnp.float32),
        pltpu.VMEM_SHARED((NP, 16), jnp.float32),
        pltpu.SemaphoreType.DMA,
        pltpu.SemaphoreType.DMA,
        pltpu.SemaphoreType.DMA,
        pltpu.SemaphoreType.DMA,
        pltpu.SemaphoreType.DMA,
        pltpu.SemaphoreType.DMA,
    ],
)
def _sc1_pass1(src_hbm, dst_hbm, ta_hbm, tb_hbm, k_hbm, z_hbm, den_hbm,
               ex_hbm,
               src_v, dst_v, sa0, sa1, sb0, sb1, ex0, ex1, k_v, den_sp,
               sma0, sma1, smb0, smb1, sme0, sme1):
    c = lax.axis_index("c")
    s = lax.axis_index("s")
    wid = c * NS + s
    base = wid * CPT2
    pltpu.sync_copy(k_hbm, k_v)
    kv = k_v[...]
    pltpu.sync_copy(z_hbm.at[pl.ds(s * ROWS, ROWS), :],
                    den_sp.at[pl.ds(s * ROWS, ROWS), :])
    pltpu.sync_copy(src_hbm.at[pl.ds(wid * CPT2, CPT2), :], src_v)
    pltpu.sync_copy(dst_hbm.at[pl.ds(wid * CPT2, CPT2), :], dst_v)
    plsc.subcore_barrier()

    bufs = ((sa0, sb0, ex0, sma0, smb0, sme0),
            (sa1, sb1, ex1, sma1, smb1, sme1))
    for par in range(2):
        sa, sb, ex, sma, smb, sme = bufs[par]
        pltpu.async_copy(ta_hbm.at[src_v.at[par]], sa, sma)
        pltpu.async_copy(tb_hbm.at[dst_v.at[par]], sb, smb)

    def pair(jj, carry):
        for par in range(2):
            j = jj * 2 + par
            sa, sb, ex, sma, smb, sme = bufs[par]
            pltpu.make_async_copy(ta_hbm.at[src_v.at[j]], sa, sma).wait()
            pltpu.make_async_copy(tb_hbm.at[dst_v.at[j]], sb, smb).wait()

            @pl.when(j >= 2)
            def _():
                pltpu.make_async_copy(
                    ex, ex_hbm.at[pl.ds((base + j - 2) * B2, B2), :],
                    sme).wait()

            @plsc.parallel_loop(0, B2, 1, unroll=4)
            def _(i):
                e = sa[i, :] + sb[i, :]
                e = jnp.maximum(e, 0.2 * e)
                ex[i, :] = jnp.exp(e - kv)

            pltpu.sync_copy(ex, den_sp.at[dst_v.at[j]], add=True)
            pltpu.async_copy(
                ex, ex_hbm.at[pl.ds((base + j) * B2, B2), :], sme)

            @pl.when(j + 2 < CPT2)
            def _():
                pltpu.async_copy(ta_hbm.at[src_v.at[j + 2]], sa, sma)
                pltpu.async_copy(tb_hbm.at[dst_v.at[j + 2]], sb, smb)

        return carry

    lax.fori_loop(0, CPT2 // 2, pair, 0)
    for par in range(2):
        sa, sb, ex, sma, smb, sme = bufs[par]
        pltpu.make_async_copy(
            ex, ex_hbm.at[pl.ds((base + CPT2 - 2 + par) * B2, B2), :],
            sme).wait()
    plsc.subcore_barrier()
    pltpu.sync_copy(den_sp.at[pl.ds(s * ROWS, ROWS), :],
                    den_hbm.at[c, pl.ds(s * ROWS, ROWS), :])


@functools.partial(
    pl.kernel,
    out_type=jax.ShapeDtypeStruct((NC, NP, HEADS * HID), jnp.float32),
    mesh=_mesh,
    compiler_params=_scparams,
    scratch_types=[
        pltpu.VMEM((1, B), jnp.int32),
        pltpu.VMEM((1, B), jnp.int32),
        pltpu.VMEM((1, B), jnp.int32),
        pltpu.VMEM((1, B), jnp.int32),
        pltpu.VMEM((B, 16), jnp.float32),
        pltpu.VMEM((B, 16), jnp.float32),
        pltpu.VMEM((B, 16), jnp.float32),
        pltpu.VMEM((B, 16), jnp.float32),
        pltpu.VMEM((B, HEADS * HID), jnp.float32),
        pltpu.VMEM((B, HEADS * HID), jnp.float32),
        pltpu.VMEM_SHARED((NP, HEADS * HID), jnp.float32),
        pltpu.SemaphoreType.DMA,
        pltpu.SemaphoreType.DMA,
        pltpu.SemaphoreType.DMA,
        pltpu.SemaphoreType.DMA,
        pltpu.SemaphoreType.DMA,
        pltpu.SemaphoreType.DMA,
        pltpu.SemaphoreType.DMA,
        pltpu.SemaphoreType.DMA,
        pltpu.SemaphoreType.DMA,
        pltpu.SemaphoreType.DMA,
    ],
)
def _sc1_pass2(src_hbm, dst_hbm, ex_hbm, den_hbm, h_hbm, z_hbm, out_hbm,
               s0, s1, d0, d1, ex0, ex1, dn0, dn1, h0, h1,
               out_sp,
               si0, si1, di0, di1, sme0, sme1, smd0, smd1, smh0, smh1):
    c = lax.axis_index("c")
    s = lax.axis_index("s")
    wid = c * NS + s
    base = wid * CPT
    mod8 = lax.iota(jnp.int32, L) % HEADS
    pltpu.sync_copy(z_hbm.at[pl.ds(s * ROWS, ROWS), :],
                    out_sp.at[pl.ds(s * ROWS, ROWS), :])
    plsc.subcore_barrier()

    ibufs = ((s0, d0, si0, di0), (s1, d1, si1, di1))
    rbufs = ((ex0, dn0, h0, sme0, smd0, smh0),
             (ex1, dn1, h1, sme1, smd1, smh1))

    def idx_copy(j, par):
        sv, dv, sis, dis = ibufs[par]
        pltpu.async_copy(src_hbm.at[pl.ds(base + j, 1), :], sv, sis)
        pltpu.async_copy(dst_hbm.at[pl.ds(base + j, 1), :], dv, dis)

    def idx_wait(j, par):
        sv, dv, sis, dis = ibufs[par]
        pltpu.make_async_copy(
            src_hbm.at[pl.ds(base + j, 1), :], sv, sis).wait()
        pltpu.make_async_copy(
            dst_hbm.at[pl.ds(base + j, 1), :], dv, dis).wait()

    def ex_copy(j, par):
        ex, _, _, sme, _, _ = rbufs[par]
        pltpu.async_copy(ex_hbm.at[pl.ds((base + j) * B, B), :], ex, sme)

    def row_issue(par):
        sv, dv, _, _ = ibufs[par]
        ex, dn, h, sme, smd, smh = rbufs[par]
        pltpu.async_copy(den_hbm.at[dv.at[0]], dn, smd)
        pltpu.async_copy(h_hbm.at[sv.at[0]], h, smh)

    def row_wait(j, par):
        sv, dv, _, _ = ibufs[par]
        ex, dn, h, sme, smd, smh = rbufs[par]
        pltpu.make_async_copy(
            ex_hbm.at[pl.ds((base + j) * B, B), :], ex, sme).wait()
        pltpu.make_async_copy(den_hbm.at[dv.at[0]], dn, smd).wait()
        pltpu.make_async_copy(h_hbm.at[sv.at[0]], h, smh).wait()

    idx_copy(0, 0)
    ex_copy(0, 0)
    ex_copy(1, 1)
    idx_wait(0, 0)
    row_issue(0)
    idx_copy(1, 1)

    def pair(jj, carry):
        for par in range(2):
            j = jj * 2 + par

            @pl.when(j + 1 < CPT)
            def _():
                idx_wait(j + 1, par ^ 1)
                row_issue(par ^ 1)

            row_wait(j, par)
            ex, dn, h = rbufs[par][:3]

            @plsc.parallel_loop(0, B, 1, unroll=2)
            def _(i):
                al = ex[i, :] * dn[i, :]
                av = _bcast(al, mod8)
                for k in range(HEADS):
                    h[i, pl.ds(k * HID, HID)] = (
                        h[i, pl.ds(k * HID, HID)] * av)

            dv = ibufs[par][1]
            pltpu.sync_copy(h, out_sp.at[dv.at[0]], add=True)

            @pl.when(j + 2 < CPT)
            def _():
                idx_copy(j + 2, par)
                ex_copy(j + 2, par)

        return carry

    lax.fori_loop(0, CPT // 2, pair, 0)
    plsc.subcore_barrier()
    pltpu.sync_copy(out_sp.at[pl.ds(s * ROWS, ROWS), :],
                    out_hbm.at[c, pl.ds(s * ROWS, ROWS), :])


@functools.partial(
    pl.kernel,
    out_type=[
        jax.ShapeDtypeStruct((NC, NP), jnp.float32),
        jax.ShapeDtypeStruct((NCHUNK_P, B), jnp.float32),
    ],
    mesh=_mesh,
    compiler_params=_scparams,
    scratch_types=[
        pltpu.VMEM((CPT, B), jnp.int32),
        pltpu.VMEM((CPT, B), jnp.int32),
        pltpu.VMEM((CPT, B), jnp.float32),
        pltpu.VMEM((NP,), jnp.float32),
        pltpu.VMEM((NP,), jnp.float32),
        pltpu.VMEM((L,), jnp.float32),
        pltpu.VMEM_SHARED((NP,), jnp.float32),
    ],
)
def _sc2_pass1(src_hbm, dst_hbm, as_hbm, ad_hbm, k_hbm, z_hbm, den_hbm,
               ex_hbm,
               src_v, dst_v, exs_v, as_v, ad_v, k_v, den_sp):
    c = lax.axis_index("c")
    s = lax.axis_index("s")
    wid = c * NS + s
    pltpu.sync_copy(k_hbm, k_v)
    kv = k_v[...]
    pltpu.sync_copy(as_hbm, as_v)
    pltpu.sync_copy(ad_hbm, ad_v)
    pltpu.sync_copy(z_hbm.at[pl.ds(s * ROWS, ROWS)],
                    den_sp.at[pl.ds(s * ROWS, ROWS)])
    pltpu.sync_copy(src_hbm.at[pl.ds(wid * CPT, CPT), :], src_v)
    pltpu.sync_copy(dst_hbm.at[pl.ds(wid * CPT, CPT), :], dst_v)
    plsc.subcore_barrier()

    def chunk(j, carry):

        @plsc.parallel_loop(0, B // L, 1, unroll=4)
        def _(j2):
            sl = pl.ds(j2 * L, L)
            sv = plsc.load_gather(as_v, [src_v[j, sl]])
            dv = plsc.load_gather(ad_v, [dst_v[j, sl]])
            e = sv + dv
            e = jnp.maximum(e, 0.2 * e)
            exs_v[j, sl] = jnp.exp(e - kv)

        pltpu.sync_copy(exs_v.at[j], den_sp.at[dst_v.at[j]], add=True)
        return carry

    lax.fori_loop(0, CPT, chunk, 0)
    pltpu.sync_copy(exs_v, ex_hbm.at[pl.ds(wid * CPT, CPT), :])
    plsc.subcore_barrier()
    pltpu.sync_copy(den_sp.at[pl.ds(s * ROWS, ROWS)],
                    den_hbm.at[c, pl.ds(s * ROWS, ROWS)])


@functools.partial(
    pl.kernel,
    out_type=jax.ShapeDtypeStruct((NC, NP, OUT), jnp.float32),
    mesh=_mesh,
    compiler_params=_scparams,
    scratch_types=[
        pltpu.VMEM((CPT, B), jnp.int32),
        pltpu.VMEM((CPT, B), jnp.int32),
        pltpu.VMEM((CPT, B), jnp.float32),
        pltpu.VMEM((B,), jnp.float32),
        pltpu.VMEM((NP,), jnp.float32),
        pltpu.VMEM((B, OUT), jnp.float32),
        pltpu.VMEM((B, OUT), jnp.float32),
        pltpu.VMEM((B, OUT), jnp.float32),
        pltpu.VMEM_SHARED((NP, OUT), jnp.float32),
        pltpu.SemaphoreType.DMA,
        pltpu.SemaphoreType.DMA,
    ],
)
def _sc2_pass2(src_hbm, dst_hbm, ex_hbm, den_hbm, h_hbm, z_hbm, out_hbm,
               src_v, dst_v, exs_v, al_v, dn_v, h0, h1, msg_v,
               out_sp, smh0, smh1):
    c = lax.axis_index("c")
    s = lax.axis_index("s")
    wid = c * NS + s
    pltpu.sync_copy(den_hbm, dn_v)
    pltpu.sync_copy(z_hbm.at[pl.ds(s * ROWS, ROWS), :],
                    out_sp.at[pl.ds(s * ROWS, ROWS), :])
    pltpu.sync_copy(src_hbm.at[pl.ds(wid * CPT, CPT), :], src_v)
    pltpu.sync_copy(dst_hbm.at[pl.ds(wid * CPT, CPT), :], dst_v)
    pltpu.sync_copy(ex_hbm.at[pl.ds(wid * CPT, CPT), :], exs_v)
    plsc.subcore_barrier()

    bufs = ((h0, smh0), (h1, smh1))
    for par in range(2):
        h, smh = bufs[par]
        pltpu.async_copy(h_hbm.at[src_v.at[par]], h, smh)

    def pair(jj, carry):
        for par in range(2):
            j = jj * 2 + par
            h, smh = bufs[par]

            @plsc.parallel_loop(0, B // L, 1, unroll=4)
            def _(j2):
                sl = pl.ds(j2 * L, L)
                den = plsc.load_gather(dn_v, [dst_v[j, sl]])
                al_v[sl] = exs_v[j, sl] * den

            pltpu.make_async_copy(h_hbm.at[src_v.at[j]], h, smh).wait()

            @plsc.parallel_loop(0, B // L, 1, unroll=1)
            def _(g):
                avall = al_v[pl.ds(g * L, L)]
                for m in range(L):
                    av = _bcast(avall, jnp.full((L,), m, jnp.int32))
                    i = g * L + m
                    for k in range(OUT // HID):
                        msg_v[i, pl.ds(k * HID, HID)] = (
                            h[i, pl.ds(k * HID, HID)] * av)

            pltpu.sync_copy(msg_v, out_sp.at[dst_v.at[j]], add=True)

            @pl.when(j + 2 < CPT)
            def _():
                pltpu.async_copy(h_hbm.at[src_v.at[j + 2]], h, smh)

        return carry

    lax.fori_loop(0, CPT // 2, pair, 0)
    plsc.subcore_barrier()
    pltpu.sync_copy(out_sp.at[pl.ds(s * ROWS, ROWS), :],
                    out_hbm.at[c, pl.ds(s * ROWS, ROWS), :])


def kernel(x, edge_index, W1, a_src1, a_dst1, b1, W2, a_src2, a_dst2, b2):
    x_pad = jnp.pad(x, ((0, NP - N), (0, 0)))
    src = edge_index[0].astype(jnp.int32)
    dst = edge_index[1].astype(jnp.int32)
    pad = N + jnp.arange(EP - E, dtype=jnp.int32) % (NP - N)
    src_p = jnp.concatenate([src, pad]).reshape(NCHUNK_P, B)
    dst_p = jnp.concatenate([dst, pad]).reshape(NCHUNK_P, B)

    cols = jnp.arange(HEADS * HID)
    orig = (cols % HEADS) * HID + cols // HEADS
    W1p = W1[:, orig]
    b1p = b1[orig]
    W2p = W2[orig, :]

    eye = jnp.repeat(jnp.eye(HEADS, dtype=jnp.float32), HID, axis=0)
    A_src = eye * a_src1.reshape(-1)[:, None]
    A_dst = eye * a_dst1.reshape(-1)[:, None]
    A1 = jnp.concatenate([A_src, A_dst], axis=1)[orig, :]

    h1, ta1, tb1, mx1 = _tc1(x_pad, W1p, A1)
    k1 = mx1[0, :8] + mx1[0, 8:]
    k1 = jnp.maximum(k1, 0.2 * k1)
    k16_1 = jnp.concatenate([k1, k1])

    z16 = jnp.zeros((NP, 16), jnp.float32)
    z128 = jnp.zeros((NP, HEADS * HID), jnp.float32)
    den1p, ex1 = _sc1_pass1(src_p.reshape(NCHUNK_P2, B2),
                            dst_p.reshape(NCHUNK_P2, B2),
                            ta1, tb1, k16_1, z16)
    rden1 = _tc_radd(den1p[0], den1p[1])
    out1p = _sc1_pass2(src_p, dst_p, ex1, rden1, h1, z128)

    A2 = jnp.zeros((OUT, 16), jnp.float32)
    A2 = A2.at[:, 0].set(a_src2[0]).at[:, 1].set(a_dst2[0])
    h2, sa2, mx2 = _tc2(out1p[0], out1p[1], b1p.reshape(1, -1), W2p, A2)
    k2 = mx2[0, 0] + mx2[0, 1]
    k2 = jnp.maximum(k2, 0.2 * k2)
    k16_2 = jnp.full((L,), k2, jnp.float32)
    as2 = sa2[:, 0]
    ad2 = sa2[:, 1]

    z1d = jnp.zeros((NP,), jnp.float32)
    z64 = jnp.zeros((NP, OUT), jnp.float32)
    den2p, ex2 = _sc2_pass1(src_p, dst_p, as2, ad2, k16_2, z1d)
    rden2 = _tc_radd(den2p[0].reshape(80, 128),
                     den2p[1].reshape(80, 128)).reshape(NP)
    out2p = _sc2_pass2(src_p, dst_p, ex2, rden2, h2, z64)

    o = _tc3(out2p[0], out2p[1], b2.reshape(1, -1))
    return o[:N]

# --- scband reference (transcript-rebuilt; emitter-appended) ---
"""Pipeline reference for scband-gat-11948599017538 (READ-ONLY COPY).

The authoritative reference and input builder live on the scoring server;
editing this copy changes nothing except your own understanding.
"""

import jax, jax.numpy as jnp
import numpy as np

N = 10000
E = 320000
IN = 128
HID = 16
HEADS = 8
OUT = 64


def setup_inputs(seed: int = 0) -> dict:
    key = jax.random.key(seed)
    ks = jax.random.split(key, 12)
    x = jax.random.normal(ks[0], (N, IN), dtype=jnp.float32)
    edge_index = jax.random.randint(ks[1], (2, E), 0, N)
    W1 = jax.random.normal(ks[2], (IN, HEADS * HID), dtype=jnp.float32) * 0.1
    a_src1 = jax.random.normal(ks[3], (HEADS, HID), dtype=jnp.float32) * 0.1
    a_dst1 = jax.random.normal(ks[4], (HEADS, HID), dtype=jnp.float32) * 0.1
    b1 = jnp.zeros((HEADS * HID,), dtype=jnp.float32)
    W2 = jax.random.normal(ks[5], (HEADS * HID, OUT), dtype=jnp.float32) * 0.1
    a_src2 = jax.random.normal(ks[6], (1, OUT), dtype=jnp.float32) * 0.1
    a_dst2 = jax.random.normal(ks[7], (1, OUT), dtype=jnp.float32) * 0.1
    b2 = jnp.zeros((OUT,), dtype=jnp.float32)
    return {"x": x, "edge_index": edge_index, "W1": W1, "a_src1": a_src1,
            "a_dst1": a_dst1, "b1": b1, "W2": W2, "a_src2": a_src2,
            "a_dst2": a_dst2, "b2": b2}


def _gat_layer(x, edge_index, W, a_src, a_dst, b, heads, ch, concat):
    src = edge_index[0]
    dst = edge_index[1]
    n = x.shape[0]
    h = (x @ W).reshape(n, heads, ch)
    alpha_src = jnp.sum(h * a_src[None, :, :], axis=-1)  # [N, H]
    alpha_dst = jnp.sum(h * a_dst[None, :, :], axis=-1)  # [N, H]
    e = alpha_src[src] + alpha_dst[dst]                  # [E, H] gather
    e = jax.nn.leaky_relu(e, negative_slope=0.2)
    # numerically-stable softmax over incoming edges of each dst node
    emax = jax.ops.segment_max(e, dst, num_segments=n)
    emax = jnp.where(jnp.isfinite(emax), emax, 0.0)
    ex = jnp.exp(e - emax[dst])
    denom = jax.ops.segment_sum(ex, dst, num_segments=n)
    alpha = ex / (denom[dst] + 1e-16)                    # [E, H]
    msg = h[src] * alpha[:, :, None]                     # [E, H, C] gather
    out = jax.ops.segment_sum(msg, dst, num_segments=n)  # scatter-add
    if concat:
        out = out.reshape(n, heads * ch)
    else:
        out = out.mean(axis=1)
    return out + b


def reference(x, edge_index, W1, a_src1, a_dst1, b1, W2, a_src2, a_dst2, b2):
    h = _gat_layer(x, edge_index, W1, a_src1, a_dst1, b1, HEADS, HID, True)
    h = jax.nn.relu(h)
    o = _gat_layer(h, edge_index, W2, a_src2, a_dst2, b2, 1, OUT, False)
    return jax.nn.log_softmax(o, axis=1)

if __name__ == "__main__":
    import jax
    _d = setup_inputs()
    print(jax.jit(kernel)(*tuple(_d.values())))

</pallas_src>

<mosaic_0001>
#map = affine_map<(d0, d1) -> (0, 0)>
#map1 = affine_map<(d0, d1) -> (0)>
#map2 = affine_map<(d0, d1) -> (0, 0, 0)>
module attributes {stable_mosaic.version = 14 : i64} {
  func.func @_sc2_pass2(%arg0: i32, %arg1: i32, %arg2: memref<2560x128xi32, #tpu.memory_space<hbm>>, %arg3: memref<2560x128xi32, #tpu.memory_space<hbm>>, %arg4: memref<2560x128xf32, #tpu.memory_space<hbm>>, %arg5: memref<10240xf32, #tpu.memory_space<hbm>>, %arg6: memref<10240x64xf32, #tpu.memory_space<hbm>>, %arg7: memref<10240x64xf32, #tpu.memory_space<hbm>>, %arg8: memref<2x10240x64xf32, #tpu.memory_space<hbm>>, %arg9: memref<80x128xi32, #tpu.memory_space<vmem>>, %arg10: memref<80x128xi32, #tpu.memory_space<vmem>>, %arg11: memref<80x128xf32, #tpu.memory_space<vmem>>, %arg12: memref<128xf32, #tpu.memory_space<vmem>>, %arg13: memref<10240xf32, #tpu.memory_space<vmem>>, %arg14: memref<128x64xf32, #tpu.memory_space<vmem>>, %arg15: memref<128x64xf32, #tpu.memory_space<vmem>>, %arg16: memref<128x64xf32, #tpu.memory_space<vmem>>, %arg17: memref<10240x64xf32, #tpu.memory_space<vmem_shared>>, %arg18: memref<!tpu.dma_semaphore, #tpu.memory_space<semaphore_mem>>, %arg19: memref<!tpu.dma_semaphore, #tpu.memory_space<semaphore_mem>>) attributes {dimension_semantics = [#tpu.dimension_semantics<core_parallel>, #tpu.dimension_semantics<subcore_parallel>], iteration_bounds = array<i64: 2, 16>, scalar_prefetch = 0 : i64, scratch_operands = 11 : i64, tpu.core_type = #tpu.core_type<sc_vector_subcore>, window_params = [{transform_indices = #map}, {transform_indices = #map}, {transform_indices = #map}, {transform_indices = #map1}, {transform_indices = #map}, {transform_indices = #map}, {transform_indices = #map2}]} {
    %mul3A = arith.constant 16 : i32
    %mul3A_0 = arith.muli %arg0, %mul3A : i32
    %add3A = arith.addi %mul3A_0, %arg1 : i32
    "tpu.region"() ({
      %run_scoped3A = tpu.sem_alloc : memref<!tpu.dma_semaphore, #tpu.memory_space<semaphore_mem>>
      tpu.enqueue_dma source(%arg5 : memref<10240xf32, #tpu.memory_space<hbm>>) target(%arg13 : memref<10240xf32, #tpu.memory_space<vmem>>) target_semaphore(%run_scoped3A : memref<!tpu.dma_semaphore, #tpu.memory_space<semaphore_mem>>)
      tpu.wait_dma2 semaphore(%run_scoped3A : memref<!tpu.dma_semaphore, #tpu.memory_space<semaphore_mem>>) src(%arg5 : memref<10240xf32, #tpu.memory_space<hbm>>) dst(%arg13 : memref<10240xf32, #tpu.memory_space<vmem>>)
      tpu.yield
    }) : () -> ()
    %mul3A_1 = arith.constant 640 : i32
    %mul3A_2 = arith.muli %arg1, %mul3A_1 : i32
    %mul3A_3 = arith.constant 640 : i32
    %mul3A_4 = arith.muli %arg1, %mul3A_3 : i32
    "tpu.region"() ({
      %run_scoped3A = tpu.sem_alloc : memref<!tpu.dma_semaphore, #tpu.memory_space<semaphore_mem>>
      %dma_start3A_34 = arith.constant 0 : i32
      %dma_start3A_35 = tpu.memref_slice %arg17[%mul3A_4, %dma_start3A_34] : memref<10240x64xf32, #tpu.memory_space<vmem_shared>> -> memref<640x64xf32, #tpu.memory_space<vmem_shared>>
      %dma_start3A_36 = arith.constant 0 : i32
      %dma_start3A_37 = tpu.memref_slice %arg7[%mul3A_2, %dma_start3A_36] : memref<10240x64xf32, #tpu.memory_space<hbm>> -> memref<640x64xf32, #tpu.memory_space<hbm>>
      tpu.enqueue_dma source(%dma_start3A_37 : memref<640x64xf32, #tpu.memory_space<hbm>>) target(%dma_start3A_35 : memref<640x64xf32, #tpu.memory_space<vmem_shared>>) target_semaphore(%run_scoped3A : memref<!tpu.dma_semaphore, #tpu.memory_space<semaphore_mem>>)
      %dma_wait3A = arith.constant 0 : i32
      %dma_wait3A_38 = tpu.memref_slice %arg17[%mul3A_4, %dma_wait3A] : memref<10240x64xf32, #tpu.memory_space<vmem_shared>> -> memref<640x64xf32, #tpu.memory_space<vmem_shared>>
      %dma_wait3A_39 = arith.constant 0 : i32
      %dma_wait3A_40 = tpu.memref_slice %arg7[%mul3A_2, %dma_wait3A_39] : memref<10240x64xf32, #tpu.memory_space<hbm>> -> memref<640x64xf32, #tpu.memory_space<hbm>>
      tpu.wait_dma2 semaphore(%run_scoped3A : memref<!tpu.dma_semaphore, #tpu.memory_space<semaphore_mem>>) src(%dma_wait3A_40 : memref<640x64xf32, #tpu.memory_space<hbm>>) dst(%dma_wait3A_38 : memref<640x64xf32, #tpu.memory_space<vmem_shared>>)
      tpu.yield
    }) : () -> ()
    %mul3A_5 = arith.constant 80 : i32
    %mul3A_6 = arith.muli %add3A, %mul3A_5 : i32
    "tpu.region"() ({
      %run_scoped3A = tpu.sem_alloc : memref<!tpu.dma_semaphore, #tpu.memory_space<semaphore_mem>>
      %dma_start3A_34 = arith.constant 0 : i32
      %dma_start3A_35 = tpu.memref_slice %arg2[%mul3A_6, %dma_start3A_34] : memref<2560x128xi32, #tpu.memory_space<hbm>> -> memref<80x128xi32, #tpu.memory_space<hbm>>
      %dma_start3A_36 = arith.constant 0 : i32
      %dma_start3A_37 = tpu.memref_slice %arg2[%mul3A_6, %dma_start3A_36] : memref<2560x128xi32, #tpu.memory_space<hbm>> -> memref<80x128xi32, #tpu.memory_space<hbm>>
      tpu.enqueue_dma source(%dma_start3A_37 : memref<80x128xi32, #tpu.memory_space<hbm>>) target(%arg9 : memref<80x128xi32, #tpu.memory_space<vmem>>) target_semaphore(%run_scoped3A : memref<!tpu.dma_semaphore, #tpu.memory_space<semaphore_mem>>)
      %dma_wait3A = arith.constant 0 : i32
      %dma_wait3A_38 = tpu.memref_slice %arg2[%mul3A_6, %dma_wait3A] : memref<2560x128xi32, #tpu.memory_space<hbm>> -> memref<80x128xi32, #tpu.memory_space<hbm>>
      %dma_wait3A_39 = arith.constant 0 : i32
      %dma_wait3A_40 = tpu.memref_slice %arg2[%mul3A_6, %dma_wait3A_39] : memref<2560x128xi32, #tpu.memory_space<hbm>> -> memref<80x128xi32, #tpu.memory_space<hbm>>
      tpu.wait_dma2 semaphore(%run_scoped3A : memref<!tpu.dma_semaphore, #tpu.memory_space<semaphore_mem>>) src(%dma_wait3A_40 : memref<80x128xi32, #tpu.memory_space<hbm>>) dst(%arg9 : memref<80x128xi32, #tpu.memory_space<vmem>>)
      tpu.yield
    }) : () -> ()
    %mul3A_7 = arith.constant 80 : i32
    %mul3A_8 = arith.muli %add3A, %mul3A_7 : i32
    "tpu.region"() ({
      %run_scoped3A = tpu.sem_alloc : memref<!tpu.dma_semaphore, #tpu.memory_space<semaphore_mem>>
      %dma_start3A_34 = arith.constant 0 : i32
      %dma_start3A_35 = tpu.memref_slice %arg3[%mul3A_8, %dma_start3A_34] : memref<2560x128xi32, #tpu.memory_space<hbm>> -> memref<80x128xi32, #tpu.memory_space<hbm>>
      %dma_start3A_36 = arith.constant 0 : i32
      %dma_start3A_37 = tpu.memref_slice %arg3[%mul3A_8, %dma_start3A_36] : memref<2560x128xi32, #tpu.memory_space<hbm>> -> memref<80x128xi32, #tpu.memory_space<hbm>>
      tpu.enqueue_dma source(%dma_start3A_37 : memref<80x128xi32, #tpu.memory_space<hbm>>) target(%arg10 : memref<80x128xi32, #tpu.memory_space<vmem>>) target_semaphore(%run_scoped3A : memref<!tpu.dma_semaphore, #tpu.memory_space<semaphore_mem>>)
      %dma_wait3A = arith.constant 0 : i32
      %dma_wait3A_38 = tpu.memref_slice %arg3[%mul3A_8, %dma_wait3A] : memref<2560x128xi32, #tpu.memory_space<hbm>> -> memref<80x128xi32, #tpu.memory_space<hbm>>
      %dma_wait3A_39 = arith.constant 0 : i32
      %dma_wait3A_40 = tpu.memref_slice %arg3[%mul3A_8, %dma_wait3A_39] : memref<2560x128xi32, #tpu.memory_space<hbm>> -> memref<80x128xi32, #tpu.memory_space<hbm>>
      tpu.wait_dma2 semaphore(%run_scoped3A : memref<!tpu.dma_semaphore, #tpu.memory_space<semaphore_mem>>) src(%dma_wait3A_40 : memref<80x128xi32, #tpu.memory_space<hbm>>) dst(%arg10 : memref<80x128xi32, #tpu.memory_space<vmem>>)
      tpu.yield
    }) : () -> ()
    %mul3A_9 = arith.constant 80 : i32
    %mul3A_10 = arith.muli %add3A, %mul3A_9 : i32
    "tpu.region"() ({
      %run_scoped3A = tpu.sem_alloc : memref<!tpu.dma_semaphore, #tpu.memory_space<semaphore_mem>>
      %dma_start3A_34 = arith.constant 0 : i32
      %dma_start3A_35 = tpu.memref_slice %arg4[%mul3A_10, %dma_start3A_34] : memref<2560x128xf32, #tpu.memory_space<hbm>> -> memref<80x128xf32, #tpu.memory_space<hbm>>
      %dma_start3A_36 = arith.constant 0 : i32
      %dma_start3A_37 = tpu.memref_slice %arg4[%mul3A_10, %dma_start3A_36] : memref<2560x128xf32, #tpu.memory_space<hbm>> -> memref<80x128xf32, #tpu.memory_space<hbm>>
      tpu.enqueue_dma source(%dma_start3A_37 : memref<80x128xf32, #tpu.memory_space<hbm>>) target(%arg11 : memref<80x128xf32, #tpu.memory_space<vmem>>) target_semaphore(%run_scoped3A : memref<!tpu.dma_semaphore, #tpu.memory_space<semaphore_mem>>)
      %dma_wait3A = arith.constant 0 : i32
      %dma_wait3A_38 = tpu.memref_slice %arg4[%mul3A_10, %dma_wait3A] : memref<2560x128xf32, #tpu.memory_space<hbm>> -> memref<80x128xf32, #tpu.memory_space<hbm>>
      %dma_wait3A_39 = arith.constant 0 : i32
      %dma_wait3A_40 = tpu.memref_slice %arg4[%mul3A_10, %dma_wait3A_39] : memref<2560x128xf32, #tpu.memory_space<hbm>> -> memref<80x128xf32, #tpu.memory_space<hbm>>
      tpu.wait_dma2 semaphore(%run_scoped3A : memref<!tpu.dma_semaphore, #tpu.memory_space<semaphore_mem>>) src(%dma_wait3A_40 : memref<80x128xf32, #tpu.memory_space<hbm>>) dst(%arg11 : memref<80x128xf32, #tpu.memory_space<vmem>>)
      tpu.yield
    }) : () -> ()
    %barrier3A = arith.constant 0 : index
    tpu.barrier barrier_id(%barrier3A)
    %dma_start3A = arith.constant 0 : i32
    %dma_start3A_11 = arith.constant 0 : i32
    %dma_start3A_12 = tpu.memref_slice %arg9[%dma_start3A, %dma_start3A_11] : memref<80x128xi32, #tpu.memory_space<vmem>> -> memref<1x128xi32, #tpu.memory_space<vmem>>
    %dma_start3A_13 = tpu.memref_squeeze %dma_start3A_12 : memref<1x128xi32, #tpu.memory_space<vmem>> -> memref<128xi32, #tpu.memory_space<vmem>>
    %dma_start3A_14 = arith.constant 0 : i32
    %dma_start3A_15 = arith.constant 0 : i32
    %dma_start3A_16 = tpu.memref_slice %arg6[%dma_start3A_14, %dma_start3A_15] : memref<10240x64xf32, #tpu.memory_space<hbm>> -> memref<10240x64xf32, #tpu.memory_space<hbm>>
    tpu.enqueue_indirect_dma source(%dma_start3A_16 : memref<10240x64xf32, #tpu.memory_space<hbm>>) target(%arg14 : memref<128x64xf32, #tpu.memory_space<vmem>>) offsets(%dma_start3A_13 : memref<128xi32, #tpu.memory_space<vmem>>) semaphore(%arg18 : memref<!tpu.dma_semaphore, #tpu.memory_space<semaphore_mem>>)
    %dma_start3A_17 = arith.constant 1 : i32
    %dma_start3A_18 = arith.constant 0 : i32
    %dma_start3A_19 = tpu.memref_slice %arg9[%dma_start3A_17, %dma_start3A_18] : memref<80x128xi32, #tpu.memory_space<vmem>> -> memref<1x128xi32, #tpu.memory_space<vmem>>
    %dma_start3A_20 = tpu.memref_squeeze %dma_start3A_19 : memref<1x128xi32, #tpu.memory_space<vmem>> -> memref<128xi32, #tpu.memory_space<vmem>>
    %dma_start3A_21 = arith.constant 0 : i32
    %dma_start3A_22 = arith.constant 0 : i32
    %dma_start3A_23 = tpu.memref_slice %arg6[%dma_start3A_21, %dma_start3A_22] : memref<10240x64xf32, #tpu.memory_space<hbm>> -> memref<10240x64xf32, #tpu.memory_space<hbm>>
    tpu.enqueue_indirect_dma source(%dma_start3A_23 : memref<10240x64xf32, #tpu.memory_space<hbm>>) target(%arg15 : memref<128x64xf32, #tpu.memory_space<vmem>>) offsets(%dma_start3A_20 : memref<128xi32, #tpu.memory_space<vmem>>) semaphore(%arg19 : memref<!tpu.dma_semaphore, #tpu.memory_space<semaphore_mem>>)
    %scan3A = arith.constant 0 : i32
    %scan3A_24 = arith.constant 0 : i32
    %scan3A_25 = arith.constant 40 : i32
    %scan3A_26 = arith.addi %scan3A_24, %scan3A_25 : i32
    %scan3A_27 = arith.constant 1 : i32
    scf.for %scan3A_34 = %scan3A_24 to %scan3A_26 step %scan3A_27  : i32 {
      %mul3A_35 = arith.constant 2 : i32
      %mul3A_36 = arith.muli %scan3A_34, %mul3A_35 : i32
      %add3A_37 = arith.constant 0 : i32
      %add3A_38 = arith.addi %mul3A_36, %add3A_37 : i32
      %parallel_loop3A = arith.constant 0 : i32
      %parallel_loop3A_39 = arith.constant 8 : i32
      %parallel_loop3A_40 = arith.constant 1 : i32
      scf.for %parallel_loop3A_76 = %parallel_loop3A to %parallel_loop3A_39 step %parallel_loop3A_40  : i32 {
        %parallel_loop3A_77 = arith.constant 16 : i32
        %parallel_loop3A_78 = arith.muli %parallel_loop3A_76, %parallel_loop3A_77 : i32
        %parallel_loop3A_79 = arith.index_cast %add3A_38 : i32 to index
        %parallel_loop3A_80 = arith.index_cast %parallel_loop3A_78 : i32 to index
        %parallel_loop3A_81 = tpu.vector_load %arg10[%parallel_loop3A_79, %parallel_loop3A_80] {strides = array<i32>} : memref<80x128xi32, #tpu.memory_space<vmem>>, vector<16xi32>,
        %parallel_loop3A_82 = tpu.vector_load_idx %arg13[%parallel_loop3A_81] : memref<10240xf32, #tpu.memory_space<vmem>>[vector<16xi32>], vector<16xf32>,
        %parallel_loop3A_83 = arith.index_cast %add3A_38 : i32 to index
        %parallel_loop3A_84 = arith.index_cast %parallel_loop3A_78 : i32 to index
        %parallel_loop3A_85 = tpu.vector_load %arg11[%parallel_loop3A_83, %parallel_loop3A_84] {strides = array<i32>} : memref<80x128xf32, #tpu.memory_space<vmem>>, vector<16xf32>,
        %parallel_loop3A_86 = arith.mulf %parallel_loop3A_85, %parallel_loop3A_82 : vector<16xf32>
        %parallel_loop3A_87 = arith.index_cast %parallel_loop3A_78 : i32 to index
        %parallel_loop3A_88 = tpu.vector_load %arg12[%parallel_loop3A_87] {strides = array<i32>} : memref<128xf32, #tpu.memory_space<vmem>>, vector<16xf32>,
        tpu.vector_store %arg12[%parallel_loop3A_87], %parallel_loop3A_86 {strides = array<i32>} : memref<128xf32, #tpu.memory_space<vmem>>, vector<16xf32>,
      } {sc.loop_unroll_factor = 4 : i64, sc.parallel_access}
      %dma_wait3A = arith.constant 0 : i32
      %dma_wait3A_41 = tpu.memref_slice %arg9[%add3A_38, %dma_wait3A] : memref<80x128xi32, #tpu.memory_space<vmem>> -> memref<1x128xi32, #tpu.memory_space<vmem>>
      %dma_wait3A_42 = tpu.memref_squeeze %dma_wait3A_41 : memref<1x128xi32, #tpu.memory_space<vmem>> -> memref<128xi32, #tpu.memory_space<vmem>>
      %dma_wait3A_43 = arith.constant 0 : i32
      %dma_wait3A_44 = arith.constant 0 : i32
      %dma_wait3A_45 = tpu.memref_slice %arg6[%dma_wait3A_43, %dma_wait3A_44] : memref<10240x64xf32, #tpu.memory_space<hbm>> -> memref<10240x64xf32, #tpu.memory_space<hbm>>
      tpu.wait_indirect_dma semaphore(%arg18 : memref<!tpu.dma_semaphore, #tpu.memory_space<semaphore_mem>>) src(%dma_wait3A_45 : memref<10240x64xf32, #tpu.memory_space<hbm>>) dst(%arg14 : memref<128x64xf32, #tpu.memory_space<vmem>>)
      %parallel_loop3A_46 = arith.constant 0 : i32
      %parallel_loop3A_47 = arith.constant 8 : i32
      %parallel_loop3A_48 = arith.constant 1 : i32
      scf.for %parallel_loop3A_76 = %parallel_loop3A_46 to %parallel_loop3A_47 step %parallel_loop3A_48  : i32 {
        %parallel_loop3A_77 = arith.constant 16 : i32
        %parallel_loop3A_78 = arith.muli %parallel_loop3A_76, %parallel_loop3A_77 : i32
        %parallel_loop3A_79 = arith.index_cast %parallel_loop3A_78 : i32 to index
        %parallel_loop3A_80 = tpu.vector_load %arg12[%parallel_loop3A_79] {strides = array<i32>} : memref<128xf32, #tpu.memory_space<vmem>>, vector<16xf32>,
        %parallel_loop3A_81 = arith.constant 0 : i32
        %parallel_loop3A_82 = vector.broadcast %parallel_loop3A_81 : i32 to vector<16xi32>
        %parallel_loop3A_83 = vector.shape_cast %parallel_loop3A_82 : vector<16xi32> to vector<16x1xi32>
        %parallel_loop3A_84 = vector.shape_cast %parallel_loop3A_83 : vector<16x1xi32> to vector<16xi32>
        %parallel_loop3A_85 = tpu.dynamic_gather %parallel_loop3A_80[%parallel_loop3A_84] in [0] : vector<16xf32>, vector<16xi32> -> vector<16xf32>
        %parallel_loop3A_86 = arith.constant 16 : i32
        %parallel_loop3A_87 = arith.muli %parallel_loop3A_76, %parallel_loop3A_86 : i32
        %parallel_loop3A_88 = arith.constant 0 : i32
        %parallel_loop3A_89 = arith.addi %parallel_loop3A_87, %parallel_loop3A_88 : i32
        %parallel_loop3A_90 = arith.index_cast %parallel_loop3A_89 : i32 to index
        %parallel_loop3A_91 = arith.constant 0 : index
        %parallel_loop3A_92 = tpu.vector_load %arg14[%parallel_loop3A_90, %parallel_loop3A_91] {strides = array<i32>} : memref<128x64xf32, #tpu.memory_space<vmem>>, vector<16xf32>,
        %parallel_loop3A_93 = arith.mulf %parallel_loop3A_92, %parallel_loop3A_85 : vector<16xf32>
        %parallel_loop3A_94 = arith.index_cast %parallel_loop3A_89 : i32 to index
        %parallel_loop3A_95 = arith.constant 0 : index
        %parallel_loop3A_96 = tpu.vector_load %arg16[%parallel_loop3A_94, %parallel_loop3A_95] {strides = array<i32>} : memref<128x64xf32, #tpu.memory_space<vmem>>, vector<16xf32>,
        tpu.vector_store %arg16[%parallel_loop3A_94, %parallel_loop3A_95], %parallel_loop3A_93 {strides = array<i32>} : memref<128x64xf32, #tpu.memory_space<vmem>>, vector<16xf32>,
        %parallel_loop3A_97 = arith.index_cast %parallel_loop3A_89 : i32 to index
        %parallel_loop3A_98 = arith.constant 16 : index
        %parallel_loop3A_99 = tpu.vector_load %arg14[%parallel_loop3A_97, %parallel_loop3A_98] {strides = array<i32>} : memref<128x64xf32, #tpu.memory_space<vmem>>, vector<16xf32>,
        %parallel_loop3A_100 = arith.mulf %parallel_loop3A_99, %parallel_loop3A_85 : vector<16xf32>
        %parallel_loop3A_101 = arith.index_cast %parallel_loop3A_89 : i32 to index
        %parallel_loop3A_102 = arith.constant 16 : index
        %parallel_loop3A_103 = tpu.vector_load %arg16[%parallel_loop3A_101, %parallel_loop3A_102] {strides = array<i32>} : memref<128x64xf32, #tpu.memory_space<vmem>>, vector<16xf32>,
        tpu.vector_store %arg16[%parallel_loop3A_101, %parallel_loop3A_102], %parallel_loop3A_100 {strides = array<i32>} : memref<128x64xf32, #tpu.memory_space<vmem>>, vector<16xf32>,
        %parallel_loop3A_104 = arith.index_cast %parallel_loop3A_89 : i32 to index
        %parallel_loop3A_105 = arith.constant 32 : index
        %parallel_loop3A_106 = tpu.vector_load %arg14[%parallel_loop3A_104, %parallel_loop3A_105] {strides = array<i32>} : memref<128x64xf32, #tpu.memory_space<vmem>>, vector<16xf32>,
        %parallel_loop3A_107 = arith.mulf %parallel_loop3A_106, %parallel_loop3A_85 : vector<16xf32>
        %parallel_loop3A_108 = arith.index_cast %parallel_loop3A_89 : i32 to index
        %parallel_loop3A_109 = arith.constant 32 : index
        %parallel_loop3A_110 = tpu.vector_load %arg16[%parallel_loop3A_108, %parallel_loop3A_109] {strides = array<i32>} : memref<128x64xf32, #tpu.memory_space<vmem>>, vector<16xf32>,
        tpu.vector_store %arg16[%parallel_loop3A_108, %parallel_loop3A_109], %parallel_loop3A_107 {strides = array<i32>} : memref<128x64xf32, #tpu.memory_space<vmem>>, vector<16xf32>,
        %parallel_loop3A_111 = arith.index_cast %parallel_loop3A_89 : i32 to index
        %parallel_loop3A_112 = arith.constant 48 : index
        %parallel_loop3A_113 = tpu.vector_load %arg14[%parallel_loop3A_111, %parallel_loop3A_112] {strides = array<i32>} : memref<128x64xf32, #tpu.memory_space<vmem>>, vector<16xf32>,
        %parallel_loop3A_114 = arith.mulf %parallel_loop3A_113, %parallel_loop3A_85 : vector<16xf32>
        %parallel_loop3A_115 = arith.index_cast %parallel_loop3A_89 : i32 to index
        %parallel_loop3A_116 = arith.constant 48 : index
        %parallel_loop3A_117 = tpu.vector_load %arg16[%parallel_loop3A_115, %parallel_loop3A_116] {strides = array<i32>} : memref<128x64xf32, #tpu.memory_space<vmem>>, vector<16xf32>,
        tpu.vector_store %arg16[%parallel_loop3A_115, %parallel_loop3A_116], %parallel_loop3A_114 {strides = array<i32>} : memref<128x64xf32, #tpu.memory_space<vmem>>, vector<16xf32>,
        %parallel_loop3A_118 = arith.constant 1 : i32
        %parallel_loop3A_119 = vector.broadcast %parallel_loop3A_118 : i32 to vector<16xi32>
        %parallel_loop3A_120 = vector.shape_cast %parallel_loop3A_119 : vector<16xi32> to vector<16x1xi32>
        %parallel_loop3A_121 = vector.shape_cast %parallel_loop3A_120 : vector<16x1xi32> to vector<16xi32>
        %parallel_loop3A_122 = tpu.dynamic_gather %parallel_loop3A_80[%parallel_loop3A_121] in [0] : vector<16xf32>, vector<16xi32> -> vector<16xf32>
        %parallel_loop3A_123 = arith.constant 16 : i32
        %parallel_loop3A_124 = arith.muli %parallel_loop3A_76, %parallel_loop3A_123 : i32
        %parallel_loop3A_125 = arith.constant 1 : i32
        %parallel_loop3A_126 = arith.addi %parallel_loop3A_124, %parallel_loop3A_125 : i32
        %parallel_loop3A_127 = arith.index_cast %parallel_loop3A_126 : i32 to index
        %parallel_loop3A_128 = arith.constant 0 : index
        %parallel_loop3A_129 = tpu.vector_load %arg14[%parallel_loop3A_127, %parallel_loop3A_128] {strides = array<i32>} : memref<128x64xf32, #tpu.memory_space<vmem>>, vector<16xf32>,
        %parallel_loop3A_130 = arith.mulf %parallel_loop3A_129, %parallel_loop3A_122 : vector<16xf32>
        %parallel_loop3A_131 = arith.index_cast %parallel_loop3A_126 : i32 to index
        %parallel_loop3A_132 = arith.constant 0 : index
        %parallel_loop3A_133 = tpu.vector_load %arg16[%parallel_loop3A_131, %parallel_loop3A_132] {strides = array<i32>} : memref<128x64xf32, #tpu.memory_space<vmem>>, vector<16xf32>,
        tpu.vector_store %arg16[%parallel_loop3A_131, %parallel_loop3A_132], %parallel_loop3A_130 {strides = array<i32>} : memref<128x64xf32, #tpu.memory_space<vmem>>, vector<16xf32>,
        %parallel_loop3A_134 = arith.index_cast %parallel_loop3A_126 : i32 to index
        %parallel_loop3A_135 = arith.constant 16 : index
        %parallel_loop3A_136 = tpu.vector_load %arg14[%parallel_loop3A_134, %parallel_loop3A_135] {strides = array<i32>} : memref<128x64xf32, #tpu.memory_space<vmem>>, vector<16xf32>,
        %parallel_loop3A_137 = arith.mulf %parallel_loop3A_136, %parallel_loop3A_122 : vector<16xf32>
        %parallel_loop3A_138 = arith.index_cast %parallel_loop3A_126 : i32 to index
        %parallel_loop3A_139 = arith.constant 16 : index
        %parallel_loop3A_140 = tpu.vector_load %arg16[%parallel_loop3A_138, %parallel_loop3A_139] {strides = array<i32>} : memref<128x64xf32, #tpu.memory_space<vmem>>, vector<16xf32>,
        tpu.vector_store %arg16[%parallel_loop3A_138, %parallel_loop3A_139], %parallel_loop3A_137 {strides = array<i32>} : memref<128x64xf32, #tpu.memory_space<vmem>>, vector<16xf32>,
        %parallel_loop3A_141 = arith.index_cast %parallel_loop3A_126 : i32 to index
        %parallel_loop3A_142 = arith.constant 32 : index
        %parallel_loop3A_143 = tpu.vector_load %arg14[%parallel_loop3A_141, %parallel_loop3A_142] {strides = array<i32>} : memref<128x64xf32, #tpu.memory_space<vmem>>, vector<16xf32>,
        %parallel_loop3A_144 = arith.mulf %parallel_loop3A_143, %parallel_loop3A_122 : vector<16xf32>
        %parallel_loop3A_145 = arith.index_cast %parallel_loop3A_126 : i32 to index
        %parallel_loop3A_146 = arith.constant 32 : index
        %parallel_loop3A_147 = tpu.vector_load %arg16[%parallel_loop3A_145, %parallel_loop3A_146] {strides = array<i32>} : memref<128x64xf32, #tpu.memory_space<vmem>>, vector<16xf32>,
        tpu.vector_store %arg16[%parallel_loop3A_145, %parallel_loop3A_146], %parallel_loop3A_144 {strides = array<i32>} : memref<128x64xf32, #tpu.memory_space<vmem>>, vector<16xf32>,
        %parallel_loop3A_148 = arith.index_cast %parallel_loop3A_126 : i32 to index
        %parallel_loop3A_149 = arith.constant 48 : index
        %parallel_loop3A_150 = tpu.vector_load %arg14[%parallel_loop3A_148, %parallel_loop3A_149] {strides = array<i32>} : memref<128x64xf32, #tpu.memory_space<vmem>>, vector<16xf32>,
        %parallel_loop3A_151 = arith.mulf %parallel_loop3A_150, %parallel_loop3A_122 : vector<16xf32>
        %parallel_loop3A_152 = arith.index_cast %parallel_loop3A_126 : i32 to index
        %parallel_loop3A_153 = arith.constant 48 : index
        %parallel_loop3A_154 = tpu.vector_load %arg16[%parallel_loop3A_152, %parallel_loop3A_153] {strides = array<i32>} : memref<128x64xf32, #tpu.memory_space<vmem>>, vector<16xf32>,
        tpu.vector_store %arg16[%parallel_loop3A_152, %parallel_loop3A_153], %parallel_loop3A_151 {strides = array<i32>} : memref<128x64xf32, #tpu.memory_space<vmem>>, vector<16xf32>,
        %parallel_loop3A_155 = arith.constant 2 : i32
        %parallel_loop3A_156 = vector.broadcast %parallel_loop3A_155 : i32 to vector<16xi32>
        %parallel_loop3A_157 = vector.shape_cast %parallel_loop3A_156 : vector<16xi32> to vector<16x1xi32>
        %parallel_loop3A_158 = vector.shape_cast %parallel_loop3A_157 : vector<16x1xi32> to vector<16xi32>
        %parallel_loop3A_159 = tpu.dynamic_gather %parallel_loop3A_80[%parallel_loop3A_158] in [0] : vector<16xf32>, vector<16xi32> -> vector<16xf32>
        %parallel_loop3A_160 = arith.constant 16 : i32
        %parallel_loop3A_161 = arith.muli %parallel_loop3A_76, %parallel_loop3A_160 : i32
        %parallel_loop3A_162 = arith.constant 2 : i32
        %parallel_loop3A_163 = arith.addi %parallel_loop3A_161, %parallel_loop3A_162 : i32
        %parallel_loop3A_164 = arith.index_cast %parallel_loop3A_163 : i32 to index
        %parallel_loop3A_165 = arith.constant 0 : index
        %parallel_loop3A_166 = tpu.vector_load %arg14[%parallel_loop3A_164, %parallel_loop3A_165] {strides = array<i32>} : memref<128x64xf32, #tpu.memory_space<vmem>>, vector<16xf32>,
        %parallel_loop3A_167 = arith.mulf %parallel_loop3A_166, %parallel_loop3A_159 : vector<16xf32>
        %parallel_loop3A_168 = arith.index_cast %parallel_loop3A_163 : i32 to index
        %parallel_loop3A_169 = arith.constant 0 : index
        %parallel_loop3A_170 = tpu.vector_load %arg16[%parallel_loop3A_168, %parallel_loop3A_169] {strides = array<i32>} : memref<128x64xf32, #tpu.memory_space<vmem>>, vector<16xf32>,
        tpu.vector_store %arg16[%parallel_loop3A_168, %parallel_loop3A_169], %parallel_loop3A_167 {strides = array<i32>} : memref<128x64xf32, #tpu.memory_space<vmem>>, vector<16xf32>,
        %parallel_loop3A_171 = arith.index_cast %parallel_loop3A_163 : i32 to index
        %parallel_loop3A_172 = arith.constant 16 : index
        %parallel_loop3A_173 = tpu.vector_load %arg14[%parallel_loop3A_171, %parallel_loop3A_172] {strides = array<i32>} : memref<128x64xf32, #tpu.memory_space<vmem>>, vector<16xf32>,
        %parallel_loop3A_174 = arith.mulf %parallel_loop3A_173, %parallel_loop3A_159 : vector<16xf32>
        %parallel_loop3A_175 = arith.index_cast %parallel_loop3A_163 : i32 to index
        %parallel_loop3A_176 = arith.constant 16 : index
        %parallel_loop3A_177 = tpu.vector_load %arg16[%parallel_loop3A_175, %parallel_loop3A_176] {strides = array<i32>} : memref<128x64xf32, #tpu.memory_space<vmem>>, vector<16xf32>,
        tpu.vector_store %arg16[%parallel_loop3A_175, %parallel_loop3A_176], %parallel_loop3A_174 {strides = array<i32>} : memref<128x64xf32, #tpu.memory_space<vmem>>, vector<16xf32>,
        %parallel_loop3A_178 = arith.index_cast %parallel_loop3A_163 : i32 to index
        %parallel_loop3A_179 = arith.constant 32 : index
        %parallel_loop3A_180 = tpu.vector_load %arg14[%parallel_loop3A_178, %parallel_loop3A_179] {strides = array<i32>} : memref<128x64xf32, #tpu.memory_space<vmem>>, vector<16xf32>,
        %parallel_loop3A_181 = arith.mulf %parallel_loop3A_180, %parallel_loop3A_159 : vector<16xf32>
        %parallel_loop3A_182 = arith.index_cast %parallel_loop3A_163 : i32 to index
        %parallel_loop3A_183 = arith.constant 32 : index
        %parallel_loop3A_184 = tpu.vector_load %arg16[%parallel_loop3A_182, %parallel_loop3A_183] {strides = array<i32>} : memref<128x64xf32, #tpu.memory_space<vmem>>, vector<16xf32>,
        tpu.vector_store %arg16[%parallel_loop3A_182, %parallel_loop3A_183], %parallel_loop3A_181 {strides = array<i32>} : memref<128x64xf32, #tpu.memory_space<vmem>>, vector<16xf32>,
        %parallel_loop3A_185 = arith.index_cast %parallel_loop3A_163 : i32 to index
        %parallel_loop3A_186 = arith.constant 48 : index
        %parallel_loop3A_187 = tpu.vector_load %arg14[%parallel_loop3A_185, %parallel_loop3A_186] {strides = array<i32>} : memref<128x64xf32, #tpu.memory_space<vmem>>, vector<16xf32>,
        %parallel_loop3A_188 = arith.mulf %parallel_loop3A_187, %parallel_loop3A_159 : vector<16xf32>
        %parallel_loop3A_189 = arith.index_cast %parallel_loop3A_163 : i32 to index
        %parallel_loop3A_190 = arith.constant 48 : index
        %parallel_loop3A_191 = tpu.vector_load %arg16[%parallel_loop3A_189, %parallel_loop3A_190] {strides = array<i32>} : memref<128x64xf32, #tpu.memory_space<vmem>>, vector<16xf32>,
        tpu.vector_store %arg16[%parallel_loop3A_189, %parallel_loop3A_190], %parallel_loop3A_188 {strides = array<i32>} : memref<128x64xf32, #tpu.memory_space<vmem>>, vector<16xf32>,
        %parallel_loop3A_192 = arith.constant 3 : i32
        %parallel_loop3A_193 = vector.broadcast %parallel_loop3A_192 : i32 to vector<16xi32>
        %parallel_loop3A_194 = vector.shape_cast %parallel_loop3A_193 : vector<16xi32> to vector<16x1xi32>
        %parallel_loop3A_195 = vector.shape_cast %parallel_loop3A_194 : vector<16x1xi32> to vector<16xi32>
        %parallel_loop3A_196 = tpu.dynamic_gather %parallel_loop3A_80[%parallel_loop3A_195] in [0] : vector<16xf32>, vector<16xi32> -> vector<16xf32>
        %parallel_loop3A_197 = arith.constant 16 : i32
        %parallel_loop3A_198 = arith.muli %parallel_loop3A_76, %parallel_loop3A_197 : i32
        %parallel_loop3A_199 = arith.constant 3 : i32
        %parallel_loop3A_200 = arith.addi %parallel_loop3A_198, %parallel_loop3A_199 : i32
        %parallel_loop3A_201 = arith.index_cast %parallel_loop3A_200 : i32 to index
        %parallel_loop3A_202 = arith.constant 0 : index
        %parallel_loop3A_203 = tpu.vector_load %arg14[%parallel_loop3A_201, %parallel_loop3A_202] {strides = array<i32>} : memref<128x64xf32, #tpu.memory_space<vmem>>, vector<16xf32>,
        %parallel_loop3A_204 = arith.mulf %parallel_loop3A_203, %parallel_loop3A_196 : vector<16xf32>
        %parallel_loop3A_205 = arith.index_cast %parallel_loop3A_200 : i32 to index
        %parallel_loop3A_206 = arith.constant 0 : index
        %parallel_loop3A_207 = tpu.vector_load %arg16[%parallel_loop3A_205, %parallel_loop3A_206] {strides = array<i32>} : memref<128x64xf32, #tpu.memory_space<vmem>>, vector<16xf32>,
        tpu.vector_store %arg16[%parallel_loop3A_205, %parallel_loop3A_206], %parallel_loop3A_204 {strides = array<i32>} : memref<128x64xf32, #tpu.memory_space<vmem>>, vector<16xf32>,
        %parallel_loop3A_208 = arith.index_cast %parallel_loop3A_200 : i32 to index
        %parallel_loop3A_209 = arith.constant 16 : index
        %parallel_loop3A_210 = tpu.vector_load %arg14[%parallel_loop3A_208, %parallel_loop3A_209] {strides = array<i32>} : memref<128x64xf32, #tpu.memory_space<vmem>>, vector<16xf32>,
        %parallel_loop3A_211 = arith.mulf %parallel_loop3A_210, %parallel_loop3A_196 : vector<16xf32>
        %parallel_loop3A_212 = arith.index_cast %parallel_loop3A_200 : i32 to index
        %parallel_loop3A_213 = arith.constant 16 : index
        %parallel_loop3A_214 = tpu.vector_load %arg16[%parallel_loop3A_212, %parallel_loop3A_213] {strides = array<i32>} : memref<128x64xf32, #tpu.memory_space<vmem>>, vector<16xf32>,
        tpu.vector_store %arg16[%parallel_loop3A_212, %parallel_loop3A_213], %parallel_loop3A_211 {strides = array<i32>} : memref<128x64xf32, #tpu.memory_space<vmem>>, vector<16xf32>,
        %parallel_loop3A_215 = arith.index_cast %parallel_loop3A_200 : i32 to index
        %parallel_loop3A_216 = arith.constant 32 : index
        %parallel_loop3A_217 = tpu.vector_load %arg14[%parallel_loop3A_215, %parallel_loop3A_216] {strides = array<i32>} : memref<128x64xf32, #tpu.memory_space<vmem>>, vector<16xf32>,
        %parallel_loop3A_218 = arith.mulf %parallel_loop3A_217, %parallel_loop3A_196 : vector<16xf32>
        %parallel_loop3A_219 = arith.index_cast %parallel_loop3A_200 : i32 to index
        %parallel_loop3A_220 = arith.constant 32 : index
        %parallel_loop3A_221 = tpu.vector_load %arg16[%parallel_loop3A_219, %parallel_loop3A_220] {strides = array<i32>} : memref<128x64xf32, #tpu.memory_space<vmem>>, vector<16xf32>,
        tpu.vector_store %arg16[%parallel_loop3A_219, %parallel_loop3A_220], %parallel_loop3A_218 {strides = array<i32>} : memref<128x64xf32, #tpu.memory_space<vmem>>, vector<16xf32>,
        %parallel_loop3A_222 = arith.index_cast %parallel_loop3A_200 : i32 to index
        %parallel_loop3A_223 = arith.constant 48 : index
        %parallel_loop3A_224 = tpu.vector_load %arg14[%parallel_loop3A_222, %parallel_loop3A_223] {strides = array<i32>} : memref<128x64xf32, #tpu.memory_space<vmem>>, vector<16xf32>,
        %parallel_loop3A_225 = arith.mulf %parallel_loop3A_224, %parallel_loop3A_196 : vector<16xf32>
        %parallel_loop3A_226 = arith.index_cast %parallel_loop3A_200 : i32 to index
        %parallel_loop3A_227 = arith.constant 48 : index
        %parallel_loop3A_228 = tpu.vector_load %arg16[%parallel_loop3A_226, %parallel_loop3A_227] {strides = array<i32>} : memref<128x64xf32, #tpu.memory_space<vmem>>, vector<16xf32>,
        tpu.vector_store %arg16[%parallel_loop3A_226, %parallel_loop3A_227], %parallel_loop3A_225 {strides = array<i32>} : memref<128x64xf32, #tpu.memory_space<vmem>>, vector<16xf32>,
        %parallel_loop3A_229 = arith.constant 4 : i32
        %parallel_loop3A_230 = vector.broadcast %parallel_loop3A_229 : i32 to vector<16xi32>
        %parallel_loop3A_231 = vector.shape_cast %parallel_loop3A_230 : vector<16xi32> to vector<16x1xi32>
        %parallel_loop3A_232 = vector.shape_cast %parallel_loop3A_231 : vector<16x1xi32> to vector<16xi32>
        %parallel_loop3A_233 = tpu.dynamic_gather %parallel_loop3A_80[%parallel_loop3A_232] in [0] : vector<16xf32>, vector<16xi32> -> vector<16xf32>
        %parallel_loop3A_234 = arith.constant 16 : i32
        %parallel_loop3A_235 = arith.muli %parallel_loop3A_76, %parallel_loop3A_234 : i32
        %parallel_loop3A_236 = arith.constant 4 : i32
        %parallel_loop3A_237 = arith.addi %parallel_loop3A_235, %parallel_loop3A_236 : i32
        %parallel_loop3A_238 = arith.index_cast %parallel_loop3A_237 : i32 to index
        %parallel_loop3A_239 = arith.constant 0 : index
        %parallel_loop3A_240 = tpu.vector_load %arg14[%parallel_loop3A_238, %parallel_loop3A_239] {strides = array<i32>} : memref<128x64xf32, #tpu.memory_space<vmem>>, vector<16xf32>,
        %parallel_loop3A_241 = arith.mulf %parallel_loop3A_240, %parallel_loop3A_233 : vector<16xf32>
        %parallel_loop3A_242 = arith.index_cast %parallel_loop3A_237 : i32 to index
        %parallel_loop3A_243 = arith.constant 0 : index
        %parallel_loop3A_244 = tpu.vector_load %arg16[%parallel_loop3A_242, %parallel_loop3A_243] {strides = array<i32>} : memref<128x64xf32, #tpu.memory_space<vmem>>, vector<16xf32>,
        tpu.vector_store %arg16[%parallel_loop3A_242, %parallel_loop3A_243], %parallel_loop3A_241 {strides = array<i32>} : memref<128x64xf32, #tpu.memory_space<vmem>>, vector<16xf32>,
        %parallel_loop3A_245 = arith.index_cast %parallel_loop3A_237 : i32 to index
        %parallel_loop3A_246 = arith.constant 16 : index
        %parallel_loop3A_247 = tpu.vector_load %arg14[%parallel_loop3A_245, %parallel_loop3A_246] {strides = array<i32>} : memref<128x64xf32, #tpu.memory_space<vmem>>, vector<16xf32>,
        %parallel_loop3A_248 = arith.mulf %parallel_loop3A_247, %parallel_loop3A_233 : vector<16xf32>
        %parallel_loop3A_249 = arith.index_cast %parallel_loop3A_237 : i32 to index
        %parallel_loop3A_250 = arith.constant 16 : index
        %parallel_loop3A_251 = tpu.vector_load %arg16[%parallel_loop3A_249, %parallel_loop3A_250] {strides = array<i32>} : memref<128x64xf32, #tpu.memory_space<vmem>>, vector<16xf32>,
        tpu.vector_store %arg16[%parallel_loop3A_249, %parallel_loop3A_250], %parallel_loop3A_248 {strides = array<i32>} : memref<128x64xf32, #tpu.memory_space<vmem>>, vector<16xf32>,
        %parallel_loop3A_252 = arith.index_cast %parallel_loop3A_237 : i32 to index
        %parallel_loop3A_253 = arith.constant 32 : index
        %parallel_loop3A_254 = tpu.vector_load %arg14[%parallel_loop3A_252, %parallel_loop3A_253] {strides = array<i32>} : memref<128x64xf32, #tpu.memory_space<vmem>>, vector<16xf32>,
        %parallel_loop3A_255 = arith.mulf %parallel_loop3A_254, %parallel_loop3A_233 : vector<16xf32>
        %parallel_loop3A_256 = arith.index_cast %parallel_loop3A_237 : i32 to index
        %parallel_loop3A_257 = arith.constant 32 : index
        %parallel_loop3A_258 = tpu.vector_load %arg16[%parallel_loop3A_256, %parallel_loop3A_257] {strides = array<i32>} : memref<128x64xf32, #tpu.memory_space<vmem>>, vector<16xf32>,
        tpu.vector_store %arg16[%parallel_loop3A_256, %parallel_loop3A_257], %parallel_loop3A_255 {strides = array<i32>} : memref<128x64xf32, #tpu.memory_space<vmem>>, vector<16xf32>,
        %parallel_loop3A_259 = arith.index_cast %parallel_loop3A_237 : i32 to index
        %parallel_loop3A_260 = arith.constant 48 : index
        %parallel_loop3A_261 = tpu.vector_load %arg14[%parallel_loop3A_259, %parallel_loop3A_260] {strides = array<i32>} : memref<128x64xf32, #tpu.memory_space<vmem>>, vector<16xf32>,
        %parallel_loop3A_262 = arith.mulf %parallel_loop3A_261, %parallel_loop3A_233 : vector<16xf32>
        %parallel_loop3A_263 = arith.index_cast %parallel_loop3A_237 : i32 to index
        %parallel_loop3A_264 = arith.constant 48 : index
        %parallel_loop3A_265 = tpu.vector_load %arg16[%parallel_loop3A_263, %parallel_loop3A_264] {strides = array<i32>} : memref<128x64xf32, #tpu.memory_space<vmem>>, vector<16xf32>,
        tpu.vector_store %arg16[%parallel_loop3A_263, %parallel_loop3A_264], %parallel_loop3A_262 {strides = array<i32>} : memref<128x64xf32, #tpu.memory_space<vmem>>, vector<16xf32>,
        %parallel_loop3A_266 = arith.constant 5 : i32
        %parallel_loop3A_267 = vector.broadcast %parallel_loop3A_266 : i32 to vector<16xi32>
        %parallel_loop3A_268 = vector.shape_cast %parallel_loop3A_267 : vector<16xi32> to vector<16x1xi32>
        %parallel_loop3A_269 = vector.shape_cast %parallel_loop3A_268 : vector<16x1xi32> to vector<16xi32>
        %parallel_loop3A_270 = tpu.dynamic_gather %parallel_loop3A_80[%parallel_loop3A_269] in [0] : vector<16xf32>, vector<16xi32> -> vector<16xf32>
        %parallel_loop3A_271 = arith.constant 16 : i32
        %parallel_loop3A_272 = arith.muli %parallel_loop3A_76, %parallel_loop3A_271 : i32
        %parallel_loop3A_273 = arith.constant 5 : i32
        %parallel_loop3A_274 = arith.addi %parallel_loop3A_272, %parallel_loop3A_273 : i32
        %parallel_loop3A_275 = arith.index_cast %parallel_loop3A_274 : i32 to index
        %parallel_loop3A_276 = arith.constant 0 : index
        %parallel_loop3A_277 = tpu.vector_load %arg14[%parallel_loop3A_275, %parallel_loop3A_276] {strides = array<i32>} : memref<128x64xf32, #tpu.memory_space<vmem>>, vector<16xf32>,
        %parallel_loop3A_278 = arith.mulf %parallel_loop3A_277, %parallel_loop3A_270 : vector<16xf32>
        %parallel_loop3A_279 = arith.index_cast %parallel_loop3A_274 : i32 to index
        %parallel_loop3A_280 = arith.constant 0 : index
        %parallel_loop3A_281 = tpu.vector_load %arg16[%parallel_loop3A_279, %parallel_loop3A_280] {strides = array<i32>} : memref<128x64xf32, #tpu.memory_space<vmem>>, vector<16xf32>,
        tpu.vector_store %arg16[%parallel_loop3A_279, %parallel_loop3A_280], %parallel_loop3A_278 {strides = array<i32>} : memref<128x64xf32, #tpu.memory_space<vmem>>, vector<16xf32>,
        %parallel_loop3A_282 = arith.index_cast %parallel_loop3A_274 : i32 to index
        %parallel_loop3A_283 = arith.constant 16 : index
        %parallel_loop3A_284 = tpu.vector_load %arg14[%parallel_loop3A_282, %parallel_loop3A_283] {strides = array<i32>} : memref<128x64xf32, #tpu.memory_space<vmem>>, vector<16xf32>,
        %parallel_loop3A_285 = arith.mulf %parallel_loop3A_284, %parallel_loop3A_270 : vector<16xf32>
        %parallel_loop3A_286 = arith.index_cast %parallel_loop3A_274 : i32 to index
        %parallel_loop3A_287 = arith.constant 16 : index
        %parallel_loop3A_288 = tpu.vector_load %arg16[%parallel_loop3A_286, %parallel_loop3A_287] {strides = array<i32>} : memref<128x64xf32, #tpu.memory_space<vmem>>, vector<16xf32>,
        tpu.vector_store %arg16[%parallel_loop3A_286, %parallel_loop3A_287], %parallel_loop3A_285 {strides = array<i32>} : memref<128x64xf32, #tpu.memory_space<vmem>>, vector<16xf32>,
        %parallel_loop3A_289 = arith.index_cast %parallel_loop3A_274 : i32 to index
        %parallel_loop3A_290 = arith.constant 32 : index
        %parallel_loop3A_291 = tpu.vector_load %arg14[%parallel_loop3A_289, %parallel_loop3A_290] {strides = array<i32>} : memref<128x64xf32, #tpu.memory_space<vmem>>, vector<16xf32>,
        %parallel_loop3A_292 = arith.mulf %parallel_loop3A_291, %parallel_loop3A_270 : vector<16xf32>
        %parallel_loop3A_293 = arith.index_cast %parallel_loop3A_274 : i32 to index
        %parallel_loop3A_294 = arith.constant 32 : index
        %parallel_loop3A_295 = tpu.vector_load %arg16[%parallel_loop3A_293, %parallel_loop3A_294] {strides = array<i32>} : memref<128x64xf32, #tpu.memory_space<vmem>>, vector<16xf32>,
        tpu.vector_store %arg16[%parallel_loop3A_293, %parallel_loop3A_294], %parallel_loop3A_292 {strides = array<i32>} : memref<128x64xf32, #tpu.memory_space<vmem>>, vector<16xf32>,
        %parallel_loop3A_296 = arith.index_cast %parallel_loop3A_274 : i32 to index
        %parallel_loop3A_297 = arith.constant 48 : index
        %parallel_loop3A_298 = tpu.vector_load %arg14[%parallel_loop3A_296, %parallel_loop3A_297] {strides = array<i32>} : memref<128x64xf32, #tpu.memory_space<vmem>>, vector<16xf32>,
        %parallel_loop3A_299 = arith.mulf %parallel_loop3A_298, %parallel_loop3A_270 : vector<16xf32>
        %parallel_loop3A_300 = arith.index_cast %parallel_loop3A_274 : i32 to index
        %parallel_loop3A_301 = arith.constant 48 : index
        %parallel_loop3A_302 = tpu.vector_load %arg16[%parallel_loop3A_300, %parallel_loop3A_301] {strides = array<i32>} : memref<128x64xf32, #tpu.memory_space<vmem>>, vector<16xf32>,
        tpu.vector_store %arg16[%parallel_loop3A_300, %parallel_loop3A_301], %parallel_loop3A_299 {strides = array<i32>} : memref<128x64xf32, #tpu.memory_space<vmem>>, vector<16xf32>,
        %parallel_loop3A_303 = arith.constant 6 : i32
        %parallel_loop3A_304 = vector.broadcast %parallel_loop3A_303 : i32 to vector<16xi32>
        %parallel_loop3A_305 = vector.shape_cast %parallel_loop3A_304 : vector<16xi32> to vector<16x1xi32>
        %parallel_loop3A_306 = vector.shape_cast %parallel_loop3A_305 : vector<16x1xi32> to vector<16xi32>
        %parallel_loop3A_307 = tpu.dynamic_gather %parallel_loop3A_80[%parallel_loop3A_306] in [0] : vector<16xf32>, vector<16xi32> -> vector<16xf32>
        %parallel_loop3A_308 = arith.constant 16 : i32
        %parallel_loop3A_309 = arith.muli %parallel_loop3A_76, %parallel_loop3A_308 : i32
        %parallel_loop3A_310 = arith.constant 6 : i32
        %parallel_loop3A_311 = arith.addi %parallel_loop3A_309, %parallel_loop3A_310 : i32
        %parallel_loop3A_312 = arith.index_cast %parallel_loop3A_311 : i32 to index
        %parallel_loop3A_313 = arith.constant 0 : index
        %parallel_loop3A_314 = tpu.vector_load %arg14[%parallel_loop3A_312, %parallel_loop3A_313] {strides = array<i32>} : memref<128x64xf32, #tpu.memory_space<vmem>>, vector<16xf32>,
        %parallel_loop3A_315 = arith.mulf %parallel_loop3A_314, %parallel_loop3A_307 : vector<16xf32>
        %parallel_loop3A_316 = arith.index_cast %parallel_loop3A_311 : i32 to index
        %parallel_loop3A_317 = arith.constant 0 : index
        %parallel_loop3A_318 = tpu.vector_load %arg16[%parallel_loop3A_316, %parallel_loop3A_317] {strides = array<i32>} : memref<128x64xf32, #tpu.memory_space<vmem>>, vector<16xf32>,
        tpu.vector_store %arg16[%parallel_loop3A_316, %parallel_loop3A_317], %parallel_loop3A_315 {strides = array<i32>} : memref<128x64xf32, #tpu.memory_space<vmem>>, vector<16xf32>,
        %parallel_loop3A_319 = arith.index_cast %parallel_loop3A_311 : i32 to index
        %parallel_loop3A_320 = arith.constant 16 : index
        %parallel_loop3A_321 = tpu.vector_load %arg14[%parallel_loop3A_319, %parallel_loop3A_320] {strides = array<i32>} : memref<128x64xf32, #tpu.memory_space<vmem>>, vector<16xf32>,
        %parallel_loop3A_322 = arith.mulf %parallel_loop3A_321, %parallel_loop3A_307 : vector<16xf32>
        %parallel_loop3A_323 = arith.index_cast %parallel_loop3A_311 : i32 to index
        %parallel_loop3A_324 = arith.constant 16 : index
        %parallel_loop3A_325 = tpu.vector_load %arg16[%parallel_loop3A_323, %parallel_loop3A_324] {strides = array<i32>} : memref<128x64xf32, #tpu.memory_space<vmem>>, vector<16xf32>,
        tpu.vector_store %arg16[%parallel_loop3A_323, %parallel_loop3A_324], %parallel_loop3A_322 {strides = array<i32>} : memref<128x64xf32, #tpu.memory_space<vmem>>, vector<16xf32>,
        %parallel_loop3A_326 = arith.index_cast %parallel_loop3A_311 : i32 to index
        %parallel_loop3A_327 = arith.constant 32 : index
        %parallel_loop3A_328 = tpu.vector_load %arg14[%parallel_loop3A_326, %parallel_loop3A_327] {strides = array<i32>} : memref<128x64xf32, #tpu.memory_space<vmem>>, vector<16xf32>,
        %parallel_loop3A_329 = arith.mulf %parallel_loop3A_328, %parallel_loop3A_307 : vector<16xf32>
        %parallel_loop3A_330 = arith.index_cast %parallel_loop3A_311 : i32 to index
        %parallel_loop3A_331 = arith.constant 32 : index
        %parallel_loop3A_332 = tpu.vector_load %arg16[%parallel_loop3A_330, %parallel_loop3A_331] {strides = array<i32>} : memref<128x64xf32, #tpu.memory_space<vmem>>, vector<16xf32>,
        tpu.vector_store %arg16[%parallel_loop3A_330, %parallel_loop3A_331], %parallel_loop3A_329 {strides = array<i32>} : memref<128x64xf32, #tpu.memory_space<vmem>>, vector<16xf32>,
        %parallel_loop3A_333 = arith.index_cast %parallel_loop3A_311 : i32 to index
        %parallel_loop3A_334 = arith.constant 48 : index
        %parallel_loop3A_335 = tpu.vector_load %arg14[%parallel_loop3A_333, %parallel_loop3A_334] {strides = array<i32>} : memref<128x64xf32, #tpu.memory_space<vmem>>, vector<16xf32>,
        %parallel_loop3A_336 = arith.mulf %parallel_loop3A_335, %parallel_loop3A_307 : vector<16xf32>
        %parallel_loop3A_337 = arith.index_cast %parallel_loop3A_311 : i32 to index
        %parallel_loop3A_338 = arith.constant 48 : index
        %parallel_loop3A_339 = tpu.vector_load %arg16[%parallel_loop3A_337, %parallel_loop3A_338] {strides = array<i32>} : memref<128x64xf32, #tpu.memory_space<vmem>>, vector<16xf32>,
        tpu.vector_store %arg16[%parallel_loop3A_337, %parallel_loop3A_338], %parallel_loop3A_336 {strides = array<i32>} : memref<128x64xf32, #tpu.memory_space<vmem>>, vector<16xf32>,
        %parallel_loop3A_340 = arith.constant 7 : i32
        %parallel_loop3A_341 = vector.broadcast %parallel_loop3A_340 : i32 to vector<16xi32>
        %parallel_loop3A_342 = vector.shape_cast %parallel_loop3A_341 : vector<16xi32> to vector<16x1xi32>
        %parallel_loop3A_343 = vector.shape_cast %parallel_loop3A_342 : vector<16x1xi32> to vector<16xi32>
        %parallel_loop3A_344 = tpu.dynamic_gather %parallel_loop3A_80[%parallel_loop3A_343] in [0] : vector<16xf32>, vector<16xi32> -> vector<16xf32>
        %parallel_loop3A_345 = arith.constant 16 : i32
        %parallel_loop3A_346 = arith.muli %parallel_loop3A_76, %parallel_loop3A_345 : i32
        %parallel_loop3A_347 = arith.constant 7 : i32
        %parallel_loop3A_348 = arith.addi %parallel_loop3A_346, %parallel_loop3A_347 : i32
        %parallel_loop3A_349 = arith.index_cast %parallel_loop3A_348 : i32 to index
        %parallel_loop3A_350 = arith.constant 0 : index
        %parallel_loop3A_351 = tpu.vector_load %arg14[%parallel_loop3A_349, %parallel_loop3A_350] {strides = array<i32>} : memref<128x64xf32, #tpu.memory_space<vmem>>, vector<16xf32>,
        %parallel_loop3A_352 = arith.mulf %parallel_loop3A_351, %parallel_loop3A_344 : vector<16xf32>
        %parallel_loop3A_353 = arith.index_cast %parallel_loop3A_348 : i32 to index
        %parallel_loop3A_354 = arith.constant 0 : index
        %parallel_loop3A_355 = tpu.vector_load %arg16[%parallel_loop3A_353, %parallel_loop3A_354] {strides = array<i32>} : memref<128x64xf32, #tpu.memory_space<vmem>>, vector<16xf32>,
        tpu.vector_store %arg16[%parallel_loop3A_353, %parallel_loop3A_354], %parallel_loop3A_352 {strides = array<i32>} : memref<128x64xf32, #tpu.memory_space<vmem>>, vector<16xf32>,
        %parallel_loop3A_356 = arith.index_cast %parallel_loop3A_348 : i32 to index
        %parallel_loop3A_357 = arith.constant 16 : index
        %parallel_loop3A_358 = tpu.vector_load %arg14[%parallel_loop3A_356, %parallel_loop3A_357] {strides = array<i32>} : memref<128x64xf32, #tpu.memory_space<vmem>>, vector<16xf32>,
        %parallel_loop3A_359 = arith.mulf %parallel_loop3A_358, %parallel_loop3A_344 : vector<16xf32>
        %parallel_loop3A_360 = arith.index_cast %parallel_loop3A_348 : i32 to index
        %parallel_loop3A_361 = arith.constant 16 : index
        %parallel_loop3A_362 = tpu.vector_load %arg16[%parallel_loop3A_360, %parallel_loop3A_361] {strides = array<i32>} : memref<128x64xf32, #tpu.memory_space<vmem>>, vector<16xf32>,
        tpu.vector_store %arg16[%parallel_loop3A_360, %parallel_loop3A_361], %parallel_loop3A_359 {strides = array<i32>} : memref<128x64xf32, #tpu.memory_space<vmem>>, vector<16xf32>,
        %parallel_loop3A_363 = arith.index_cast %parallel_loop3A_348 : i32 to index
        %parallel_loop3A_364 = arith.constant 32 : index
        %parallel_loop3A_365 = tpu.vector_load %arg14[%parallel_loop3A_363, %parallel_loop3A_364] {strides = array<i32>} : memref<128x64xf32, #tpu.memory_space<vmem>>, vector<16xf32>,
        %parallel_loop3A_366 = arith.mulf %parallel_loop3A_365, %parallel_loop3A_344 : vector<16xf32>
        %parallel_loop3A_367 = arith.index_cast %parallel_loop3A_348 : i32 to index
        %parallel_loop3A_368 = arith.constant 32 : index
        %parallel_loop3A_369 = tpu.vector_load %arg16[%parallel_loop3A_367, %parallel_loop3A_368] {strides = array<i32>} : memref<128x64xf32, #tpu.memory_space<vmem>>, vector<16xf32>,
        tpu.vector_store %arg16[%parallel_loop3A_367, %parallel_loop3A_368], %parallel_loop3A_366 {strides = array<i32>} : memref<128x64xf32, #tpu.memory_space<vmem>>, vector<16xf32>,
        %parallel_loop3A_370 = arith.index_cast %parallel_loop3A_348 : i32 to index
        %parallel_loop3A_371 = arith.constant 48 : index
        %parallel_loop3A_372 = tpu.vector_load %arg14[%parallel_loop3A_370, %parallel_loop3A_371] {strides = array<i32>} : memref<128x64xf32, #tpu.memory_space<vmem>>, vector<16xf32>,
        %parallel_loop3A_373 = arith.mulf %parallel_loop3A_372, %parallel_loop3A_344 : vector<16xf32>
        %parallel_loop3A_374 = arith.index_cast %parallel_loop3A_348 : i32 to index
        %parallel_loop3A_375 = arith.constant 48 : index
        %parallel_loop3A_376 = tpu.vector_load %arg16[%parallel_loop3A_374, %parallel_loop3A_375] {strides = array<i32>} : memref<128x64xf32, #tpu.memory_space<vmem>>, vector<16xf32>,
        tpu.vector_store %arg16[%parallel_loop3A_374, %parallel_loop3A_375], %parallel_loop3A_373 {strides = array<i32>} : memref<128x64xf32, #tpu.memory_space<vmem>>, vector<16xf32>,
        %parallel_loop3A_377 = arith.constant 8 : i32
        %parallel_loop3A_378 = vector.broadcast %parallel_loop3A_377 : i32 to vector<16xi32>
        %parallel_loop3A_379 = vector.shape_cast %parallel_loop3A_378 : vector<16xi32> to vector<16x1xi32>
        %parallel_loop3A_380 = vector.shape_cast %parallel_loop3A_379 : vector<16x1xi32> to vector<16xi32>
        %parallel_loop3A_381 = tpu.dynamic_gather %parallel_loop3A_80[%parallel_loop3A_380] in [0] : vector<16xf32>, vector<16xi32> -> vector<16xf32>
        %parallel_loop3A_382 = arith.constant 16 : i32
        %parallel_loop3A_383 = arith.muli %parallel_loop3A_76, %parallel_loop3A_382 : i32
        %parallel_loop3A_384 = arith.constant 8 : i32
        %parallel_loop3A_385 = arith.addi %parallel_loop3A_383, %parallel_loop3A_384 : i32
        %parallel_loop3A_386 = arith.index_cast %parallel_loop3A_385 : i32 to index
        %parallel_loop3A_387 = arith.constant 0 : index
        %parallel_loop3A_388 = tpu.vector_load %arg14[%parallel_loop3A_386, %parallel_loop3A_387] {strides = array<i32>} : memref<128x64xf32, #tpu.memory_space<vmem>>, vector<16xf32>,
        %parallel_loop3A_389 = arith.mulf %parallel_loop3A_388, %parallel_loop3A_381 : vector<16xf32>
        %parallel_loop3A_390 = arith.index_cast %parallel_loop3A_385 : i32 to index
        %parallel_loop3A_391 = arith.constant 0 : index
        %parallel_loop3A_392 = tpu.vector_load %arg16[%parallel_loop3A_390, %parallel_loop3A_391] {strides = array<i32>} : memref<128x64xf32, #tpu.memory_space<vmem>>, vector<16xf32>,
        tpu.vector_store %arg16[%parallel_loop3A_390, %parallel_loop3A_391], %parallel_loop3A_389 {strides = array<i32>} : memref<128x64xf32, #tpu.memory_space<vmem>>, vector<16xf32>,
        %parallel_loop3A_393 = arith.index_cast %parallel_loop3A_385 : i32 to index
        %parallel_loop3A_394 = arith.constant 16 : index
        %parallel_loop3A_395 = tpu.vector_load %arg14[%parallel_loop3A_393, %parallel_loop3A_394] {strides = array<i32>} : memref<128x64xf32, #tpu.memory_space<vmem>>, vector<16xf32>,
        %parallel_loop3A_396 = arith.mulf %parallel_loop3A_395, %parallel_loop3A_381 : vector<16xf32>
        %parallel_loop3A_397 = arith.index_cast %parallel_loop3A_385 : i32 to index
        %parallel_loop3A_398 = arith.constant 16 : index
        %parallel_loop3A_399 = tpu.vector_load %arg16[%parallel_loop3A_397, %parallel_loop3A_398] {strides = array<i32>} : memref<128x64xf32, #tpu.memory_space<vmem>>, vector<16xf32>,
        tpu.vector_store %arg16[%parallel_loop3A_397, %parallel_loop3A_398], %parallel_loop3A_396 {strides = array<i32>} : memref<128x64xf32, #tpu.memory_space<vmem>>, vector<16xf32>,
        %parallel_loop3A_400 = arith.index_cast %parallel_loop3A_385 : i32 to index
        %parallel_loop3A_401 = arith.constant 32 : index
        %parallel_loop3A_402 = tpu.vector_load %arg14[%parallel_loop3A_400, %parallel_loop3A_401] {strides = array<i32>} : memref<128x64xf32, #tpu.memory_space<vmem>>, vector<16xf32>,
        %parallel_loop3A_403 = arith.mulf %parallel_loop3A_402, %parallel_loop3A_381 : vector<16xf32>
        %parallel_loop3A_404 = arith.index_cast %parallel_loop3A_385 : i32 to index
        %parallel_loop3A_405 = arith.constant 32 : index
        %parallel_loop3A_406 = tpu.vector_load %arg16[%parallel_loop3A_404, %parallel_loop3A_405] {strides = array<i32>} : memref<128x64xf32, #tpu.memory_space<vmem>>, vector<16xf32>,
        tpu.vector_store %arg16[%parallel_loop3A_404, %parallel_loop3A_405], %parallel_loop3A_403 {strides = array<i32>} : memref<128x64xf32, #tpu.memory_space<vmem>>, vector<16xf32>,
        %parallel_loop3A_407 = arith.index_cast %parallel_loop3A_385 : i32 to index
        %parallel_loop3A_408 = arith.constant 48 : index
        %parallel_loop3A_409 = tpu.vector_load %arg14[%parallel_loop3A_407, %parallel_loop3A_408] {strides = array<i32>} : memref<128x64xf32, #tpu.memory_space<vmem>>, vector<16xf32>,
        %parallel_loop3A_410 = arith.mulf %parallel_loop3A_409, %parallel_loop3A_381 : vector<16xf32>
        %parallel_loop3A_411 = arith.index_cast %parallel_loop3A_385 : i32 to index
        %parallel_loop3A_412 = arith.constant 48 : index
        %parallel_loop3A_413 = tpu.vector_load %arg16[%parallel_loop3A_411, %parallel_loop3A_412] {strides = array<i32>} : memref<128x64xf32, #tpu.memory_space<vmem>>, vector<16xf32>,
        tpu.vector_store %arg16[%parallel_loop3A_411, %parallel_loop3A_412], %parallel_loop3A_410 {strides = array<i32>} : memref<128x64xf32, #tpu.memory_space<vmem>>, vector<16xf32>,
        %parallel_loop3A_414 = arith.constant 9 : i32
        %parallel_loop3A_415 = vector.broadcast %parallel_loop3A_414 : i32 to vector<16xi32>
        %parallel_loop3A_416 = vector.shape_cast %parallel_loop3A_415 : vector<16xi32> to vector<16x1xi32>
        %parallel_loop3A_417 = vector.shape_cast %parallel_loop3A_416 : vector<16x1xi32> to vector<16xi32>
        %parallel_loop3A_418 = tpu.dynamic_gather %parallel_loop3A_80[%parallel_loop3A_417] in [0] : vector<16xf32>, vector<16xi32> -> vector<16xf32>
        %parallel_loop3A_419 = arith.constant 16 : i32
        %parallel_loop3A_420 = arith.muli %parallel_loop3A_76, %parallel_loop3A_419 : i32
        %parallel_loop3A_421 = arith.constant 9 : i32
        %parallel_loop3A_422 = arith.addi %parallel_loop3A_420, %parallel_loop3A_421 : i32
        %parallel_loop3A_423 = arith.index_cast %parallel_loop3A_422 : i32 to index
        %parallel_loop3A_424 = arith.constant 0 : index
        %parallel_loop3A_425 = tpu.vector_load %arg14[%parallel_loop3A_423, %parallel_loop3A_424] {strides = array<i32>} : memref<128x64xf32, #tpu.memory_space<vmem>>, vector<16xf32>,
        %parallel_loop3A_426 = arith.mulf %parallel_loop3A_425, %parallel_loop3A_418 : vector<16xf32>
        %parallel_loop3A_427 = arith.index_cast %parallel_loop3A_422 : i32 to index
        %parallel_loop3A_428 = arith.constant 0 : index
        %parallel_loop3A_429 = tpu.vector_load %arg16[%parallel_loop3A_427, %parallel_loop3A_428] {strides = array<i32>} : memref<128x64xf32, #tpu.memory_space<vmem>>, vector<16xf32>,
        tpu.vector_store %arg16[%parallel_loop3A_427, %parallel_loop3A_428], %parallel_loop3A_426 {strides = array<i32>} : memref<128x64xf32, #tpu.memory_space<vmem>>, vector<16xf32>,
        %parallel_loop3A_430 = arith.index_cast %parallel_loop3A_422 : i32 to index
        %parallel_loop3A_431 = arith.constant 16 : index
        %parallel_loop3A_432 = tpu.vector_load %arg14[%parallel_loop3A_430, %parallel_loop3A_431] {strides = array<i32>} : memref<128x64xf32, #tpu.memory_space<vmem>>, vector<16xf32>,
        %parallel_loop3A_433 = arith.mulf %parallel_loop3A_432, %parallel_loop3A_418 : vector<16xf32>
        %parallel_loop3A_434 = arith.index_cast %parallel_loop3A_422 : i32 to index
        %parallel_loop3A_435 = arith.constant 16 : index
        %parallel_loop3A_436 = tpu.vector_load %arg16[%parallel_loop3A_434, %parallel_loop3A_435] {strides = array<i32>} : memref<128x64xf32, #tpu.memory_space<vmem>>, vector<16xf32>,
        tpu.vector_store %arg16[%parallel_loop3A_434, %parallel_loop3A_435], %parallel_loop3A_433 {strides = array<i32>} : memref<128x64xf32, #tpu.memory_space<vmem>>, vector<16xf32>,
        %parallel_loop3A_437 = arith.index_cast %parallel_loop3A_422 : i32 to index
        %parallel_loop3A_438 = arith.constant 32 : index
        %parallel_loop3A_439 = tpu.vector_load %arg14[%parallel_loop3A_437, %parallel_loop3A_438] {strides = array<i32>} : memref<128x64xf32, #tpu.memory_space<vmem>>, vector<16xf32>,
        %parallel_loop3A_440 = arith.mulf %parallel_loop3A_439, %parallel_loop3A_418 : vector<16xf32>
        %parallel_loop3A_441 = arith.index_cast %parallel_loop3A_422 : i32 to index
        %parallel_loop3A_442 = arith.constant 32 : index
        %parallel_loop3A_443 = tpu.vector_load %arg16[%parallel_loop3A_441, %parallel_loop3A_442] {strides = array<i32>} : memref<128x64xf32, #tpu.memory_space<vmem>>, vector<16xf32>,
        tpu.vector_store %arg16[%parallel_loop3A_441, %parallel_loop3A_442], %parallel_loop3A_440 {strides = array<i32>} : memref<128x64xf32, #tpu.memory_space<vmem>>, vector<16xf32>,
        %parallel_loop3A_444 = arith.index_cast %parallel_loop3A_422 : i32 to index
        %parallel_loop3A_445 = arith.constant 48 : index
        %parallel_loop3A_446 = tpu.vector_load %arg14[%parallel_loop3A_444, %parallel_loop3A_445] {strides = array<i32>} : memref<128x64xf32, #tpu.memory_space<vmem>>, vector<16xf32>,
        %parallel_loop3A_447 = arith.mulf %parallel_loop3A_446, %parallel_loop3A_418 : vector<16xf32>
        %parallel_loop3A_448 = arith.index_cast %parallel_loop3A_422 : i32 to index
        %parallel_loop3A_449 = arith.constant 48 : index
        %parallel_loop3A_450 = tpu.vector_load %arg16[%parallel_loop3A_448, %parallel_loop3A_449] {strides = array<i32>} : memref<128x64xf32, #tpu.memory_space<vmem>>, vector<16xf32>,
        tpu.vector_store %arg16[%parallel_loop3A_448, %parallel_loop3A_449], %parallel_loop3A_447 {strides = array<i32>} : memref<128x64xf32, #tpu.memory_space<vmem>>, vector<16xf32>,
        %parallel_loop3A_451 = arith.constant 10 : i32
        %parallel_loop3A_452 = vector.broadcast %parallel_loop3A_451 : i32 to vector<16xi32>
        %parallel_loop3A_453 = vector.shape_cast %parallel_loop3A_452 : vector<16xi32> to vector<16x1xi32>
        %parallel_loop3A_454 = vector.shape_cast %parallel_loop3A_453 : vector<16x1xi32> to vector<16xi32>
        %parallel_loop3A_455 = tpu.dynamic_gather %parallel_loop3A_80[%parallel_loop3A_454] in [0] : vector<16xf32>, vector<16xi32> -> vector<16xf32>
        %parallel_loop3A_456 = arith.constant 16 : i32
        %parallel_loop3A_457 = arith.muli %parallel_loop3A_76, %parallel_loop3A_456 : i32
        %parallel_loop3A_458 = arith.constant 10 : i32
        %parallel_loop3A_459 = arith.addi %parallel_loop3A_457, %parallel_loop3A_458 : i32
        %parallel_loop3A_460 = arith.index_cast %parallel_loop3A_459 : i32 to index
        %parallel_loop3A_461 = arith.constant 0 : index
        %parallel_loop3A_462 = tpu.vector_load %arg14[%parallel_loop3A_460, %parallel_loop3A_461] {strides = array<i32>} : memref<128x64xf32, #tpu.memory_space<vmem>>, vector<16xf32>,
        %parallel_loop3A_463 = arith.mulf %parallel_loop3A_462, %parallel_loop3A_455 : vector<16xf32>
        %parallel_loop3A_464 = arith.index_cast %parallel_loop3A_459 : i32 to index
        %parallel_loop3A_465 = arith.constant 0 : index
        %parallel_loop3A_466 = tpu.vector_load %arg16[%parallel_loop3A_464, %parallel_loop3A_465] {strides = array<i32>} : memref<128x64xf32, #tpu.memory_space<vmem>>, vector<16xf32>,
        tpu.vector_store %arg16[%parallel_loop3A_464, %parallel_loop3A_465], %parallel_loop3A_463 {strides = array<i32>} : memref<128x64xf32, #tpu.memory_space<vmem>>, vector<16xf32>,
        %parallel_loop3A_467 = arith.index_cast %parallel_loop3A_459 : i32 to index
        %parallel_loop3A_468 = arith.constant 16 : index
        %parallel_loop3A_469 = tpu.vector_load %arg14[%parallel_loop3A_467, %parallel_loop3A_468] {strides = array<i32>} : memref<128x64xf32, #tpu.memory_space<vmem>>, vector<16xf32>,
        %parallel_loop3A_470 = arith.mulf %parallel_loop3A_469, %parallel_loop3A_455 : vector<16xf32>
        %parallel_loop3A_471 = arith.index_cast %parallel_loop3A_459 : i32 to index
        %parallel_loop3A_472 = arith.constant 16 : index
        %parallel_loop3A_473 = tpu.vector_load %arg16[%parallel_loop3A_471, %parallel_loop3A_472] {strides = array<i32>} : memref<128x64xf32, #tpu.memory_space<vmem>>, vector<16xf32>,
        tpu.vector_store %arg16[%parallel_loop3A_471, %parallel_loop3A_472], %parallel_loop3A_470 {strides = array<i32>} : memref<128x64xf32, #tpu.memory_space<vmem>>, vector<16xf32>,
        %parallel_loop3A_474 = arith.index_cast %parallel_loop3A_459 : i32 to index
        %parallel_loop3A_475 = arith.constant 32 : index
        %parallel_loop3A_476 = tpu.vector_load %arg14[%parallel_loop3A_474, %parallel_loop3A_475] {strides = array<i32>} : memref<128x64xf32, #tpu.memory_space<vmem>>, vector<16xf32>,
        %parallel_loop3A_477 = arith.mulf %parallel_loop3A_476, %parallel_loop3A_455 : vector<16xf32>
        %parallel_loop3A_478 = arith.index_cast %parallel_loop3A_459 : i32 to index
        %parallel_loop3A_479 = arith.constant 32 : index
        %parallel_loop3A_480 = tpu.vector_load %arg16[%parallel_loop3A_478, %parallel_loop3A_479] {strides = array<i32>} : memref<128x64xf32, #tpu.memory_space<vmem>>, vector<16xf32>,
        tpu.vector_store %arg16[%parallel_loop3A_478, %parallel_loop3A_479], %parallel_loop3A_477 {strides = array<i32>} : memref<128x64xf32, #tpu.memory_space<vmem>>, vector<16xf32>,
        %parallel_loop3A_481 = arith.index_cast %parallel_loop3A_459 : i32 to index
        %parallel_loop3A_482 = arith.constant 48 : index
        %parallel_loop3A_483 = tpu.vector_load %arg14[%parallel_loop3A_481, %parallel_loop3A_482] {strides = array<i32>} : memref<128x64xf32, #tpu.memory_space<vmem>>, vector<16xf32>,
        %parallel_loop3A_484 = arith.mulf %parallel_loop3A_483, %parallel_loop3A_455 : vector<16xf32>
        %parallel_loop3A_485 = arith.index_cast %parallel_loop3A_459 : i32 to index
        %parallel_loop3A_486 = arith.constant 48 : index
        %parallel_loop3A_487 = tpu.vector_load %arg16[%parallel_loop3A_485, %parallel_loop3A_486] {strides = array<i32>} : memref<128x64xf32, #tpu.memory_space<vmem>>, vector<16xf32>,
        tpu.vector_store %arg16[%parallel_loop3A_485, %parallel_loop3A_486], %parallel_loop3A_484 {strides = array<i32>} : memref<128x64xf32, #tpu.memory_space<vmem>>, vector<16xf32>,
        %parallel_loop3A_488 = arith.constant 11 : i32
        %parallel_loop3A_489 = vector.broadcast %parallel_loop3A_488 : i32 to vector<16xi32>
        %parallel_loop3A_490 = vector.shape_cast %parallel_loop3A_489 : vector<16xi32> to vector<16x1xi32>
        %parallel_loop3A_491 = vector.shape_cast %parallel_loop3A_490 : vector<16x1xi32> to vector<16xi32>
        %parallel_loop3A_492 = tpu.dynamic_gather %parallel_loop3A_80[%parallel_loop3A_491] in [0] : vector<16xf32>, vector<16xi32> -> vector<16xf32>
        %parallel_loop3A_493 = arith.constant 16 : i32
        %parallel_loop3A_494 = arith.muli %parallel_loop3A_76, %parallel_loop3A_493 : i32
        %parallel_loop3A_495 = arith.constant 11 : i32
        %parallel_loop3A_496 = arith.addi %parallel_loop3A_494, %parallel_loop3A_495 : i32
        %parallel_loop3A_497 = arith.index_cast %parallel_loop3A_496 : i32 to index
        %parallel_loop3A_498 = arith.constant 0 : index
        %parallel_loop3A_499 = tpu.vector_load %arg14[%parallel_loop3A_497, %parallel_loop3A_498] {strides = array<i32>} : memref<128x64xf32, #tpu.memory_space<vmem>>, vector<16xf32>,
        %parallel_loop3A_500 = arith.mulf %parallel_loop3A_499, %parallel_loop3A_492 : vector<16xf32>
        %parallel_loop3A_501 = arith.index_cast %parallel_loop3A_496 : i32 to index
        %parallel_loop3A_502 = arith.constant 0 : index
        %parallel_loop3A_503 = tpu.vector_load %arg16[%parallel_loop3A_501, %parallel_loop3A_502] {strides = array<i32>} : memref<128x64xf32, #tpu.memory_space<vmem>>, vector<16xf32>,
        tpu.vector_store %arg16[%parallel_loop3A_501, %parallel_loop3A_502], %parallel_loop3A_500 {strides = array<i32>} : memref<128x64xf32, #tpu.memory_space<vmem>>, vector<16xf32>,
        %parallel_loop3A_504 = arith.index_cast %parallel_loop3A_496 : i32 to index
        %parallel_loop3A_505 = arith.constant 16 : index
        %parallel_loop3A_506 = tpu.vector_load %arg14[%parallel_loop3A_504, %parallel_loop3A_505] {strides = array<i32>} : memref<128x64xf32, #tpu.memory_space<vmem>>, vector<16xf32>,
        %parallel_loop3A_507 = arith.mulf %parallel_loop3A_506, %parallel_loop3A_492 : vector<16xf32>
        %parallel_loop3A_508 = arith.index_cast %parallel_loop3A_496 : i32 to index
        %parallel_loop3A_509 = arith.constant 16 : index
        %parallel_loop3A_510 = tpu.vector_load %arg16[%parallel_loop3A_508, %parallel_loop3A_509] {strides = array<i32>} : memref<128x64xf32, #tpu.memory_space<vmem>>, vector<16xf32>,
        tpu.vector_store %arg16[%parallel_loop3A_508, %parallel_loop3A_509], %parallel_loop3A_507 {strides = array<i32>} : memref<128x64xf32, #tpu.memory_space<vmem>>, vector<16xf32>,
        %parallel_loop3A_511 = arith.index_cast %parallel_loop3A_496 : i32 to index
        %parallel_loop3A_512 = arith.constant 32 : index
        %parallel_loop3A_513 = tpu.vector_load %arg14[%parallel_loop3A_511, %parallel_loop3A_512] {strides = array<i32>} : memref<128x64xf32, #tpu.memory_space<vmem>>, vector<16xf32>,
        %parallel_loop3A_514 = arith.mulf %parallel_loop3A_513, %parallel_loop3A_492 : vector<16xf32>
        %parallel_loop3A_515 = arith.index_cast %parallel_loop3A_496 : i32 to index
        %parallel_loop3A_516 = arith.constant 32 : index
        %parallel_loop3A_517 = tpu.vector_load %arg16[%parallel_loop3A_515, %parallel_loop3A_516] {strides = array<i32>} : memref<128x64xf32, #tpu.memory_space<vmem>>, vector<16xf32>,
        tpu.vector_store %arg16[%parallel_loop3A_515, %parallel_loop3A_516], %parallel_loop3A_514 {strides = array<i32>} : memref<128x64xf32, #tpu.memory_space<vmem>>, vector<16xf32>,
        %parallel_loop3A_518 = arith.index_cast %parallel_loop3A_496 : i32 to index
        %parallel_loop3A_519 = arith.constant 48 : index
        %parallel_loop3A_520 = tpu.vector_load %arg14[%parallel_loop3A_518, %parallel_loop3A_519] {strides = array<i32>} : memref<128x64xf32, #tpu.memory_space<vmem>>, vector<16xf32>,
        %parallel_loop3A_521 = arith.mulf %parallel_loop3A_520, %parallel_loop3A_492 : vector<16xf32>
        %parallel_loop3A_522 = arith.index_cast %parallel_loop3A_496 : i32 to index
        %parallel_loop3A_523 = arith.constant 48 : index
        %parallel_loop3A_524 = tpu.vector_load %arg16[%parallel_loop3A_522, %parallel_loop3A_523] {strides = array<i32>} : memref<128x64xf32, #tpu.memory_space<vmem>>, vector<16xf32>,
        tpu.vector_store %arg16[%parallel_loop3A_522, %parallel_loop3A_523], %parallel_loop3A_521 {strides = array<i32>} : memref<128x64xf32, #tpu.memory_space<vmem>>, vector<16xf32>,
        %parallel_loop3A_525 = arith.constant 12 : i32
        %parallel_loop3A_526 = vector.broadcast %parallel_loop3A_525 : i32 to vector<16xi32>
        %parallel_loop3A_527 = vector.shape_cast %parallel_loop3A_526 : vector<16xi32> to vector<16x1xi32>
        %parallel_loop3A_528 = vector.shape_cast %parallel_loop3A_527 : vector<16x1xi32> to vector<16xi32>
        %parallel_loop3A_529 = tpu.dynamic_gather %parallel_loop3A_80[%parallel_loop3A_528] in [0] : vector<16xf32>, vector<16xi32> -> vector<16xf32>
        %parallel_loop3A_530 = arith.constant 16 : i32
        %parallel_loop3A_531 = arith.muli %parallel_loop3A_76, %parallel_loop3A_530 : i32
        %parallel_loop3A_532 = arith.constant 12 : i32
        %parallel_loop3A_533 = arith.addi %parallel_loop3A_531, %parallel_loop3A_532 : i32
        %parallel_loop3A_534 = arith.index_cast %parallel_loop3A_533 : i32 to index
        %parallel_loop3A_535 = arith.constant 0 : index
        %parallel_loop3A_536 = tpu.vector_load %arg14[%parallel_loop3A_534, %parallel_loop3A_535] {strides = array<i32>} : memref<128x64xf32, #tpu.memory_space<vmem>>, vector<16xf32>,
        %parallel_loop3A_537 = arith.mulf %parallel_loop3A_536, %parallel_loop3A_529 : vector<16xf32>
        %parallel_loop3A_538 = arith.index_cast %parallel_loop3A_533 : i32 to index
        %parallel_loop3A_539 = arith.constant 0 : index
        %parallel_loop3A_540 = tpu.vector_load %arg16[%parallel_loop3A_538, %parallel_loop3A_539] {strides = array<i32>} : memref<128x64xf32, #tpu.memory_space<vmem>>, vector<16xf32>,
        tpu.vector_store %arg16[%parallel_loop3A_538, %parallel_loop3A_539], %parallel_loop3A_537 {strides = array<i32>} : memref<128x64xf32, #tpu.memory_space<vmem>>, vector<16xf32>,
        %parallel_loop3A_541 = arith.index_cast %parallel_loop3A_533 : i32 to index
        %parallel_loop3A_542 = arith.constant 16 : index
        %parallel_loop3A_543 = tpu.vector_load %arg14[%parallel_loop3A_541, %parallel_loop3A_542] {strides = array<i32>} : memref<128x64xf32, #tpu.memory_space<vmem>>, vector<16xf32>,
        %parallel_loop3A_544 = arith.mulf %parallel_loop3A_543, %parallel_loop3A_529 : vector<16xf32>
        %parallel_loop3A_545 = arith.index_cast %parallel_loop3A_533 : i32 to index
        %parallel_loop3A_546 = arith.constant 16 : index
        %parallel_loop3A_547 = tpu.vector_load %arg16[%parallel_loop3A_545, %parallel_loop3A_546] {strides = array<i32>} : memref<128x64xf32, #tpu.memory_space<vmem>>, vector<16xf32>,
        tpu.vector_store %arg16[%parallel_loop3A_545, %parallel_loop3A_546], %parallel_loop3A_544 {strides = array<i32>} : memref<128x64xf32, #tpu.memory_space<vmem>>, vector<16xf32>,
        %parallel_loop3A_548 = arith.index_cast %parallel_loop3A_533 : i32 to index
        %parallel_loop3A_549 = arith.constant 32 : index
        %parallel_loop3A_550 = tpu.vector_load %arg14[%parallel_loop3A_548, %parallel_loop3A_549] {strides = array<i32>} : memref<128x64xf32, #tpu.memory_space<vmem>>, vector<16xf32>,
        %parallel_loop3A_551 = arith.mulf %parallel_loop3A_550, %parallel_loop3A_529 : vector<16xf32>
        %parallel_loop3A_552 = arith.index_cast %parallel_loop3A_533 : i32 to index
        %parallel_loop3A_553 = arith.constant 32 : index
        %parallel_loop3A_554 = tpu.vector_load %arg16[%parallel_loop3A_552, %parallel_loop3A_553] {strides = array<i32>} : memref<128x64xf32, #tpu.memory_space<vmem>>, vector<16xf32>,
        tpu.vector_store %arg16[%parallel_loop3A_552, %parallel_loop3A_553], %parallel_loop3A_551 {strides = array<i32>} : memref<128x64xf32, #tpu.memory_space<vmem>>, vector<16xf32>,
        %parallel_loop3A_555 = arith.index_cast %parallel_loop3A_533 : i32 to index
        %parallel_loop3A_556 = arith.constant 48 : index
        %parallel_loop3A_557 = tpu.vector_load %arg14[%parallel_loop3A_555, %parallel_loop3A_556] {strides = array<i32>} : memref<128x64xf32, #tpu.memory_space<vmem>>, vector<16xf32>,
        %parallel_loop3A_558 = arith.mulf %parallel_loop3A_557, %parallel_loop3A_529 : vector<16xf32>
        %parallel_loop3A_559 = arith.index_cast %parallel_loop3A_533 : i32 to index
        %parallel_loop3A_560 = arith.constant 48 : index
        %parallel_loop3A_561 = tpu.vector_load %arg16[%parallel_loop3A_559, %parallel_loop3A_560] {strides = array<i32>} : memref<128x64xf32, #tpu.memory_space<vmem>>, vector<16xf32>,
        tpu.vector_store %arg16[%parallel_loop3A_559, %parallel_loop3A_560], %parallel_loop3A_558 {strides = array<i32>} : memref<128x64xf32, #tpu.memory_space<vmem>>, vector<16xf32>,
        %parallel_loop3A_562 = arith.constant 13 : i32
        %parallel_loop3A_563 = vector.broadcast %parallel_loop3A_562 : i32 to vector<16xi32>
        %parallel_loop3A_564 = vector.shape_cast %parallel_loop3A_563 : vector<16xi32> to vector<16x1xi32>
        %parallel_loop3A_565 = vector.shape_cast %parallel_loop3A_564 : vector<16x1xi32> to vector<16xi32>
        %parallel_loop3A_566 = tpu.dynamic_gather %parallel_loop3A_80[%parallel_loop3A_565] in [0] : vector<16xf32>, vector<16xi32> -> vector<16xf32>
        %parallel_loop3A_567 = arith.constant 16 : i32
        %parallel_loop3A_568 = arith.muli %parallel_loop3A_76, %parallel_loop3A_567 : i32
        %parallel_loop3A_569 = arith.constant 13 : i32
        %parallel_loop3A_570 = arith.addi %parallel_loop3A_568, %parallel_loop3A_569 : i32
        %parallel_loop3A_571 = arith.index_cast %parallel_loop3A_570 : i32 to index
        %parallel_loop3A_572 = arith.constant 0 : index
        %parallel_loop3A_573 = tpu.vector_load %arg14[%parallel_loop3A_571, %parallel_loop3A_572] {strides = array<i32>} : memref<128x64xf32, #tpu.memory_space<vmem>>, vector<16xf32>,
        %parallel_loop3A_574 = arith.mulf %parallel_loop3A_573, %parallel_loop3A_566 : vector<16xf32>
        %parallel_loop3A_575 = arith.index_cast %parallel_loop3A_570 : i32 to index
        %parallel_loop3A_576 = arith.constant 0 : index
        %parallel_loop3A_577 = tpu.vector_load %arg16[%parallel_loop3A_575, %parallel_loop3A_576] {strides = array<i32>} : memref<128x64xf32, #tpu.memory_space<vmem>>, vector<16xf32>,
        tpu.vector_store %arg16[%parallel_loop3A_575, %parallel_loop3A_576], %parallel_loop3A_574 {strides = array<i32>} : memref<128x64xf32, #tpu.memory_space<vmem>>, vector<16xf32>,
        %parallel_loop3A_578 = arith.index_cast %parallel_loop3A_570 : i32 to index
        %parallel_loop3A_579 = arith.constant 16 : index
        %parallel_loop3A_580 = tpu.vector_load %arg14[%parallel_loop3A_578, %parallel_loop3A_579] {strides = array<i32>} : memref<128x64xf32, #tpu.memory_space<vmem>>, vector<16xf32>,
        %parallel_loop3A_581 = arith.mulf %parallel_loop3A_580, %parallel_loop3A_566 : vector<16xf32>
        %parallel_loop3A_582 = arith.index_cast %parallel_loop3A_570 : i32 to index
        %parallel_loop3A_583 = arith.constant 16 : index
        %parallel_loop3A_584 = tpu.vector_load %arg16[%parallel_loop3A_582, %parallel_loop3A_583] {strides = array<i32>} : memref<128x64xf32, #tpu.memory_space<vmem>>, vector<16xf32>,
        tpu.vector_store %arg16[%parallel_loop3A_582, %parallel_loop3A_583], %parallel_loop3A_581 {strides = array<i32>} : memref<128x64xf32, #tpu.memory_space<vmem>>, vector<16xf32>,
        %parallel_loop3A_585 = arith.index_cast %parallel_loop3A_570 : i32 to index
        %parallel_loop3A_586 = arith.constant 32 : index
        %parallel_loop3A_587 = tpu.vector_load %arg14[%parallel_loop3A_585, %parallel_loop3A_586] {strides = array<i32>} : memref<128x64xf32, #tpu.memory_space<vmem>>, vector<16xf32>,
        %parallel_loop3A_588 = arith.mulf %parallel_loop3A_587, %parallel_loop3A_566 : vector<16xf32>
        %parallel_loop3A_589 = arith.index_cast %parallel_loop3A_570 : i32 to index
        %parallel_loop3A_590 = arith.constant 32 : index
        %parallel_loop3A_591 = tpu.vector_load %arg16[%parallel_loop3A_589, %parallel_loop3A_590] {strides = array<i32>} : memref<128x64xf32, #tpu.memory_space<vmem>>, vector<16xf32>,
        tpu.vector_store %arg16[%parallel_loop3A_589, %parallel_loop3A_590], %parallel_loop3A_588 {strides = array<i32>} : memref<128x64xf32, #tpu.memory_space<vmem>>, vector<16xf32>,
        %parallel_loop3A_592 = arith.index_cast %parallel_loop3A_570 : i32 to index
        %parallel_loop3A_593 = arith.constant 48 : index
        %parallel_loop3A_594 = tpu.vector_load %arg14[%parallel_loop3A_592, %parallel_loop3A_593] {strides = array<i32>} : memref<128x64xf32, #tpu.memory_space<vmem>>, vector<16xf32>,
        %parallel_loop3A_595 = arith.mulf %parallel_loop3A_594, %parallel_loop3A_566 : vector<16xf32>
        %parallel_loop3A_596 = arith.index_cast %parallel_loop3A_570 : i32 to index
        %parallel_loop3A_597 = arith.constant 48 : index
        %parallel_loop3A_598 = tpu.vector_load %arg16[%parallel_loop3A_596, %parallel_loop3A_597] {strides = array<i32>} : memref<128x64xf32, #tpu.memory_space<vmem>>, vector<16xf32>,
        tpu.vector_store %arg16[%parallel_loop3A_596, %parallel_loop3A_597], %parallel_loop3A_595 {strides = array<i32>} : memref<128x64xf32, #tpu.memory_space<vmem>>, vector<16xf32>,
        %parallel_loop3A_599 = arith.constant 14 : i32
        %parallel_loop3A_600 = vector.broadcast %parallel_loop3A_599 : i32 to vector<16xi32>
        %parallel_loop3A_601 = vector.shape_cast %parallel_loop3A_600 : vector<16xi32> to vector<16x1xi32>
        %parallel_loop3A_602 = vector.shape_cast %parallel_loop3A_601 : vector<16x1xi32> to vector<16xi32>
        %parallel_loop3A_603 = tpu.dynamic_gather %parallel_loop3A_80[%parallel_loop3A_602] in [0] : vector<16xf32>, vector<16xi32> -> vector<16xf32>
        %parallel_loop3A_604 = arith.constant 16 : i32
        %parallel_loop3A_605 = arith.muli %parallel_loop3A_76, %parallel_loop3A_604 : i32
        %parallel_loop3A_606 = arith.constant 14 : i32
        %parallel_loop3A_607 = arith.addi %parallel_loop3A_605, %parallel_loop3A_606 : i32
        %parallel_loop3A_608 = arith.index_cast %parallel_loop3A_607 : i32 to index
        %parallel_loop3A_609 = arith.constant 0 : index
        %parallel_loop3A_610 = tpu.vector_load %arg14[%parallel_loop3A_608, %parallel_loop3A_609] {strides = array<i32>} : memref<128x64xf32, #tpu.memory_space<vmem>>, vector<16xf32>,
        %parallel_loop3A_611 = arith.mulf %parallel_loop3A_610, %parallel_loop3A_603 : vector<16xf32>
        %parallel_loop3A_612 = arith.index_cast %parallel_loop3A_607 : i32 to index
        %parallel_loop3A_613 = arith.constant 0 : index
        %parallel_loop3A_614 = tpu.vector_load %arg16[%parallel_loop3A_612, %parallel_loop3A_613] {strides = array<i32>} : memref<128x64xf32, #tpu.memory_space<vmem>>, vector<16xf32>,
        tpu.vector_store %arg16[%parallel_loop3A_612, %parallel_loop3A_613], %parallel_loop3A_611 {strides = array<i32>} : memref<128x64xf32, #tpu.memory_space<vmem>>, vector<16xf32>,
        %parallel_loop3A_615 = arith.index_cast %parallel_loop3A_607 : i32 to index
        %parallel_loop3A_616 = arith.constant 16 : index
        %parallel_loop3A_617 = tpu.vector_load %arg14[%parallel_loop3A_615, %parallel_loop3A_616] {strides = array<i32>} : memref<128x64xf32, #tpu.memory_space<vmem>>, vector<16xf32>,
        %parallel_loop3A_618 = arith.mulf %parallel_loop3A_617, %parallel_loop3A_603 : vector<16xf32>
        %parallel_loop3A_619 = arith.index_cast %parallel_loop3A_607 : i32 to index
        %parallel_loop3A_620 = arith.constant 16 : index
        %parallel_loop3A_621 = tpu.vector_load %arg16[%parallel_loop3A_619, %parallel_loop3A_620] {strides = array<i32>} : memref<128x64xf32, #tpu.memory_space<vmem>>, vector<16xf32>,
        tpu.vector_store %arg16[%parallel_loop3A_619, %parallel_loop3A_620], %parallel_loop3A_618 {strides = array<i32>} : memref<128x64xf32, #tpu.memory_space<vmem>>, vector<16xf32>,
        %parallel_loop3A_622 = arith.index_cast %parallel_loop3A_607 : i32 to index
        %parallel_loop3A_623 = arith.constant 32 : index
        %parallel_loop3A_624 = tpu.vector_load %arg14[%parallel_loop3A_622, %parallel_loop3A_623] {strides = array<i32>} : memref<128x64xf32, #tpu.memory_space<vmem>>, vector<16xf32>,
        %parallel_loop3A_625 = arith.mulf %parallel_loop3A_624, %parallel_loop3A_603 : vector<16xf32>
        %parallel_loop3A_626 = arith.index_cast %parallel_loop3A_607 : i32 to index
        %parallel_loop3A_627 = arith.constant 32 : index
        %parallel_loop3A_628 = tpu.vector_load %arg16[%parallel_loop3A_626, %parallel_loop3A_627] {strides = array<i32>} : memref<128x64xf32, #tpu.memory_space<vmem>>, vector<16xf32>,
        tpu.vector_store %arg16[%parallel_loop3A_626, %parallel_loop3A_627], %parallel_loop3A_625 {strides = array<i32>} : memref<128x64xf32, #tpu.memory_space<vmem>>, vector<16xf32>,
        %parallel_loop3A_629 = arith.index_cast %parallel_loop3A_607 : i32 to index
        %parallel_loop3A_630 = arith.constant 48 : index
        %parallel_loop3A_631 = tpu.vector_load %arg14[%parallel_loop3A_629, %parallel_loop3A_630] {strides = array<i32>} : memref<128x64xf32, #tpu.memory_space<vmem>>, vector<16xf32>,
        %parallel_loop3A_632 = arith.mulf %parallel_loop3A_631, %parallel_loop3A_603 : vector<16xf32>
        %parallel_loop3A_633 = arith.index_cast %parallel_loop3A_607 : i32 to index
        %parallel_loop3A_634 = arith.constant 48 : index
        %parallel_loop3A_635 = tpu.vector_load %arg16[%parallel_loop3A_633, %parallel_loop3A_634] {strides = array<i32>} : memref<128x64xf32, #tpu.memory_space<vmem>>, vector<16xf32>,
        tpu.vector_store %arg16[%parallel_loop3A_633, %parallel_loop3A_634], %parallel_loop3A_632 {strides = array<i32>} : memref<128x64xf32, #tpu.memory_space<vmem>>, vector<16xf32>,
        %parallel_loop3A_636 = arith.constant 15 : i32
        %parallel_loop3A_637 = vector.broadcast %parallel_loop3A_636 : i32 to vector<16xi32>
        %parallel_loop3A_638 = vector.shape_cast %parallel_loop3A_637 : vector<16xi32> to vector<16x1xi32>
        %parallel_loop3A_639 = vector.shape_cast %parallel_loop3A_638 : vector<16x1xi32> to vector<16xi32>
        %parallel_loop3A_640 = tpu.dynamic_gather %parallel_loop3A_80[%parallel_loop3A_639] in [0] : vector<16xf32>, vector<16xi32> -> vector<16xf32>
        %parallel_loop3A_641 = arith.constant 16 : i32
        %parallel_loop3A_642 = arith.muli %parallel_loop3A_76, %parallel_loop3A_641 : i32
        %parallel_loop3A_643 = arith.constant 15 : i32
        %parallel_loop3A_644 = arith.addi %parallel_loop3A_642, %parallel_loop3A_643 : i32
        %parallel_loop3A_645 = arith.index_cast %parallel_loop3A_644 : i32 to index
        %parallel_loop3A_646 = arith.constant 0 : index
        %parallel_loop3A_647 = tpu.vector_load %arg14[%parallel_loop3A_645, %parallel_loop3A_646] {strides = array<i32>} : memref<128x64xf32, #tpu.memory_space<vmem>>, vector<16xf32>,
        %parallel_loop3A_648 = arith.mulf %parallel_loop3A_647, %parallel_loop3A_640 : vector<16xf32>
        %parallel_loop3A_649 = arith.index_cast %parallel_loop3A_644 : i32 to index
        %parallel_loop3A_650 = arith.constant 0 : index
        %parallel_loop3A_651 = tpu.vector_load %arg16[%parallel_loop3A_649, %parallel_loop3A_650] {strides = array<i32>} : memref<128x64xf32, #tpu.memory_space<vmem>>, vector<16xf32>,
        tpu.vector_store %arg16[%parallel_loop3A_649, %parallel_loop3A_650], %parallel_loop3A_648 {strides = array<i32>} : memref<128x64xf32, #tpu.memory_space<vmem>>, vector<16xf32>,
        %parallel_loop3A_652 = arith.index_cast %parallel_loop3A_644 : i32 to index
        %parallel_loop3A_653 = arith.constant 16 : index
        %parallel_loop3A_654 = tpu.vector_load %arg14[%parallel_loop3A_652, %parallel_loop3A_653] {strides = array<i32>} : memref<128x64xf32, #tpu.memory_space<vmem>>, vector<16xf32>,
        %parallel_loop3A_655 = arith.mulf %parallel_loop3A_654, %parallel_loop3A_640 : vector<16xf32>
        %parallel_loop3A_656 = arith.index_cast %parallel_loop3A_644 : i32 to index
        %parallel_loop3A_657 = arith.constant 16 : index
        %parallel_loop3A_658 = tpu.vector_load %arg16[%parallel_loop3A_656, %parallel_loop3A_657] {strides = array<i32>} : memref<128x64xf32, #tpu.memory_space<vmem>>, vector<16xf32>,
        tpu.vector_store %arg16[%parallel_loop3A_656, %parallel_loop3A_657], %parallel_loop3A_655 {strides = array<i32>} : memref<128x64xf32, #tpu.memory_space<vmem>>, vector<16xf32>,
        %parallel_loop3A_659 = arith.index_cast %parallel_loop3A_644 : i32 to index
        %parallel_loop3A_660 = arith.constant 32 : index
        %parallel_loop3A_661 = tpu.vector_load %arg14[%parallel_loop3A_659, %parallel_loop3A_660] {strides = array<i32>} : memref<128x64xf32, #tpu.memory_space<vmem>>, vector<16xf32>,
        %parallel_loop3A_662 = arith.mulf %parallel_loop3A_661, %parallel_loop3A_640 : vector<16xf32>
        %parallel_loop3A_663 = arith.index_cast %parallel_loop3A_644 : i32 to index
        %parallel_loop3A_664 = arith.constant 32 : index
        %parallel_loop3A_665 = tpu.vector_load %arg16[%parallel_loop3A_663, %parallel_loop3A_664] {strides = array<i32>} : memref<128x64xf32, #tpu.memory_space<vmem>>, vector<16xf32>,
        tpu.vector_store %arg16[%parallel_loop3A_663, %parallel_loop3A_664], %parallel_loop3A_662 {strides = array<i32>} : memref<128x64xf32, #tpu.memory_space<vmem>>, vector<16xf32>,
        %parallel_loop3A_666 = arith.index_cast %parallel_loop3A_644 : i32 to index
        %parallel_loop3A_667 = arith.constant 48 : index
        %parallel_loop3A_668 = tpu.vector_load %arg14[%parallel_loop3A_666, %parallel_loop3A_667] {strides = array<i32>} : memref<128x64xf32, #tpu.memory_space<vmem>>, vector<16xf32>,
        %parallel_loop3A_669 = arith.mulf %parallel_loop3A_668, %parallel_loop3A_640 : vector<16xf32>
        %parallel_loop3A_670 = arith.index_cast %parallel_loop3A_644 : i32 to index
        %parallel_loop3A_671 = arith.constant 48 : index
        %parallel_loop3A_672 = tpu.vector_load %arg16[%parallel_loop3A_670, %parallel_loop3A_671] {strides = array<i32>} : memref<128x64xf32, #tpu.memory_space<vmem>>, vector<16xf32>,
        tpu.vector_store %arg16[%parallel_loop3A_670, %parallel_loop3A_671], %parallel_loop3A_669 {strides = array<i32>} : memref<128x64xf32, #tpu.memory_space<vmem>>, vector<16xf32>,
      } {sc.loop_unroll_factor = 1 : i64, sc.parallel_access}
      "tpu.region"() ({
        %run_scoped3A = tpu.sem_alloc : memref<!tpu.dma_semaphore, #tpu.memory_space<semaphore_mem>>
        %dma_start3A_76 = arith.constant 0 : i32
        %dma_start3A_77 = tpu.memref_slice %arg10[%add3A_38, %dma_start3A_76] : memref<80x128xi32, #tpu.memory_space<vmem>> -> memref<1x128xi32, #tpu.memory_space<vmem>>
        %dma_start3A_78 = tpu.memref_squeeze %dma_start3A_77 : memref<1x128xi32, #tpu.memory_space<vmem>> -> memref<128xi32, #tpu.memory_space<vmem>>
        %dma_start3A_79 = arith.constant 0 : i32
        %dma_start3A_80 = arith.constant 0 : i32
        %dma_start3A_81 = tpu.memref_slice %arg17[%dma_start3A_79, %dma_start3A_80] : memref<10240x64xf32, #tpu.memory_space<vmem_shared>> -> memref<10240x64xf32, #tpu.memory_space<vmem_shared>>
        tpu.enqueue_indirect_dma source(%arg16 : memref<128x64xf32, #tpu.memory_space<vmem>>) target(%dma_start3A_81 : memref<10240x64xf32, #tpu.memory_space<vmem_shared>>) offsets(%dma_start3A_78 : memref<128xi32, #tpu.memory_space<vmem>>) semaphore(%run_scoped3A : memref<!tpu.dma_semaphore, #tpu.memory_space<semaphore_mem>>) {add = true}
        %dma_wait3A_82 = arith.constant 0 : i32
        %dma_wait3A_83 = tpu.memref_slice %arg10[%add3A_38, %dma_wait3A_82] : memref<80x128xi32, #tpu.memory_space<vmem>> -> memref<1x128xi32, #tpu.memory_space<vmem>>
        %dma_wait3A_84 = tpu.memref_squeeze %dma_wait3A_83 : memref<1x128xi32, #tpu.memory_space<vmem>> -> memref<128xi32, #tpu.memory_space<vmem>>
        %dma_wait3A_85 = arith.constant 0 : i32
        %dma_wait3A_86 = arith.constant 0 : i32
        %dma_wait3A_87 = tpu.memref_slice %arg17[%dma_wait3A_85, %dma_wait3A_86] : memref<10240x64xf32, #tpu.memory_space<vmem_shared>> -> memref<10240x64xf32, #tpu.memory_space<vmem_shared>>
        tpu.wait_indirect_dma semaphore(%run_scoped3A : memref<!tpu.dma_semaphore, #tpu.memory_space<semaphore_mem>>) src(%arg16 : memref<128x64xf32, #tpu.memory_space<vmem>>) dst(%dma_wait3A_87 : memref<10240x64xf32, #tpu.memory_space<vmem_shared>>)
        tpu.yield
      }) : () -> ()
      %add3A_49 = arith.constant 2 : i32
      %add3A_50 = arith.addi %add3A_38, %add3A_49 : i32
      %lt3A = arith.constant 80 : i32
      %lt3A_51 = arith.cmpi slt, %add3A_50, %lt3A : i32
      %convert_element_type3A = arith.extui %lt3A_51 : i1 to i32
      %cond3A = arith.constant 0 : i32
      %cond3A_52 = arith.cmpi ne, %convert_element_type3A, %cond3A : i32
      scf.if %cond3A_52 {
        %add3A_76 = arith.constant 2 : i32
        %add3A_77 = arith.addi %add3A_38, %add3A_76 : i32
        %dma_start3A_78 = arith.constant 0 : i32
        %dma_start3A_79 = tpu.memref_slice %arg9[%add3A_77, %dma_start3A_78] : memref<80x128xi32, #tpu.memory_space<vmem>> -> memref<1x128xi32, #tpu.memory_space<vmem>>
        %dma_start3A_80 = tpu.memref_squeeze %dma_start3A_79 : memref<1x128xi32, #tpu.memory_space<vmem>> -> memref<128xi32, #tpu.memory_space<vmem>>
        %dma_start3A_81 = arith.constant 0 : i32
        %dma_start3A_82 = arith.constant 0 : i32
        %dma_start3A_83 = tpu.memref_slice %arg6[%dma_start3A_81, %dma_start3A_82] : memref<10240x64xf32, #tpu.memory_space<hbm>> -> memref<10240x64xf32, #tpu.memory_space<hbm>>
        tpu.enqueue_indirect_dma source(%dma_start3A_83 : memref<10240x64xf32, #tpu.memory_space<hbm>>) target(%arg14 : memref<128x64xf32, #tpu.memory_space<vmem>>) offsets(%dma_start3A_80 : memref<128xi32, #tpu.memory_space<vmem>>) semaphore(%arg18 : memref<!tpu.dma_semaphore, #tpu.memory_space<semaphore_mem>>)
      } else {
      }
      %mul3A_53 = arith.constant 2 : i32
      %mul3A_54 = arith.muli %scan3A_34, %mul3A_53 : i32
      %add3A_55 = arith.constant 1 : i32
      %add3A_56 = arith.addi %mul3A_54, %add3A_55 : i32
      %parallel_loop3A_57 = arith.constant 0 : i32
      %parallel_loop3A_58 = arith.constant 8 : i32
      %parallel_loop3A_59 = arith.constant 1 : i32
      scf.for %parallel_loop3A_76 = %parallel_loop3A_57 to %parallel_loop3A_58 step %parallel_loop3A_59  : i32 {
        %parallel_loop3A_77 = arith.constant 16 : i32
        %parallel_loop3A_78 = arith.muli %parallel_loop3A_76, %parallel_loop3A_77 : i32
        %parallel_loop3A_79 = arith.index_cast %add3A_56 : i32 to index
        %parallel_loop3A_80 = arith.index_cast %parallel_loop3A_78 : i32 to index
        %parallel_loop3A_81 = tpu.vector_load %arg10[%parallel_loop3A_79, %parallel_loop3A_80] {strides = array<i32>} : memref<80x128xi32, #tpu.memory_space<vmem>>, vector<16xi32>,
        %parallel_loop3A_82 = tpu.vector_load_idx %arg13[%parallel_loop3A_81] : memref<10240xf32, #tpu.memory_space<vmem>>[vector<16xi32>], vector<16xf32>,
        %parallel_loop3A_83 = arith.index_cast %add3A_56 : i32 to index
        %parallel_loop3A_84 = arith.index_cast %parallel_loop3A_78 : i32 to index
        %parallel_loop3A_85 = tpu.vector_load %arg11[%parallel_loop3A_83, %parallel_loop3A_84] {strides = array<i32>} : memref<80x128xf32, #tpu.memory_space<vmem>>, vector<16xf32>,
        %parallel_loop3A_86 = arith.mulf %parallel_loop3A_85, %parallel_loop3A_82 : vector<16xf32>
        %parallel_loop3A_87 = arith.index_cast %parallel_loop3A_78 : i32 to index
        %parallel_loop3A_88 = tpu.vector_load %arg12[%parallel_loop3A_87] {strides = array<i32>} : memref<128xf32, #tpu.memory_space<vmem>>, vector<16xf32>,
        tpu.vector_store %arg12[%parallel_loop3A_87], %parallel_loop3A_86 {strides = array<i32>} : memref<128xf32, #tpu.memory_space<vmem>>, vector<16xf32>,
      } {sc.loop_unroll_factor = 4 : i64, sc.parallel_access}
      %dma_wait3A_60 = arith.constant 0 : i32
      %dma_wait3A_61 = tpu.memref_slice %arg9[%add3A_56, %dma_wait3A_60] : memref<80x128xi32, #tpu.memory_space<vmem>> -> memref<1x128xi32, #tpu.memory_space<vmem>>
      %dma_wait3A_62 = tpu.memref_squeeze %dma_wait3A_61 : memref<1x128xi32, #tpu.memory_space<vmem>> -> memref<128xi32, #tpu.memory_space<vmem>>
      %dma_wait3A_63 = arith.constant 0 : i32
      %dma_wait3A_64 = arith.constant 0 : i32
      %dma_wait3A_65 = tpu.memref_slice %arg6[%dma_wait3A_63, %dma_wait3A_64] : memref<10240x64xf32, #tpu.memory_space<hbm>> -> memref<10240x64xf32, #tpu.memory_space<hbm>>
      tpu.wait_indirect_dma semaphore(%arg19 : memref<!tpu.dma_semaphore, #tpu.memory_space<semaphore_mem>>) src(%dma_wait3A_65 : memref<10240x64xf32, #tpu.memory_space<hbm>>) dst(%arg15 : memref<128x64xf32, #tpu.memory_space<vmem>>)
      %parallel_loop3A_66 = arith.constant 0 : i32
      %parallel_loop3A_67 = arith.constant 8 : i32
      %parallel_loop3A_68 = arith.constant 1 : i32
      scf.for %parallel_loop3A_76 = %parallel_loop3A_66 to %parallel_loop3A_67 step %parallel_loop3A_68  : i32 {
        %parallel_loop3A_77 = arith.constant 16 : i32
        %parallel_loop3A_78 = arith.muli %parallel_loop3A_76, %parallel_loop3A_77 : i32
        %parallel_loop3A_79 = arith.index_cast %parallel_loop3A_78 : i32 to index
        %parallel_loop3A_80 = tpu.vector_load %arg12[%parallel_loop3A_79] {strides = array<i32>} : memref<128xf32, #tpu.memory_space<vmem>>, vector<16xf32>,
        %parallel_loop3A_81 = arith.constant 0 : i32
        %parallel_loop3A_82 = vector.broadcast %parallel_loop3A_81 : i32 to vector<16xi32>
        %parallel_loop3A_83 = vector.shape_cast %parallel_loop3A_82 : vector<16xi32> to vector<16x1xi32>
        %parallel_loop3A_84 = vector.shape_cast %parallel_loop3A_83 : vector<16x1xi32> to vector<16xi32>
        %parallel_loop3A_85 = tpu.dynamic_gather %parallel_loop3A_80[%parallel_loop3A_84] in [0] : vector<16xf32>, vector<16xi32> -> vector<16xf32>
        %parallel_loop3A_86 = arith.constant 16 : i32
        %parallel_loop3A_87 = arith.muli %parallel_loop3A_76, %parallel_loop3A_86 : i32
        %parallel_loop3A_88 = arith.constant 0 : i32
        %parallel_loop3A_89 = arith.addi %parallel_loop3A_87, %parallel_loop3A_88 : i32
        %parallel_loop3A_90 = arith.index_cast %parallel_loop3A_89 : i32 to index
        %parallel_loop3A_91 = arith.constant 0 : index
        %parallel_loop3A_92 = tpu.vector_load %arg15[%parallel_loop3A_90, %parallel_loop3A_91] {strides = array<i32>} : memref<128x64xf32, #tpu.memory_space<vmem>>, vector<16xf32>,
        %parallel_loop3A_93 = arith.mulf %parallel_loop3A_92, %parallel_loop3A_85 : vector<16xf32>
        %parallel_loop3A_94 = arith.index_cast %parallel_loop3A_89 : i32 to index
        %parallel_loop3A_95 = arith.constant 0 : index
        %parallel_loop3A_96 = tpu.vector_load %arg16[%parallel_loop3A_94, %parallel_loop3A_95] {strides = array<i32>} : memref<128x64xf32, #tpu.memory_space<vmem>>, vector<16xf32>,
        tpu.vector_store %arg16[%parallel_loop3A_94, %parallel_loop3A_95], %parallel_loop3A_93 {strides = array<i32>} : memref<128x64xf32, #tpu.memory_space<vmem>>, vector<16xf32>,
        %parallel_loop3A_97 = arith.index_cast %parallel_loop3A_89 : i32 to index
        %parallel_loop3A_98 = arith.constant 16 : index
        %parallel_loop3A_99 = tpu.vector_load %arg15[%parallel_loop3A_97, %parallel_loop3A_98] {strides = array<i32>} : memref<128x64xf32, #tpu.memory_space<vmem>>, vector<16xf32>,
        %parallel_loop3A_100 = arith.mulf %parallel_loop3A_99, %parallel_loop3A_85 : vector<16xf32>
        %parallel_loop3A_101 = arith.index_cast %parallel_loop3A_89 : i32 to index
        %parallel_loop3A_102 = arith.constant 16 : index
        %parallel_loop3A_103 = tpu.vector_load %arg16[%parallel_loop3A_101, %parallel_loop3A_102] {strides = array<i32>} : memref<128x64xf32, #tpu.memory_space<vmem>>, vector<16xf32>,
        tpu.vector_store %arg16[%parallel_loop3A_101, %parallel_loop3A_102], %parallel_loop3A_100 {strides = array<i32>} : memref<128x64xf32, #tpu.memory_space<vmem>>, vector<16xf32>,
        %parallel_loop3A_104 = arith.index_cast %parallel_loop3A_89 : i32 to index
        %parallel_loop3A_105 = arith.constant 32 : index
        %parallel_loop3A_106 = tpu.vector_load %arg15[%parallel_loop3A_104, %parallel_loop3A_105] {strides = array<i32>} : memref<128x64xf32, #tpu.memory_space<vmem>>, vector<16xf32>,
        %parallel_loop3A_107 = arith.mulf %parallel_loop3A_106, %parallel_loop3A_85 : vector<16xf32>
        %parallel_loop3A_108 = arith.index_cast %parallel_loop3A_89 : i32 to index
        %parallel_loop3A_109 = arith.constant 32 : index
        %parallel_loop3A_110 = tpu.vector_load %arg16[%parallel_loop3A_108, %parallel_loop3A_109] {strides = array<i32>} : memref<128x64xf32, #tpu.memory_space<vmem>>, vector<16xf32>,
        tpu.vector_store %arg16[%parallel_loop3A_108, %parallel_loop3A_109], %parallel_loop3A_107 {strides = array<i32>} : memref<128x64xf32, #tpu.memory_space<vmem>>, vector<16xf32>,
        %parallel_loop3A_111 = arith.index_cast %parallel_loop3A_89 : i32 to index
        %parallel_loop3A_112 = arith.constant 48 : index
        %parallel_loop3A_113 = tpu.vector_load %arg15[%parallel_loop3A_111, %parallel_loop3A_112] {strides = array<i32>} : memref<128x64xf32, #tpu.memory_space<vmem>>, vector<16xf32>,
        %parallel_loop3A_114 = arith.mulf %parallel_loop3A_113, %parallel_loop3A_85 : vector<16xf32>
        %parallel_loop3A_115 = arith.index_cast %parallel_loop3A_89 : i32 to index
        %parallel_loop3A_116 = arith.constant 48 : index
        %parallel_loop3A_117 = tpu.vector_load %arg16[%parallel_loop3A_115, %parallel_loop3A_116] {strides = array<i32>} : memref<128x64xf32, #tpu.memory_space<vmem>>, vector<16xf32>,
        tpu.vector_store %arg16[%parallel_loop3A_115, %parallel_loop3A_116], %parallel_loop3A_114 {strides = array<i32>} : memref<128x64xf32, #tpu.memory_space<vmem>>, vector<16xf32>,
        %parallel_loop3A_118 = arith.constant 1 : i32
        %parallel_loop3A_119 = vector.broadcast %parallel_loop3A_118 : i32 to vector<16xi32>
        %parallel_loop3A_120 = vector.shape_cast %parallel_loop3A_119 : vector<16xi32> to vector<16x1xi32>
        %parallel_loop3A_121 = vector.shape_cast %parallel_loop3A_120 : vector<16x1xi32> to vector<16xi32>
        %parallel_loop3A_122 = tpu.dynamic_gather %parallel_loop3A_80[%parallel_loop3A_121] in [0] : vector<16xf32>, vector<16xi32> -> vector<16xf32>
        %parallel_loop3A_123 = arith.constant 16 : i32
        %parallel_loop3A_124 = arith.muli %parallel_loop3A_76, %parallel_loop3A_123 : i32
        %parallel_loop3A_125 = arith.constant 1 : i32
        %parallel_loop3A_126 = arith.addi %parallel_loop3A_124, %parallel_loop3A_125 : i32
        %parallel_loop3A_127 = arith.index_cast %parallel_loop3A_126 : i32 to index
        %parallel_loop3A_128 = arith.constant 0 : index
        %parallel_loop3A_129 = tpu.vector_load %arg15[%parallel_loop3A_127, %parallel_loop3A_128] {strides = array<i32>} : memref<128x64xf32, #tpu.memory_space<vmem>>, vector<16xf32>,
        %parallel_loop3A_130 = arith.mulf %parallel_loop3A_129, %parallel_loop3A_122 : vector<16xf32>
        %parallel_loop3A_131 = arith.index_cast %parallel_loop3A_126 : i32 to index
        %parallel_loop3A_132 = arith.constant 0 : index
        %parallel_loop3A_133 = tpu.vector_load %arg16[%parallel_loop3A_131, %parallel_loop3A_132] {strides = array<i32>} : memref<128x64xf32, #tpu.memory_space<vmem>>, vector<16xf32>,
        tpu.vector_store %arg16[%parallel_loop3A_131, %parallel_loop3A_132], %parallel_loop3A_130 {strides = array<i32>} : memref<128x64xf32, #tpu.memory_space<vmem>>, vector<16xf32>,
        %parallel_loop3A_134 = arith.index_cast %parallel_loop3A_126 : i32 to index
        %parallel_loop3A_135 = arith.constant 16 : index
        %parallel_loop3A_136 = tpu.vector_load %arg15[%parallel_loop3A_134, %parallel_loop3A_135] {strides = array<i32>} : memref<128x64xf32, #tpu.memory_space<vmem>>, vector<16xf32>,
        %parallel_loop3A_137 = arith.mulf %parallel_loop3A_136, %parallel_loop3A_122 : vector<16xf32>
        %parallel_loop3A_138 = arith.index_cast %parallel_loop3A_126 : i32 to index
        %parallel_loop3A_139 = arith.constant 16 : index
        %parallel_loop3A_140 = tpu.vector_load %arg16[%parallel_loop3A_138, %parallel_loop3A_139] {strides = array<i32>} : memref<128x64xf32, #tpu.memory_space<vmem>>, vector<16xf32>,
        tpu.vector_store %arg16[%parallel_loop3A_138, %parallel_loop3A_139], %parallel_loop3A_137 {strides = array<i32>} : memref<128x64xf32, #tpu.memory_space<vmem>>, vector<16xf32>,
        %parallel_loop3A_141 = arith.index_cast %parallel_loop3A_126 : i32 to index
        %parallel_loop3A_142 = arith.constant 32 : index
        %parallel_loop3A_143 = tpu.vector_load %arg15[%parallel_loop3A_141, %parallel_loop3A_142] {strides = array<i32>} : memref<128x64xf32, #tpu.memory_space<vmem>>, vector<16xf32>,
        %parallel_loop3A_144 = arith.mulf %parallel_loop3A_143, %parallel_loop3A_122 : vector<16xf32>
        %parallel_loop3A_145 = arith.index_cast %parallel_loop3A_126 : i32 to index
        %parallel_loop3A_146 = arith.constant 32 : index
        %parallel_loop3A_147 = tpu.vector_load %arg16[%parallel_loop3A_145, %parallel_loop3A_146] {strides = array<i32>} : memref<128x64xf32, #tpu.memory_space<vmem>>, vector<16xf32>,
        tpu.vector_store %arg16[%parallel_loop3A_145, %parallel_loop3A_146], %parallel_loop3A_144 {strides = array<i32>} : memref<128x64xf32, #tpu.memory_space<vmem>>, vector<16xf32>,
        %parallel_loop3A_148 = arith.index_cast %parallel_loop3A_126 : i32 to index
        %parallel_loop3A_149 = arith.constant 48 : index
        %parallel_loop3A_150 = tpu.vector_load %arg15[%parallel_loop3A_148, %parallel_loop3A_149] {strides = array<i32>} : memref<128x64xf32, #tpu.memory_space<vmem>>, vector<16xf32>,
        %parallel_loop3A_151 = arith.mulf %parallel_loop3A_150, %parallel_loop3A_122 : vector<16xf32>
        %parallel_loop3A_152 = arith.index_cast %parallel_loop3A_126 : i32 to index
        %parallel_loop3A_153 = arith.constant 48 : index
        %parallel_loop3A_154 = tpu.vector_load %arg16[%parallel_loop3A_152, %parallel_loop3A_153] {strides = array<i32>} : memref<128x64xf32, #tpu.memory_space<vmem>>, vector<16xf32>,
        tpu.vector_store %arg16[%parallel_loop3A_152, %parallel_loop3A_153], %parallel_loop3A_151 {strides = array<i32>} : memref<128x64xf32, #tpu.memory_space<vmem>>, vector<16xf32>,
        %parallel_loop3A_155 = arith.constant 2 : i32
        %parallel_loop3A_156 = vector.broadcast %parallel_loop3A_155 : i32 to vector<16xi32>
        %parallel_loop3A_157 = vector.shape_cast %parallel_loop3A_156 : vector<16xi32> to vector<16x1xi32>
        %parallel_loop3A_158 = vector.shape_cast %parallel_loop3A_157 : vector<16x1xi32> to vector<16xi32>
        %parallel_loop3A_159 = tpu.dynamic_gather %parallel_loop3A_80[%parallel_loop3A_158] in [0] : vector<16xf32>, vector<16xi32> -> vector<16xf32>
        %parallel_loop3A_160 = arith.constant 16 : i32
        %parallel_loop3A_161 = arith.muli %parallel_loop3A_76, %parallel_loop3A_160 : i32
        %parallel_loop3A_162 = arith.constant 2 : i32
        %parallel_loop3A_163 = arith.addi %parallel_loop3A_161, %parallel_loop3A_162 : i32
        %parallel_loop3A_164 = arith.index_cast %parallel_loop3A_163 : i32 to index
        %parallel_loop3A_165 = arith.constant 0 : index
        %parallel_loop3A_166 = tpu.vector_load %arg15[%parallel_loop3A_164, %parallel_loop3A_165] {strides = array<i32>} : memref<128x64xf32, #tpu.memory_space<vmem>>, vector<16xf32>,
        %parallel_loop3A_167 = arith.mulf %parallel_loop3A_166, %parallel_loop3A_159 : vector<16xf32>
        %parallel_loop3A_168 = arith.index_cast %parallel_loop3A_163 : i32 to index
        %parallel_loop3A_169 = arith.constant 0 : index
        %parallel_loop3A_170 = tpu.vector_load %arg16[%parallel_loop3A_168, %parallel_loop3A_169] {strides = array<i32>} : memref<128x64xf32, #tpu.memory_space<vmem>>, vector<16xf32>,
        tpu.vector_store %arg16[%parallel_loop3A_168, %parallel_loop3A_169], %parallel_loop3A_167 {strides = array<i32>} : memref<128x64xf32, #tpu.memory_space<vmem>>, vector<16xf32>,
        %parallel_loop3A_171 = arith.index_cast %parallel_loop3A_163 : i32 to index
        %parallel_loop3A_172 = arith.constant 16 : index
        %parallel_loop3A_173 = tpu.vector_load %arg15[%parallel_loop3A_171, %parallel_loop3A_172] {strides = array<i32>} : memref<128x64xf32, #tpu.memory_space<vmem>>, vector<16xf32>,
        %parallel_loop3A_174 = arith.mulf %parallel_loop3A_173, %parallel_loop3A_159 : vector<16xf32>
        %parallel_loop3A_175 = arith.index_cast %parallel_loop3A_163 : i32 to index
        %parallel_loop3A_176 = arith.constant 16 : index
        %parallel_loop3A_177 = tpu.vector_load %arg16[%parallel_loop3A_175, %parallel_loop3A_176] {strides = array<i32>} : memref<128x64xf32, #tpu.memory_space<vmem>>, vector<16xf32>,
        tpu.vector_store %arg16[%parallel_loop3A_175, %parallel_loop3A_176], %parallel_loop3A_174 {strides = array<i32>} : memref<128x64xf32, #tpu.memory_space<vmem>>, vector<16xf32>,
        %parallel_loop3A_178 = arith.index_cast %parallel_loop3A_163 : i32 to index
        %parallel_loop3A_179 = arith.constant 32 : index
        %parallel_loop3A_180 = tpu.vector_load %arg15[%parallel_loop3A_178, %parallel_loop3A_179] {strides = array<i32>} : memref<128x64xf32, #tpu.memory_space<vmem>>, vector<16xf32>,
        %parallel_loop3A_181 = arith.mulf %parallel_loop3A_180, %parallel_loop3A_159 : vector<16xf32>
        %parallel_loop3A_182 = arith.index_cast %parallel_loop3A_163 : i32 to index
        %parallel_loop3A_183 = arith.constant 32 : index
        %parallel_loop3A_184 = tpu.vector_load %arg16[%parallel_loop3A_182, %parallel_loop3A_183] {strides = array<i32>} : memref<128x64xf32, #tpu.memory_space<vmem>>, vector<16xf32>,
        tpu.vector_store %arg16[%parallel_loop3A_182, %parallel_loop3A_183], %parallel_loop3A_181 {strides = array<i32>} : memref<128x64xf32, #tpu.memory_space<vmem>>, vector<16xf32>,
        %parallel_loop3A_185 = arith.index_cast %parallel_loop3A_163 : i32 to index
        %parallel_loop3A_186 = arith.constant 48 : index
        %parallel_loop3A_187 = tpu.vector_load %arg15[%parallel_loop3A_185, %parallel_loop3A_186] {strides = array<i32>} : memref<128x64xf32, #tpu.memory_space<vmem>>, vector<16xf32>,
        %parallel_loop3A_188 = arith.mulf %parallel_loop3A_187, %parallel_loop3A_159 : vector<16xf32>
        %parallel_loop3A_189 = arith.index_cast %parallel_loop3A_163 : i32 to index
        %parallel_loop3A_190 = arith.constant 48 : index
        %parallel_loop3A_191 = tpu.vector_load %arg16[%parallel_loop3A_189, %parallel_loop3A_190] {strides = array<i32>} : memref<128x64xf32, #tpu.memory_space<vmem>>, vector<16xf32>,
        tpu.vector_store %arg16[%parallel_loop3A_189, %parallel_loop3A_190], %parallel_loop3A_188 {strides = array<i32>} : memref<128x64xf32, #tpu.memory_space<vmem>>, vector<16xf32>,
        %parallel_loop3A_192 = arith.constant 3 : i32
        %parallel_loop3A_193 = vector.broadcast %parallel_loop3A_192 : i32 to vector<16xi32>
        %parallel_loop3A_194 = vector.shape_cast %parallel_loop3A_193 : vector<16xi32> to vector<16x1xi32>
        %parallel_loop3A_195 = vector.shape_cast %parallel_loop3A_194 : vector<16x1xi32> to vector<16xi32>
        %parallel_loop3A_196 = tpu.dynamic_gather %parallel_loop3A_80[%parallel_loop3A_195] in [0] : vector<16xf32>, vector<16xi32> -> vector<16xf32>
        %parallel_loop3A_197 = arith.constant 16 : i32
        %parallel_loop3A_198 = arith.muli %parallel_loop3A_76, %parallel_loop3A_197 : i32
        %parallel_loop3A_199 = arith.constant 3 : i32
        %parallel_loop3A_200 = arith.addi %parallel_loop3A_198, %parallel_loop3A_199 : i32
        %parallel_loop3A_201 = arith.index_cast %parallel_loop3A_200 : i32 to index
        %parallel_loop3A_202 = arith.constant 0 : index
        %parallel_loop3A_203 = tpu.vector_load %arg15[%parallel_loop3A_201, %parallel_loop3A_202] {strides = array<i32>} : memref<128x64xf32, #tpu.memory_space<vmem>>, vector<16xf32>,
        %parallel_loop3A_204 = arith.mulf %parallel_loop3A_203, %parallel_loop3A_196 : vector<16xf32>
        %parallel_loop3A_205 = arith.index_cast %parallel_loop3A_200 : i32 to index
        %parallel_loop3A_206 = arith.constant 0 : index
        %parallel_loop3A_207 = tpu.vector_load %arg16[%parallel_loop3A_205, %parallel_loop3A_206] {strides = array<i32>} : memref<128x64xf32, #tpu.memory_space<vmem>>, vector<16xf32>,
        tpu.vector_store %arg16[%parallel_loop3A_205, %parallel_loop3A_206], %parallel_loop3A_204 {strides = array<i32>} : memref<128x64xf32, #tpu.memory_space<vmem>>, vector<16xf32>,
        %parallel_loop3A_208 = arith.index_cast %parallel_loop3A_200 : i32 to index
        %parallel_loop3A_209 = arith.constant 16 : index
        %parallel_loop3A_210 = tpu.vector_load %arg15[%parallel_loop3A_208, %parallel_loop3A_209] {strides = array<i32>} : memref<128x64xf32, #tpu.memory_space<vmem>>, vector<16xf32>,
        %parallel_loop3A_211 = arith.mulf %parallel_loop3A_210, %parallel_loop3A_196 : vector<16xf32>
        %parallel_loop3A_212 = arith.index_cast %parallel_loop3A_200 : i32 to index
        %parallel_loop3A_213 = arith.constant 16 : index
        %parallel_loop3A_214 = tpu.vector_load %arg16[%parallel_loop3A_212, %parallel_loop3A_213] {strides = array<i32>} : memref<128x64xf32, #tpu.memory_space<vmem>>, vector<16xf32>,
        tpu.vector_store %arg16[%parallel_loop3A_212, %parallel_loop3A_213], %parallel_loop3A_211 {strides = array<i32>} : memref<128x64xf32, #tpu.memory_space<vmem>>, vector<16xf32>,
        %parallel_loop3A_215 = arith.index_cast %parallel_loop3A_200 : i32 to index
        %parallel_loop3A_216 = arith.constant 32 : index
        %parallel_loop3A_217 = tpu.vector_load %arg15[%parallel_loop3A_215, %parallel_loop3A_216] {strides = array<i32>} : memref<128x64xf32, #tpu.memory_space<vmem>>, vector<16xf32>,
        %parallel_loop3A_218 = arith.mulf %parallel_loop3A_217, %parallel_loop3A_196 : vector<16xf32>
        %parallel_loop3A_219 = arith.index_cast %parallel_loop3A_200 : i32 to index
        %parallel_loop3A_220 = arith.constant 32 : index
        %parallel_loop3A_221 = tpu.vector_load %arg16[%parallel_loop3A_219, %parallel_loop3A_220] {strides = array<i32>} : memref<128x64xf32, #tpu.memory_space<vmem>>, vector<16xf32>,
        tpu.vector_store %arg16[%parallel_loop3A_219, %parallel_loop3A_220], %parallel_loop3A_218 {strides = array<i32>} : memref<128x64xf32, #tpu.memory_space<vmem>>, vector<16xf32>,
        %parallel_loop3A_222 = arith.index_cast %parallel_loop3A_200 : i32 to index
        %parallel_loop3A_223 = arith.constant 48 : index
        %parallel_loop3A_224 = tpu.vector_load %arg15[%parallel_loop3A_222, %parallel_loop3A_223] {strides = array<i32>} : memref<128x64xf32, #tpu.memory_space<vmem>>, vector<16xf32>,
        %parallel_loop3A_225 = arith.mulf %parallel_loop3A_224, %parallel_loop3A_196 : vector<16xf32>
        %parallel_loop3A_226 = arith.index_cast %parallel_loop3A_200 : i32 to index
        %parallel_loop3A_227 = arith.constant 48 : index
        %parallel_loop3A_228 = tpu.vector_load %arg16[%parallel_loop3A_226, %parallel_loop3A_227] {strides = array<i32>} : memref<128x64xf32, #tpu.memory_space<vmem>>, vector<16xf32>,
        tpu.vector_store %arg16[%parallel_loop3A_226, %parallel_loop3A_227], %parallel_loop3A_225 {strides = array<i32>} : memref<128x64xf32, #tpu.memory_space<vmem>>, vector<16xf32>,
        %parallel_loop3A_229 = arith.constant 4 : i32
        %parallel_loop3A_230 = vector.broadcast %parallel_loop3A_229 : i32 to vector<16xi32>
        %parallel_loop3A_231 = vector.shape_cast %parallel_loop3A_230 : vector<16xi32> to vector<16x1xi32>
        %parallel_loop3A_232 = vector.shape_cast %parallel_loop3A_231 : vector<16x1xi32> to vector<16xi32>
        %parallel_loop3A_233 = tpu.dynamic_gather %parallel_loop3A_80[%parallel_loop3A_232] in [0] : vector<16xf32>, vector<16xi32> -> vector<16xf32>
        %parallel_loop3A_234 = arith.constant 16 : i32
        %parallel_loop3A_235 = arith.muli %parallel_loop3A_76, %parallel_loop3A_234 : i32
        %parallel_loop3A_236 = arith.constant 4 : i32
        %parallel_loop3A_237 = arith.addi %parallel_loop3A_235, %parallel_loop3A_236 : i32
        %parallel_loop3A_238 = arith.index_cast %parallel_loop3A_237 : i32 to index
        %parallel_loop3A_239 = arith.constant 0 : index
        %parallel_loop3A_240 = tpu.vector_load %arg15[%parallel_loop3A_238, %parallel_loop3A_239] {strides = array<i32>} : memref<128x64xf32, #tpu.memory_space<vmem>>, vector<16xf32>,
        %parallel_loop3A_241 = arith.mulf %parallel_loop3A_240, %parallel_loop3A_233 : vector<16xf32>
        %parallel_loop3A_242 = arith.index_cast %parallel_loop3A_237 : i32 to index
        %parallel_loop3A_243 = arith.constant 0 : index
        %parallel_loop3A_244 = tpu.vector_load %arg16[%parallel_loop3A_242, %parallel_loop3A_243] {strides = array<i32>} : memref<128x64xf32, #tpu.memory_space<vmem>>, vector<16xf32>,
        tpu.vector_store %arg16[%parallel_loop3A_242, %parallel_loop3A_243], %parallel_loop3A_241 {strides = array<i32>} : memref<128x64xf32, #tpu.memory_space<vmem>>, vector<16xf32>,
        %parallel_loop3A_245 = arith.index_cast %parallel_loop3A_237 : i32 to index
        %parallel_loop3A_246 = arith.constant 16 : index
        %parallel_loop3A_247 = tpu.vector_load %arg15[%parallel_loop3A_245, %parallel_loop3A_246] {strides = array<i32>} : memref<128x64xf32, #tpu.memory_space<vmem>>, vector<16xf32>,
        %parallel_loop3A_248 = arith.mulf %parallel_loop3A_247, %parallel_loop3A_233 : vector<16xf32>
        %parallel_loop3A_249 = arith.index_cast %parallel_loop3A_237 : i32 to index
        %parallel_loop3A_250 = arith.constant 16 : index
        %parallel_loop3A_251 = tpu.vector_load %arg16[%parallel_loop3A_249, %parallel_loop3A_250] {strides = array<i32>} : memref<128x64xf32, #tpu.memory_space<vmem>>, vector<16xf32>,
        tpu.vector_store %arg16[%parallel_loop3A_249, %parallel_loop3A_250], %parallel_loop3A_248 {strides = array<i32>} : memref<128x64xf32, #tpu.memory_space<vmem>>, vector<16xf32>,
        %parallel_loop3A_252 = arith.index_cast %parallel_loop3A_237 : i32 to index
        %parallel_loop3A_253 = arith.constant 32 : index
        %parallel_loop3A_254 = tpu.vector_load %arg15[%parallel_loop3A_252, %parallel_loop3A_253] {strides = array<i32>} : memref<128x64xf32, #tpu.memory_space<vmem>>, vector<16xf32>,
        %parallel_loop3A_255 = arith.mulf %parallel_loop3A_254, %parallel_loop3A_233 : vector<16xf32>
        %parallel_loop3A_256 = arith.index_cast %parallel_loop3A_237 : i32 to index
        %parallel_loop3A_257 = arith.constant 32 : index
        %parallel_loop3A_258 = tpu.vector_load %arg16[%parallel_loop3A_256, %parallel_loop3A_257] {strides = array<i32>} : memref<128x64xf32, #tpu.memory_space<vmem>>, vector<16xf32>,
        tpu.vector_store %arg16[%parallel_loop3A_256, %parallel_loop3A_257], %parallel_loop3A_255 {strides = array<i32>} : memref<128x64xf32, #tpu.memory_space<vmem>>, vector<16xf32>,
        %parallel_loop3A_259 = arith.index_cast %parallel_loop3A_237 : i32 to index
        %parallel_loop3A_260 = arith.constant 48 : index
        %parallel_loop3A_261 = tpu.vector_load %arg15[%parallel_loop3A_259, %parallel_loop3A_260] {strides = array<i32>} : memref<128x64xf32, #tpu.memory_space<vmem>>, vector<16xf32>,
        %parallel_loop3A_262 = arith.mulf %parallel_loop3A_261, %parallel_loop3A_233 : vector<16xf32>
        %parallel_loop3A_263 = arith.index_cast %parallel_loop3A_237 : i32 to index
        %parallel_loop3A_264 = arith.constant 48 : index
        %parallel_loop3A_265 = tpu.vector_load %arg16[%parallel_loop3A_263, %parallel_loop3A_264] {strides = array<i32>} : memref<128x64xf32, #tpu.memory_space<vmem>>, vector<16xf32>,
        tpu.vector_store %arg16[%parallel_loop3A_263, %parallel_loop3A_264], %parallel_loop3A_262 {strides = array<i32>} : memref<128x64xf32, #tpu.memory_space<vmem>>, vector<16xf32>,
        %parallel_loop3A_266 = arith.constant 5 : i32
        %parallel_loop3A_267 = vector.broadcast %parallel_loop3A_266 : i32 to vector<16xi32>
        %parallel_loop3A_268 = vector.shape_cast %parallel_loop3A_267 : vector<16xi32> to vector<16x1xi32>
        %parallel_loop3A_269 = vector.shape_cast %parallel_loop3A_268 : vector<16x1xi32> to vector<16xi32>
        %parallel_loop3A_270 = tpu.dynamic_gather %parallel_loop3A_80[%parallel_loop3A_269] in [0] : vector<16xf32>, vector<16xi32> -> vector<16xf32>
        %parallel_loop3A_271 = arith.constant 16 : i32
        %parallel_loop3A_272 = arith.muli %parallel_loop3A_76, %parallel_loop3A_271 : i32
        %parallel_loop3A_273 = arith.constant 5 : i32
        %parallel_loop3A_274 = arith.addi %parallel_loop3A_272, %parallel_loop3A_273 : i32
        %parallel_loop3A_275 = arith.index_cast %parallel_loop3A_274 : i32 to index
        %parallel_loop3A_276 = arith.constant 0 : index
        %parallel_loop3A_277 = tpu.vector_load %arg15[%parallel_loop3A_275, %parallel_loop3A_276] {strides = array<i32>} : memref<128x64xf32, #tpu.memory_space<vmem>>, vector<16xf32>,
        %parallel_loop3A_278 = arith.mulf %parallel_loop3A_277, %parallel_loop3A_270 : vector<16xf32>
        %parallel_loop3A_279 = arith.index_cast %parallel_loop3A_274 : i32 to index
        %parallel_loop3A_280 = arith.constant 0 : index
        %parallel_loop3A_281 = tpu.vector_load %arg16[%parallel_loop3A_279, %parallel_loop3A_280] {strides = array<i32>} : memref<128x64xf32, #tpu.memory_space<vmem>>, vector<16xf32>,
        tpu.vector_store %arg16[%parallel_loop3A_279, %parallel_loop3A_280], %parallel_loop3A_278 {strides = array<i32>} : memref<128x64xf32, #tpu.memory_space<vmem>>, vector<16xf32>,
        %parallel_loop3A_282 = arith.index_cast %parallel_loop3A_274 : i32 to index
        %parallel_loop3A_283 = arith.constant 16 : index
        %parallel_loop3A_284 = tpu.vector_load %arg15[%parallel_loop3A_282, %parallel_loop3A_283] {strides = array<i32>} : memref<128x64xf32, #tpu.memory_space<vmem>>, vector<16xf32>,
        %parallel_loop3A_285 = arith.mulf %parallel_loop3A_284, %parallel_loop3A_270 : vector<16xf32>
        %parallel_loop3A_286 = arith.index_cast %parallel_loop3A_274 : i32 to index
        %parallel_loop3A_287 = arith.constant 16 : index
        %parallel_loop3A_288 = tpu.vector_load %arg16[%parallel_loop3A_286, %parallel_loop3A_287] {strides = array<i32>} : memref<128x64xf32, #tpu.memory_space<vmem>>, vector<16xf32>,
        tpu.vector_store %arg16[%parallel_loop3A_286, %parallel_loop3A_287], %parallel_loop3A_285 {strides = array<i32>} : memref<128x64xf32, #tpu.memory_space<vmem>>, vector<16xf32>,
        %parallel_loop3A_289 = arith.index_cast %parallel_loop3A_274 : i32 to index
        %parallel_loop3A_290 = arith.constant 32 : index
        %parallel_loop3A_291 = tpu.vector_load %arg15[%parallel_loop3A_289, %parallel_loop3A_290] {strides = array<i32>} : memref<128x64xf32, #tpu.memory_space<vmem>>, vector<16xf32>,
        %parallel_loop3A_292 = arith.mulf %parallel_loop3A_291, %parallel_loop3A_270 : vector<16xf32>
        %parallel_loop3A_293 = arith.index_cast %parallel_loop3A_274 : i32 to index
        %parallel_loop3A_294 = arith.constant 32 : index
        %parallel_loop3A_295 = tpu.vector_load %arg16[%parallel_loop3A_293, %parallel_loop3A_294] {strides = array<i32>} : memref<128x64xf32, #tpu.memory_space<vmem>>, vector<16xf32>,
        tpu.vector_store %arg16[%parallel_loop3A_293, %parallel_loop3A_294], %parallel_loop3A_292 {strides = array<i32>} : memref<128x64xf32, #tpu.memory_space<vmem>>, vector<16xf32>,
        %parallel_loop3A_296 = arith.index_cast %parallel_loop3A_274 : i32 to index
        %parallel_loop3A_297 = arith.constant 48 : index
        %parallel_loop3A_298 = tpu.vector_load %arg15[%parallel_loop3A_296, %parallel_loop3A_297] {strides = array<i32>} : memref<128x64xf32, #tpu.memory_space<vmem>>, vector<16xf32>,
        %parallel_loop3A_299 = arith.mulf %parallel_loop3A_298, %parallel_loop3A_270 : vector<16xf32>
        %parallel_loop3A_300 = arith.index_cast %parallel_loop3A_274 : i32 to index
        %parallel_loop3A_301 = arith.constant 48 : index
        %parallel_loop3A_302 = tpu.vector_load %arg16[%parallel_loop3A_300, %parallel_loop3A_301] {strides = array<i32>} : memref<128x64xf32, #tpu.memory_space<vmem>>, vector<16xf32>,
        tpu.vector_store %arg16[%parallel_loop3A_300, %parallel_loop3A_301], %parallel_loop3A_299 {strides = array<i32>} : memref<128x64xf32, #tpu.memory_space<vmem>>, vector<16xf32>,
        %parallel_loop3A_303 = arith.constant 6 : i32
        %parallel_loop3A_304 = vector.broadcast %parallel_loop3A_303 : i32 to vector<16xi32>
        %parallel_loop3A_305 = vector.shape_cast %parallel_loop3A_304 : vector<16xi32> to vector<16x1xi32>
        %parallel_loop3A_306 = vector.shape_cast %parallel_loop3A_305 : vector<16x1xi32> to vector<16xi32>
        %parallel_loop3A_307 = tpu.dynamic_gather %parallel_loop3A_80[%parallel_loop3A_306] in [0] : vector<16xf32>, vector<16xi32> -> vector<16xf32>
        %parallel_loop3A_308 = arith.constant 16 : i32
        %parallel_loop3A_309 = arith.muli %parallel_loop3A_76, %parallel_loop3A_308 : i32
        %parallel_loop3A_310 = arith.constant 6 : i32
        %parallel_loop3A_311 = arith.addi %parallel_loop3A_309, %parallel_loop3A_310 : i32
        %parallel_loop3A_312 = arith.index_cast %parallel_loop3A_311 : i32 to index
        %parallel_loop3A_313 = arith.constant 0 : index
        %parallel_loop3A_314 = tpu.vector_load %arg15[%parallel_loop3A_312, %parallel_loop3A_313] {strides = array<i32>} : memref<128x64xf32, #tpu.memory_space<vmem>>, vector<16xf32>,
        %parallel_loop3A_315 = arith.mulf %parallel_loop3A_314, %parallel_loop3A_307 : vector<16xf32>
        %parallel_loop3A_316 = arith.index_cast %parallel_loop3A_311 : i32 to index
        %parallel_loop3A_317 = arith.constant 0 : index
        %parallel_loop3A_318 = tpu.vector_load %arg16[%parallel_loop3A_316, %parallel_loop3A_317] {strides = array<i32>} : memref<128x64xf32, #tpu.memory_space<vmem>>, vector<16xf32>,
        tpu.vector_store %arg16[%parallel_loop3A_316, %parallel_loop3A_317], %parallel_loop3A_315 {strides = array<i32>} : memref<128x64xf32, #tpu.memory_space<vmem>>, vector<16xf32>,
        %parallel_loop3A_319 = arith.index_cast %parallel_loop3A_311 : i32 to index
        %parallel_loop3A_320 = arith.constant 16 : index
        %parallel_loop3A_321 = tpu.vector_load %arg15[%parallel_loop3A_319, %parallel_loop3A_320] {strides = array<i32>} : memref<128x64xf32, #tpu.memory_space<vmem>>, vector<16xf32>,
        %parallel_loop3A_322 = arith.mulf %parallel_loop3A_321, %parallel_loop3A_307 : vector<16xf32>
        %parallel_loop3A_323 = arith.index_cast %parallel_loop3A_311 : i32 to index
        %parallel_loop3A_324 = arith.constant 16 : index
        %parallel_loop3A_325 = tpu.vector_load %arg16[%parallel_loop3A_323, %parallel_loop3A_324] {strides = array<i32>} : memref<128x64xf32, #tpu.memory_space<vmem>>, vector<16xf32>,
        tpu.vector_store %arg16[%parallel_loop3A_323, %parallel_loop3A_324], %parallel_loop3A_322 {strides = array<i32>} : memref<128x64xf32, #tpu.memory_space<vmem>>, vector<16xf32>,
        %parallel_loop3A_326 = arith.index_cast %parallel_loop3A_311 : i32 to index
        %parallel_loop3A_327 = arith.constant 32 : index
        %parallel_loop3A_328 = tpu.vector_load %arg15[%parallel_loop3A_326, %parallel_loop3A_327] {strides = array<i32>} : memref<128x64xf32, #tpu.memory_space<vmem>>, vector<16xf32>,
        %parallel_loop3A_329 = arith.mulf %parallel_loop3A_328, %parallel_loop3A_307 : vector<16xf32>
        %parallel_loop3A_330 = arith.index_cast %parallel_loop3A_311 : i32 to index
        %parallel_loop3A_331 = arith.constant 32 : index
        %parallel_loop3A_332 = tpu.vector_load %arg16[%parallel_loop3A_330, %parallel_loop3A_331] {strides = array<i32>} : memref<128x64xf32, #tpu.memory_space<vmem>>, vector<16xf32>,
        tpu.vector_store %arg16[%parallel_loop3A_330, %parallel_loop3A_331], %parallel_loop3A_329 {strides = array<i32>} : memref<128x64xf32, #tpu.memory_space<vmem>>, vector<16xf32>,
        %parallel_loop3A_333 = arith.index_cast %parallel_loop3A_311 : i32 to index
        %parallel_loop3A_334 = arith.constant 48 : index
        %parallel_loop3A_335 = tpu.vector_load %arg15[%parallel_loop3A_333, %parallel_loop3A_334] {strides = array<i32>} : memref<128x64xf32, #tpu.memory_space<vmem>>, vector<16xf32>,
        %parallel_loop3A_336 = arith.mulf %parallel_loop3A_335, %parallel_loop3A_307 : vector<16xf32>
        %parallel_loop3A_337 = arith.index_cast %parallel_loop3A_311 : i32 to index
        %parallel_loop3A_338 = arith.constant 48 : index
        %parallel_loop3A_339 = tpu.vector_load %arg16[%parallel_loop3A_337, %parallel_loop3A_338] {strides = array<i32>} : memref<128x64xf32, #tpu.memory_space<vmem>>, vector<16xf32>,
        tpu.vector_store %arg16[%parallel_loop3A_337, %parallel_loop3A_338], %parallel_loop3A_336 {strides = array<i32>} : memref<128x64xf32, #tpu.memory_space<vmem>>, vector<16xf32>,
        %parallel_loop3A_340 = arith.constant 7 : i32
        %parallel_loop3A_341 = vector.broadcast %parallel_loop3A_340 : i32 to vector<16xi32>
        %parallel_loop3A_342 = vector.shape_cast %parallel_loop3A_341 : vector<16xi32> to vector<16x1xi32>
        %parallel_loop3A_343 = vector.shape_cast %parallel_loop3A_342 : vector<16x1xi32> to vector<16xi32>
        %parallel_loop3A_344 = tpu.dynamic_gather %parallel_loop3A_80[%parallel_loop3A_343] in [0] : vector<16xf32>, vector<16xi32> -> vector<16xf32>
        %parallel_loop3A_345 = arith.constant 16 : i32
        %parallel_loop3A_346 = arith.muli %parallel_loop3A_76, %parallel_loop3A_345 : i32
        %parallel_loop3A_347 = arith.constant 7 : i32
        %parallel_loop3A_348 = arith.addi %parallel_loop3A_346, %parallel_loop3A_347 : i32
        %parallel_loop3A_349 = arith.index_cast %parallel_loop3A_348 : i32 to index
        %parallel_loop3A_350 = arith.constant 0 : index
        %parallel_loop3A_351 = tpu.vector_load %arg15[%parallel_loop3A_349, %parallel_loop3A_350] {strides = array<i32>} : memref<128x64xf32, #tpu.memory_space<vmem>>, vector<16xf32>,
        %parallel_loop3A_352 = arith.mulf %parallel_loop3A_351, %parallel_loop3A_344 : vector<16xf32>
        %parallel_loop3A_353 = arith.index_cast %parallel_loop3A_348 : i32 to index
        %parallel_loop3A_354 = arith.constant 0 : index
        %parallel_loop3A_355 = tpu.vector_load %arg16[%parallel_loop3A_353, %parallel_loop3A_354] {strides = array<i32>} : memref<128x64xf32, #tpu.memory_space<vmem>>, vector<16xf32>,
        tpu.vector_store %arg16[%parallel_loop3A_353, %parallel_loop3A_354], %parallel_loop3A_352 {strides = array<i32>} : memref<128x64xf32, #tpu.memory_space<vmem>>, vector<16xf32>,
        %parallel_loop3A_356 = arith.index_cast %parallel_loop3A_348 : i32 to index
        %parallel_loop3A_357 = arith.constant 16 : index
        %parallel_loop3A_358 = tpu.vector_load %arg15[%parallel_loop3A_356, %parallel_loop3A_357] {strides = array<i32>} : memref<128x64xf32, #tpu.memory_space<vmem>>, vector<16xf32>,
        %parallel_loop3A_359 = arith.mulf %parallel_loop3A_358, %parallel_loop3A_344 : vector<16xf32>
        %parallel_loop3A_360 = arith.index_cast %parallel_loop3A_348 : i32 to index
        %parallel_loop3A_361 = arith.constant 16 : index
        %parallel_loop3A_362 = tpu.vector_load %arg16[%parallel_loop3A_360, %parallel_loop3A_361] {strides = array<i32>} : memref<128x64xf32, #tpu.memory_space<vmem>>, vector<16xf32>,
        tpu.vector_store %arg16[%parallel_loop3A_360, %parallel_loop3A_361], %parallel_loop3A_359 {strides = array<i32>} : memref<128x64xf32, #tpu.memory_space<vmem>>, vector<16xf32>,
        %parallel_loop3A_363 = arith.index_cast %parallel_loop3A_348 : i32 to index
        %parallel_loop3A_364 = arith.constant 32 : index
        %parallel_loop3A_365 = tpu.vector_load %arg15[%parallel_loop3A_363, %parallel_loop3A_364] {strides = array<i32>} : memref<128x64xf32, #tpu.memory_space<vmem>>, vector<16xf32>,
        %parallel_loop3A_366 = arith.mulf %parallel_loop3A_365, %parallel_loop3A_344 : vector<16xf32>
        %parallel_loop3A_367 = arith.index_cast %parallel_loop3A_348 : i32 to index
        %parallel_loop3A_368 = arith.constant 32 : index
        %parallel_loop3A_369 = tpu.vector_load %arg16[%parallel_loop3A_367, %parallel_loop3A_368] {strides = array<i32>} : memref<128x64xf32, #tpu.memory_space<vmem>>, vector<16xf32>,
        tpu.vector_store %arg16[%parallel_loop3A_367, %parallel_loop3A_368], %parallel_loop3A_366 {strides = array<i32>} : memref<128x64xf32, #tpu.memory_space<vmem>>, vector<16xf32>,
        %parallel_loop3A_370 = arith.index_cast %parallel_loop3A_348 : i32 to index
        %parallel_loop3A_371 = arith.constant 48 : index
        %parallel_loop3A_372 = tpu.vector_load %arg15[%parallel_loop3A_370, %parallel_loop3A_371] {strides = array<i32>} : memref<128x64xf32, #tpu.memory_space<vmem>>, vector<16xf32>,
        %parallel_loop3A_373 = arith.mulf %parallel_loop3A_372, %parallel_loop3A_344 : vector<16xf32>
        %parallel_loop3A_374 = arith.index_cast %parallel_loop3A_348 : i32 to index
        %parallel_loop3A_375 = arith.constant 48 : index
        %parallel_loop3A_376 = tpu.vector_load %arg16[%parallel_loop3A_374, %parallel_loop3A_375] {strides = array<i32>} : memref<128x64xf32, #tpu.memory_space<vmem>>, vector<16xf32>,
        tpu.vector_store %arg16[%parallel_loop3A_374, %parallel_loop3A_375], %parallel_loop3A_373 {strides = array<i32>} : memref<128x64xf32, #tpu.memory_space<vmem>>, vector<16xf32>,
        %parallel_loop3A_377 = arith.constant 8 : i32
        %parallel_loop3A_378 = vector.broadcast %parallel_loop3A_377 : i32 to vector<16xi32>
        %parallel_loop3A_379 = vector.shape_cast %parallel_loop3A_378 : vector<16xi32> to vector<16x1xi32>
        %parallel_loop3A_380 = vector.shape_cast %parallel_loop3A_379 : vector<16x1xi32> to vector<16xi32>
        %parallel_loop3A_381 = tpu.dynamic_gather %parallel_loop3A_80[%parallel_loop3A_380] in [0] : vector<16xf32>, vector<16xi32> -> vector<16xf32>
        %parallel_loop3A_382 = arith.constant 16 : i32
        %parallel_loop3A_383 = arith.muli %parallel_loop3A_76, %parallel_loop3A_382 : i32
        %parallel_loop3A_384 = arith.constant 8 : i32
        %parallel_loop3A_385 = arith.addi %parallel_loop3A_383, %parallel_loop3A_384 : i32
        %parallel_loop3A_386 = arith.index_cast %parallel_loop3A_385 : i32 to index
        %parallel_loop3A_387 = arith.constant 0 : index
        %parallel_loop3A_388 = tpu.vector_load %arg15[%parallel_loop3A_386, %parallel_loop3A_387] {strides = array<i32>} : memref<128x64xf32, #tpu.memory_space<vmem>>, vector<16xf32>,
        %parallel_loop3A_389 = arith.mulf %parallel_loop3A_388, %parallel_loop3A_381 : vector<16xf32>
        %parallel_loop3A_390 = arith.index_cast %parallel_loop3A_385 : i32 to index
        %parallel_loop3A_391 = arith.constant 0 : index
        %parallel_loop3A_392 = tpu.vector_load %arg16[%parallel_loop3A_390, %parallel_loop3A_391] {strides = array<i32>} : memref<128x64xf32, #tpu.memory_space<vmem>>, vector<16xf32>,
        tpu.vector_store %arg16[%parallel_loop3A_390, %parallel_loop3A_391], %parallel_loop3A_389 {strides = array<i32>} : memref<128x64xf32, #tpu.memory_space<vmem>>, vector<16xf32>,
        %parallel_loop3A_393 = arith.index_cast %parallel_loop3A_385 : i32 to index
        %parallel_loop3A_394 = arith.constant 16 : index
        %parallel_loop3A_395 = tpu.vector_load %arg15[%parallel_loop3A_393, %parallel_loop3A_394] {strides = array<i32>} : memref<128x64xf32, #tpu.memory_space<vmem>>, vector<16xf32>,
        %parallel_loop3A_396 = arith.mulf %parallel_loop3A_395, %parallel_loop3A_381 : vector<16xf32>
        %parallel_loop3A_397 = arith.index_cast %parallel_loop3A_385 : i32 to index
        %parallel_loop3A_398 = arith.constant 16 : index
        %parallel_loop3A_399 = tpu.vector_load %arg16[%parallel_loop3A_397, %parallel_loop3A_398] {strides = array<i32>} : memref<128x64xf32, #tpu.memory_space<vmem>>, vector<16xf32>,
        tpu.vector_store %arg16[%parallel_loop3A_397, %parallel_loop3A_398], %parallel_loop3A_396 {strides = array<i32>} : memref<128x64xf32, #tpu.memory_space<vmem>>, vector<16xf32>,
        %parallel_loop3A_400 = arith.index_cast %parallel_loop3A_385 : i32 to index
        %parallel_loop3A_401 = arith.constant 32 : index
        %parallel_loop3A_402 = tpu.vector_load %arg15[%parallel_loop3A_400, %parallel_loop3A_401] {strides = array<i32>} : memref<128x64xf32, #tpu.memory_space<vmem>>, vector<16xf32>,
        %parallel_loop3A_403 = arith.mulf %parallel_loop3A_402, %parallel_loop3A_381 : vector<16xf32>
        %parallel_loop3A_404 = arith.index_cast %parallel_loop3A_385 : i32 to index
        %parallel_loop3A_405 = arith.constant 32 : index
        %parallel_loop3A_406 = tpu.vector_load %arg16[%parallel_loop3A_404, %parallel_loop3A_405] {strides = array<i32>} : memref<128x64xf32, #tpu.memory_space<vmem>>, vector<16xf32>,
        tpu.vector_store %arg16[%parallel_loop3A_404, %parallel_loop3A_405], %parallel_loop3A_403 {strides = array<i32>} : memref<128x64xf32, #tpu.memory_space<vmem>>, vector<16xf32>,
        %parallel_loop3A_407 = arith.index_cast %parallel_loop3A_385 : i32 to index
        %parallel_loop3A_408 = arith.constant 48 : index
        %parallel_loop3A_409 = tpu.vector_load %arg15[%parallel_loop3A_407, %parallel_loop3A_408] {strides = array<i32>} : memref<128x64xf32, #tpu.memory_space<vmem>>, vector<16xf32>,
        %parallel_loop3A_410 = arith.mulf %parallel_loop3A_409, %parallel_loop3A_381 : vector<16xf32>
        %parallel_loop3A_411 = arith.index_cast %parallel_loop3A_385 : i32 to index
        %parallel_loop3A_412 = arith.constant 48 : index
        %parallel_loop3A_413 = tpu.vector_load %arg16[%parallel_loop3A_411, %parallel_loop3A_412] {strides = array<i32>} : memref<128x64xf32, #tpu.memory_space<vmem>>, vector<16xf32>,
        tpu.vector_store %arg16[%parallel_loop3A_411, %parallel_loop3A_412], %parallel_loop3A_410 {strides = array<i32>} : memref<128x64xf32, #tpu.memory_space<vmem>>, vector<16xf32>,
        %parallel_loop3A_414 = arith.constant 9 : i32
        %parallel_loop3A_415 = vector.broadcast %parallel_loop3A_414 : i32 to vector<16xi32>
        %parallel_loop3A_416 = vector.shape_cast %parallel_loop3A_415 : vector<16xi32> to vector<16x1xi32>
        %parallel_loop3A_417 = vector.shape_cast %parallel_loop3A_416 : vector<16x1xi32> to vector<16xi32>
        %parallel_loop3A_418 = tpu.dynamic_gather %parallel_loop3A_80[%parallel_loop3A_417] in [0] : vector<16xf32>, vector<16xi32> -> vector<16xf32>
        %parallel_loop3A_419 = arith.constant 16 : i32
        %parallel_loop3A_420 = arith.muli %parallel_loop3A_76, %parallel_loop3A_419 : i32
        %parallel_loop3A_421 = arith.constant 9 : i32
        %parallel_loop3A_422 = arith.addi %parallel_loop3A_420, %parallel_loop3A_421 : i32
        %parallel_loop3A_423 = arith.index_cast %parallel_loop3A_422 : i32 to index
        %parallel_loop3A_424 = arith.constant 0 : index
        %parallel_loop3A_425 = tpu.vector_load %arg15[%parallel_loop3A_423, %parallel_loop3A_424] {strides = array<i32>} : memref<128x64xf32, #tpu.memory_space<vmem>>, vector<16xf32>,
        %parallel_loop3A_426 = arith.mulf %parallel_loop3A_425, %parallel_loop3A_418 : vector<16xf32>
        %parallel_loop3A_427 = arith.index_cast %parallel_loop3A_422 : i32 to index
        %parallel_loop3A_428 = arith.constant 0 : index
        %parallel_loop3A_429 = tpu.vector_load %arg16[%parallel_loop3A_427, %parallel_loop3A_428] {strides = array<i32>} : memref<128x64xf32, #tpu.memory_space<vmem>>, vector<16xf32>,
        tpu.vector_store %arg16[%parallel_loop3A_427, %parallel_loop3A_428], %parallel_loop3A_426 {strides = array<i32>} : memref<128x64xf32, #tpu.memory_space<vmem>>, vector<16xf32>,
        %parallel_loop3A_430 = arith.index_cast %parallel_loop3A_422 : i32 to index
        %parallel_loop3A_431 = arith.constant 16 : index
        %parallel_loop3A_432 = tpu.vector_load %arg15[%parallel_loop3A_430, %parallel_loop3A_431] {strides = array<i32>} : memref<128x64xf32, #tpu.memory_space<vmem>>, vector<16xf32>,
        %parallel_loop3A_433 = arith.mulf %parallel_loop3A_432, %parallel_loop3A_418 : vector<16xf32>
        %parallel_loop3A_434 = arith.index_cast %parallel_loop3A_422 : i32 to index
        %parallel_loop3A_435 = arith.constant 16 : index
        %parallel_loop3A_436 = tpu.vector_load %arg16[%parallel_loop3A_434, %parallel_loop3A_435] {strides = array<i32>} : memref<128x64xf32, #tpu.memory_space<vmem>>, vector<16xf32>,
        tpu.vector_store %arg16[%parallel_loop3A_434, %parallel_loop3A_435], %parallel_loop3A_433 {strides = array<i32>} : memref<128x64xf32, #tpu.memory_space<vmem>>, vector<16xf32>,
        %parallel_loop3A_437 = arith.index_cast %parallel_loop3A_422 : i32 to index
        %parallel_loop3A_438 = arith.constant 32 : index
        %parallel_loop3A_439 = tpu.vector_load %arg15[%parallel_loop3A_437, %parallel_loop3A_438] {strides = array<i32>} : memref<128x64xf32, #tpu.memory_space<vmem>>, vector<16xf32>,
        %parallel_loop3A_440 = arith.mulf %parallel_loop3A_439, %parallel_loop3A_418 : vector<16xf32>
        %parallel_loop3A_441 = arith.index_cast %parallel_loop3A_422 : i32 to index
        %parallel_loop3A_442 = arith.constant 32 : index
        %parallel_loop3A_443 = tpu.vector_load %arg16[%parallel_loop3A_441, %parallel_loop3A_442] {strides = array<i32>} : memref<128x64xf32, #tpu.memory_space<vmem>>, vector<16xf32>,
        tpu.vector_store %arg16[%parallel_loop3A_441, %parallel_loop3A_442], %parallel_loop3A_440 {strides = array<i32>} : memref<128x64xf32, #tpu.memory_space<vmem>>, vector<16xf32>,
        %parallel_loop3A_444 = arith.index_cast %parallel_loop3A_422 : i32 to index
        %parallel_loop3A_445 = arith.constant 48 : index
        %parallel_loop3A_446 = tpu.vector_load %arg15[%parallel_loop3A_444, %parallel_loop3A_445] {strides = array<i32>} : memref<128x64xf32, #tpu.memory_space<vmem>>, vector<16xf32>,
        %parallel_loop3A_447 = arith.mulf %parallel_loop3A_446, %parallel_loop3A_418 : vector<16xf32>
        %parallel_loop3A_448 = arith.index_cast %parallel_loop3A_422 : i32 to index
        %parallel_loop3A_449 = arith.constant 48 : index
        %parallel_loop3A_450 = tpu.vector_load %arg16[%parallel_loop3A_448, %parallel_loop3A_449] {strides = array<i32>} : memref<128x64xf32, #tpu.memory_space<vmem>>, vector<16xf32>,
        tpu.vector_store %arg16[%parallel_loop3A_448, %parallel_loop3A_449], %parallel_loop3A_447 {strides = array<i32>} : memref<128x64xf32, #tpu.memory_space<vmem>>, vector<16xf32>,
        %parallel_loop3A_451 = arith.constant 10 : i32
        %parallel_loop3A_452 = vector.broadcast %parallel_loop3A_451 : i32 to vector<16xi32>
        %parallel_loop3A_453 = vector.shape_cast %parallel_loop3A_452 : vector<16xi32> to vector<16x1xi32>
        %parallel_loop3A_454 = vector.shape_cast %parallel_loop3A_453 : vector<16x1xi32> to vector<16xi32>
        %parallel_loop3A_455 = tpu.dynamic_gather %parallel_loop3A_80[%parallel_loop3A_454] in [0] : vector<16xf32>, vector<16xi32> -> vector<16xf32>
        %parallel_loop3A_456 = arith.constant 16 : i32
        %parallel_loop3A_457 = arith.muli %parallel_loop3A_76, %parallel_loop3A_456 : i32
        %parallel_loop3A_458 = arith.constant 10 : i32
        %parallel_loop3A_459 = arith.addi %parallel_loop3A_457, %parallel_loop3A_458 : i32
        %parallel_loop3A_460 = arith.index_cast %parallel_loop3A_459 : i32 to index
        %parallel_loop3A_461 = arith.constant 0 : index
        %parallel_loop3A_462 = tpu.vector_load %arg15[%parallel_loop3A_460, %parallel_loop3A_461] {strides = array<i32>} : memref<128x64xf32, #tpu.memory_space<vmem>>, vector<16xf32>,
        %parallel_loop3A_463 = arith.mulf %parallel_loop3A_462, %parallel_loop3A_455 : vector<16xf32>
        %parallel_loop3A_464 = arith.index_cast %parallel_loop3A_459 : i32 to index
        %parallel_loop3A_465 = arith.constant 0 : index
        %parallel_loop3A_466 = tpu.vector_load %arg16[%parallel_loop3A_464, %parallel_loop3A_465] {strides = array<i32>} : memref<128x64xf32, #tpu.memory_space<vmem>>, vector<16xf32>,
        tpu.vector_store %arg16[%parallel_loop3A_464, %parallel_loop3A_465], %parallel_loop3A_463 {strides = array<i32>} : memref<128x64xf32, #tpu.memory_space<vmem>>, vector<16xf32>,
        %parallel_loop3A_467 = arith.index_cast %parallel_loop3A_459 : i32 to index
        %parallel_loop3A_468 = arith.constant 16 : index
        %parallel_loop3A_469 = tpu.vector_load %arg15[%parallel_loop3A_467, %parallel_loop3A_468] {strides = array<i32>} : memref<128x64xf32, #tpu.memory_space<vmem>>, vector<16xf32>,
        %parallel_loop3A_470 = arith.mulf %parallel_loop3A_469, %parallel_loop3A_455 : vector<16xf32>
        %parallel_loop3A_471 = arith.index_cast %parallel_loop3A_459 : i32 to index
        %parallel_loop3A_472 = arith.constant 16 : index
        %parallel_loop3A_473 = tpu.vector_load %arg16[%parallel_loop3A_471, %parallel_loop3A_472] {strides = array<i32>} : memref<128x64xf32, #tpu.memory_space<vmem>>, vector<16xf32>,
        tpu.vector_store %arg16[%parallel_loop3A_471, %parallel_loop3A_472], %parallel_loop3A_470 {strides = array<i32>} : memref<128x64xf32, #tpu.memory_space<vmem>>, vector<16xf32>,
        %parallel_loop3A_474 = arith.index_cast %parallel_loop3A_459 : i32 to index
        %parallel_loop3A_475 = arith.constant 32 : index
        %parallel_loop3A_476 = tpu.vector_load %arg15[%parallel_loop3A_474, %parallel_loop3A_475] {strides = array<i32>} : memref<128x64xf32, #tpu.memory_space<vmem>>, vector<16xf32>,
        %parallel_loop3A_477 = arith.mulf %parallel_loop3A_476, %parallel_loop3A_455 : vector<16xf32>
        %parallel_loop3A_478 = arith.index_cast %parallel_loop3A_459 : i32 to index
        %parallel_loop3A_479 = arith.constant 32 : index
        %parallel_loop3A_480 = tpu.vector_load %arg16[%parallel_loop3A_478, %parallel_loop3A_479] {strides = array<i32>} : memref<128x64xf32, #tpu.memory_space<vmem>>, vector<16xf32>,
        tpu.vector_store %arg16[%parallel_loop3A_478, %parallel_loop3A_479], %parallel_loop3A_477 {strides = array<i32>} : memref<128x64xf32, #tpu.memory_space<vmem>>, vector<16xf32>,
        %parallel_loop3A_481 = arith.index_cast %parallel_loop3A_459 : i32 to index
        %parallel_loop3A_482 = arith.constant 48 : index
        %parallel_loop3A_483 = tpu.vector_load %arg15[%parallel_loop3A_481, %parallel_loop3A_482] {strides = array<i32>} : memref<128x64xf32, #tpu.memory_space<vmem>>, vector<16xf32>,
        %parallel_loop3A_484 = arith.mulf %parallel_loop3A_483, %parallel_loop3A_455 : vector<16xf32>
        %parallel_loop3A_485 = arith.index_cast %parallel_loop3A_459 : i32 to index
        %parallel_loop3A_486 = arith.constant 48 : index
        %parallel_loop3A_487 = tpu.vector_load %arg16[%parallel_loop3A_485, %parallel_loop3A_486] {strides = array<i32>} : memref<128x64xf32, #tpu.memory_space<vmem>>, vector<16xf32>,
        tpu.vector_store %arg16[%parallel_loop3A_485, %parallel_loop3A_486], %parallel_loop3A_484 {strides = array<i32>} : memref<128x64xf32, #tpu.memory_space<vmem>>, vector<16xf32>,
        %parallel_loop3A_488 = arith.constant 11 : i32
        %parallel_loop3A_489 = vector.broadcast %parallel_loop3A_488 : i32 to vector<16xi32>
        %parallel_loop3A_490 = vector.shape_cast %parallel_loop3A_489 : vector<16xi32> to vector<16x1xi32>
        %parallel_loop3A_491 = vector.shape_cast %parallel_loop3A_490 : vector<16x1xi32> to vector<16xi32>
        %parallel_loop3A_492 = tpu.dynamic_gather %parallel_loop3A_80[%parallel_loop3A_491] in [0] : vector<16xf32>, vector<16xi32> -> vector<16xf32>
        %parallel_loop3A_493 = arith.constant 16 : i32
        %parallel_loop3A_494 = arith.muli %parallel_loop3A_76, %parallel_loop3A_493 : i32
        %parallel_loop3A_495 = arith.constant 11 : i32
        %parallel_loop3A_496 = arith.addi %parallel_loop3A_494, %parallel_loop3A_495 : i32
        %parallel_loop3A_497 = arith.index_cast %parallel_loop3A_496 : i32 to index
        %parallel_loop3A_498 = arith.constant 0 : index
        %parallel_loop3A_499 = tpu.vector_load %arg15[%parallel_loop3A_497, %parallel_loop3A_498] {strides = array<i32>} : memref<128x64xf32, #tpu.memory_space<vmem>>, vector<16xf32>,
        %parallel_loop3A_500 = arith.mulf %parallel_loop3A_499, %parallel_loop3A_492 : vector<16xf32>
        %parallel_loop3A_501 = arith.index_cast %parallel_loop3A_496 : i32 to index
        %parallel_loop3A_502 = arith.constant 0 : index
        %parallel_loop3A_503 = tpu.vector_load %arg16[%parallel_loop3A_501, %parallel_loop3A_502] {strides = array<i32>} : memref<128x64xf32, #tpu.memory_space<vmem>>, vector<16xf32>,
        tpu.vector_store %arg16[%parallel_loop3A_501, %parallel_loop3A_502], %parallel_loop3A_500 {strides = array<i32>} : memref<128x64xf32, #tpu.memory_space<vmem>>, vector<16xf32>,
        %parallel_loop3A_504 = arith.index_cast %parallel_loop3A_496 : i32 to index
        %parallel_loop3A_505 = arith.constant 16 : index
        %parallel_loop3A_506 = tpu.vector_load %arg15[%parallel_loop3A_504, %parallel_loop3A_505] {strides = array<i32>} : memref<128x64xf32, #tpu.memory_space<vmem>>, vector<16xf32>,
        %parallel_loop3A_507 = arith.mulf %parallel_loop3A_506, %parallel_loop3A_492 : vector<16xf32>
        %parallel_loop3A_508 = arith.index_cast %parallel_loop3A_496 : i32 to index
        %parallel_loop3A_509 = arith.constant 16 : index
        %parallel_loop3A_510 = tpu.vector_load %arg16[%parallel_loop3A_508, %parallel_loop3A_509] {strides = array<i32>} : memref<128x64xf32, #tpu.memory_space<vmem>>, vector<16xf32>,
        tpu.vector_store %arg16[%parallel_loop3A_508, %parallel_loop3A_509], %parallel_loop3A_507 {strides = array<i32>} : memref<128x64xf32, #tpu.memory_space<vmem>>, vector<16xf32>,
        %parallel_loop3A_511 = arith.index_cast %parallel_loop3A_496 : i32 to index
        %parallel_loop3A_512 = arith.constant 32 : index
        %parallel_loop3A_513 = tpu.vector_load %arg15[%parallel_loop3A_511, %parallel_loop3A_512] {strides = array<i32>} : memref<128x64xf32, #tpu.memory_space<vmem>>, vector<16xf32>,
        %parallel_loop3A_514 = arith.mulf %parallel_loop3A_513, %parallel_loop3A_492 : vector<16xf32>
        %parallel_loop3A_515 = arith.index_cast %parallel_loop3A_496 : i32 to index
        %parallel_loop3A_516 = arith.constant 32 : index
        %parallel_loop3A_517 = tpu.vector_load %arg16[%parallel_loop3A_515, %parallel_loop3A_516] {strides = array<i32>} : memref<128x64xf32, #tpu.memory_space<vmem>>, vector<16xf32>,
        tpu.vector_store %arg16[%parallel_loop3A_515, %parallel_loop3A_516], %parallel_loop3A_514 {strides = array<i32>} : memref<128x64xf32, #tpu.memory_space<vmem>>, vector<16xf32>,
        %parallel_loop3A_518 = arith.index_cast %parallel_loop3A_496 : i32 to index
        %parallel_loop3A_519 = arith.constant 48 : index
        %parallel_loop3A_520 = tpu.vector_load %arg15[%parallel_loop3A_518, %parallel_loop3A_519] {strides = array<i32>} : memref<128x64xf32, #tpu.memory_space<vmem>>, vector<16xf32>,
        %parallel_loop3A_521 = arith.mulf %parallel_loop3A_520, %parallel_loop3A_492 : vector<16xf32>
        %parallel_loop3A_522 = arith.index_cast %parallel_loop3A_496 : i32 to index
        %parallel_loop3A_523 = arith.constant 48 : index
        %parallel_loop3A_524 = tpu.vector_load %arg16[%parallel_loop3A_522, %parallel_loop3A_523] {strides = array<i32>} : memref<128x64xf32, #tpu.memory_space<vmem>>, vector<16xf32>,
        tpu.vector_store %arg16[%parallel_loop3A_522, %parallel_loop3A_523], %parallel_loop3A_521 {strides = array<i32>} : memref<128x64xf32, #tpu.memory_space<vmem>>, vector<16xf32>,
        %parallel_loop3A_525 = arith.constant 12 : i32
        %parallel_loop3A_526 = vector.broadcast %parallel_loop3A_525 : i32 to vector<16xi32>
        %parallel_loop3A_527 = vector.shape_cast %parallel_loop3A_526 : vector<16xi32> to vector<16x1xi32>
        %parallel_loop3A_528 = vector.shape_cast %parallel_loop3A_527 : vector<16x1xi32> to vector<16xi32>
        %parallel_loop3A_529 = tpu.dynamic_gather %parallel_loop3A_80[%parallel_loop3A_528] in [0] : vector<16xf32>, vector<16xi32> -> vector<16xf32>
        %parallel_loop3A_530 = arith.constant 16 : i32
        %parallel_loop3A_531 = arith.muli %parallel_loop3A_76, %parallel_loop3A_530 : i32
        %parallel_loop3A_532 = arith.constant 12 : i32
        %parallel_loop3A_533 = arith.addi %parallel_loop3A_531, %parallel_loop3A_532 : i32
        %parallel_loop3A_534 = arith.index_cast %parallel_loop3A_533 : i32 to index
        %parallel_loop3A_535 = arith.constant 0 : index
        %parallel_loop3A_536 = tpu.vector_load %arg15[%parallel_loop3A_534, %parallel_loop3A_535] {strides = array<i32>} : memref<128x64xf32, #tpu.memory_space<vmem>>, vector<16xf32>,
        %parallel_loop3A_537 = arith.mulf %parallel_loop3A_536, %parallel_loop3A_529 : vector<16xf32>
        %parallel_loop3A_538 = arith.index_cast %parallel_loop3A_533 : i32 to index
        %parallel_loop3A_539 = arith.constant 0 : index
        %parallel_loop3A_540 = tpu.vector_load %arg16[%parallel_loop3A_538, %parallel_loop3A_539] {strides = array<i32>} : memref<128x64xf32, #tpu.memory_space<vmem>>, vector<16xf32>,
        tpu.vector_store %arg16[%parallel_loop3A_538, %parallel_loop3A_539], %parallel_loop3A_537 {strides = array<i32>} : memref<128x64xf32, #tpu.memory_space<vmem>>, vector<16xf32>,
        %parallel_loop3A_541 = arith.index_cast %parallel_loop3A_533 : i32 to index
        %parallel_loop3A_542 = arith.constant 16 : index
        %parallel_loop3A_543 = tpu.vector_load %arg15[%parallel_loop3A_541, %parallel_loop3A_542] {strides = array<i32>} : memref<128x64xf32, #tpu.memory_space<vmem>>, vector<16xf32>,
        %parallel_loop3A_544 = arith.mulf %parallel_loop3A_543, %parallel_loop3A_529 : vector<16xf32>
        %parallel_loop3A_545 = arith.index_cast %parallel_loop3A_533 : i32 to index
        %parallel_loop3A_546 = arith.constant 16 : index
        %parallel_loop3A_547 = tpu.vector_load %arg16[%parallel_loop3A_545, %parallel_loop3A_546] {strides = array<i32>} : memref<128x64xf32, #tpu.memory_space<vmem>>, vector<16xf32>,
        tpu.vector_store %arg16[%parallel_loop3A_545, %parallel_loop3A_546], %parallel_loop3A_544 {strides = array<i32>} : memref<128x64xf32, #tpu.memory_space<vmem>>, vector<16xf32>,
        %parallel_loop3A_548 = arith.index_cast %parallel_loop3A_533 : i32 to index
        %parallel_loop3A_549 = arith.constant 32 : index
        %parallel_loop3A_550 = tpu.vector_load %arg15[%parallel_loop3A_548, %parallel_loop3A_549] {strides = array<i32>} : memref<128x64xf32, #tpu.memory_space<vmem>>, vector<16xf32>,
        %parallel_loop3A_551 = arith.mulf %parallel_loop3A_550, %parallel_loop3A_529 : vector<16xf32>
        %parallel_loop3A_552 = arith.index_cast %parallel_loop3A_533 : i32 to index
        %parallel_loop3A_553 = arith.constant 32 : index
        %parallel_loop3A_554 = tpu.vector_load %arg16[%parallel_loop3A_552, %parallel_loop3A_553] {strides = array<i32>} : memref<128x64xf32, #tpu.memory_space<vmem>>, vector<16xf32>,
        tpu.vector_store %arg16[%parallel_loop3A_552, %parallel_loop3A_553], %parallel_loop3A_551 {strides = array<i32>} : memref<128x64xf32, #tpu.memory_space<vmem>>, vector<16xf32>,
        %parallel_loop3A_555 = arith.index_cast %parallel_loop3A_533 : i32 to index
        %parallel_loop3A_556 = arith.constant 48 : index
        %parallel_loop3A_557 = tpu.vector_load %arg15[%parallel_loop3A_555, %parallel_loop3A_556] {strides = array<i32>} : memref<128x64xf32, #tpu.memory_space<vmem>>, vector<16xf32>,
        %parallel_loop3A_558 = arith.mulf %parallel_loop3A_557, %parallel_loop3A_529 : vector<16xf32>
        %parallel_loop3A_559 = arith.index_cast %parallel_loop3A_533 : i32 to index
        %parallel_loop3A_560 = arith.constant 48 : index
        %parallel_loop3A_561 = tpu.vector_load %arg16[%parallel_loop3A_559, %parallel_loop3A_560] {strides = array<i32>} : memref<128x64xf32, #tpu.memory_space<vmem>>, vector<16xf32>,
        tpu.vector_store %arg16[%parallel_loop3A_559, %parallel_loop3A_560], %parallel_loop3A_558 {strides = array<i32>} : memref<128x64xf32, #tpu.memory_space<vmem>>, vector<16xf32>,
        %parallel_loop3A_562 = arith.constant 13 : i32
        %parallel_loop3A_563 = vector.broadcast %parallel_loop3A_562 : i32 to vector<16xi32>
        %parallel_loop3A_564 = vector.shape_cast %parallel_loop3A_563 : vector<16xi32> to vector<16x1xi32>
        %parallel_loop3A_565 = vector.shape_cast %parallel_loop3A_564 : vector<16x1xi32> to vector<16xi32>
        %parallel_loop3A_566 = tpu.dynamic_gather %parallel_loop3A_80[%parallel_loop3A_565] in [0] : vector<16xf32>, vector<16xi32> -> vector<16xf32>
        %parallel_loop3A_567 = arith.constant 16 : i32
        %parallel_loop3A_568 = arith.muli %parallel_loop3A_76, %parallel_loop3A_567 : i32
        %parallel_loop3A_569 = arith.constant 13 : i32
        %parallel_loop3A_570 = arith.addi %parallel_loop3A_568, %parallel_loop3A_569 : i32
        %parallel_loop3A_571 = arith.index_cast %parallel_loop3A_570 : i32 to index
        %parallel_loop3A_572 = arith.constant 0 : index
        %parallel_loop3A_573 = tpu.vector_load %arg15[%parallel_loop3A_571, %parallel_loop3A_572] {strides = array<i32>} : memref<128x64xf32, #tpu.memory_space<vmem>>, vector<16xf32>,
        %parallel_loop3A_574 = arith.mulf %parallel_loop3A_573, %parallel_loop3A_566 : vector<16xf32>
        %parallel_loop3A_575 = arith.index_cast %parallel_loop3A_570 : i32 to index
        %parallel_loop3A_576 = arith.constant 0 : index
        %parallel_loop3A_577 = tpu.vector_load %arg16[%parallel_loop3A_575, %parallel_loop3A_576] {strides = array<i32>} : memref<128x64xf32, #tpu.memory_space<vmem>>, vector<16xf32>,
        tpu.vector_store %arg16[%parallel_loop3A_575, %parallel_loop3A_576], %parallel_loop3A_574 {strides = array<i32>} : memref<128x64xf32, #tpu.memory_space<vmem>>, vector<16xf32>,
        %parallel_loop3A_578 = arith.index_cast %parallel_loop3A_570 : i32 to index
        %parallel_loop3A_579 = arith.constant 16 : index
        %parallel_loop3A_580 = tpu.vector_load %arg15[%parallel_loop3A_578, %parallel_loop3A_579] {strides = array<i32>} : memref<128x64xf32, #tpu.memory_space<vmem>>, vector<16xf32>,
        %parallel_loop3A_581 = arith.mulf %parallel_loop3A_580, %parallel_loop3A_566 : vector<16xf32>
        %parallel_loop3A_582 = arith.index_cast %parallel_loop3A_570 : i32 to index
        %parallel_loop3A_583 = arith.constant 16 : index
        %parallel_loop3A_584 = tpu.vector_load %arg16[%parallel_loop3A_582, %parallel_loop3A_583] {strides = array<i32>} : memref<128x64xf32, #tpu.memory_space<vmem>>, vector<16xf32>,
        tpu.vector_store %arg16[%parallel_loop3A_582, %parallel_loop3A_583], %parallel_loop3A_581 {strides = array<i32>} : memref<128x64xf32, #tpu.memory_space<vmem>>, vector<16xf32>,
        %parallel_loop3A_585 = arith.index_cast %parallel_loop3A_570 : i32 to index
        %parallel_loop3A_586 = arith.constant 32 : index
        %parallel_loop3A_587 = tpu.vector_load %arg15[%parallel_loop3A_585, %parallel_loop3A_586] {strides = array<i32>} : memref<128x64xf32, #tpu.memory_space<vmem>>, vector<16xf32>,
        %parallel_loop3A_588 = arith.mulf %parallel_loop3A_587, %parallel_loop3A_566 : vector<16xf32>
        %parallel_loop3A_589 = arith.index_cast %parallel_loop3A_570 : i32 to index
        %parallel_loop3A_590 = arith.constant 32 : index
        %parallel_loop3A_591 = tpu.vector_load %arg16[%parallel_loop3A_589, %parallel_loop3A_590] {strides = array<i32>} : memref<128x64xf32, #tpu.memory_space<vmem>>, vector<16xf32>,
        tpu.vector_store %arg16[%parallel_loop3A_589, %parallel_loop3A_590], %parallel_loop3A_588 {strides = array<i32>} : memref<128x64xf32, #tpu.memory_space<vmem>>, vector<16xf32>,
        %parallel_loop3A_592 = arith.index_cast %parallel_loop3A_570 : i32 to index
        %parallel_loop3A_593 = arith.constant 48 : index
        %parallel_loop3A_594 = tpu.vector_load %arg15[%parallel_loop3A_592, %parallel_loop3A_593] {strides = array<i32>} : memref<128x64xf32, #tpu.memory_space<vmem>>, vector<16xf32>,
        %parallel_loop3A_595 = arith.mulf %parallel_loop3A_594, %parallel_loop3A_566 : vector<16xf32>
        %parallel_loop3A_596 = arith.index_cast %parallel_loop3A_570 : i32 to index
        %parallel_loop3A_597 = arith.constant 48 : index
        %parallel_loop3A_598 = tpu.vector_load %arg16[%parallel_loop3A_596, %parallel_loop3A_597] {strides = array<i32>} : memref<128x64xf32, #tpu.memory_space<vmem>>, vector<16xf32>,
        tpu.vector_store %arg16[%parallel_loop3A_596, %parallel_loop3A_597], %parallel_loop3A_595 {strides = array<i32>} : memref<128x64xf32, #tpu.memory_space<vmem>>, vector<16xf32>,
        %parallel_loop3A_599 = arith.constant 14 : i32
        %parallel_loop3A_600 = vector.broadcast %parallel_loop3A_599 : i32 to vector<16xi32>
        %parallel_loop3A_601 = vector.shape_cast %parallel_loop3A_600 : vector<16xi32> to vector<16x1xi32>
        %parallel_loop3A_602 = vector.shape_cast %parallel_loop3A_601 : vector<16x1xi32> to vector<16xi32>
        %parallel_loop3A_603 = tpu.dynamic_gather %parallel_loop3A_80[%parallel_loop3A_602] in [0] : vector<16xf32>, vector<16xi32> -> vector<16xf32>
        %parallel_loop3A_604 = arith.constant 16 : i32
        %parallel_loop3A_605 = arith.muli %parallel_loop3A_76, %parallel_loop3A_604 : i32
        %parallel_loop3A_606 = arith.constant 14 : i32
        %parallel_loop3A_607 = arith.addi %parallel_loop3A_605, %parallel_loop3A_606 : i32
        %parallel_loop3A_608 = arith.index_cast %parallel_loop3A_607 : i32 to index
        %parallel_loop3A_609 = arith.constant 0 : index
        %parallel_loop3A_610 = tpu.vector_load %arg15[%parallel_loop3A_608, %parallel_loop3A_609] {strides = array<i32>} : memref<128x64xf32, #tpu.memory_space<vmem>>, vector<16xf32>,
        %parallel_loop3A_611 = arith.mulf %parallel_loop3A_610, %parallel_loop3A_603 : vector<16xf32>
        %parallel_loop3A_612 = arith.index_cast %parallel_loop3A_607 : i32 to index
        %parallel_loop3A_613 = arith.constant 0 : index
        %parallel_loop3A_614 = tpu.vector_load %arg16[%parallel_loop3A_612, %parallel_loop3A_613] {strides = array<i32>} : memref<128x64xf32, #tpu.memory_space<vmem>>, vector<16xf32>,
        tpu.vector_store %arg16[%parallel_loop3A_612, %parallel_loop3A_613], %parallel_loop3A_611 {strides = array<i32>} : memref<128x64xf32, #tpu.memory_space<vmem>>, vector<16xf32>,
        %parallel_loop3A_615 = arith.index_cast %parallel_loop3A_607 : i32 to index
        %parallel_loop3A_616 = arith.constant 16 : index
        %parallel_loop3A_617 = tpu.vector_load %arg15[%parallel_loop3A_615, %parallel_loop3A_616] {strides = array<i32>} : memref<128x64xf32, #tpu.memory_space<vmem>>, vector<16xf32>,
        %parallel_loop3A_618 = arith.mulf %parallel_loop3A_617, %parallel_loop3A_603 : vector<16xf32>
        %parallel_loop3A_619 = arith.index_cast %parallel_loop3A_607 : i32 to index
        %parallel_loop3A_620 = arith.constant 16 : index
        %parallel_loop3A_621 = tpu.vector_load %arg16[%parallel_loop3A_619, %parallel_loop3A_620] {strides = array<i32>} : memref<128x64xf32, #tpu.memory_space<vmem>>, vector<16xf32>,
        tpu.vector_store %arg16[%parallel_loop3A_619, %parallel_loop3A_620], %parallel_loop3A_618 {strides = array<i32>} : memref<128x64xf32, #tpu.memory_space<vmem>>, vector<16xf32>,
        %parallel_loop3A_622 = arith.index_cast %parallel_loop3A_607 : i32 to index
        %parallel_loop3A_623 = arith.constant 32 : index
        %parallel_loop3A_624 = tpu.vector_load %arg15[%parallel_loop3A_622, %parallel_loop3A_623] {strides = array<i32>} : memref<128x64xf32, #tpu.memory_space<vmem>>, vector<16xf32>,
        %parallel_loop3A_625 = arith.mulf %parallel_loop3A_624, %parallel_loop3A_603 : vector<16xf32>
        %parallel_loop3A_626 = arith.index_cast %parallel_loop3A_607 : i32 to index
        %parallel_loop3A_627 = arith.constant 32 : index
        %parallel_loop3A_628 = tpu.vector_load %arg16[%parallel_loop3A_626, %parallel_loop3A_627] {strides = array<i32>} : memref<128x64xf32, #tpu.memory_space<vmem>>, vector<16xf32>,
        tpu.vector_store %arg16[%parallel_loop3A_626, %parallel_loop3A_627], %parallel_loop3A_625 {strides = array<i32>} : memref<128x64xf32, #tpu.memory_space<vmem>>, vector<16xf32>,
        %parallel_loop3A_629 = arith.index_cast %parallel_loop3A_607 : i32 to index
        %parallel_loop3A_630 = arith.constant 48 : index
        %parallel_loop3A_631 = tpu.vector_load %arg15[%parallel_loop3A_629, %parallel_loop3A_630] {strides = array<i32>} : memref<128x64xf32, #tpu.memory_space<vmem>>, vector<16xf32>,
        %parallel_loop3A_632 = arith.mulf %parallel_loop3A_631, %parallel_loop3A_603 : vector<16xf32>
        %parallel_loop3A_633 = arith.index_cast %parallel_loop3A_607 : i32 to index
        %parallel_loop3A_634 = arith.constant 48 : index
        %parallel_loop3A_635 = tpu.vector_load %arg16[%parallel_loop3A_633, %parallel_loop3A_634] {strides = array<i32>} : memref<128x64xf32, #tpu.memory_space<vmem>>, vector<16xf32>,
        tpu.vector_store %arg16[%parallel_loop3A_633, %parallel_loop3A_634], %parallel_loop3A_632 {strides = array<i32>} : memref<128x64xf32, #tpu.memory_space<vmem>>, vector<16xf32>,
        %parallel_loop3A_636 = arith.constant 15 : i32
        %parallel_loop3A_637 = vector.broadcast %parallel_loop3A_636 : i32 to vector<16xi32>
        %parallel_loop3A_638 = vector.shape_cast %parallel_loop3A_637 : vector<16xi32> to vector<16x1xi32>
        %parallel_loop3A_639 = vector.shape_cast %parallel_loop3A_638 : vector<16x1xi32> to vector<16xi32>
        %parallel_loop3A_640 = tpu.dynamic_gather %parallel_loop3A_80[%parallel_loop3A_639] in [0] : vector<16xf32>, vector<16xi32> -> vector<16xf32>
        %parallel_loop3A_641 = arith.constant 16 : i32
        %parallel_loop3A_642 = arith.muli %parallel_loop3A_76, %parallel_loop3A_641 : i32
        %parallel_loop3A_643 = arith.constant 15 : i32
        %parallel_loop3A_644 = arith.addi %parallel_loop3A_642, %parallel_loop3A_643 : i32
        %parallel_loop3A_645 = arith.index_cast %parallel_loop3A_644 : i32 to index
        %parallel_loop3A_646 = arith.constant 0 : index
        %parallel_loop3A_647 = tpu.vector_load %arg15[%parallel_loop3A_645, %parallel_loop3A_646] {strides = array<i32>} : memref<128x64xf32, #tpu.memory_space<vmem>>, vector<16xf32>,
        %parallel_loop3A_648 = arith.mulf %parallel_loop3A_647, %parallel_loop3A_640 : vector<16xf32>
        %parallel_loop3A_649 = arith.index_cast %parallel_loop3A_644 : i32 to index
        %parallel_loop3A_650 = arith.constant 0 : index
        %parallel_loop3A_651 = tpu.vector_load %arg16[%parallel_loop3A_649, %parallel_loop3A_650] {strides = array<i32>} : memref<128x64xf32, #tpu.memory_space<vmem>>, vector<16xf32>,
        tpu.vector_store %arg16[%parallel_loop3A_649, %parallel_loop3A_650], %parallel_loop3A_648 {strides = array<i32>} : memref<128x64xf32, #tpu.memory_space<vmem>>, vector<16xf32>,
        %parallel_loop3A_652 = arith.index_cast %parallel_loop3A_644 : i32 to index
        %parallel_loop3A_653 = arith.constant 16 : index
        %parallel_loop3A_654 = tpu.vector_load %arg15[%parallel_loop3A_652, %parallel_loop3A_653] {strides = array<i32>} : memref<128x64xf32, #tpu.memory_space<vmem>>, vector<16xf32>,
        %parallel_loop3A_655 = arith.mulf %parallel_loop3A_654, %parallel_loop3A_640 : vector<16xf32>
        %parallel_loop3A_656 = arith.index_cast %parallel_loop3A_644 : i32 to index
        %parallel_loop3A_657 = arith.constant 16 : index
        %parallel_loop3A_658 = tpu.vector_load %arg16[%parallel_loop3A_656, %parallel_loop3A_657] {strides = array<i32>} : memref<128x64xf32, #tpu.memory_space<vmem>>, vector<16xf32>,
        tpu.vector_store %arg16[%parallel_loop3A_656, %parallel_loop3A_657], %parallel_loop3A_655 {strides = array<i32>} : memref<128x64xf32, #tpu.memory_space<vmem>>, vector<16xf32>,
        %parallel_loop3A_659 = arith.index_cast %parallel_loop3A_644 : i32 to index
        %parallel_loop3A_660 = arith.constant 32 : index
        %parallel_loop3A_661 = tpu.vector_load %arg15[%parallel_loop3A_659, %parallel_loop3A_660] {strides = array<i32>} : memref<128x64xf32, #tpu.memory_space<vmem>>, vector<16xf32>,
        %parallel_loop3A_662 = arith.mulf %parallel_loop3A_661, %parallel_loop3A_640 : vector<16xf32>
        %parallel_loop3A_663 = arith.index_cast %parallel_loop3A_644 : i32 to index
        %parallel_loop3A_664 = arith.constant 32 : index
        %parallel_loop3A_665 = tpu.vector_load %arg16[%parallel_loop3A_663, %parallel_loop3A_664] {strides = array<i32>} : memref<128x64xf32, #tpu.memory_space<vmem>>, vector<16xf32>,
        tpu.vector_store %arg16[%parallel_loop3A_663, %parallel_loop3A_664], %parallel_loop3A_662 {strides = array<i32>} : memref<128x64xf32, #tpu.memory_space<vmem>>, vector<16xf32>,
        %parallel_loop3A_666 = arith.index_cast %parallel_loop3A_644 : i32 to index
        %parallel_loop3A_667 = arith.constant 48 : index
        %parallel_loop3A_668 = tpu.vector_load %arg15[%parallel_loop3A_666, %parallel_loop3A_667] {strides = array<i32>} : memref<128x64xf32, #tpu.memory_space<vmem>>, vector<16xf32>,
        %parallel_loop3A_669 = arith.mulf %parallel_loop3A_668, %parallel_loop3A_640 : vector<16xf32>
        %parallel_loop3A_670 = arith.index_cast %parallel_loop3A_644 : i32 to index
        %parallel_loop3A_671 = arith.constant 48 : index
        %parallel_loop3A_672 = tpu.vector_load %arg16[%parallel_loop3A_670, %parallel_loop3A_671] {strides = array<i32>} : memref<128x64xf32, #tpu.memory_space<vmem>>, vector<16xf32>,
        tpu.vector_store %arg16[%parallel_loop3A_670, %parallel_loop3A_671], %parallel_loop3A_669 {strides = array<i32>} : memref<128x64xf32, #tpu.memory_space<vmem>>, vector<16xf32>,
      } {sc.loop_unroll_factor = 1 : i64, sc.parallel_access}
      "tpu.region"() ({
        %run_scoped3A = tpu.sem_alloc : memref<!tpu.dma_semaphore, #tpu.memory_space<semaphore_mem>>
        %dma_start3A_76 = arith.constant 0 : i32
        %dma_start3A_77 = tpu.memref_slice %arg10[%add3A_56, %dma_start3A_76] : memref<80x128xi32, #tpu.memory_space<vmem>> -> memref<1x128xi32, #tpu.memory_space<vmem>>
        %dma_start3A_78 = tpu.memref_squeeze %dma_start3A_77 : memref<1x128xi32, #tpu.memory_space<vmem>> -> memref<128xi32, #tpu.memory_space<vmem>>
        %dma_start3A_79 = arith.constant 0 : i32
        %dma_start3A_80 = arith.constant 0 : i32
        %dma_start3A_81 = tpu.memref_slice %arg17[%dma_start3A_79, %dma_start3A_80] : memref<10240x64xf32, #tpu.memory_space<vmem_shared>> -> memref<10240x64xf32, #tpu.memory_space<vmem_shared>>
        tpu.enqueue_indirect_dma source(%arg16 : memref<128x64xf32, #tpu.memory_space<vmem>>) target(%dma_start3A_81 : memref<10240x64xf32, #tpu.memory_space<vmem_shared>>) offsets(%dma_start3A_78 : memref<128xi32, #tpu.memory_space<vmem>>) semaphore(%run_scoped3A : memref<!tpu.dma_semaphore, #tpu.memory_space<semaphore_mem>>) {add = true}
        %dma_wait3A_82 = arith.constant 0 : i32
        %dma_wait3A_83 = tpu.memref_slice %arg10[%add3A_56, %dma_wait3A_82] : memref<80x128xi32, #tpu.memory_space<vmem>> -> memref<1x128xi32, #tpu.memory_space<vmem>>
        %dma_wait3A_84 = tpu.memref_squeeze %dma_wait3A_83 : memref<1x128xi32, #tpu.memory_space<vmem>> -> memref<128xi32, #tpu.memory_space<vmem>>
        %dma_wait3A_85 = arith.constant 0 : i32
        %dma_wait3A_86 = arith.constant 0 : i32
        %dma_wait3A_87 = tpu.memref_slice %arg17[%dma_wait3A_85, %dma_wait3A_86] : memref<10240x64xf32, #tpu.memory_space<vmem_shared>> -> memref<10240x64xf32, #tpu.memory_space<vmem_shared>>
        tpu.wait_indirect_dma semaphore(%run_scoped3A : memref<!tpu.dma_semaphore, #tpu.memory_space<semaphore_mem>>) src(%arg16 : memref<128x64xf32, #tpu.memory_space<vmem>>) dst(%dma_wait3A_87 : memref<10240x64xf32, #tpu.memory_space<vmem_shared>>)
        tpu.yield
      }) : () -> ()
      %add3A_69 = arith.constant 2 : i32
      %add3A_70 = arith.addi %add3A_56, %add3A_69 : i32
      %lt3A_71 = arith.constant 80 : i32
      %lt3A_72 = arith.cmpi slt, %add3A_70, %lt3A_71 : i32
      %convert_element_type3A_73 = arith.extui %lt3A_72 : i1 to i32
      %cond3A_74 = arith.constant 0 : i32
      %cond3A_75 = arith.cmpi ne, %convert_element_type3A_73, %cond3A_74 : i32
      scf.if %cond3A_75 {
        %add3A_76 = arith.constant 2 : i32
        %add3A_77 = arith.addi %add3A_56, %add3A_76 : i32
        %dma_start3A_78 = arith.constant 0 : i32
        %dma_start3A_79 = tpu.memref_slice %arg9[%add3A_77, %dma_start3A_78] : memref<80x128xi32, #tpu.memory_space<vmem>> -> memref<1x128xi32, #tpu.memory_space<vmem>>
        %dma_start3A_80 = tpu.memref_squeeze %dma_start3A_79 : memref<1x128xi32, #tpu.memory_space<vmem>> -> memref<128xi32, #tpu.memory_space<vmem>>
        %dma_start3A_81 = arith.constant 0 : i32
        %dma_start3A_82 = arith.constant 0 : i32
        %dma_start3A_83 = tpu.memref_slice %arg6[%dma_start3A_81, %dma_start3A_82] : memref<10240x64xf32, #tpu.memory_space<hbm>> -> memref<10240x64xf32, #tpu.memory_space<hbm>>
        tpu.enqueue_indirect_dma source(%dma_start3A_83 : memref<10240x64xf32, #tpu.memory_space<hbm>>) target(%arg15 : memref<128x64xf32, #tpu.memory_space<vmem>>) offsets(%dma_start3A_80 : memref<128xi32, #tpu.memory_space<vmem>>) semaphore(%arg19 : memref<!tpu.dma_semaphore, #tpu.memory_space<semaphore_mem>>)
      } else {
      }
    }
    %scan3A_28 = arith.constant 40 : i32
    %barrier3A_29 = arith.constant 0 : index
    tpu.barrier barrier_id(%barrier3A_29)
    %mul3A_30 = arith.constant 640 : i32
    %mul3A_31 = arith.muli %arg1, %mul3A_30 : i32
    %mul3A_32 = arith.constant 640 : i32
    %mul3A_33 = arith.muli %arg1, %mul3A_32 : i32
    "tpu.region"() ({
      %run_scoped3A = tpu.sem_alloc : memref<!tpu.dma_semaphore, #tpu.memory_space<semaphore_mem>>
      %dma_start3A_34 = arith.constant 0 : i32
      %dma_start3A_35 = tpu.memref_slice %arg8[%arg0, %mul3A_33, %dma_start3A_34] : memref<2x10240x64xf32, #tpu.memory_space<hbm>> -> memref<1x640x64xf32, #tpu.memory_space<hbm>>
      %dma_start3A_36 = tpu.memref_squeeze %dma_start3A_35 : memref<1x640x64xf32, #tpu.memory_space<hbm>> -> memref<640x64xf32, #tpu.memory_space<hbm>>
      %dma_start3A_37 = arith.constant 0 : i32
      %dma_start3A_38 = tpu.memref_slice %arg17[%mul3A_31, %dma_start3A_37] : memref<10240x64xf32, #tpu.memory_space<vmem_shared>> -> memref<640x64xf32, #tpu.memory_space<vmem_shared>>
      tpu.enqueue_dma source(%dma_start3A_38 : memref<640x64xf32, #tpu.memory_space<vmem_shared>>) target(%dma_start3A_36 : memref<640x64xf32, #tpu.memory_space<hbm>>) target_semaphore(%run_scoped3A : memref<!tpu.dma_semaphore, #tpu.memory_space<semaphore_mem>>)
      %dma_wait3A = arith.constant 0 : i32
      %dma_wait3A_39 = tpu.memref_slice %arg8[%arg0, %mul3A_33, %dma_wait3A] : memref<2x10240x64xf32, #tpu.memory_space<hbm>> -> memref<1x640x64xf32, #tpu.memory_space<hbm>>
      %dma_wait3A_40 = tpu.memref_squeeze %dma_wait3A_39 : memref<1x640x64xf32, #tpu.memory_space<hbm>> -> memref<640x64xf32, #tpu.memory_space<hbm>>
      %dma_wait3A_41 = arith.constant 0 : i32
      %dma_wait3A_42 = tpu.memref_slice %arg17[%mul3A_31, %dma_wait3A_41] : memref<10240x64xf32, #tpu.memory_space<vmem_shared>> -> memref<640x64xf32, #tpu.memory_space<vmem_shared>>
      tpu.wait_dma2 semaphore(%run_scoped3A : memref<!tpu.dma_semaphore, #tpu.memory_space<semaphore_mem>>) src(%dma_wait3A_42 : memref<640x64xf32, #tpu.memory_space<vmem_shared>>) dst(%dma_wait3A_40 : memref<640x64xf32, #tpu.memory_space<hbm>>)
      tpu.yield
    }) : () -> ()
    return
  }
}

#map = affine_map<(d0, d1) -> (0, 0)>
#map1 = affine_map<(d0, d1) -> (0)>
#map2 = affine_map<(d0, d1) -> (0, 0, 0)>
module attributes {stable_mosaic.version = 14 : i64} {
  func.func @_sc1_pass1(%arg0: i32, %arg1: i32, %arg2: memref<1280x256xi32, #tpu.memory_space<hbm>>, %arg3: memref<1280x256xi32, #tpu.memory_space<hbm>>, %arg4: memref<10240x16xf32, #tpu.memory_space<hbm>>, %arg5: memref<10240x16xf32, #tpu.memory_space<hbm>>, %arg6: memref<16xf32, #tpu.memory_space<hbm>>, %arg7: memref<10240x16xf32, #tpu.memory_space<hbm>>, %arg8: memref<2x10240x16xf32, #tpu.memory_space<hbm>>, %arg9: memref<327680x16xf32, #tpu.memory_space<hbm>>, %arg10: memref<40x256xi32, #tpu.memory_space<vmem>>, %arg11: memref<40x256xi32, #tpu.memory_space<vmem>>, %arg12: memref<256x16xf32, #tpu.memory_space<vmem>>, %arg13: memref<256x16xf32, #tpu.memory_space<vmem>>, %arg14: memref<256x16xf32, #tpu.memory_space<vmem>>, %arg15: memref<256x16xf32, #tpu.memory_space<vmem>>, %arg16: memref<256x16xf32, #tpu.memory_space<vmem>>, %arg17: memref<256x16xf32, #tpu.memory_space<vmem>>, %arg18: memref<16xf32, #tpu.memory_space<vmem>>, %arg19: memref<10240x16xf32, #tpu.memory_space<vmem_shared>>, %arg20: memref<!tpu.dma_semaphore, #tpu.memory_space<semaphore_mem>>, %arg21: memref<!tpu.dma_semaphore, #tpu.memory_space<semaphore_mem>>, %arg22: memref<!tpu.dma_semaphore, #tpu.memory_space<semaphore_mem>>, %arg23: memref<!tpu.dma_semaphore, #tpu.memory_space<semaphore_mem>>, %arg24: memref<!tpu.dma_semaphore, #tpu.memory_space<semaphore_mem>>, %arg25: memref<!tpu.dma_semaphore, #tpu.memory_space<semaphore_mem>>) attributes {dimension_semantics = [#tpu.dimension_semantics<core_parallel>, #tpu.dimension_semantics<subcore_parallel>], iteration_bounds = array<i64: 2, 16>, scalar_prefetch = 0 : i64, scratch_operands = 16 : i64, tpu.core_type = #tpu.core_type<sc_vector_subcore>, window_params = [{transform_indices = #map}, {transform_indices = #map}, {transform_indices = #map}, {transform_indices = #map}, {transform_indices = #map1}, {transform_indices = #map}, {transform_indices = #map2}, {transform_indices = #map}]} {
    %mul3A = arith.constant 16 : i32
    %mul3A_0 = arith.muli %arg0, %mul3A : i32
    %add3A = arith.addi %mul3A_0, %arg1 : i32
    %mul3A_1 = arith.constant 40 : i32
    %mul3A_2 = arith.muli %add3A, %mul3A_1 : i32
    "tpu.region"() ({
      %run_scoped3A = tpu.sem_alloc : memref<!tpu.dma_semaphore, #tpu.memory_space<semaphore_mem>>
      tpu.enqueue_dma source(%arg6 : memref<16xf32, #tpu.memory_space<hbm>>) target(%arg18 : memref<16xf32, #tpu.memory_space<vmem>>) target_semaphore(%run_scoped3A : memref<!tpu.dma_semaphore, #tpu.memory_space<semaphore_mem>>)
      tpu.wait_dma2 semaphore(%run_scoped3A : memref<!tpu.dma_semaphore, #tpu.memory_space<semaphore_mem>>) src(%arg6 : memref<16xf32, #tpu.memory_space<hbm>>) dst(%arg18 : memref<16xf32, #tpu.memory_space<vmem>>)
      tpu.yield
    }) : () -> ()
    %get3A = arith.constant 0 : index
    %get3A_3 = tpu.vector_load %arg18[%get3A] {strides = array<i32>} : memref<16xf32, #tpu.memory_space<vmem>>, vector<16xf32>,
    %mul3A_4 = arith.constant 640 : i32
    %mul3A_5 = arith.muli %arg1, %mul3A_4 : i32
    %mul3A_6 = arith.constant 640 : i32
    %mul3A_7 = arith.muli %arg1, %mul3A_6 : i32
    "tpu.region"() ({
      %run_scoped3A = tpu.sem_alloc : memref<!tpu.dma_semaphore, #tpu.memory_space<semaphore_mem>>
      %dma_start3A_71 = arith.constant 0 : i32
      %dma_start3A_72 = tpu.memref_slice %arg19[%mul3A_7, %dma_start3A_71] : memref<10240x16xf32, #tpu.memory_space<vmem_shared>> -> memref<640x16xf32, #tpu.memory_space<vmem_shared>>
      %dma_start3A_73 = arith.constant 0 : i32
      %dma_start3A_74 = tpu.memref_slice %arg7[%mul3A_5, %dma_start3A_73] : memref<10240x16xf32, #tpu.memory_space<hbm>> -> memref<640x16xf32, #tpu.memory_space<hbm>>
      tpu.enqueue_dma source(%dma_start3A_74 : memref<640x16xf32, #tpu.memory_space<hbm>>) target(%dma_start3A_72 : memref<640x16xf32, #tpu.memory_space<vmem_shared>>) target_semaphore(%run_scoped3A : memref<!tpu.dma_semaphore, #tpu.memory_space<semaphore_mem>>)
      %dma_wait3A_75 = arith.constant 0 : i32
      %dma_wait3A_76 = tpu.memref_slice %arg19[%mul3A_7, %dma_wait3A_75] : memref<10240x16xf32, #tpu.memory_space<vmem_shared>> -> memref<640x16xf32, #tpu.memory_space<vmem_shared>>
      %dma_wait3A_77 = arith.constant 0 : i32
      %dma_wait3A_78 = tpu.memref_slice %arg7[%mul3A_5, %dma_wait3A_77] : memref<10240x16xf32, #tpu.memory_space<hbm>> -> memref<640x16xf32, #tpu.memory_space<hbm>>
      tpu.wait_dma2 semaphore(%run_scoped3A : memref<!tpu.dma_semaphore, #tpu.memory_space<semaphore_mem>>) src(%dma_wait3A_78 : memref<640x16xf32, #tpu.memory_space<hbm>>) dst(%dma_wait3A_76 : memref<640x16xf32, #tpu.memory_space<vmem_shared>>)
      tpu.yield
    }) : () -> ()
    %mul3A_8 = arith.constant 40 : i32
    %mul3A_9 = arith.muli %add3A, %mul3A_8 : i32
    "tpu.region"() ({
      %run_scoped3A = tpu.sem_alloc : memref<!tpu.dma_semaphore, #tpu.memory_space<semaphore_mem>>
      %dma_start3A_71 = arith.constant 0 : i32
      %dma_start3A_72 = tpu.memref_slice %arg2[%mul3A_9, %dma_start3A_71] : memref<1280x256xi32, #tpu.memory_space<hbm>> -> memref<40x256xi32, #tpu.memory_space<hbm>>
      %dma_start3A_73 = arith.constant 0 : i32
      %dma_start3A_74 = tpu.memref_slice %arg2[%mul3A_9, %dma_start3A_73] : memref<1280x256xi32, #tpu.memory_space<hbm>> -> memref<40x256xi32, #tpu.memory_space<hbm>>
      tpu.enqueue_dma source(%dma_start3A_74 : memref<40x256xi32, #tpu.memory_space<hbm>>) target(%arg10 : memref<40x256xi32, #tpu.memory_space<vmem>>) target_semaphore(%run_scoped3A : memref<!tpu.dma_semaphore, #tpu.memory_space<semaphore_mem>>)
      %dma_wait3A_75 = arith.constant 0 : i32
      %dma_wait3A_76 = tpu.memref_slice %arg2[%mul3A_9, %dma_wait3A_75] : memref<1280x256xi32, #tpu.memory_space<hbm>> -> memref<40x256xi32, #tpu.memory_space<hbm>>
      %dma_wait3A_77 = arith.constant 0 : i32
      %dma_wait3A_78 = tpu.memref_slice %arg2[%mul3A_9, %dma_wait3A_77] : memref<1280x256xi32, #tpu.memory_space<hbm>> -> memref<40x256xi32, #tpu.memory_space<hbm>>
      tpu.wait_dma2 semaphore(%run_scoped3A : memref<!tpu.dma_semaphore, #tpu.memory_space<semaphore_mem>>) src(%dma_wait3A_78 : memref<40x256xi32, #tpu.memory_space<hbm>>) dst(%arg10 : memref<40x256xi32, #tpu.memory_space<vmem>>)
      tpu.yield
    }) : () -> ()
    %mul3A_10 = arith.constant 40 : i32
    %mul3A_11 = arith.muli %add3A, %mul3A_10 : i32
    "tpu.region"() ({
      %run_scoped3A = tpu.sem_alloc : memref<!tpu.dma_semaphore, #tpu.memory_space<semaphore_mem>>
      %dma_start3A_71 = arith.constant 0 : i32
      %dma_start3A_72 = tpu.memref_slice %arg3[%mul3A_11, %dma_start3A_71] : memref<1280x256xi32, #tpu.memory_space<hbm>> -> memref<40x256xi32, #tpu.memory_space<hbm>>
      %dma_start3A_73 = arith.constant 0 : i32
      %dma_start3A_74 = tpu.memref_slice %arg3[%mul3A_11, %dma_start3A_73] : memref<1280x256xi32, #tpu.memory_space<hbm>> -> memref<40x256xi32, #tpu.memory_space<hbm>>
      tpu.enqueue_dma source(%dma_start3A_74 : memref<40x256xi32, #tpu.memory_space<hbm>>) target(%arg11 : memref<40x256xi32, #tpu.memory_space<vmem>>) target_semaphore(%run_scoped3A : memref<!tpu.dma_semaphore, #tpu.memory_space<semaphore_mem>>)
      %dma_wait3A_75 = arith.constant 0 : i32
      %dma_wait3A_76 = tpu.memref_slice %arg3[%mul3A_11, %dma_wait3A_75] : memref<1280x256xi32, #tpu.memory_space<hbm>> -> memref<40x256xi32, #tpu.memory_space<hbm>>
      %dma_wait3A_77 = arith.constant 0 : i32
      %dma_wait3A_78 = tpu.memref_slice %arg3[%mul3A_11, %dma_wait3A_77] : memref<1280x256xi32, #tpu.memory_space<hbm>> -> memref<40x256xi32, #tpu.memory_space<hbm>>
      tpu.wait_dma2 semaphore(%run_scoped3A : memref<!tpu.dma_semaphore, #tpu.memory_space<semaphore_mem>>) src(%dma_wait3A_78 : memref<40x256xi32, #tpu.memory_space<hbm>>) dst(%arg11 : memref<40x256xi32, #tpu.memory_space<vmem>>)
      tpu.yield
    }) : () -> ()
    %barrier3A = arith.constant 0 : index
    tpu.barrier barrier_id(%barrier3A)
    %dma_start3A = arith.constant 0 : i32
    %dma_start3A_12 = arith.constant 0 : i32
    %dma_start3A_13 = tpu.memref_slice %arg10[%dma_start3A, %dma_start3A_12] : memref<40x256xi32, #tpu.memory_space<vmem>> -> memref<1x256xi32, #tpu.memory_space<vmem>>
    %dma_start3A_14 = tpu.memref_squeeze %dma_start3A_13 : memref<1x256xi32, #tpu.memory_space<vmem>> -> memref<256xi32, #tpu.memory_space<vmem>>
    %dma_start3A_15 = arith.constant 0 : i32
    %dma_start3A_16 = arith.constant 0 : i32
    %dma_start3A_17 = tpu.memref_slice %arg4[%dma_start3A_15, %dma_start3A_16] : memref<10240x16xf32, #tpu.memory_space<hbm>> -> memref<10240x16xf32, #tpu.memory_space<hbm>>
    tpu.enqueue_indirect_dma source(%dma_start3A_17 : memref<10240x16xf32, #tpu.memory_space<hbm>>) target(%arg12 : memref<256x16xf32, #tpu.memory_space<vmem>>) offsets(%dma_start3A_14 : memref<256xi32, #tpu.memory_space<vmem>>) semaphore(%arg20 : memref<!tpu.dma_semaphore, #tpu.memory_space<semaphore_mem>>)
    %dma_start3A_18 = arith.constant 0 : i32
    %dma_start3A_19 = arith.constant 0 : i32
    %dma_start3A_20 = tpu.memref_slice %arg11[%dma_start3A_18, %dma_start3A_19] : memref<40x256xi32, #tpu.memory_space<vmem>> -> memref<1x256xi32, #tpu.memory_space<vmem>>
    %dma_start3A_21 = tpu.memref_squeeze %dma_start3A_20 : memref<1x256xi32, #tpu.memory_space<vmem>> -> memref<256xi32, #tpu.memory_space<vmem>>
    %dma_start3A_22 = arith.constant 0 : i32
    %dma_start3A_23 = arith.constant 0 : i32
    %dma_start3A_24 = tpu.memref_slice %arg5[%dma_start3A_22, %dma_start3A_23] : memref<10240x16xf32, #tpu.memory_space<hbm>> -> memref<10240x16xf32, #tpu.memory_space<hbm>>
    tpu.enqueue_indirect_dma source(%dma_start3A_24 : memref<10240x16xf32, #tpu.memory_space<hbm>>) target(%arg14 : memref<256x16xf32, #tpu.memory_space<vmem>>) offsets(%dma_start3A_21 : memref<256xi32, #tpu.memory_space<vmem>>) semaphore(%arg22 : memref<!tpu.dma_semaphore, #tpu.memory_space<semaphore_mem>>)
    %dma_start3A_25 = arith.constant 1 : i32
    %dma_start3A_26 = arith.constant 0 : i32
    %dma_start3A_27 = tpu.memref_slice %arg10[%dma_start3A_25, %dma_start3A_26] : memref<40x256xi32, #tpu.memory_space<vmem>> -> memref<1x256xi32, #tpu.memory_space<vmem>>
    %dma_start3A_28 = tpu.memref_squeeze %dma_start3A_27 : memref<1x256xi32, #tpu.memory_space<vmem>> -> memref<256xi32, #tpu.memory_space<vmem>>
    %dma_start3A_29 = arith.constant 0 : i32
    %dma_start3A_30 = arith.constant 0 : i32
    %dma_start3A_31 = tpu.memref_slice %arg4[%dma_start3A_29, %dma_start3A_30] : memref<10240x16xf32, #tpu.memory_space<hbm>> -> memref<10240x16xf32, #tpu.memory_space<hbm>>
    tpu.enqueue_indirect_dma source(%dma_start3A_31 : memref<10240x16xf32, #tpu.memory_space<hbm>>) target(%arg13 : memref<256x16xf32, #tpu.memory_space<vmem>>) offsets(%dma_start3A_28 : memref<256xi32, #tpu.memory_space<vmem>>) semaphore(%arg21 : memref<!tpu.dma_semaphore, #tpu.memory_space<semaphore_mem>>)
    %dma_start3A_32 = arith.constant 1 : i32
    %dma_start3A_33 = arith.constant 0 : i32
    %dma_start3A_34 = tpu.memref_slice %arg11[%dma_start3A_32, %dma_start3A_33] : memref<40x256xi32, #tpu.memory_space<vmem>> -> memref<1x256xi32, #tpu.memory_space<vmem>>
    %dma_start3A_35 = tpu.memref_squeeze %dma_start3A_34 : memref<1x256xi32, #tpu.memory_space<vmem>> -> memref<256xi32, #tpu.memory_space<vmem>>
    %dma_start3A_36 = arith.constant 0 : i32
    %dma_start3A_37 = arith.constant 0 : i32
    %dma_start3A_38 = tpu.memref_slice %arg5[%dma_start3A_36, %dma_start3A_37] : memref<10240x16xf32, #tpu.memory_space<hbm>> -> memref<10240x16xf32, #tpu.memory_space<hbm>>
    tpu.enqueue_indirect_dma source(%dma_start3A_38 : memref<10240x16xf32, #tpu.memory_space<hbm>>) target(%arg15 : memref<256x16xf32, #tpu.memory_space<vmem>>) offsets(%dma_start3A_35 : memref<256xi32, #tpu.memory_space<vmem>>) semaphore(%arg23 : memref<!tpu.dma_semaphore, #tpu.memory_space<semaphore_mem>>)
    %scan3A = arith.constant 0 : i32
    %scan3A_39 = arith.constant 0 : i32
    %scan3A_40 = arith.constant 20 : i32
    %scan3A_41 = arith.addi %scan3A_39, %scan3A_40 : i32
    %scan3A_42 = arith.constant 1 : i32
    scf.for %scan3A_71 = %scan3A_39 to %scan3A_41 step %scan3A_42  : i32 {
      %mul3A_72 = arith.constant 2 : i32
      %mul3A_73 = arith.muli %scan3A_71, %mul3A_72 : i32
      %add3A_74 = arith.constant 0 : i32
      %add3A_75 = arith.addi %mul3A_73, %add3A_74 : i32
      %dma_wait3A_76 = arith.constant 0 : i32
      %dma_wait3A_77 = tpu.memref_slice %arg10[%add3A_75, %dma_wait3A_76] : memref<40x256xi32, #tpu.memory_space<vmem>> -> memref<1x256xi32, #tpu.memory_space<vmem>>
      %dma_wait3A_78 = tpu.memref_squeeze %dma_wait3A_77 : memref<1x256xi32, #tpu.memory_space<vmem>> -> memref<256xi32, #tpu.memory_space<vmem>>
      %dma_wait3A_79 = arith.constant 0 : i32
      %dma_wait3A_80 = arith.constant 0 : i32
      %dma_wait3A_81 = tpu.memref_slice %arg4[%dma_wait3A_79, %dma_wait3A_80] : memref<10240x16xf32, #tpu.memory_space<hbm>> -> memref<10240x16xf32, #tpu.memory_space<hbm>>
      tpu.wait_indirect_dma semaphore(%arg20 : memref<!tpu.dma_semaphore, #tpu.memory_space<semaphore_mem>>) src(%dma_wait3A_81 : memref<10240x16xf32, #tpu.memory_space<hbm>>) dst(%arg12 : memref<256x16xf32, #tpu.memory_space<vmem>>)
      %dma_wait3A_82 = arith.constant 0 : i32
      %dma_wait3A_83 = tpu.memref_slice %arg11[%add3A_75, %dma_wait3A_82] : memref<40x256xi32, #tpu.memory_space<vmem>> -> memref<1x256xi32, #tpu.memory_space<vmem>>
      %dma_wait3A_84 = tpu.memref_squeeze %dma_wait3A_83 : memref<1x256xi32, #tpu.memory_space<vmem>> -> memref<256xi32, #tpu.memory_space<vmem>>
      %dma_wait3A_85 = arith.constant 0 : i32
      %dma_wait3A_86 = arith.constant 0 : i32
      %dma_wait3A_87 = tpu.memref_slice %arg5[%dma_wait3A_85, %dma_wait3A_86] : memref<10240x16xf32, #tpu.memory_space<hbm>> -> memref<10240x16xf32, #tpu.memory_space<hbm>>
      tpu.wait_indirect_dma semaphore(%arg22 : memref<!tpu.dma_semaphore, #tpu.memory_space<semaphore_mem>>) src(%dma_wait3A_87 : memref<10240x16xf32, #tpu.memory_space<hbm>>) dst(%arg14 : memref<256x16xf32, #tpu.memory_space<vmem>>)
      %ge3A = arith.constant 2 : i32
      %ge3A_88 = arith.cmpi sge, %add3A_75, %ge3A : i32
      %convert_element_type3A = arith.extui %ge3A_88 : i1 to i32
      %cond3A = arith.constant 0 : i32
      %cond3A_89 = arith.cmpi ne, %convert_element_type3A, %cond3A : i32
      scf.if %cond3A_89 {
        %add3A_143 = arith.addi %mul3A_2, %add3A_75 : i32
        %sub3A_144 = arith.constant 2 : i32
        %sub3A_145 = arith.subi %add3A_143, %sub3A_144 : i32
        %mul3A_146 = arith.constant 256 : i32
        %mul3A_147 = arith.muli %sub3A_145, %mul3A_146 : i32
        %dma_wait3A_148 = arith.constant 0 : i32
        %dma_wait3A_149 = tpu.memref_slice %arg9[%mul3A_147, %dma_wait3A_148] : memref<327680x16xf32, #tpu.memory_space<hbm>> -> memref<256x16xf32, #tpu.memory_space<hbm>>
        %dma_wait3A_150 = arith.constant 0 : i32
        %dma_wait3A_151 = tpu.memref_slice %arg9[%mul3A_147, %dma_wait3A_150] : memref<327680x16xf32, #tpu.memory_space<hbm>> -> memref<256x16xf32, #tpu.memory_space<hbm>>
        tpu.wait_dma2 semaphore(%arg24 : memref<!tpu.dma_semaphore, #tpu.memory_space<semaphore_mem>>) src(%arg16 : memref<256x16xf32, #tpu.memory_space<vmem>>) dst(%dma_wait3A_151 : memref<256x16xf32, #tpu.memory_space<hbm>>)
      } else {
      }
      %parallel_loop3A = arith.constant 0 : i32
      %parallel_loop3A_90 = arith.constant 256 : i32
      %parallel_loop3A_91 = arith.constant 1 : i32
      scf.for %parallel_loop3A_143 = %parallel_loop3A to %parallel_loop3A_90 step %parallel_loop3A_91  : i32 {
        %parallel_loop3A_144 = arith.index_cast %parallel_loop3A_143 : i32 to index
        %parallel_loop3A_145 = arith.constant 0 : index
        %parallel_loop3A_146 = tpu.vector_load %arg12[%parallel_loop3A_144, %parallel_loop3A_145] {strides = array<i32>} : memref<256x16xf32, #tpu.memory_space<vmem>>, vector<16xf32>,
        %parallel_loop3A_147 = arith.index_cast %parallel_loop3A_143 : i32 to index
        %parallel_loop3A_148 = arith.constant 0 : index
        %parallel_loop3A_149 = tpu.vector_load %arg14[%parallel_loop3A_147, %parallel_loop3A_148] {strides = array<i32>} : memref<256x16xf32, #tpu.memory_space<vmem>>, vector<16xf32>,
        %parallel_loop3A_150 = arith.addf %parallel_loop3A_146, %parallel_loop3A_149 : vector<16xf32>
        %parallel_loop3A_151 = arith.constant 2.000000e-01 : f32
        %parallel_loop3A_152 = vector.broadcast %parallel_loop3A_151 : f32 to vector<16xf32>
        %parallel_loop3A_153 = arith.mulf %parallel_loop3A_152, %parallel_loop3A_150 : vector<16xf32>
        %parallel_loop3A_154 = arith.maximumf %parallel_loop3A_150, %parallel_loop3A_153 : vector<16xf32>
        %parallel_loop3A_155 = arith.subf %parallel_loop3A_154, %get3A_3 : vector<16xf32>
        %parallel_loop3A_156 = math.exp %parallel_loop3A_155 : vector<16xf32>
        %parallel_loop3A_157 = arith.index_cast %parallel_loop3A_143 : i32 to index
        %parallel_loop3A_158 = arith.constant 0 : index
        %parallel_loop3A_159 = tpu.vector_load %arg16[%parallel_loop3A_157, %parallel_loop3A_158] {strides = array<i32>} : memref<256x16xf32, #tpu.memory_space<vmem>>, vector<16xf32>,
        tpu.vector_store %arg16[%parallel_loop3A_157, %parallel_loop3A_158], %parallel_loop3A_156 {strides = array<i32>} : memref<256x16xf32, #tpu.memory_space<vmem>>, vector<16xf32>,
      } {sc.loop_unroll_factor = 4 : i64, sc.parallel_access}
      "tpu.region"() ({
        %run_scoped3A = tpu.sem_alloc : memref<!tpu.dma_semaphore, #tpu.memory_space<semaphore_mem>>
        %dma_start3A_143 = arith.constant 0 : i32
        %dma_start3A_144 = tpu.memref_slice %arg11[%add3A_75, %dma_start3A_143] : memref<40x256xi32, #tpu.memory_space<vmem>> -> memref<1x256xi32, #tpu.memory_space<vmem>>
        %dma_start3A_145 = tpu.memref_squeeze %dma_start3A_144 : memref<1x256xi32, #tpu.memory_space<vmem>> -> memref<256xi32, #tpu.memory_space<vmem>>
        %dma_start3A_146 = arith.constant 0 : i32
        %dma_start3A_147 = arith.constant 0 : i32
        %dma_start3A_148 = tpu.memref_slice %arg19[%dma_start3A_146, %dma_start3A_147] : memref<10240x16xf32, #tpu.memory_space<vmem_shared>> -> memref<10240x16xf32, #tpu.memory_space<vmem_shared>>
        tpu.enqueue_indirect_dma source(%arg16 : memref<256x16xf32, #tpu.memory_space<vmem>>) target(%dma_start3A_148 : memref<10240x16xf32, #tpu.memory_space<vmem_shared>>) offsets(%dma_start3A_145 : memref<256xi32, #tpu.memory_space<vmem>>) semaphore(%run_scoped3A : memref<!tpu.dma_semaphore, #tpu.memory_space<semaphore_mem>>) {add = true}
        %dma_wait3A_149 = arith.constant 0 : i32
        %dma_wait3A_150 = tpu.memref_slice %arg11[%add3A_75, %dma_wait3A_149] : memref<40x256xi32, #tpu.memory_space<vmem>> -> memref<1x256xi32, #tpu.memory_space<vmem>>
        %dma_wait3A_151 = tpu.memref_squeeze %dma_wait3A_150 : memref<1x256xi32, #tpu.memory_space<vmem>> -> memref<256xi32, #tpu.memory_space<vmem>>
        %dma_wait3A_152 = arith.constant 0 : i32
        %dma_wait3A_153 = arith.constant 0 : i32
        %dma_wait3A_154 = tpu.memref_slice %arg19[%dma_wait3A_152, %dma_wait3A_153] : memref<10240x16xf32, #tpu.memory_space<vmem_shared>> -> memref<10240x16xf32, #tpu.memory_space<vmem_shared>>
        tpu.wait_indirect_dma semaphore(%run_scoped3A : memref<!tpu.dma_semaphore, #tpu.memory_space<semaphore_mem>>) src(%arg16 : memref<256x16xf32, #tpu.memory_space<vmem>>) dst(%dma_wait3A_154 : memref<10240x16xf32, #tpu.memory_space<vmem_shared>>)
        tpu.yield
      }) : () -> ()
      %add3A_92 = arith.addi %mul3A_2, %add3A_75 : i32
      %mul3A_93 = arith.constant 256 : i32
      %mul3A_94 = arith.muli %add3A_92, %mul3A_93 : i32
      %dma_start3A_95 = arith.constant 0 : i32
      %dma_start3A_96 = tpu.memref_slice %arg9[%mul3A_94, %dma_start3A_95] : memref<327680x16xf32, #tpu.memory_space<hbm>> -> memref<256x16xf32, #tpu.memory_space<hbm>>
      %dma_start3A_97 = arith.constant 0 : i32
      %dma_start3A_98 = tpu.memref_slice %arg9[%mul3A_94, %dma_start3A_97] : memref<327680x16xf32, #tpu.memory_space<hbm>> -> memref<256x16xf32, #tpu.memory_space<hbm>>
      tpu.enqueue_dma source(%arg16 : memref<256x16xf32, #tpu.memory_space<vmem>>) target(%dma_start3A_98 : memref<256x16xf32, #tpu.memory_space<hbm>>) target_semaphore(%arg24 : memref<!tpu.dma_semaphore, #tpu.memory_space<semaphore_mem>>)
      %add3A_99 = arith.constant 2 : i32
      %add3A_100 = arith.addi %add3A_75, %add3A_99 : i32
      %lt3A = arith.constant 40 : i32
      %lt3A_101 = arith.cmpi slt, %add3A_100, %lt3A : i32
      %convert_element_type3A_102 = arith.extui %lt3A_101 : i1 to i32
      %cond3A_103 = arith.constant 0 : i32
      %cond3A_104 = arith.cmpi ne, %convert_element_type3A_102, %cond3A_103 : i32
      scf.if %cond3A_104 {
        %add3A_143 = arith.constant 2 : i32
        %add3A_144 = arith.addi %add3A_75, %add3A_143 : i32
        %dma_start3A_145 = arith.constant 0 : i32
        %dma_start3A_146 = tpu.memref_slice %arg10[%add3A_144, %dma_start3A_145] : memref<40x256xi32, #tpu.memory_space<vmem>> -> memref<1x256xi32, #tpu.memory_space<vmem>>
        %dma_start3A_147 = tpu.memref_squeeze %dma_start3A_146 : memref<1x256xi32, #tpu.memory_space<vmem>> -> memref<256xi32, #tpu.memory_space<vmem>>
        %dma_start3A_148 = arith.constant 0 : i32
        %dma_start3A_149 = arith.constant 0 : i32
        %dma_start3A_150 = tpu.memref_slice %arg4[%dma_start3A_148, %dma_start3A_149] : memref<10240x16xf32, #tpu.memory_space<hbm>> -> memref<10240x16xf32, #tpu.memory_space<hbm>>
        tpu.enqueue_indirect_dma source(%dma_start3A_150 : memref<10240x16xf32, #tpu.memory_space<hbm>>) target(%arg12 : memref<256x16xf32, #tpu.memory_space<vmem>>) offsets(%dma_start3A_147 : memref<256xi32, #tpu.memory_space<vmem>>) semaphore(%arg20 : memref<!tpu.dma_semaphore, #tpu.memory_space<semaphore_mem>>)
        %add3A_151 = arith.constant 2 : i32
        %add3A_152 = arith.addi %add3A_75, %add3A_151 : i32
        %dma_start3A_153 = arith.constant 0 : i32
        %dma_start3A_154 = tpu.memref_slice %arg11[%add3A_152, %dma_start3A_153] : memref<40x256xi32, #tpu.memory_space<vmem>> -> memref<1x256xi32, #tpu.memory_space<vmem>>
        %dma_start3A_155 = tpu.memref_squeeze %dma_start3A_154 : memref<1x256xi32, #tpu.memory_space<vmem>> -> memref<256xi32, #tpu.memory_space<vmem>>
        %dma_start3A_156 = arith.constant 0 : i32
        %dma_start3A_157 = arith.constant 0 : i32
        %dma_start3A_158 = tpu.memref_slice %arg5[%dma_start3A_156, %dma_start3A_157] : memref<10240x16xf32, #tpu.memory_space<hbm>> -> memref<10240x16xf32, #tpu.memory_space<hbm>>
        tpu.enqueue_indirect_dma source(%dma_start3A_158 : memref<10240x16xf32, #tpu.memory_space<hbm>>) target(%arg14 : memref<256x16xf32, #tpu.memory_space<vmem>>) offsets(%dma_start3A_155 : memref<256xi32, #tpu.memory_space<vmem>>) semaphore(%arg22 : memref<!tpu.dma_semaphore, #tpu.memory_space<semaphore_mem>>)
      } else {
      }
      %mul3A_105 = arith.constant 2 : i32
      %mul3A_106 = arith.muli %scan3A_71, %mul3A_105 : i32
      %add3A_107 = arith.constant 1 : i32
      %add3A_108 = arith.addi %mul3A_106, %add3A_107 : i32
      %dma_wait3A_109 = arith.constant 0 : i32
      %dma_wait3A_110 = tpu.memref_slice %arg10[%add3A_108, %dma_wait3A_109] : memref<40x256xi32, #tpu.memory_space<vmem>> -> memref<1x256xi32, #tpu.memory_space<vmem>>
      %dma_wait3A_111 = tpu.memref_squeeze %dma_wait3A_110 : memref<1x256xi32, #tpu.memory_space<vmem>> -> memref<256xi32, #tpu.memory_space<vmem>>
      %dma_wait3A_112 = arith.constant 0 : i32
      %dma_wait3A_113 = arith.constant 0 : i32
      %dma_wait3A_114 = tpu.memref_slice %arg4[%dma_wait3A_112, %dma_wait3A_113] : memref<10240x16xf32, #tpu.memory_space<hbm>> -> memref<10240x16xf32, #tpu.memory_space<hbm>>
      tpu.wait_indirect_dma semaphore(%arg21 : memref<!tpu.dma_semaphore, #tpu.memory_space<semaphore_mem>>) src(%dma_wait3A_114 : memref<10240x16xf32, #tpu.memory_space<hbm>>) dst(%arg13 : memref<256x16xf32, #tpu.memory_space<vmem>>)
      %dma_wait3A_115 = arith.constant 0 : i32
      %dma_wait3A_116 = tpu.memref_slice %arg11[%add3A_108, %dma_wait3A_115] : memref<40x256xi32, #tpu.memory_space<vmem>> -> memref<1x256xi32, #tpu.memory_space<vmem>>
      %dma_wait3A_117 = tpu.memref_squeeze %dma_wait3A_116 : memref<1x256xi32, #tpu.memory_space<vmem>> -> memref<256xi32, #tpu.memory_space<vmem>>
      %dma_wait3A_118 = arith.constant 0 : i32
      %dma_wait3A_119 = arith.constant 0 : i32
      %dma_wait3A_120 = tpu.memref_slice %arg5[%dma_wait3A_118, %dma_wait3A_119] : memref<10240x16xf32, #tpu.memory_space<hbm>> -> memref<10240x16xf32, #tpu.memory_space<hbm>>
      tpu.wait_indirect_dma semaphore(%arg23 : memref<!tpu.dma_semaphore, #tpu.memory_space<semaphore_mem>>) src(%dma_wait3A_120 : memref<10240x16xf32, #tpu.memory_space<hbm>>) dst(%arg15 : memref<256x16xf32, #tpu.memory_space<vmem>>)
      %ge3A_121 = arith.constant 2 : i32
      %ge3A_122 = arith.cmpi sge, %add3A_108, %ge3A_121 : i32
      %convert_element_type3A_123 = arith.extui %ge3A_122 : i1 to i32
      %cond3A_124 = arith.constant 0 : i32
      %cond3A_125 = arith.cmpi ne, %convert_element_type3A_123, %cond3A_124 : i32
      scf.if %cond3A_125 {
        %add3A_143 = arith.addi %mul3A_2, %add3A_108 : i32
        %sub3A_144 = arith.constant 2 : i32
        %sub3A_145 = arith.subi %add3A_143, %sub3A_144 : i32
        %mul3A_146 = arith.constant 256 : i32
        %mul3A_147 = arith.muli %sub3A_145, %mul3A_146 : i32
        %dma_wait3A_148 = arith.constant 0 : i32
        %dma_wait3A_149 = tpu.memref_slice %arg9[%mul3A_147, %dma_wait3A_148] : memref<327680x16xf32, #tpu.memory_space<hbm>> -> memref<256x16xf32, #tpu.memory_space<hbm>>
        %dma_wait3A_150 = arith.constant 0 : i32
        %dma_wait3A_151 = tpu.memref_slice %arg9[%mul3A_147, %dma_wait3A_150] : memref<327680x16xf32, #tpu.memory_space<hbm>> -> memref<256x16xf32, #tpu.memory_space<hbm>>
        tpu.wait_dma2 semaphore(%arg25 : memref<!tpu.dma_semaphore, #tpu.memory_space<semaphore_mem>>) src(%arg17 : memref<256x16xf32, #tpu.memory_space<vmem>>) dst(%dma_wait3A_151 : memref<256x16xf32, #tpu.memory_space<hbm>>)
      } else {
      }
      %parallel_loop3A_126 = arith.constant 0 : i32
      %parallel_loop3A_127 = arith.constant 256 : i32
      %parallel_loop3A_128 = arith.constant 1 : i32
      scf.for %parallel_loop3A_143 = %parallel_loop3A_126 to %parallel_loop3A_127 step %parallel_loop3A_128  : i32 {
        %parallel_loop3A_144 = arith.index_cast %parallel_loop3A_143 : i32 to index
        %parallel_loop3A_145 = arith.constant 0 : index
        %parallel_loop3A_146 = tpu.vector_load %arg13[%parallel_loop3A_144, %parallel_loop3A_145] {strides = array<i32>} : memref<256x16xf32, #tpu.memory_space<vmem>>, vector<16xf32>,
        %parallel_loop3A_147 = arith.index_cast %parallel_loop3A_143 : i32 to index
        %parallel_loop3A_148 = arith.constant 0 : index
        %parallel_loop3A_149 = tpu.vector_load %arg15[%parallel_loop3A_147, %parallel_loop3A_148] {strides = array<i32>} : memref<256x16xf32, #tpu.memory_space<vmem>>, vector<16xf32>,
        %parallel_loop3A_150 = arith.addf %parallel_loop3A_146, %parallel_loop3A_149 : vector<16xf32>
        %parallel_loop3A_151 = arith.constant 2.000000e-01 : f32
        %parallel_loop3A_152 = vector.broadcast %parallel_loop3A_151 : f32 to vector<16xf32>
        %parallel_loop3A_153 = arith.mulf %parallel_loop3A_152, %parallel_loop3A_150 : vector<16xf32>
        %parallel_loop3A_154 = arith.maximumf %parallel_loop3A_150, %parallel_loop3A_153 : vector<16xf32>
        %parallel_loop3A_155 = arith.subf %parallel_loop3A_154, %get3A_3 : vector<16xf32>
        %parallel_loop3A_156 = math.exp %parallel_loop3A_155 : vector<16xf32>
        %parallel_loop3A_157 = arith.index_cast %parallel_loop3A_143 : i32 to index
        %parallel_loop3A_158 = arith.constant 0 : index
        %parallel_loop3A_159 = tpu.vector_load %arg17[%parallel_loop3A_157, %parallel_loop3A_158] {strides = array<i32>} : memref<256x16xf32, #tpu.memory_space<vmem>>, vector<16xf32>,
        tpu.vector_store %arg17[%parallel_loop3A_157, %parallel_loop3A_158], %parallel_loop3A_156 {strides = array<i32>} : memref<256x16xf32, #tpu.memory_space<vmem>>, vector<16xf32>,
      } {sc.loop_unroll_factor = 4 : i64, sc.parallel_access}
      "tpu.region"() ({
        %run_scoped3A = tpu.sem_alloc : memref<!tpu.dma_semaphore, #tpu.memory_space<semaphore_mem>>
        %dma_start3A_143 = arith.constant 0 : i32
        %dma_start3A_144 = tpu.memref_slice %arg11[%add3A_108, %dma_start3A_143] : memref<40x256xi32, #tpu.memory_space<vmem>> -> memref<1x256xi32, #tpu.memory_space<vmem>>
        %dma_start3A_145 = tpu.memref_squeeze %dma_start3A_144 : memref<1x256xi32, #tpu.memory_space<vmem>> -> memref<256xi32, #tpu.memory_space<vmem>>
        %dma_start3A_146 = arith.constant 0 : i32
        %dma_start3A_147 = arith.constant 0 : i32
        %dma_start3A_148 = tpu.memref_slice %arg19[%dma_start3A_146, %dma_start3A_147] : memref<10240x16xf32, #tpu.memory_space<vmem_shared>> -> memref<10240x16xf32, #tpu.memory_space<vmem_shared>>
        tpu.enqueue_indirect_dma source(%arg17 : memref<256x16xf32, #tpu.memory_space<vmem>>) target(%dma_start3A_148 : memref<10240x16xf32, #tpu.memory_space<vmem_shared>>) offsets(%dma_start3A_145 : memref<256xi32, #tpu.memory_space<vmem>>) semaphore(%run_scoped3A : memref<!tpu.dma_semaphore, #tpu.memory_space<semaphore_mem>>) {add = true}
        %dma_wait3A_149 = arith.constant 0 : i32
        %dma_wait3A_150 = tpu.memref_slice %arg11[%add3A_108, %dma_wait3A_149] : memref<40x256xi32, #tpu.memory_space<vmem>> -> memref<1x256xi32, #tpu.memory_space<vmem>>
        %dma_wait3A_151 = tpu.memref_squeeze %dma_wait3A_150 : memref<1x256xi32, #tpu.memory_space<vmem>> -> memref<256xi32, #tpu.memory_space<vmem>>
        %dma_wait3A_152 = arith.constant 0 : i32
        %dma_wait3A_153 = arith.constant 0 : i32
        %dma_wait3A_154 = tpu.memref_slice %arg19[%dma_wait3A_152, %dma_wait3A_153] : memref<10240x16xf32, #tpu.memory_space<vmem_shared>> -> memref<10240x16xf32, #tpu.memory_space<vmem_shared>>
        tpu.wait_indirect_dma semaphore(%run_scoped3A : memref<!tpu.dma_semaphore, #tpu.memory_space<semaphore_mem>>) src(%arg17 : memref<256x16xf32, #tpu.memory_space<vmem>>) dst(%dma_wait3A_154 : memref<10240x16xf32, #tpu.memory_space<vmem_shared>>)
        tpu.yield
      }) : () -> ()
      %add3A_129 = arith.addi %mul3A_2, %add3A_108 : i32
      %mul3A_130 = arith.constant 256 : i32
      %mul3A_131 = arith.muli %add3A_129, %mul3A_130 : i32
      %dma_start3A_132 = arith.constant 0 : i32
      %dma_start3A_133 = tpu.memref_slice %arg9[%mul3A_131, %dma_start3A_132] : memref<327680x16xf32, #tpu.memory_space<hbm>> -> memref<256x16xf32, #tpu.memory_space<hbm>>
      %dma_start3A_134 = arith.constant 0 : i32
      %dma_start3A_135 = tpu.memref_slice %arg9[%mul3A_131, %dma_start3A_134] : memref<327680x16xf32, #tpu.memory_space<hbm>> -> memref<256x16xf32, #tpu.memory_space<hbm>>
      tpu.enqueue_dma source(%arg17 : memref<256x16xf32, #tpu.memory_space<vmem>>) target(%dma_start3A_135 : memref<256x16xf32, #tpu.memory_space<hbm>>) target_semaphore(%arg25 : memref<!tpu.dma_semaphore, #tpu.memory_space<semaphore_mem>>)
      %add3A_136 = arith.constant 2 : i32
      %add3A_137 = arith.addi %add3A_108, %add3A_136 : i32
      %lt3A_138 = arith.constant 40 : i32
      %lt3A_139 = arith.cmpi slt, %add3A_137, %lt3A_138 : i32
      %convert_element_type3A_140 = arith.extui %lt3A_139 : i1 to i32
      %cond3A_141 = arith.constant 0 : i32
      %cond3A_142 = arith.cmpi ne, %convert_element_type3A_140, %cond3A_141 : i32
      scf.if %cond3A_142 {
        %add3A_143 = arith.constant 2 : i32
        %add3A_144 = arith.addi %add3A_108, %add3A_143 : i32
        %dma_start3A_145 = arith.constant 0 : i32
        %dma_start3A_146 = tpu.memref_slice %arg10[%add3A_144, %dma_start3A_145] : memref<40x256xi32, #tpu.memory_space<vmem>> -> memref<1x256xi32, #tpu.memory_space<vmem>>
        %dma_start3A_147 = tpu.memref_squeeze %dma_start3A_146 : memref<1x256xi32, #tpu.memory_space<vmem>> -> memref<256xi32, #tpu.memory_space<vmem>>
        %dma_start3A_148 = arith.constant 0 : i32
        %dma_start3A_149 = arith.constant 0 : i32
        %dma_start3A_150 = tpu.memref_slice %arg4[%dma_start3A_148, %dma_start3A_149] : memref<10240x16xf32, #tpu.memory_space<hbm>> -> memref<10240x16xf32, #tpu.memory_space<hbm>>
        tpu.enqueue_indirect_dma source(%dma_start3A_150 : memref<10240x16xf32, #tpu.memory_space<hbm>>) target(%arg13 : memref<256x16xf32, #tpu.memory_space<vmem>>) offsets(%dma_start3A_147 : memref<256xi32, #tpu.memory_space<vmem>>) semaphore(%arg21 : memref<!tpu.dma_semaphore, #tpu.memory_space<semaphore_mem>>)
        %add3A_151 = arith.constant 2 : i32
        %add3A_152 = arith.addi %add3A_108, %add3A_151 : i32
        %dma_start3A_153 = arith.constant 0 : i32
        %dma_start3A_154 = tpu.memref_slice %arg11[%add3A_152, %dma_start3A_153] : memref<40x256xi32, #tpu.memory_space<vmem>> -> memref<1x256xi32, #tpu.memory_space<vmem>>
        %dma_start3A_155 = tpu.memref_squeeze %dma_start3A_154 : memref<1x256xi32, #tpu.memory_space<vmem>> -> memref<256xi32, #tpu.memory_space<vmem>>
        %dma_start3A_156 = arith.constant 0 : i32
        %dma_start3A_157 = arith.constant 0 : i32
        %dma_start3A_158 = tpu.memref_slice %arg5[%dma_start3A_156, %dma_start3A_157] : memref<10240x16xf32, #tpu.memory_space<hbm>> -> memref<10240x16xf32, #tpu.memory_space<hbm>>
        tpu.enqueue_indirect_dma source(%dma_start3A_158 : memref<10240x16xf32, #tpu.memory_space<hbm>>) target(%arg15 : memref<256x16xf32, #tpu.memory_space<vmem>>) offsets(%dma_start3A_155 : memref<256xi32, #tpu.memory_space<vmem>>) semaphore(%arg23 : memref<!tpu.dma_semaphore, #tpu.memory_space<semaphore_mem>>)
      } else {
      }
    }
    %scan3A_43 = arith.constant 20 : i32
    %add3A_44 = arith.constant 40 : i32
    %add3A_45 = arith.addi %mul3A_2, %add3A_44 : i32
    %sub3A = arith.constant 2 : i32
    %sub3A_46 = arith.subi %add3A_45, %sub3A : i32
    %add3A_47 = arith.constant 0 : i32
    %add3A_48 = arith.addi %sub3A_46, %add3A_47 : i32
    %mul3A_49 = arith.constant 256 : i32
    %mul3A_50 = arith.muli %add3A_48, %mul3A_49 : i32
    %dma_wait3A = arith.constant 0 : i32
    %dma_wait3A_51 = tpu.memref_slice %arg9[%mul3A_50, %dma_wait3A] : memref<327680x16xf32, #tpu.memory_space<hbm>> -> memref<256x16xf32, #tpu.memory_space<hbm>>
    %dma_wait3A_52 = arith.constant 0 : i32
    %dma_wait3A_53 = tpu.memref_slice %arg9[%mul3A_50, %dma_wait3A_52] : memref<327680x16xf32, #tpu.memory_space<hbm>> -> memref<256x16xf32, #tpu.memory_space<hbm>>
    tpu.wait_dma2 semaphore(%arg24 : memref<!tpu.dma_semaphore, #tpu.memory_space<semaphore_mem>>) src(%arg16 : memref<256x16xf32, #tpu.memory_space<vmem>>) dst(%dma_wait3A_53 : memref<256x16xf32, #tpu.memory_space<hbm>>)
    %add3A_54 = arith.constant 40 : i32
    %add3A_55 = arith.addi %mul3A_2, %add3A_54 : i32
    %sub3A_56 = arith.constant 2 : i32
    %sub3A_57 = arith.subi %add3A_55, %sub3A_56 : i32
    %add3A_58 = arith.constant 1 : i32
    %add3A_59 = arith.addi %sub3A_57, %add3A_58 : i32
    %mul3A_60 = arith.constant 256 : i32
    %mul3A_61 = arith.muli %add3A_59, %mul3A_60 : i32
    %dma_wait3A_62 = arith.constant 0 : i32
    %dma_wait3A_63 = tpu.memref_slice %arg9[%mul3A_61, %dma_wait3A_62] : memref<327680x16xf32, #tpu.memory_space<hbm>> -> memref<256x16xf32, #tpu.memory_space<hbm>>
    %dma_wait3A_64 = arith.constant 0 : i32
    %dma_wait3A_65 = tpu.memref_slice %arg9[%mul3A_61, %dma_wait3A_64] : memref<327680x16xf32, #tpu.memory_space<hbm>> -> memref<256x16xf32, #tpu.memory_space<hbm>>
    tpu.wait_dma2 semaphore(%arg25 : memref<!tpu.dma_semaphore, #tpu.memory_space<semaphore_mem>>) src(%arg17 : memref<256x16xf32, #tpu.memory_space<vmem>>) dst(%dma_wait3A_65 : memref<256x16xf32, #tpu.memory_space<hbm>>)
    %barrier3A_66 = arith.constant 0 : index
    tpu.barrier barrier_id(%barrier3A_66)
    %mul3A_67 = arith.constant 640 : i32
    %mul3A_68 = arith.muli %arg1, %mul3A_67 : i32
    %mul3A_69 = arith.constant 640 : i32
    %mul3A_70 = arith.muli %arg1, %mul3A_69 : i32
    "tpu.region"() ({
      %run_scoped3A = tpu.sem_alloc : memref<!tpu.dma_semaphore, #tpu.memory_space<semaphore_mem>>
      %dma_start3A_71 = arith.constant 0 : i32
      %dma_start3A_72 = tpu.memref_slice %arg8[%arg0, %mul3A_70, %dma_start3A_71] : memref<2x10240x16xf32, #tpu.memory_space<hbm>> -> memref<1x640x16xf32, #tpu.memory_space<hbm>>
      %dma_start3A_73 = tpu.memref_squeeze %dma_start3A_72 : memref<1x640x16xf32, #tpu.memory_space<hbm>> -> memref<640x16xf32, #tpu.memory_space<hbm>>
      %dma_start3A_74 = arith.constant 0 : i32
      %dma_start3A_75 = tpu.memref_slice %arg19[%mul3A_68, %dma_start3A_74] : memref<10240x16xf32, #tpu.memory_space<vmem_shared>> -> memref<640x16xf32, #tpu.memory_space<vmem_shared>>
      tpu.enqueue_dma source(%dma_start3A_75 : memref<640x16xf32, #tpu.memory_space<vmem_shared>>) target(%dma_start3A_73 : memref<640x16xf32, #tpu.memory_space<hbm>>) target_semaphore(%run_scoped3A : memref<!tpu.dma_semaphore, #tpu.memory_space<semaphore_mem>>)
      %dma_wait3A_76 = arith.constant 0 : i32
      %dma_wait3A_77 = tpu.memref_slice %arg8[%arg0, %mul3A_70, %dma_wait3A_76] : memref<2x10240x16xf32, #tpu.memory_space<hbm>> -> memref<1x640x16xf32, #tpu.memory_space<hbm>>
      %dma_wait3A_78 = tpu.memref_squeeze %dma_wait3A_77 : memref<1x640x16xf32, #tpu.memory_space<hbm>> -> memref<640x16xf32, #tpu.memory_space<hbm>>
      %dma_wait3A_79 = arith.constant 0 : i32
      %dma_wait3A_80 = tpu.memref_slice %arg19[%mul3A_68, %dma_wait3A_79] : memref<10240x16xf32, #tpu.memory_space<vmem_shared>> -> memref<640x16xf32, #tpu.memory_space<vmem_shared>>
      tpu.wait_dma2 semaphore(%run_scoped3A : memref<!tpu.dma_semaphore, #tpu.memory_space<semaphore_mem>>) src(%dma_wait3A_80 : memref<640x16xf32, #tpu.memory_space<vmem_shared>>) dst(%dma_wait3A_78 : memref<640x16xf32, #tpu.memory_space<hbm>>)
      tpu.yield
    }) : () -> ()
    return
  }
}

#map = affine_map<(d0, d1) -> (0, 0)>
#map1 = affine_map<(d0, d1) -> (0)>
module attributes {stable_mosaic.version = 14 : i64} {
  func.func @_sc2_pass1(%arg0: i32, %arg1: i32, %arg2: memref<2560x128xi32, #tpu.memory_space<hbm>>, %arg3: memref<2560x128xi32, #tpu.memory_space<hbm>>, %arg4: memref<10240xf32, #tpu.memory_space<hbm>>, %arg5: memref<10240xf32, #tpu.memory_space<hbm>>, %arg6: memref<16xf32, #tpu.memory_space<hbm>>, %arg7: memref<10240xf32, #tpu.memory_space<hbm>>, %arg8: memref<2x10240xf32, #tpu.memory_space<hbm>>, %arg9: memref<2560x128xf32, #tpu.memory_space<hbm>>, %arg10: memref<80x128xi32, #tpu.memory_space<vmem>>, %arg11: memref<80x128xi32, #tpu.memory_space<vmem>>, %arg12: memref<80x128xf32, #tpu.memory_space<vmem>>, %arg13: memref<10240xf32, #tpu.memory_space<vmem>>, %arg14: memref<10240xf32, #tpu.memory_space<vmem>>, %arg15: memref<16xf32, #tpu.memory_space<vmem>>, %arg16: memref<10240xf32, #tpu.memory_space<vmem_shared>>) attributes {dimension_semantics = [#tpu.dimension_semantics<core_parallel>, #tpu.dimension_semantics<subcore_parallel>], iteration_bounds = array<i64: 2, 16>, scalar_prefetch = 0 : i64, scratch_operands = 7 : i64, tpu.core_type = #tpu.core_type<sc_vector_subcore>, window_params = [{transform_indices = #map}, {transform_indices = #map}, {transform_indices = #map1}, {transform_indices = #map1}, {transform_indices = #map1}, {transform_indices = #map1}, {transform_indices = #map}, {transform_indices = #map}]} {
    %mul3A = arith.constant 16 : i32
    %mul3A_0 = arith.muli %arg0, %mul3A : i32
    %add3A = arith.addi %mul3A_0, %arg1 : i32
    "tpu.region"() ({
      %run_scoped3A = tpu.sem_alloc : memref<!tpu.dma_semaphore, #tpu.memory_space<semaphore_mem>>
      tpu.enqueue_dma source(%arg6 : memref<16xf32, #tpu.memory_space<hbm>>) target(%arg15 : memref<16xf32, #tpu.memory_space<vmem>>) target_semaphore(%run_scoped3A : memref<!tpu.dma_semaphore, #tpu.memory_space<semaphore_mem>>)
      tpu.wait_dma2 semaphore(%run_scoped3A : memref<!tpu.dma_semaphore, #tpu.memory_space<semaphore_mem>>) src(%arg6 : memref<16xf32, #tpu.memory_space<hbm>>) dst(%arg15 : memref<16xf32, #tpu.memory_space<vmem>>)
      tpu.yield
    }) : () -> ()
    %get3A = arith.constant 0 : index
    %get3A_1 = tpu.vector_load %arg15[%get3A] {strides = array<i32>} : memref<16xf32, #tpu.memory_space<vmem>>, vector<16xf32>,
    "tpu.region"() ({
      %run_scoped3A = tpu.sem_alloc : memref<!tpu.dma_semaphore, #tpu.memory_space<semaphore_mem>>
      tpu.enqueue_dma source(%arg4 : memref<10240xf32, #tpu.memory_space<hbm>>) target(%arg13 : memref<10240xf32, #tpu.memory_space<vmem>>) target_semaphore(%run_scoped3A : memref<!tpu.dma_semaphore, #tpu.memory_space<semaphore_mem>>)
      tpu.wait_dma2 semaphore(%run_scoped3A : memref<!tpu.dma_semaphore, #tpu.memory_space<semaphore_mem>>) src(%arg4 : memref<10240xf32, #tpu.memory_space<hbm>>) dst(%arg13 : memref<10240xf32, #tpu.memory_space<vmem>>)
      tpu.yield
    }) : () -> ()
    "tpu.region"() ({
      %run_scoped3A = tpu.sem_alloc : memref<!tpu.dma_semaphore, #tpu.memory_space<semaphore_mem>>
      tpu.enqueue_dma source(%arg5 : memref<10240xf32, #tpu.memory_space<hbm>>) target(%arg14 : memref<10240xf32, #tpu.memory_space<vmem>>) target_semaphore(%run_scoped3A : memref<!tpu.dma_semaphore, #tpu.memory_space<semaphore_mem>>)
      tpu.wait_dma2 semaphore(%run_scoped3A : memref<!tpu.dma_semaphore, #tpu.memory_space<semaphore_mem>>) src(%arg5 : memref<10240xf32, #tpu.memory_space<hbm>>) dst(%arg14 : memref<10240xf32, #tpu.memory_space<vmem>>)
      tpu.yield
    }) : () -> ()
    %mul3A_2 = arith.constant 640 : i32
    %mul3A_3 = arith.muli %arg1, %mul3A_2 : i32
    %mul3A_4 = arith.constant 640 : i32
    %mul3A_5 = arith.muli %arg1, %mul3A_4 : i32
    "tpu.region"() ({
      %run_scoped3A = tpu.sem_alloc : memref<!tpu.dma_semaphore, #tpu.memory_space<semaphore_mem>>
      %dma_start3A = tpu.memref_slice %arg16[%mul3A_5] : memref<10240xf32, #tpu.memory_space<vmem_shared>> -> memref<640xf32, #tpu.memory_space<vmem_shared>>
      %dma_start3A_22 = tpu.memref_slice %arg7[%mul3A_3] : memref<10240xf32, #tpu.memory_space<hbm>> -> memref<640xf32, #tpu.memory_space<hbm>>
      tpu.enqueue_dma source(%dma_start3A_22 : memref<640xf32, #tpu.memory_space<hbm>>) target(%dma_start3A : memref<640xf32, #tpu.memory_space<vmem_shared>>) target_semaphore(%run_scoped3A : memref<!tpu.dma_semaphore, #tpu.memory_space<semaphore_mem>>)
      %dma_wait3A = tpu.memref_slice %arg16[%mul3A_5] : memref<10240xf32, #tpu.memory_space<vmem_shared>> -> memref<640xf32, #tpu.memory_space<vmem_shared>>
      %dma_wait3A_23 = tpu.memref_slice %arg7[%mul3A_3] : memref<10240xf32, #tpu.memory_space<hbm>> -> memref<640xf32, #tpu.memory_space<hbm>>
      tpu.wait_dma2 semaphore(%run_scoped3A : memref<!tpu.dma_semaphore, #tpu.memory_space<semaphore_mem>>) src(%dma_wait3A_23 : memref<640xf32, #tpu.memory_space<hbm>>) dst(%dma_wait3A : memref<640xf32, #tpu.memory_space<vmem_shared>>)
      tpu.yield
    }) : () -> ()
    %mul3A_6 = arith.constant 80 : i32
    %mul3A_7 = arith.muli %add3A, %mul3A_6 : i32
    "tpu.region"() ({
      %run_scoped3A = tpu.sem_alloc : memref<!tpu.dma_semaphore, #tpu.memory_space<semaphore_mem>>
      %dma_start3A = arith.constant 0 : i32
      %dma_start3A_22 = tpu.memref_slice %arg2[%mul3A_7, %dma_start3A] : memref<2560x128xi32, #tpu.memory_space<hbm>> -> memref<80x128xi32, #tpu.memory_space<hbm>>
      %dma_start3A_23 = arith.constant 0 : i32
      %dma_start3A_24 = tpu.memref_slice %arg2[%mul3A_7, %dma_start3A_23] : memref<2560x128xi32, #tpu.memory_space<hbm>> -> memref<80x128xi32, #tpu.memory_space<hbm>>
      tpu.enqueue_dma source(%dma_start3A_24 : memref<80x128xi32, #tpu.memory_space<hbm>>) target(%arg10 : memref<80x128xi32, #tpu.memory_space<vmem>>) target_semaphore(%run_scoped3A : memref<!tpu.dma_semaphore, #tpu.memory_space<semaphore_mem>>)
      %dma_wait3A = arith.constant 0 : i32
      %dma_wait3A_25 = tpu.memref_slice %arg2[%mul3A_7, %dma_wait3A] : memref<2560x128xi32, #tpu.memory_space<hbm>> -> memref<80x128xi32, #tpu.memory_space<hbm>>
      %dma_wait3A_26 = arith.constant 0 : i32
      %dma_wait3A_27 = tpu.memref_slice %arg2[%mul3A_7, %dma_wait3A_26] : memref<2560x128xi32, #tpu.memory_space<hbm>> -> memref<80x128xi32, #tpu.memory_space<hbm>>
      tpu.wait_dma2 semaphore(%run_scoped3A : memref<!tpu.dma_semaphore, #tpu.memory_space<semaphore_mem>>) src(%dma_wait3A_27 : memref<80x128xi32, #tpu.memory_space<hbm>>) dst(%arg10 : memref<80x128xi32, #tpu.memory_space<vmem>>)
      tpu.yield
    }) : () -> ()
    %mul3A_8 = arith.constant 80 : i32
    %mul3A_9 = arith.muli %add3A, %mul3A_8 : i32
    "tpu.region"() ({
      %run_scoped3A = tpu.sem_alloc : memref<!tpu.dma_semaphore, #tpu.memory_space<semaphore_mem>>
      %dma_start3A = arith.constant 0 : i32
      %dma_start3A_22 = tpu.memref_slice %arg3[%mul3A_9, %dma_start3A] : memref<2560x128xi32, #tpu.memory_space<hbm>> -> memref<80x128xi32, #tpu.memory_space<hbm>>
      %dma_start3A_23 = arith.constant 0 : i32
      %dma_start3A_24 = tpu.memref_slice %arg3[%mul3A_9, %dma_start3A_23] : memref<2560x128xi32, #tpu.memory_space<hbm>> -> memref<80x128xi32, #tpu.memory_space<hbm>>
      tpu.enqueue_dma source(%dma_start3A_24 : memref<80x128xi32, #tpu.memory_space<hbm>>) target(%arg11 : memref<80x128xi32, #tpu.memory_space<vmem>>) target_semaphore(%run_scoped3A : memref<!tpu.dma_semaphore, #tpu.memory_space<semaphore_mem>>)
      %dma_wait3A = arith.constant 0 : i32
      %dma_wait3A_25 = tpu.memref_slice %arg3[%mul3A_9, %dma_wait3A] : memref<2560x128xi32, #tpu.memory_space<hbm>> -> memref<80x128xi32, #tpu.memory_space<hbm>>
      %dma_wait3A_26 = arith.constant 0 : i32
      %dma_wait3A_27 = tpu.memref_slice %arg3[%mul3A_9, %dma_wait3A_26] : memref<2560x128xi32, #tpu.memory_space<hbm>> -> memref<80x128xi32, #tpu.memory_space<hbm>>
      tpu.wait_dma2 semaphore(%run_scoped3A : memref<!tpu.dma_semaphore, #tpu.memory_space<semaphore_mem>>) src(%dma_wait3A_27 : memref<80x128xi32, #tpu.memory_space<hbm>>) dst(%arg11 : memref<80x128xi32, #tpu.memory_space<vmem>>)
      tpu.yield
    }) : () -> ()
    %barrier3A = arith.constant 0 : index
    tpu.barrier barrier_id(%barrier3A)
    %scan3A = arith.constant 0 : i32
    %scan3A_10 = arith.constant 0 : i32
    %scan3A_11 = arith.constant 80 : i32
    %scan3A_12 = arith.addi %scan3A_10, %scan3A_11 : i32
    %scan3A_13 = arith.constant 1 : i32
    scf.for %scan3A_22 = %scan3A_10 to %scan3A_12 step %scan3A_13  : i32 {
      %parallel_loop3A = arith.constant 0 : i32
      %parallel_loop3A_23 = arith.constant 8 : i32
      %parallel_loop3A_24 = arith.constant 1 : i32
      scf.for %parallel_loop3A_25 = %parallel_loop3A to %parallel_loop3A_23 step %parallel_loop3A_24  : i32 {
        %parallel_loop3A_26 = arith.constant 16 : i32
        %parallel_loop3A_27 = arith.muli %parallel_loop3A_25, %parallel_loop3A_26 : i32
        %parallel_loop3A_28 = arith.index_cast %scan3A_22 : i32 to index
        %parallel_loop3A_29 = arith.index_cast %parallel_loop3A_27 : i32 to index
        %parallel_loop3A_30 = tpu.vector_load %arg10[%parallel_loop3A_28, %parallel_loop3A_29] {strides = array<i32>} : memref<80x128xi32, #tpu.memory_space<vmem>>, vector<16xi32>,
        %parallel_loop3A_31 = tpu.vector_load_idx %arg13[%parallel_loop3A_30] : memref<10240xf32, #tpu.memory_space<vmem>>[vector<16xi32>], vector<16xf32>,
        %parallel_loop3A_32 = arith.index_cast %scan3A_22 : i32 to index
        %parallel_loop3A_33 = arith.index_cast %parallel_loop3A_27 : i32 to index
        %parallel_loop3A_34 = tpu.vector_load %arg11[%parallel_loop3A_32, %parallel_loop3A_33] {strides = array<i32>} : memref<80x128xi32, #tpu.memory_space<vmem>>, vector<16xi32>,
        %parallel_loop3A_35 = tpu.vector_load_idx %arg14[%parallel_loop3A_34] : memref<10240xf32, #tpu.memory_space<vmem>>[vector<16xi32>], vector<16xf32>,
        %parallel_loop3A_36 = arith.addf %parallel_loop3A_31, %parallel_loop3A_35 : vector<16xf32>
        %parallel_loop3A_37 = arith.constant 2.000000e-01 : f32
        %parallel_loop3A_38 = vector.broadcast %parallel_loop3A_37 : f32 to vector<16xf32>
        %parallel_loop3A_39 = arith.mulf %parallel_loop3A_38, %parallel_loop3A_36 : vector<16xf32>
        %parallel_loop3A_40 = arith.maximumf %parallel_loop3A_36, %parallel_loop3A_39 : vector<16xf32>
        %parallel_loop3A_41 = arith.subf %parallel_loop3A_40, %get3A_1 : vector<16xf32>
        %parallel_loop3A_42 = math.exp %parallel_loop3A_41 : vector<16xf32>
        %parallel_loop3A_43 = arith.index_cast %scan3A_22 : i32 to index
        %parallel_loop3A_44 = arith.index_cast %parallel_loop3A_27 : i32 to index
        %parallel_loop3A_45 = tpu.vector_load %arg12[%parallel_loop3A_43, %parallel_loop3A_44] {strides = array<i32>} : memref<80x128xf32, #tpu.memory_space<vmem>>, vector<16xf32>,
        tpu.vector_store %arg12[%parallel_loop3A_43, %parallel_loop3A_44], %parallel_loop3A_42 {strides = array<i32>} : memref<80x128xf32, #tpu.memory_space<vmem>>, vector<16xf32>,
      } {sc.loop_unroll_factor = 4 : i64, sc.parallel_access}
      "tpu.region"() ({
        %run_scoped3A = tpu.sem_alloc : memref<!tpu.dma_semaphore, #tpu.memory_space<semaphore_mem>>
        %dma_start3A = arith.constant 0 : i32
        %dma_start3A_25 = tpu.memref_slice %arg12[%scan3A_22, %dma_start3A] : memref<80x128xf32, #tpu.memory_space<vmem>> -> memref<1x128xf32, #tpu.memory_space<vmem>>
        %dma_start3A_26 = tpu.memref_squeeze %dma_start3A_25 : memref<1x128xf32, #tpu.memory_space<vmem>> -> memref<128xf32, #tpu.memory_space<vmem>>
        %dma_start3A_27 = arith.constant 0 : i32
        %dma_start3A_28 = tpu.memref_slice %arg11[%scan3A_22, %dma_start3A_27] : memref<80x128xi32, #tpu.memory_space<vmem>> -> memref<1x128xi32, #tpu.memory_space<vmem>>
        %dma_start3A_29 = tpu.memref_squeeze %dma_start3A_28 : memref<1x128xi32, #tpu.memory_space<vmem>> -> memref<128xi32, #tpu.memory_space<vmem>>
        %dma_start3A_30 = arith.constant 0 : i32
        %dma_start3A_31 = tpu.memref_slice %arg16[%dma_start3A_30] : memref<10240xf32, #tpu.memory_space<vmem_shared>> -> memref<10240xf32, #tpu.memory_space<vmem_shared>>
        tpu.enqueue_indirect_dma source(%dma_start3A_26 : memref<128xf32, #tpu.memory_space<vmem>>) target(%dma_start3A_31 : memref<10240xf32, #tpu.memory_space<vmem_shared>>) offsets(%dma_start3A_29 : memref<128xi32, #tpu.memory_space<vmem>>) semaphore(%run_scoped3A : memref<!tpu.dma_semaphore, #tpu.memory_space<semaphore_mem>>) {add = true}
        %dma_wait3A = arith.constant 0 : i32
        %dma_wait3A_32 = tpu.memref_slice %arg12[%scan3A_22, %dma_wait3A] : memref<80x128xf32, #tpu.memory_space<vmem>> -> memref<1x128xf32, #tpu.memory_space<vmem>>
        %dma_wait3A_33 = tpu.memref_squeeze %dma_wait3A_32 : memref<1x128xf32, #tpu.memory_space<vmem>> -> memref<128xf32, #tpu.memory_space<vmem>>
        %dma_wait3A_34 = arith.constant 0 : i32
        %dma_wait3A_35 = tpu.memref_slice %arg11[%scan3A_22, %dma_wait3A_34] : memref<80x128xi32, #tpu.memory_space<vmem>> -> memref<1x128xi32, #tpu.memory_space<vmem>>
        %dma_wait3A_36 = tpu.memref_squeeze %dma_wait3A_35 : memref<1x128xi32, #tpu.memory_space<vmem>> -> memref<128xi32, #tpu.memory_space<vmem>>
        %dma_wait3A_37 = arith.constant 0 : i32
        %dma_wait3A_38 = tpu.memref_slice %arg16[%dma_wait3A_37] : memref<10240xf32, #tpu.memory_space<vmem_shared>> -> memref<10240xf32, #tpu.memory_space<vmem_shared>>
        tpu.wait_indirect_dma semaphore(%run_scoped3A : memref<!tpu.dma_semaphore, #tpu.memory_space<semaphore_mem>>) src(%dma_wait3A_33 : memref<128xf32, #tpu.memory_space<vmem>>) dst(%dma_wait3A_38 : memref<10240xf32, #tpu.memory_space<vmem_shared>>)
        tpu.yield
      }) : () -> ()
    }
    %scan3A_14 = arith.constant 80 : i32
    %mul3A_15 = arith.constant 80 : i32
    %mul3A_16 = arith.muli %add3A, %mul3A_15 : i32
    "tpu.region"() ({
      %run_scoped3A = tpu.sem_alloc : memref<!tpu.dma_semaphore, #tpu.memory_space<semaphore_mem>>
      %dma_start3A = arith.constant 0 : i32
      %dma_start3A_22 = tpu.memref_slice %arg9[%mul3A_16, %dma_start3A] : memref<2560x128xf32, #tpu.memory_space<hbm>> -> memref<80x128xf32, #tpu.memory_space<hbm>>
      %dma_start3A_23 = arith.constant 0 : i32
      %dma_start3A_24 = tpu.memref_slice %arg9[%mul3A_16, %dma_start3A_23] : memref<2560x128xf32, #tpu.memory_space<hbm>> -> memref<80x128xf32, #tpu.memory_space<hbm>>
      tpu.enqueue_dma source(%arg12 : memref<80x128xf32, #tpu.memory_space<vmem>>) target(%dma_start3A_24 : memref<80x128xf32, #tpu.memory_space<hbm>>) target_semaphore(%run_scoped3A : memref<!tpu.dma_semaphore, #tpu.memory_space<semaphore_mem>>)
      %dma_wait3A = arith.constant 0 : i32
      %dma_wait3A_25 = tpu.memref_slice %arg9[%mul3A_16, %dma_wait3A] : memref<2560x128xf32, #tpu.memory_space<hbm>> -> memref<80x128xf32, #tpu.memory_space<hbm>>
      %dma_wait3A_26 = arith.constant 0 : i32
      %dma_wait3A_27 = tpu.memref_slice %arg9[%mul3A_16, %dma_wait3A_26] : memref<2560x128xf32, #tpu.memory_space<hbm>> -> memref<80x128xf32, #tpu.memory_space<hbm>>
      tpu.wait_dma2 semaphore(%run_scoped3A : memref<!tpu.dma_semaphore, #tpu.memory_space<semaphore_mem>>) src(%arg12 : memref<80x128xf32, #tpu.memory_space<vmem>>) dst(%dma_wait3A_27 : memref<80x128xf32, #tpu.memory_space<hbm>>)
      tpu.yield
    }) : () -> ()
    %barrier3A_17 = arith.constant 0 : index
    tpu.barrier barrier_id(%barrier3A_17)
    %mul3A_18 = arith.constant 640 : i32
    %mul3A_19 = arith.muli %arg1, %mul3A_18 : i32
    %mul3A_20 = arith.constant 640 : i32
    %mul3A_21 = arith.muli %arg1, %mul3A_20 : i32
    "tpu.region"() ({
      %run_scoped3A = tpu.sem_alloc : memref<!tpu.dma_semaphore, #tpu.memory_space<semaphore_mem>>
      %dma_start3A = tpu.memref_slice %arg8[%arg0, %mul3A_21] : memref<2x10240xf32, #tpu.memory_space<hbm>> -> memref<1x640xf32, #tpu.memory_space<hbm>>
      %dma_start3A_22 = tpu.memref_squeeze %dma_start3A : memref<1x640xf32, #tpu.memory_space<hbm>> -> memref<640xf32, #tpu.memory_space<hbm>>
      %dma_start3A_23 = tpu.memref_slice %arg16[%mul3A_19] : memref<10240xf32, #tpu.memory_space<vmem_shared>> -> memref<640xf32, #tpu.memory_space<vmem_shared>>
      tpu.enqueue_dma source(%dma_start3A_23 : memref<640xf32, #tpu.memory_space<vmem_shared>>) target(%dma_start3A_22 : memref<640xf32, #tpu.memory_space<hbm>>) target_semaphore(%run_scoped3A : memref<!tpu.dma_semaphore, #tpu.memory_space<semaphore_mem>>)
      %dma_wait3A = tpu.memref_slice %arg8[%arg0, %mul3A_21] : memref<2x10240xf32, #tpu.memory_space<hbm>> -> memref<1x640xf32, #tpu.memory_space<hbm>>
      %dma_wait3A_24 = tpu.memref_squeeze %dma_wait3A : memref<1x640xf32, #tpu.memory_space<hbm>> -> memref<640xf32, #tpu.memory_space<hbm>>
      %dma_wait3A_25 = tpu.memref_slice %arg16[%mul3A_19] : memref<10240xf32, #tpu.memory_space<vmem_shared>> -> memref<640xf32, #tpu.memory_space<vmem_shared>>
      tpu.wait_dma2 semaphore(%run_scoped3A : memref<!tpu.dma_semaphore, #tpu.memory_space<semaphore_mem>>) src(%dma_wait3A_25 : memref<640xf32, #tpu.memory_space<vmem_shared>>) dst(%dma_wait3A_24 : memref<640xf32, #tpu.memory_space<hbm>>)
      tpu.yield
    }) : () -> ()
    return
  }
}

#map = affine_map<(d0, d1) -> (0, 0)>
#map1 = affine_map<(d0, d1) -> (0, 0, 0)>
module attributes {stable_mosaic.version = 14 : i64} {
  func.func @_sc1_pass2(%arg0: i32, %arg1: i32, %arg2: memref<2560x128xi32, #tpu.memory_space<hbm>>, %arg3: memref<2560x128xi32, #tpu.memory_space<hbm>>, %arg4: memref<327680x16xf32, #tpu.memory_space<hbm>>, %arg5: memref<10240x16xf32, #tpu.memory_space<hbm>>, %arg6: memref<10240x128xf32, #tpu.memory_space<hbm>>, %arg7: memref<10240x128xf32, #tpu.memory_space<hbm>>, %arg8: memref<2x10240x128xf32, #tpu.memory_space<hbm>>, %arg9: memref<1x128xi32, #tpu.memory_space<vmem>>, %arg10: memref<1x128xi32, #tpu.memory_space<vmem>>, %arg11: memref<1x128xi32, #tpu.memory_space<vmem>>, %arg12: memref<1x128xi32, #tpu.memory_space<vmem>>, %arg13: memref<128x16xf32, #tpu.memory_space<vmem>>, %arg14: memref<128x16xf32, #tpu.memory_space<vmem>>, %arg15: memref<128x16xf32, #tpu.memory_space<vmem>>, %arg16: memref<128x16xf32, #tpu.memory_space<vmem>>, %arg17: memref<128x128xf32, #tpu.memory_space<vmem>>, %arg18: memref<128x128xf32, #tpu.memory_space<vmem>>, %arg19: memref<10240x128xf32, #tpu.memory_space<vmem_shared>>, %arg20: memref<!tpu.dma_semaphore, #tpu.memory_space<semaphore_mem>>, %arg21: memref<!tpu.dma_semaphore, #tpu.memory_space<semaphore_mem>>, %arg22: memref<!tpu.dma_semaphore, #tpu.memory_space<semaphore_mem>>, %arg23: memref<!tpu.dma_semaphore, #tpu.memory_space<semaphore_mem>>, %arg24: memref<!tpu.dma_semaphore, #tpu.memory_space<semaphore_mem>>, %arg25: memref<!tpu.dma_semaphore, #tpu.memory_space<semaphore_mem>>, %arg26: memref<!tpu.dma_semaphore, #tpu.memory_space<semaphore_mem>>, %arg27: memref<!tpu.dma_semaphore, #tpu.memory_space<semaphore_mem>>, %arg28: memref<!tpu.dma_semaphore, #tpu.memory_space<semaphore_mem>>, %arg29: memref<!tpu.dma_semaphore, #tpu.memory_space<semaphore_mem>>) attributes {dimension_semantics = [#tpu.dimension_semantics<core_parallel>, #tpu.dimension_semantics<subcore_parallel>], iteration_bounds = array<i64: 2, 16>, scalar_prefetch = 0 : i64, scratch_operands = 21 : i64, tpu.core_type = #tpu.core_type<sc_vector_subcore>, window_params = [{transform_indices = #map}, {transform_indices = #map}, {transform_indices = #map}, {transform_indices = #map}, {transform_indices = #map}, {transform_indices = #map}, {transform_indices = #map1}]} {
    %mul3A = arith.constant 16 : i32
    %mul3A_0 = arith.muli %arg0, %mul3A : i32
    %add3A = arith.addi %mul3A_0, %arg1 : i32
    %mul3A_1 = arith.constant 80 : i32
    %mul3A_2 = arith.muli %add3A, %mul3A_1 : i32
    %iota3A = tpu.iota {dimensions = array<i32: 0>} : vector<16xi32>
    %jit3A = arith.constant 8 : i32
    %eq3A = arith.constant 0 : i32
    %eq3A_3 = arith.cmpi eq, %jit3A, %eq3A : i32
    %jit3A_4 = arith.constant 1 : i32
    %select_n3A = arith.select %eq3A_3, %jit3A_4, %jit3A : i32
    %rem3A = vector.broadcast %select_n3A : i32 to vector<16xi32>
    %rem3A_5 = arith.remsi %iota3A, %rem3A : vector<16xi32>
    %ne3A = arith.constant 0 : i32
    %ne3A_6 = vector.broadcast %ne3A : i32 to vector<16xi32>
    %ne3A_7 = arith.cmpi ne, %rem3A_5, %ne3A_6 : vector<16xi32>
    %lt3A = arith.constant 0 : i32
    %lt3A_8 = vector.broadcast %lt3A : i32 to vector<16xi32>
    %lt3A_9 = arith.cmpi slt, %rem3A_5, %lt3A_8 : vector<16xi32>
    %lt3A_10 = arith.constant 0 : i32
    %lt3A_11 = arith.cmpi slt, %select_n3A, %lt3A_10 : i32
    %ne3A_12 = vector.broadcast %lt3A_11 : i1 to vector<16xi1>
    %ne3A_13 = vector.broadcast %ne3A_12 : vector<16xi1> to vector<16xi1>
    %ne3A_14 = arith.xori %lt3A_9, %ne3A_13 : vector<16xi1>
    %and3A = arith.andi %ne3A_14, %ne3A_7 : vector<16xi1>
    %add3A_15 = vector.broadcast %select_n3A : i32 to vector<16xi32>
    %add3A_16 = arith.addi %rem3A_5, %add3A_15 : vector<16xi32>
    %select_n3A_17 = arith.select %and3A, %add3A_16, %rem3A_5 : vector<16xi1>, vector<16xi32>
    %mul3A_18 = arith.constant 640 : i32
    %mul3A_19 = arith.muli %arg1, %mul3A_18 : i32
    %mul3A_20 = arith.constant 640 : i32
    %mul3A_21 = arith.muli %arg1, %mul3A_20 : i32
    "tpu.region"() ({
      %run_scoped3A = tpu.sem_alloc : memref<!tpu.dma_semaphore, #tpu.memory_space<semaphore_mem>>
      %dma_start3A_96 = arith.constant 0 : i32
      %dma_start3A_97 = tpu.memref_slice %arg19[%mul3A_21, %dma_start3A_96] : memref<10240x128xf32, #tpu.memory_space<vmem_shared>> -> memref<640x128xf32, #tpu.memory_space<vmem_shared>>
      %dma_start3A_98 = arith.constant 0 : i32
      %dma_start3A_99 = tpu.memref_slice %arg7[%mul3A_19, %dma_start3A_98] : memref<10240x128xf32, #tpu.memory_space<hbm>> -> memref<640x128xf32, #tpu.memory_space<hbm>>
      tpu.enqueue_dma source(%dma_start3A_99 : memref<640x128xf32, #tpu.memory_space<hbm>>) target(%dma_start3A_97 : memref<640x128xf32, #tpu.memory_space<vmem_shared>>) target_semaphore(%run_scoped3A : memref<!tpu.dma_semaphore, #tpu.memory_space<semaphore_mem>>)
      %dma_wait3A_100 = arith.constant 0 : i32
      %dma_wait3A_101 = tpu.memref_slice %arg19[%mul3A_21, %dma_wait3A_100] : memref<10240x128xf32, #tpu.memory_space<vmem_shared>> -> memref<640x128xf32, #tpu.memory_space<vmem_shared>>
      %dma_wait3A_102 = arith.constant 0 : i32
      %dma_wait3A_103 = tpu.memref_slice %arg7[%mul3A_19, %dma_wait3A_102] : memref<10240x128xf32, #tpu.memory_space<hbm>> -> memref<640x128xf32, #tpu.memory_space<hbm>>
      tpu.wait_dma2 semaphore(%run_scoped3A : memref<!tpu.dma_semaphore, #tpu.memory_space<semaphore_mem>>) src(%dma_wait3A_103 : memref<640x128xf32, #tpu.memory_space<hbm>>) dst(%dma_wait3A_101 : memref<640x128xf32, #tpu.memory_space<vmem_shared>>)
      tpu.yield
    }) : () -> ()
    %barrier3A = arith.constant 0 : index
    tpu.barrier barrier_id(%barrier3A)
    %add3A_22 = arith.constant 0 : i32
    %add3A_23 = arith.addi %mul3A_2, %add3A_22 : i32
    %dma_start3A = arith.constant 0 : i32
    %dma_start3A_24 = tpu.memref_slice %arg2[%add3A_23, %dma_start3A] : memref<2560x128xi32, #tpu.memory_space<hbm>> -> memref<1x128xi32, #tpu.memory_space<hbm>>
    %dma_start3A_25 = arith.constant 0 : i32
    %dma_start3A_26 = tpu.memref_slice %arg2[%add3A_23, %dma_start3A_25] : memref<2560x128xi32, #tpu.memory_space<hbm>> -> memref<1x128xi32, #tpu.memory_space<hbm>>
    tpu.enqueue_dma source(%dma_start3A_26 : memref<1x128xi32, #tpu.memory_space<hbm>>) target(%arg9 : memref<1x128xi32, #tpu.memory_space<vmem>>) target_semaphore(%arg20 : memref<!tpu.dma_semaphore, #tpu.memory_space<semaphore_mem>>)
    %add3A_27 = arith.constant 0 : i32
    %add3A_28 = arith.addi %mul3A_2, %add3A_27 : i32
    %dma_start3A_29 = arith.constant 0 : i32
    %dma_start3A_30 = tpu.memref_slice %arg3[%add3A_28, %dma_start3A_29] : memref<2560x128xi32, #tpu.memory_space<hbm>> -> memref<1x128xi32, #tpu.memory_space<hbm>>
    %dma_start3A_31 = arith.constant 0 : i32
    %dma_start3A_32 = tpu.memref_slice %arg3[%add3A_28, %dma_start3A_31] : memref<2560x128xi32, #tpu.memory_space<hbm>> -> memref<1x128xi32, #tpu.memory_space<hbm>>
    tpu.enqueue_dma source(%dma_start3A_32 : memref<1x128xi32, #tpu.memory_space<hbm>>) target(%arg11 : memref<1x128xi32, #tpu.memory_space<vmem>>) target_semaphore(%arg22 : memref<!tpu.dma_semaphore, #tpu.memory_space<semaphore_mem>>)
    %add3A_33 = arith.constant 0 : i32
    %add3A_34 = arith.addi %mul3A_2, %add3A_33 : i32
    %mul3A_35 = arith.constant 128 : i32
    %mul3A_36 = arith.muli %add3A_34, %mul3A_35 : i32
    %dma_start3A_37 = arith.constant 0 : i32
    %dma_start3A_38 = tpu.memref_slice %arg4[%mul3A_36, %dma_start3A_37] : memref<327680x16xf32, #tpu.memory_space<hbm>> -> memref<128x16xf32, #tpu.memory_space<hbm>>
    %dma_start3A_39 = arith.constant 0 : i32
    %dma_start3A_40 = tpu.memref_slice %arg4[%mul3A_36, %dma_start3A_39] : memref<327680x16xf32, #tpu.memory_space<hbm>> -> memref<128x16xf32, #tpu.memory_space<hbm>>
    tpu.enqueue_dma source(%dma_start3A_40 : memref<128x16xf32, #tpu.memory_space<hbm>>) target(%arg13 : memref<128x16xf32, #tpu.memory_space<vmem>>) target_semaphore(%arg24 : memref<!tpu.dma_semaphore, #tpu.memory_space<semaphore_mem>>)
    %add3A_41 = arith.constant 1 : i32
    %add3A_42 = arith.addi %mul3A_2, %add3A_41 : i32
    %mul3A_43 = arith.constant 128 : i32
    %mul3A_44 = arith.muli %add3A_42, %mul3A_43 : i32
    %dma_start3A_45 = arith.constant 0 : i32
    %dma_start3A_46 = tpu.memref_slice %arg4[%mul3A_44, %dma_start3A_45] : memref<327680x16xf32, #tpu.memory_space<hbm>> -> memref<128x16xf32, #tpu.memory_space<hbm>>
    %dma_start3A_47 = arith.constant 0 : i32
    %dma_start3A_48 = tpu.memref_slice %arg4[%mul3A_44, %dma_start3A_47] : memref<327680x16xf32, #tpu.memory_space<hbm>> -> memref<128x16xf32, #tpu.memory_space<hbm>>
    tpu.enqueue_dma source(%dma_start3A_48 : memref<128x16xf32, #tpu.memory_space<hbm>>) target(%arg14 : memref<128x16xf32, #tpu.memory_space<vmem>>) target_semaphore(%arg25 : memref<!tpu.dma_semaphore, #tpu.memory_space<semaphore_mem>>)
    %add3A_49 = arith.constant 0 : i32
    %add3A_50 = arith.addi %mul3A_2, %add3A_49 : i32
    %dma_wait3A = arith.constant 0 : i32
    %dma_wait3A_51 = tpu.memref_slice %arg2[%add3A_50, %dma_wait3A] : memref<2560x128xi32, #tpu.memory_space<hbm>> -> memref<1x128xi32, #tpu.memory_space<hbm>>
    %dma_wait3A_52 = arith.constant 0 : i32
    %dma_wait3A_53 = tpu.memref_slice %arg2[%add3A_50, %dma_wait3A_52] : memref<2560x128xi32, #tpu.memory_space<hbm>> -> memref<1x128xi32, #tpu.memory_space<hbm>>
    tpu.wait_dma2 semaphore(%arg20 : memref<!tpu.dma_semaphore, #tpu.memory_space<semaphore_mem>>) src(%dma_wait3A_53 : memref<1x128xi32, #tpu.memory_space<hbm>>) dst(%arg9 : memref<1x128xi32, #tpu.memory_space<vmem>>)
    %add3A_54 = arith.constant 0 : i32
    %add3A_55 = arith.addi %mul3A_2, %add3A_54 : i32
    %dma_wait3A_56 = arith.constant 0 : i32
    %dma_wait3A_57 = tpu.memref_slice %arg3[%add3A_55, %dma_wait3A_56] : memref<2560x128xi32, #tpu.memory_space<hbm>> -> memref<1x128xi32, #tpu.memory_space<hbm>>
    %dma_wait3A_58 = arith.constant 0 : i32
    %dma_wait3A_59 = tpu.memref_slice %arg3[%add3A_55, %dma_wait3A_58] : memref<2560x128xi32, #tpu.memory_space<hbm>> -> memref<1x128xi32, #tpu.memory_space<hbm>>
    tpu.wait_dma2 semaphore(%arg22 : memref<!tpu.dma_semaphore, #tpu.memory_space<semaphore_mem>>) src(%dma_wait3A_59 : memref<1x128xi32, #tpu.memory_space<hbm>>) dst(%arg11 : memref<1x128xi32, #tpu.memory_space<vmem>>)
    %dma_start3A_60 = arith.constant 0 : i32
    %dma_start3A_61 = arith.constant 0 : i32
    %dma_start3A_62 = tpu.memref_slice %arg11[%dma_start3A_60, %dma_start3A_61] : memref<1x128xi32, #tpu.memory_space<vmem>> -> memref<1x128xi32, #tpu.memory_space<vmem>>
    %dma_start3A_63 = tpu.memref_squeeze %dma_start3A_62 : memref<1x128xi32, #tpu.memory_space<vmem>> -> memref<128xi32, #tpu.memory_space<vmem>>
    %dma_start3A_64 = arith.constant 0 : i32
    %dma_start3A_65 = arith.constant 0 : i32
    %dma_start3A_66 = tpu.memref_slice %arg5[%dma_start3A_64, %dma_start3A_65] : memref<10240x16xf32, #tpu.memory_space<hbm>> -> memref<10240x16xf32, #tpu.memory_space<hbm>>
    tpu.enqueue_indirect_dma source(%dma_start3A_66 : memref<10240x16xf32, #tpu.memory_space<hbm>>) target(%arg15 : memref<128x16xf32, #tpu.memory_space<vmem>>) offsets(%dma_start3A_63 : memref<128xi32, #tpu.memory_space<vmem>>) semaphore(%arg26 : memref<!tpu.dma_semaphore, #tpu.memory_space<semaphore_mem>>)
    %dma_start3A_67 = arith.constant 0 : i32
    %dma_start3A_68 = arith.constant 0 : i32
    %dma_start3A_69 = tpu.memref_slice %arg9[%dma_start3A_67, %dma_start3A_68] : memref<1x128xi32, #tpu.memory_space<vmem>> -> memref<1x128xi32, #tpu.memory_space<vmem>>
    %dma_start3A_70 = tpu.memref_squeeze %dma_start3A_69 : memref<1x128xi32, #tpu.memory_space<vmem>> -> memref<128xi32, #tpu.memory_space<vmem>>
    %dma_start3A_71 = arith.constant 0 : i32
    %dma_start3A_72 = arith.constant 0 : i32
    %dma_start3A_73 = tpu.memref_slice %arg6[%dma_start3A_71, %dma_start3A_72] : memref<10240x128xf32, #tpu.memory_space<hbm>> -> memref<10240x128xf32, #tpu.memory_space<hbm>>
    tpu.enqueue_indirect_dma source(%dma_start3A_73 : memref<10240x128xf32, #tpu.memory_space<hbm>>) target(%arg17 : memref<128x128xf32, #tpu.memory_space<vmem>>) offsets(%dma_start3A_70 : memref<128xi32, #tpu.memory_space<vmem>>) semaphore(%arg28 : memref<!tpu.dma_semaphore, #tpu.memory_space<semaphore_mem>>)
    %add3A_74 = arith.constant 1 : i32
    %add3A_75 = arith.addi %mul3A_2, %add3A_74 : i32
    %dma_start3A_76 = arith.constant 0 : i32
    %dma_start3A_77 = tpu.memref_slice %arg2[%add3A_75, %dma_start3A_76] : memref<2560x128xi32, #tpu.memory_space<hbm>> -> memref<1x128xi32, #tpu.memory_space<hbm>>
    %dma_start3A_78 = arith.constant 0 : i32
    %dma_start3A_79 = tpu.memref_slice %arg2[%add3A_75, %dma_start3A_78] : memref<2560x128xi32, #tpu.memory_space<hbm>> -> memref<1x128xi32, #tpu.memory_space<hbm>>
    tpu.enqueue_dma source(%dma_start3A_79 : memref<1x128xi32, #tpu.memory_space<hbm>>) target(%arg10 : memref<1x128xi32, #tpu.memory_space<vmem>>) target_semaphore(%arg21 : memref<!tpu.dma_semaphore, #tpu.memory_space<semaphore_mem>>)
    %add3A_80 = arith.constant 1 : i32
    %add3A_81 = arith.addi %mul3A_2, %add3A_80 : i32
    %dma_start3A_82 = arith.constant 0 : i32
    %dma_start3A_83 = tpu.memref_slice %arg3[%add3A_81, %dma_start3A_82] : memref<2560x128xi32, #tpu.memory_space<hbm>> -> memref<1x128xi32, #tpu.memory_space<hbm>>
    %dma_start3A_84 = arith.constant 0 : i32
    %dma_start3A_85 = tpu.memref_slice %arg3[%add3A_81, %dma_start3A_84] : memref<2560x128xi32, #tpu.memory_space<hbm>> -> memref<1x128xi32, #tpu.memory_space<hbm>>
    tpu.enqueue_dma source(%dma_start3A_85 : memref<1x128xi32, #tpu.memory_space<hbm>>) target(%arg12 : memref<1x128xi32, #tpu.memory_space<vmem>>) target_semaphore(%arg23 : memref<!tpu.dma_semaphore, #tpu.memory_space<semaphore_mem>>)
    %scan3A = arith.constant 0 : i32
    %scan3A_86 = arith.constant 0 : i32
    %scan3A_87 = arith.constant 40 : i32
    %scan3A_88 = arith.addi %scan3A_86, %scan3A_87 : i32
    %scan3A_89 = arith.constant 1 : i32
    scf.for %scan3A_96 = %scan3A_86 to %scan3A_88 step %scan3A_89  : i32 {
      %mul3A_97 = arith.constant 2 : i32
      %mul3A_98 = arith.muli %scan3A_96, %mul3A_97 : i32
      %add3A_99 = arith.constant 0 : i32
      %add3A_100 = arith.addi %mul3A_98, %add3A_99 : i32
      %add3A_101 = arith.constant 1 : i32
      %add3A_102 = arith.addi %add3A_100, %add3A_101 : i32
      %lt3A_103 = arith.constant 80 : i32
      %lt3A_104 = arith.cmpi slt, %add3A_102, %lt3A_103 : i32
      %convert_element_type3A = arith.extui %lt3A_104 : i1 to i32
      %cond3A = arith.constant 0 : i32
      %cond3A_105 = arith.cmpi ne, %convert_element_type3A, %cond3A : i32
      scf.if %cond3A_105 {
        %add3A_179 = arith.constant 1 : i32
        %add3A_180 = arith.addi %add3A_100, %add3A_179 : i32
        %add3A_181 = arith.addi %mul3A_2, %add3A_180 : i32
        %dma_wait3A_182 = arith.constant 0 : i32
        %dma_wait3A_183 = tpu.memref_slice %arg2[%add3A_181, %dma_wait3A_182] : memref<2560x128xi32, #tpu.memory_space<hbm>> -> memref<1x128xi32, #tpu.memory_space<hbm>>
        %dma_wait3A_184 = arith.constant 0 : i32
        %dma_wait3A_185 = tpu.memref_slice %arg2[%add3A_181, %dma_wait3A_184] : memref<2560x128xi32, #tpu.memory_space<hbm>> -> memref<1x128xi32, #tpu.memory_space<hbm>>
        tpu.wait_dma2 semaphore(%arg21 : memref<!tpu.dma_semaphore, #tpu.memory_space<semaphore_mem>>) src(%dma_wait3A_185 : memref<1x128xi32, #tpu.memory_space<hbm>>) dst(%arg10 : memref<1x128xi32, #tpu.memory_space<vmem>>)
        %add3A_186 = arith.addi %mul3A_2, %add3A_180 : i32
        %dma_wait3A_187 = arith.constant 0 : i32
        %dma_wait3A_188 = tpu.memref_slice %arg3[%add3A_186, %dma_wait3A_187] : memref<2560x128xi32, #tpu.memory_space<hbm>> -> memref<1x128xi32, #tpu.memory_space<hbm>>
        %dma_wait3A_189 = arith.constant 0 : i32
        %dma_wait3A_190 = tpu.memref_slice %arg3[%add3A_186, %dma_wait3A_189] : memref<2560x128xi32, #tpu.memory_space<hbm>> -> memref<1x128xi32, #tpu.memory_space<hbm>>
        tpu.wait_dma2 semaphore(%arg23 : memref<!tpu.dma_semaphore, #tpu.memory_space<semaphore_mem>>) src(%dma_wait3A_190 : memref<1x128xi32, #tpu.memory_space<hbm>>) dst(%arg12 : memref<1x128xi32, #tpu.memory_space<vmem>>)
        %dma_start3A_191 = arith.constant 0 : i32
        %dma_start3A_192 = arith.constant 0 : i32
        %dma_start3A_193 = tpu.memref_slice %arg12[%dma_start3A_191, %dma_start3A_192] : memref<1x128xi32, #tpu.memory_space<vmem>> -> memref<1x128xi32, #tpu.memory_space<vmem>>
        %dma_start3A_194 = tpu.memref_squeeze %dma_start3A_193 : memref<1x128xi32, #tpu.memory_space<vmem>> -> memref<128xi32, #tpu.memory_space<vmem>>
        %dma_start3A_195 = arith.constant 0 : i32
        %dma_start3A_196 = arith.constant 0 : i32
        %dma_start3A_197 = tpu.memref_slice %arg5[%dma_start3A_195, %dma_start3A_196] : memref<10240x16xf32, #tpu.memory_space<hbm>> -> memref<10240x16xf32, #tpu.memory_space<hbm>>
        tpu.enqueue_indirect_dma source(%dma_start3A_197 : memref<10240x16xf32, #tpu.memory_space<hbm>>) target(%arg16 : memref<128x16xf32, #tpu.memory_space<vmem>>) offsets(%dma_start3A_194 : memref<128xi32, #tpu.memory_space<vmem>>) semaphore(%arg27 : memref<!tpu.dma_semaphore, #tpu.memory_space<semaphore_mem>>)
        %dma_start3A_198 = arith.constant 0 : i32
        %dma_start3A_199 = arith.constant 0 : i32
        %dma_start3A_200 = tpu.memref_slice %arg10[%dma_start3A_198, %dma_start3A_199] : memref<1x128xi32, #tpu.memory_space<vmem>> -> memref<1x128xi32, #tpu.memory_space<vmem>>
        %dma_start3A_201 = tpu.memref_squeeze %dma_start3A_200 : memref<1x128xi32, #tpu.memory_space<vmem>> -> memref<128xi32, #tpu.memory_space<vmem>>
        %dma_start3A_202 = arith.constant 0 : i32
        %dma_start3A_203 = arith.constant 0 : i32
        %dma_start3A_204 = tpu.memref_slice %arg6[%dma_start3A_202, %dma_start3A_203] : memref<10240x128xf32, #tpu.memory_space<hbm>> -> memref<10240x128xf32, #tpu.memory_space<hbm>>
        tpu.enqueue_indirect_dma source(%dma_start3A_204 : memref<10240x128xf32, #tpu.memory_space<hbm>>) target(%arg18 : memref<128x128xf32, #tpu.memory_space<vmem>>) offsets(%dma_start3A_201 : memref<128xi32, #tpu.memory_space<vmem>>) semaphore(%arg29 : memref<!tpu.dma_semaphore, #tpu.memory_space<semaphore_mem>>)
      } else {
      }
      %add3A_106 = arith.addi %mul3A_2, %add3A_100 : i32
      %mul3A_107 = arith.constant 128 : i32
      %mul3A_108 = arith.muli %add3A_106, %mul3A_107 : i32
      %dma_wait3A_109 = arith.constant 0 : i32
      %dma_wait3A_110 = tpu.memref_slice %arg4[%mul3A_108, %dma_wait3A_109] : memref<327680x16xf32, #tpu.memory_space<hbm>> -> memref<128x16xf32, #tpu.memory_space<hbm>>
      %dma_wait3A_111 = arith.constant 0 : i32
      %dma_wait3A_112 = tpu.memref_slice %arg4[%mul3A_108, %dma_wait3A_111] : memref<327680x16xf32, #tpu.memory_space<hbm>> -> memref<128x16xf32, #tpu.memory_space<hbm>>
      tpu.wait_dma2 semaphore(%arg24 : memref<!tpu.dma_semaphore, #tpu.memory_space<semaphore_mem>>) src(%dma_wait3A_112 : memref<128x16xf32, #tpu.memory_space<hbm>>) dst(%arg13 : memref<128x16xf32, #tpu.memory_space<vmem>>)
      %dma_wait3A_113 = arith.constant 0 : i32
      %dma_wait3A_114 = arith.constant 0 : i32
      %dma_wait3A_115 = tpu.memref_slice %arg11[%dma_wait3A_113, %dma_wait3A_114] : memref<1x128xi32, #tpu.memory_space<vmem>> -> memref<1x128xi32, #tpu.memory_space<vmem>>
      %dma_wait3A_116 = tpu.memref_squeeze %dma_wait3A_115 : memref<1x128xi32, #tpu.memory_space<vmem>> -> memref<128xi32, #tpu.memory_space<vmem>>
      %dma_wait3A_117 = arith.constant 0 : i32
      %dma_wait3A_118 = arith.constant 0 : i32
      %dma_wait3A_119 = tpu.memref_slice %arg5[%dma_wait3A_117, %dma_wait3A_118] : memref<10240x16xf32, #tpu.memory_space<hbm>> -> memref<10240x16xf32, #tpu.memory_space<hbm>>
      tpu.wait_indirect_dma semaphore(%arg26 : memref<!tpu.dma_semaphore, #tpu.memory_space<semaphore_mem>>) src(%dma_wait3A_119 : memref<10240x16xf32, #tpu.memory_space<hbm>>) dst(%arg15 : memref<128x16xf32, #tpu.memory_space<vmem>>)
      %dma_wait3A_120 = arith.constant 0 : i32
      %dma_wait3A_121 = arith.constant 0 : i32
      %dma_wait3A_122 = tpu.memref_slice %arg9[%dma_wait3A_120, %dma_wait3A_121] : memref<1x128xi32, #tpu.memory_space<vmem>> -> memref<1x128xi32, #tpu.memory_space<vmem>>
      %dma_wait3A_123 = tpu.memref_squeeze %dma_wait3A_122 : memref<1x128xi32, #tpu.memory_space<vmem>> -> memref<128xi32, #tpu.memory_space<vmem>>
      %dma_wait3A_124 = arith.constant 0 : i32
      %dma_wait3A_125 = arith.constant 0 : i32
      %dma_wait3A_126 = tpu.memref_slice %arg6[%dma_wait3A_124, %dma_wait3A_125] : memref<10240x128xf32, #tpu.memory_space<hbm>> -> memref<10240x128xf32, #tpu.memory_space<hbm>>
      tpu.wait_indirect_dma semaphore(%arg28 : memref<!tpu.dma_semaphore, #tpu.memory_space<semaphore_mem>>) src(%dma_wait3A_126 : memref<10240x128xf32, #tpu.memory_space<hbm>>) dst(%arg17 : memref<128x128xf32, #tpu.memory_space<vmem>>)
      %parallel_loop3A = arith.constant 0 : i32
      %parallel_loop3A_127 = arith.constant 128 : i32
      %parallel_loop3A_128 = arith.constant 1 : i32
      scf.for %parallel_loop3A_179 = %parallel_loop3A to %parallel_loop3A_127 step %parallel_loop3A_128  : i32 {
        %parallel_loop3A_180 = arith.index_cast %parallel_loop3A_179 : i32 to index
        %parallel_loop3A_181 = arith.constant 0 : index
        %parallel_loop3A_182 = tpu.vector_load %arg13[%parallel_loop3A_180, %parallel_loop3A_181] {strides = array<i32>} : memref<128x16xf32, #tpu.memory_space<vmem>>, vector<16xf32>,
        %parallel_loop3A_183 = arith.index_cast %parallel_loop3A_179 : i32 to index
        %parallel_loop3A_184 = arith.constant 0 : index
        %parallel_loop3A_185 = tpu.vector_load %arg15[%parallel_loop3A_183, %parallel_loop3A_184] {strides = array<i32>} : memref<128x16xf32, #tpu.memory_space<vmem>>, vector<16xf32>,
        %parallel_loop3A_186 = arith.mulf %parallel_loop3A_182, %parallel_loop3A_185 : vector<16xf32>
        %parallel_loop3A_187 = vector.shape_cast %select_n3A_17 : vector<16xi32> to vector<16x1xi32>
        %parallel_loop3A_188 = vector.shape_cast %parallel_loop3A_187 : vector<16x1xi32> to vector<16xi32>
        %parallel_loop3A_189 = tpu.dynamic_gather %parallel_loop3A_186[%parallel_loop3A_188] in [0] : vector<16xf32>, vector<16xi32> -> vector<16xf32>
        %parallel_loop3A_190 = arith.index_cast %parallel_loop3A_179 : i32 to index
        %parallel_loop3A_191 = arith.constant 0 : index
        %parallel_loop3A_192 = tpu.vector_load %arg17[%parallel_loop3A_190, %parallel_loop3A_191] {strides = array<i32>} : memref<128x128xf32, #tpu.memory_space<vmem>>, vector<16xf32>,
        %parallel_loop3A_193 = arith.mulf %parallel_loop3A_192, %parallel_loop3A_189 : vector<16xf32>
        %parallel_loop3A_194 = arith.index_cast %parallel_loop3A_179 : i32 to index
        %parallel_loop3A_195 = arith.constant 0 : index
        %parallel_loop3A_196 = tpu.vector_load %arg17[%parallel_loop3A_194, %parallel_loop3A_195] {strides = array<i32>} : memref<128x128xf32, #tpu.memory_space<vmem>>, vector<16xf32>,
        tpu.vector_store %arg17[%parallel_loop3A_194, %parallel_loop3A_195], %parallel_loop3A_193 {strides = array<i32>} : memref<128x128xf32, #tpu.memory_space<vmem>>, vector<16xf32>,
        %parallel_loop3A_197 = arith.index_cast %parallel_loop3A_179 : i32 to index
        %parallel_loop3A_198 = arith.constant 16 : index
        %parallel_loop3A_199 = tpu.vector_load %arg17[%parallel_loop3A_197, %parallel_loop3A_198] {strides = array<i32>} : memref<128x128xf32, #tpu.memory_space<vmem>>, vector<16xf32>,
        %parallel_loop3A_200 = arith.mulf %parallel_loop3A_199, %parallel_loop3A_189 : vector<16xf32>
        %parallel_loop3A_201 = arith.index_cast %parallel_loop3A_179 : i32 to index
        %parallel_loop3A_202 = arith.constant 16 : index
        %parallel_loop3A_203 = tpu.vector_load %arg17[%parallel_loop3A_201, %parallel_loop3A_202] {strides = array<i32>} : memref<128x128xf32, #tpu.memory_space<vmem>>, vector<16xf32>,
        tpu.vector_store %arg17[%parallel_loop3A_201, %parallel_loop3A_202], %parallel_loop3A_200 {strides = array<i32>} : memref<128x128xf32, #tpu.memory_space<vmem>>, vector<16xf32>,
        %parallel_loop3A_204 = arith.index_cast %parallel_loop3A_179 : i32 to index
        %parallel_loop3A_205 = arith.constant 32 : index
        %parallel_loop3A_206 = tpu.vector_load %arg17[%parallel_loop3A_204, %parallel_loop3A_205] {strides = array<i32>} : memref<128x128xf32, #tpu.memory_space<vmem>>, vector<16xf32>,
        %parallel_loop3A_207 = arith.mulf %parallel_loop3A_206, %parallel_loop3A_189 : vector<16xf32>
        %parallel_loop3A_208 = arith.index_cast %parallel_loop3A_179 : i32 to index
        %parallel_loop3A_209 = arith.constant 32 : index
        %parallel_loop3A_210 = tpu.vector_load %arg17[%parallel_loop3A_208, %parallel_loop3A_209] {strides = array<i32>} : memref<128x128xf32, #tpu.memory_space<vmem>>, vector<16xf32>,
        tpu.vector_store %arg17[%parallel_loop3A_208, %parallel_loop3A_209], %parallel_loop3A_207 {strides = array<i32>} : memref<128x128xf32, #tpu.memory_space<vmem>>, vector<16xf32>,
        %parallel_loop3A_211 = arith.index_cast %parallel_loop3A_179 : i32 to index
        %parallel_loop3A_212 = arith.constant 48 : index
        %parallel_loop3A_213 = tpu.vector_load %arg17[%parallel_loop3A_211, %parallel_loop3A_212] {strides = array<i32>} : memref<128x128xf32, #tpu.memory_space<vmem>>, vector<16xf32>,
        %parallel_loop3A_214 = arith.mulf %parallel_loop3A_213, %parallel_loop3A_189 : vector<16xf32>
        %parallel_loop3A_215 = arith.index_cast %parallel_loop3A_179 : i32 to index
        %parallel_loop3A_216 = arith.constant 48 : index
        %parallel_loop3A_217 = tpu.vector_load %arg17[%parallel_loop3A_215, %parallel_loop3A_216] {strides = array<i32>} : memref<128x128xf32, #tpu.memory_space<vmem>>, vector<16xf32>,
        tpu.vector_store %arg17[%parallel_loop3A_215, %parallel_loop3A_216], %parallel_loop3A_214 {strides = array<i32>} : memref<128x128xf32, #tpu.memory_space<vmem>>, vector<16xf32>,
        %parallel_loop3A_218 = arith.index_cast %parallel_loop3A_179 : i32 to index
        %parallel_loop3A_219 = arith.constant 64 : index
        %parallel_loop3A_220 = tpu.vector_load %arg17[%parallel_loop3A_218, %parallel_loop3A_219] {strides = array<i32>} : memref<128x128xf32, #tpu.memory_space<vmem>>, vector<16xf32>,
        %parallel_loop3A_221 = arith.mulf %parallel_loop3A_220, %parallel_loop3A_189 : vector<16xf32>
        %parallel_loop3A_222 = arith.index_cast %parallel_loop3A_179 : i32 to index
        %parallel_loop3A_223 = arith.constant 64 : index
        %parallel_loop3A_224 = tpu.vector_load %arg17[%parallel_loop3A_222, %parallel_loop3A_223] {strides = array<i32>} : memref<128x128xf32, #tpu.memory_space<vmem>>, vector<16xf32>,
        tpu.vector_store %arg17[%parallel_loop3A_222, %parallel_loop3A_223], %parallel_loop3A_221 {strides = array<i32>} : memref<128x128xf32, #tpu.memory_space<vmem>>, vector<16xf32>,
        %parallel_loop3A_225 = arith.index_cast %parallel_loop3A_179 : i32 to index
        %parallel_loop3A_226 = arith.constant 80 : index
        %parallel_loop3A_227 = tpu.vector_load %arg17[%parallel_loop3A_225, %parallel_loop3A_226] {strides = array<i32>} : memref<128x128xf32, #tpu.memory_space<vmem>>, vector<16xf32>,
        %parallel_loop3A_228 = arith.mulf %parallel_loop3A_227, %parallel_loop3A_189 : vector<16xf32>
        %parallel_loop3A_229 = arith.index_cast %parallel_loop3A_179 : i32 to index
        %parallel_loop3A_230 = arith.constant 80 : index
        %parallel_loop3A_231 = tpu.vector_load %arg17[%parallel_loop3A_229, %parallel_loop3A_230] {strides = array<i32>} : memref<128x128xf32, #tpu.memory_space<vmem>>, vector<16xf32>,
        tpu.vector_store %arg17[%parallel_loop3A_229, %parallel_loop3A_230], %parallel_loop3A_228 {strides = array<i32>} : memref<128x128xf32, #tpu.memory_space<vmem>>, vector<16xf32>,
        %parallel_loop3A_232 = arith.index_cast %parallel_loop3A_179 : i32 to index
        %parallel_loop3A_233 = arith.constant 96 : index
        %parallel_loop3A_234 = tpu.vector_load %arg17[%parallel_loop3A_232, %parallel_loop3A_233] {strides = array<i32>} : memref<128x128xf32, #tpu.memory_space<vmem>>, vector<16xf32>,
        %parallel_loop3A_235 = arith.mulf %parallel_loop3A_234, %parallel_loop3A_189 : vector<16xf32>
        %parallel_loop3A_236 = arith.index_cast %parallel_loop3A_179 : i32 to index
        %parallel_loop3A_237 = arith.constant 96 : index
        %parallel_loop3A_238 = tpu.vector_load %arg17[%parallel_loop3A_236, %parallel_loop3A_237] {strides = array<i32>} : memref<128x128xf32, #tpu.memory_space<vmem>>, vector<16xf32>,
        tpu.vector_store %arg17[%parallel_loop3A_236, %parallel_loop3A_237], %parallel_loop3A_235 {strides = array<i32>} : memref<128x128xf32, #tpu.memory_space<vmem>>, vector<16xf32>,
        %parallel_loop3A_239 = arith.index_cast %parallel_loop3A_179 : i32 to index
        %parallel_loop3A_240 = arith.constant 112 : index
        %parallel_loop3A_241 = tpu.vector_load %arg17[%parallel_loop3A_239, %parallel_loop3A_240] {strides = array<i32>} : memref<128x128xf32, #tpu.memory_space<vmem>>, vector<16xf32>,
        %parallel_loop3A_242 = arith.mulf %parallel_loop3A_241, %parallel_loop3A_189 : vector<16xf32>
        %parallel_loop3A_243 = arith.index_cast %parallel_loop3A_179 : i32 to index
        %parallel_loop3A_244 = arith.constant 112 : index
        %parallel_loop3A_245 = tpu.vector_load %arg17[%parallel_loop3A_243, %parallel_loop3A_244] {strides = array<i32>} : memref<128x128xf32, #tpu.memory_space<vmem>>, vector<16xf32>,
        tpu.vector_store %arg17[%parallel_loop3A_243, %parallel_loop3A_244], %parallel_loop3A_242 {strides = array<i32>} : memref<128x128xf32, #tpu.memory_space<vmem>>, vector<16xf32>,
      } {sc.loop_unroll_factor = 2 : i64, sc.parallel_access}
      %run_scoped3A = arith.constant 0 : i32
      "tpu.region"() ({
        %run_scoped3A_179 = tpu.sem_alloc : memref<!tpu.dma_semaphore, #tpu.memory_space<semaphore_mem>>
        %dma_start3A_180 = arith.constant 0 : i32
        %dma_start3A_181 = tpu.memref_slice %arg11[%run_scoped3A, %dma_start3A_180] : memref<1x128xi32, #tpu.memory_space<vmem>> -> memref<1x128xi32, #tpu.memory_space<vmem>>
        %dma_start3A_182 = tpu.memref_squeeze %dma_start3A_181 : memref<1x128xi32, #tpu.memory_space<vmem>> -> memref<128xi32, #tpu.memory_space<vmem>>
        %dma_start3A_183 = arith.constant 0 : i32
        %dma_start3A_184 = arith.constant 0 : i32
        %dma_start3A_185 = tpu.memref_slice %arg19[%dma_start3A_183, %dma_start3A_184] : memref<10240x128xf32, #tpu.memory_space<vmem_shared>> -> memref<10240x128xf32, #tpu.memory_space<vmem_shared>>
        tpu.enqueue_indirect_dma source(%arg17 : memref<128x128xf32, #tpu.memory_space<vmem>>) target(%dma_start3A_185 : memref<10240x128xf32, #tpu.memory_space<vmem_shared>>) offsets(%dma_start3A_182 : memref<128xi32, #tpu.memory_space<vmem>>) semaphore(%run_scoped3A_179 : memref<!tpu.dma_semaphore, #tpu.memory_space<semaphore_mem>>) {add = true}
        %dma_wait3A_186 = arith.constant 0 : i32
        %dma_wait3A_187 = tpu.memref_slice %arg11[%run_scoped3A, %dma_wait3A_186] : memref<1x128xi32, #tpu.memory_space<vmem>> -> memref<1x128xi32, #tpu.memory_space<vmem>>
        %dma_wait3A_188 = tpu.memref_squeeze %dma_wait3A_187 : memref<1x128xi32, #tpu.memory_space<vmem>> -> memref<128xi32, #tpu.memory_space<vmem>>
        %dma_wait3A_189 = arith.constant 0 : i32
        %dma_wait3A_190 = arith.constant 0 : i32
        %dma_wait3A_191 = tpu.memref_slice %arg19[%dma_wait3A_189, %dma_wait3A_190] : memref<10240x128xf32, #tpu.memory_space<vmem_shared>> -> memref<10240x128xf32, #tpu.memory_space<vmem_shared>>
        tpu.wait_indirect_dma semaphore(%run_scoped3A_179 : memref<!tpu.dma_semaphore, #tpu.memory_space<semaphore_mem>>) src(%arg17 : memref<128x128xf32, #tpu.memory_space<vmem>>) dst(%dma_wait3A_191 : memref<10240x128xf32, #tpu.memory_space<vmem_shared>>)
        tpu.yield
      }) : () -> ()
      %add3A_129 = arith.constant 2 : i32
      %add3A_130 = arith.addi %add3A_100, %add3A_129 : i32
      %lt3A_131 = arith.constant 80 : i32
      %lt3A_132 = arith.cmpi slt, %add3A_130, %lt3A_131 : i32
      %convert_element_type3A_133 = arith.extui %lt3A_132 : i1 to i32
      %cond3A_134 = arith.constant 0 : i32
      %cond3A_135 = arith.cmpi ne, %convert_element_type3A_133, %cond3A_134 : i32
      scf.if %cond3A_135 {
        %add3A_179 = arith.constant 2 : i32
        %add3A_180 = arith.addi %add3A_100, %add3A_179 : i32
        %add3A_181 = arith.addi %mul3A_2, %add3A_180 : i32
        %dma_start3A_182 = arith.constant 0 : i32
        %dma_start3A_183 = tpu.memref_slice %arg2[%add3A_181, %dma_start3A_182] : memref<2560x128xi32, #tpu.memory_space<hbm>> -> memref<1x128xi32, #tpu.memory_space<hbm>>
        %dma_start3A_184 = arith.constant 0 : i32
        %dma_start3A_185 = tpu.memref_slice %arg2[%add3A_181, %dma_start3A_184] : memref<2560x128xi32, #tpu.memory_space<hbm>> -> memref<1x128xi32, #tpu.memory_space<hbm>>
        tpu.enqueue_dma source(%dma_start3A_185 : memref<1x128xi32, #tpu.memory_space<hbm>>) target(%arg9 : memref<1x128xi32, #tpu.memory_space<vmem>>) target_semaphore(%arg20 : memref<!tpu.dma_semaphore, #tpu.memory_space<semaphore_mem>>)
        %add3A_186 = arith.addi %mul3A_2, %add3A_180 : i32
        %dma_start3A_187 = arith.constant 0 : i32
        %dma_start3A_188 = tpu.memref_slice %arg3[%add3A_186, %dma_start3A_187] : memref<2560x128xi32, #tpu.memory_space<hbm>> -> memref<1x128xi32, #tpu.memory_space<hbm>>
        %dma_start3A_189 = arith.constant 0 : i32
        %dma_start3A_190 = tpu.memref_slice %arg3[%add3A_186, %dma_start3A_189] : memref<2560x128xi32, #tpu.memory_space<hbm>> -> memref<1x128xi32, #tpu.memory_space<hbm>>
        tpu.enqueue_dma source(%dma_start3A_190 : memref<1x128xi32, #tpu.memory_space<hbm>>) target(%arg11 : memref<1x128xi32, #tpu.memory_space<vmem>>) target_semaphore(%arg22 : memref<!tpu.dma_semaphore, #tpu.memory_space<semaphore_mem>>)
        %add3A_191 = arith.constant 2 : i32
        %add3A_192 = arith.addi %add3A_100, %add3A_191 : i32
        %add3A_193 = arith.addi %mul3A_2, %add3A_192 : i32
        %mul3A_194 = arith.constant 128 : i32
        %mul3A_195 = arith.muli %add3A_193, %mul3A_194 : i32
        %dma_start3A_196 = arith.constant 0 : i32
        %dma_start3A_197 = tpu.memref_slice %arg4[%mul3A_195, %dma_start3A_196] : memref<327680x16xf32, #tpu.memory_space<hbm>> -> memref<128x16xf32, #tpu.memory_space<hbm>>
        %dma_start3A_198 = arith.constant 0 : i32
        %dma_start3A_199 = tpu.memref_slice %arg4[%mul3A_195, %dma_start3A_198] : memref<327680x16xf32, #tpu.memory_space<hbm>> -> memref<128x16xf32, #tpu.memory_space<hbm>>
        tpu.enqueue_dma source(%dma_start3A_199 : memref<128x16xf32, #tpu.memory_space<hbm>>) target(%arg13 : memref<128x16xf32, #tpu.memory_space<vmem>>) target_semaphore(%arg24 : memref<!tpu.dma_semaphore, #tpu.memory_space<semaphore_mem>>)
      } else {
      }
      %mul3A_136 = arith.constant 2 : i32
      %mul3A_137 = arith.muli %scan3A_96, %mul3A_136 : i32
      %add3A_138 = arith.constant 1 : i32
      %add3A_139 = arith.addi %mul3A_137, %add3A_138 : i32
      %add3A_140 = arith.constant 1 : i32
      %add3A_141 = arith.addi %add3A_139, %add3A_140 : i32
      %lt3A_142 = arith.constant 80 : i32
      %lt3A_143 = arith.cmpi slt, %add3A_141, %lt3A_142 : i32
      %convert_element_type3A_144 = arith.extui %lt3A_143 : i1 to i32
      %cond3A_145 = arith.constant 0 : i32
      %cond3A_146 = arith.cmpi ne, %convert_element_type3A_144, %cond3A_145 : i32
      scf.if %cond3A_146 {
        %add3A_179 = arith.constant 1 : i32
        %add3A_180 = arith.addi %add3A_139, %add3A_179 : i32
        %add3A_181 = arith.addi %mul3A_2, %add3A_180 : i32
        %dma_wait3A_182 = arith.constant 0 : i32
        %dma_wait3A_183 = tpu.memref_slice %arg2[%add3A_181, %dma_wait3A_182] : memref<2560x128xi32, #tpu.memory_space<hbm>> -> memref<1x128xi32, #tpu.memory_space<hbm>>
        %dma_wait3A_184 = arith.constant 0 : i32
        %dma_wait3A_185 = tpu.memref_slice %arg2[%add3A_181, %dma_wait3A_184] : memref<2560x128xi32, #tpu.memory_space<hbm>> -> memref<1x128xi32, #tpu.memory_space<hbm>>
        tpu.wait_dma2 semaphore(%arg20 : memref<!tpu.dma_semaphore, #tpu.memory_space<semaphore_mem>>) src(%dma_wait3A_185 : memref<1x128xi32, #tpu.memory_space<hbm>>) dst(%arg9 : memref<1x128xi32, #tpu.memory_space<vmem>>)
        %add3A_186 = arith.addi %mul3A_2, %add3A_180 : i32
        %dma_wait3A_187 = arith.constant 0 : i32
        %dma_wait3A_188 = tpu.memref_slice %arg3[%add3A_186, %dma_wait3A_187] : memref<2560x128xi32, #tpu.memory_space<hbm>> -> memref<1x128xi32, #tpu.memory_space<hbm>>
        %dma_wait3A_189 = arith.constant 0 : i32
        %dma_wait3A_190 = tpu.memref_slice %arg3[%add3A_186, %dma_wait3A_189] : memref<2560x128xi32, #tpu.memory_space<hbm>> -> memref<1x128xi32, #tpu.memory_space<hbm>>
        tpu.wait_dma2 semaphore(%arg22 : memref<!tpu.dma_semaphore, #tpu.memory_space<semaphore_mem>>) src(%dma_wait3A_190 : memref<1x128xi32, #tpu.memory_space<hbm>>) dst(%arg11 : memref<1x128xi32, #tpu.memory_space<vmem>>)
        %dma_start3A_191 = arith.constant 0 : i32
        %dma_start3A_192 = arith.constant 0 : i32
        %dma_start3A_193 = tpu.memref_slice %arg11[%dma_start3A_191, %dma_start3A_192] : memref<1x128xi32, #tpu.memory_space<vmem>> -> memref<1x128xi32, #tpu.memory_space<vmem>>
        %dma_start3A_194 = tpu.memref_squeeze %dma_start3A_193 : memref<1x128xi32, #tpu.memory_space<vmem>> -> memref<128xi32, #tpu.memory_space<vmem>>
        %dma_start3A_195 = arith.constant 0 : i32
        %dma_start3A_196 = arith.constant 0 : i32
        %dma_start3A_197 = tpu.memref_slice %arg5[%dma_start3A_195, %dma_start3A_196] : memref<10240x16xf32, #tpu.memory_space<hbm>> -> memref<10240x16xf32, #tpu.memory_space<hbm>>
        tpu.enqueue_indirect_dma source(%dma_start3A_197 : memref<10240x16xf32, #tpu.memory_space<hbm>>) target(%arg15 : memref<128x16xf32, #tpu.memory_space<vmem>>) offsets(%dma_start3A_194 : memref<128xi32, #tpu.memory_space<vmem>>) semaphore(%arg26 : memref<!tpu.dma_semaphore, #tpu.memory_space<semaphore_mem>>)
        %dma_start3A_198 = arith.constant 0 : i32
        %dma_start3A_199 = arith.constant 0 : i32
        %dma_start3A_200 = tpu.memref_slice %arg9[%dma_start3A_198, %dma_start3A_199] : memref<1x128xi32, #tpu.memory_space<vmem>> -> memref<1x128xi32, #tpu.memory_space<vmem>>
        %dma_start3A_201 = tpu.memref_squeeze %dma_start3A_200 : memref<1x128xi32, #tpu.memory_space<vmem>> -> memref<128xi32, #tpu.memory_space<vmem>>
        %dma_start3A_202 = arith.constant 0 : i32
        %dma_start3A_203 = arith.constant 0 : i32
        %dma_start3A_204 = tpu.memref_slice %arg6[%dma_start3A_202, %dma_start3A_203] : memref<10240x128xf32, #tpu.memory_space<hbm>> -> memref<10240x128xf32, #tpu.memory_space<hbm>>
        tpu.enqueue_indirect_dma source(%dma_start3A_204 : memref<10240x128xf32, #tpu.memory_space<hbm>>) target(%arg17 : memref<128x128xf32, #tpu.memory_space<vmem>>) offsets(%dma_start3A_201 : memref<128xi32, #tpu.memory_space<vmem>>) semaphore(%arg28 : memref<!tpu.dma_semaphore, #tpu.memory_space<semaphore_mem>>)
      } else {
      }
      %add3A_147 = arith.addi %mul3A_2, %add3A_139 : i32
      %mul3A_148 = arith.constant 128 : i32
      %mul3A_149 = arith.muli %add3A_147, %mul3A_148 : i32
      %dma_wait3A_150 = arith.constant 0 : i32
      %dma_wait3A_151 = tpu.memref_slice %arg4[%mul3A_149, %dma_wait3A_150] : memref<327680x16xf32, #tpu.memory_space<hbm>> -> memref<128x16xf32, #tpu.memory_space<hbm>>
      %dma_wait3A_152 = arith.constant 0 : i32
      %dma_wait3A_153 = tpu.memref_slice %arg4[%mul3A_149, %dma_wait3A_152] : memref<327680x16xf32, #tpu.memory_space<hbm>> -> memref<128x16xf32, #tpu.memory_space<hbm>>
      tpu.wait_dma2 semaphore(%arg25 : memref<!tpu.dma_semaphore, #tpu.memory_space<semaphore_mem>>) src(%dma_wait3A_153 : memref<128x16xf32, #tpu.memory_space<hbm>>) dst(%arg14 : memref<128x16xf32, #tpu.memory_space<vmem>>)
      %dma_wait3A_154 = arith.constant 0 : i32
      %dma_wait3A_155 = arith.constant 0 : i32
      %dma_wait3A_156 = tpu.memref_slice %arg12[%dma_wait3A_154, %dma_wait3A_155] : memref<1x128xi32, #tpu.memory_space<vmem>> -> memref<1x128xi32, #tpu.memory_space<vmem>>
      %dma_wait3A_157 = tpu.memref_squeeze %dma_wait3A_156 : memref<1x128xi32, #tpu.memory_space<vmem>> -> memref<128xi32, #tpu.memory_space<vmem>>
      %dma_wait3A_158 = arith.constant 0 : i32
      %dma_wait3A_159 = arith.constant 0 : i32
      %dma_wait3A_160 = tpu.memref_slice %arg5[%dma_wait3A_158, %dma_wait3A_159] : memref<10240x16xf32, #tpu.memory_space<hbm>> -> memref<10240x16xf32, #tpu.memory_space<hbm>>
      tpu.wait_indirect_dma semaphore(%arg27 : memref<!tpu.dma_semaphore, #tpu.memory_space<semaphore_mem>>) src(%dma_wait3A_160 : memref<10240x16xf32, #tpu.memory_space<hbm>>) dst(%arg16 : memref<128x16xf32, #tpu.memory_space<vmem>>)
      %dma_wait3A_161 = arith.constant 0 : i32
      %dma_wait3A_162 = arith.constant 0 : i32
      %dma_wait3A_163 = tpu.memref_slice %arg10[%dma_wait3A_161, %dma_wait3A_162] : memref<1x128xi32, #tpu.memory_space<vmem>> -> memref<1x128xi32, #tpu.memory_space<vmem>>
      %dma_wait3A_164 = tpu.memref_squeeze %dma_wait3A_163 : memref<1x128xi32, #tpu.memory_space<vmem>> -> memref<128xi32, #tpu.memory_space<vmem>>
      %dma_wait3A_165 = arith.constant 0 : i32
      %dma_wait3A_166 = arith.constant 0 : i32
      %dma_wait3A_167 = tpu.memref_slice %arg6[%dma_wait3A_165, %dma_wait3A_166] : memref<10240x128xf32, #tpu.memory_space<hbm>> -> memref<10240x128xf32, #tpu.memory_space<hbm>>
      tpu.wait_indirect_dma semaphore(%arg29 : memref<!tpu.dma_semaphore, #tpu.memory_space<semaphore_mem>>) src(%dma_wait3A_167 : memref<10240x128xf32, #tpu.memory_space<hbm>>) dst(%arg18 : memref<128x128xf32, #tpu.memory_space<vmem>>)
      %parallel_loop3A_168 = arith.constant 0 : i32
      %parallel_loop3A_169 = arith.constant 128 : i32
      %parallel_loop3A_170 = arith.constant 1 : i32
      scf.for %parallel_loop3A_179 = %parallel_loop3A_168 to %parallel_loop3A_169 step %parallel_loop3A_170  : i32 {
        %parallel_loop3A_180 = arith.index_cast %parallel_loop3A_179 : i32 to index
        %parallel_loop3A_181 = arith.constant 0 : index
        %parallel_loop3A_182 = tpu.vector_load %arg14[%parallel_loop3A_180, %parallel_loop3A_181] {strides = array<i32>} : memref<128x16xf32, #tpu.memory_space<vmem>>, vector<16xf32>,
        %parallel_loop3A_183 = arith.index_cast %parallel_loop3A_179 : i32 to index
        %parallel_loop3A_184 = arith.constant 0 : index
        %parallel_loop3A_185 = tpu.vector_load %arg16[%parallel_loop3A_183, %parallel_loop3A_184] {strides = array<i32>} : memref<128x16xf32, #tpu.memory_space<vmem>>, vector<16xf32>,
        %parallel_loop3A_186 = arith.mulf %parallel_loop3A_182, %parallel_loop3A_185 : vector<16xf32>
        %parallel_loop3A_187 = vector.shape_cast %select_n3A_17 : vector<16xi32> to vector<16x1xi32>
        %parallel_loop3A_188 = vector.shape_cast %parallel_loop3A_187 : vector<16x1xi32> to vector<16xi32>
        %parallel_loop3A_189 = tpu.dynamic_gather %parallel_loop3A_186[%parallel_loop3A_188] in [0] : vector<16xf32>, vector<16xi32> -> vector<16xf32>
        %parallel_loop3A_190 = arith.index_cast %parallel_loop3A_179 : i32 to index
        %parallel_loop3A_191 = arith.constant 0 : index
        %parallel_loop3A_192 = tpu.vector_load %arg18[%parallel_loop3A_190, %parallel_loop3A_191] {strides = array<i32>} : memref<128x128xf32, #tpu.memory_space<vmem>>, vector<16xf32>,
        %parallel_loop3A_193 = arith.mulf %parallel_loop3A_192, %parallel_loop3A_189 : vector<16xf32>
        %parallel_loop3A_194 = arith.index_cast %parallel_loop3A_179 : i32 to index
        %parallel_loop3A_195 = arith.constant 0 : index
        %parallel_loop3A_196 = tpu.vector_load %arg18[%parallel_loop3A_194, %parallel_loop3A_195] {strides = array<i32>} : memref<128x128xf32, #tpu.memory_space<vmem>>, vector<16xf32>,
        tpu.vector_store %arg18[%parallel_loop3A_194, %parallel_loop3A_195], %parallel_loop3A_193 {strides = array<i32>} : memref<128x128xf32, #tpu.memory_space<vmem>>, vector<16xf32>,
        %parallel_loop3A_197 = arith.index_cast %parallel_loop3A_179 : i32 to index
        %parallel_loop3A_198 = arith.constant 16 : index
        %parallel_loop3A_199 = tpu.vector_load %arg18[%parallel_loop3A_197, %parallel_loop3A_198] {strides = array<i32>} : memref<128x128xf32, #tpu.memory_space<vmem>>, vector<16xf32>,
        %parallel_loop3A_200 = arith.mulf %parallel_loop3A_199, %parallel_loop3A_189 : vector<16xf32>
        %parallel_loop3A_201 = arith.index_cast %parallel_loop3A_179 : i32 to index
        %parallel_loop3A_202 = arith.constant 16 : index
        %parallel_loop3A_203 = tpu.vector_load %arg18[%parallel_loop3A_201, %parallel_loop3A_202] {strides = array<i32>} : memref<128x128xf32, #tpu.memory_space<vmem>>, vector<16xf32>,
        tpu.vector_store %arg18[%parallel_loop3A_201, %parallel_loop3A_202], %parallel_loop3A_200 {strides = array<i32>} : memref<128x128xf32, #tpu.memory_space<vmem>>, vector<16xf32>,
        %parallel_loop3A_204 = arith.index_cast %parallel_loop3A_179 : i32 to index
        %parallel_loop3A_205 = arith.constant 32 : index
        %parallel_loop3A_206 = tpu.vector_load %arg18[%parallel_loop3A_204, %parallel_loop3A_205] {strides = array<i32>} : memref<128x128xf32, #tpu.memory_space<vmem>>, vector<16xf32>,
        %parallel_loop3A_207 = arith.mulf %parallel_loop3A_206, %parallel_loop3A_189 : vector<16xf32>
        %parallel_loop3A_208 = arith.index_cast %parallel_loop3A_179 : i32 to index
        %parallel_loop3A_209 = arith.constant 32 : index
        %parallel_loop3A_210 = tpu.vector_load %arg18[%parallel_loop3A_208, %parallel_loop3A_209] {strides = array<i32>} : memref<128x128xf32, #tpu.memory_space<vmem>>, vector<16xf32>,
        tpu.vector_store %arg18[%parallel_loop3A_208, %parallel_loop3A_209], %parallel_loop3A_207 {strides = array<i32>} : memref<128x128xf32, #tpu.memory_space<vmem>>, vector<16xf32>,
        %parallel_loop3A_211 = arith.index_cast %parallel_loop3A_179 : i32 to index
        %parallel_loop3A_212 = arith.constant 48 : index
        %parallel_loop3A_213 = tpu.vector_load %arg18[%parallel_loop3A_211, %parallel_loop3A_212] {strides = array<i32>} : memref<128x128xf32, #tpu.memory_space<vmem>>, vector<16xf32>,
        %parallel_loop3A_214 = arith.mulf %parallel_loop3A_213, %parallel_loop3A_189 : vector<16xf32>
        %parallel_loop3A_215 = arith.index_cast %parallel_loop3A_179 : i32 to index
        %parallel_loop3A_216 = arith.constant 48 : index
        %parallel_loop3A_217 = tpu.vector_load %arg18[%parallel_loop3A_215, %parallel_loop3A_216] {strides = array<i32>} : memref<128x128xf32, #tpu.memory_space<vmem>>, vector<16xf32>,
        tpu.vector_store %arg18[%parallel_loop3A_215, %parallel_loop3A_216], %parallel_loop3A_214 {strides = array<i32>} : memref<128x128xf32, #tpu.memory_space<vmem>>, vector<16xf32>,
        %parallel_loop3A_218 = arith.index_cast %parallel_loop3A_179 : i32 to index
        %parallel_loop3A_219 = arith.constant 64 : index
        %parallel_loop3A_220 = tpu.vector_load %arg18[%parallel_loop3A_218, %parallel_loop3A_219] {strides = array<i32>} : memref<128x128xf32, #tpu.memory_space<vmem>>, vector<16xf32>,
        %parallel_loop3A_221 = arith.mulf %parallel_loop3A_220, %parallel_loop3A_189 : vector<16xf32>
        %parallel_loop3A_222 = arith.index_cast %parallel_loop3A_179 : i32 to index
        %parallel_loop3A_223 = arith.constant 64 : index
        %parallel_loop3A_224 = tpu.vector_load %arg18[%parallel_loop3A_222, %parallel_loop3A_223] {strides = array<i32>} : memref<128x128xf32, #tpu.memory_space<vmem>>, vector<16xf32>,
        tpu.vector_store %arg18[%parallel_loop3A_222, %parallel_loop3A_223], %parallel_loop3A_221 {strides = array<i32>} : memref<128x128xf32, #tpu.memory_space<vmem>>, vector<16xf32>,
        %parallel_loop3A_225 = arith.index_cast %parallel_loop3A_179 : i32 to index
        %parallel_loop3A_226 = arith.constant 80 : index
        %parallel_loop3A_227 = tpu.vector_load %arg18[%parallel_loop3A_225, %parallel_loop3A_226] {strides = array<i32>} : memref<128x128xf32, #tpu.memory_space<vmem>>, vector<16xf32>,
        %parallel_loop3A_228 = arith.mulf %parallel_loop3A_227, %parallel_loop3A_189 : vector<16xf32>
        %parallel_loop3A_229 = arith.index_cast %parallel_loop3A_179 : i32 to index
        %parallel_loop3A_230 = arith.constant 80 : index
        %parallel_loop3A_231 = tpu.vector_load %arg18[%parallel_loop3A_229, %parallel_loop3A_230] {strides = array<i32>} : memref<128x128xf32, #tpu.memory_space<vmem>>, vector<16xf32>,
        tpu.vector_store %arg18[%parallel_loop3A_229, %parallel_loop3A_230], %parallel_loop3A_228 {strides = array<i32>} : memref<128x128xf32, #tpu.memory_space<vmem>>, vector<16xf32>,
        %parallel_loop3A_232 = arith.index_cast %parallel_loop3A_179 : i32 to index
        %parallel_loop3A_233 = arith.constant 96 : index
        %parallel_loop3A_234 = tpu.vector_load %arg18[%parallel_loop3A_232, %parallel_loop3A_233] {strides = array<i32>} : memref<128x128xf32, #tpu.memory_space<vmem>>, vector<16xf32>,
        %parallel_loop3A_235 = arith.mulf %parallel_loop3A_234, %parallel_loop3A_189 : vector<16xf32>
        %parallel_loop3A_236 = arith.index_cast %parallel_loop3A_179 : i32 to index
        %parallel_loop3A_237 = arith.constant 96 : index
        %parallel_loop3A_238 = tpu.vector_load %arg18[%parallel_loop3A_236, %parallel_loop3A_237] {strides = array<i32>} : memref<128x128xf32, #tpu.memory_space<vmem>>, vector<16xf32>,
        tpu.vector_store %arg18[%parallel_loop3A_236, %parallel_loop3A_237], %parallel_loop3A_235 {strides = array<i32>} : memref<128x128xf32, #tpu.memory_space<vmem>>, vector<16xf32>,
        %parallel_loop3A_239 = arith.index_cast %parallel_loop3A_179 : i32 to index
        %parallel_loop3A_240 = arith.constant 112 : index
        %parallel_loop3A_241 = tpu.vector_load %arg18[%parallel_loop3A_239, %parallel_loop3A_240] {strides = array<i32>} : memref<128x128xf32, #tpu.memory_space<vmem>>, vector<16xf32>,
        %parallel_loop3A_242 = arith.mulf %parallel_loop3A_241, %parallel_loop3A_189 : vector<16xf32>
        %parallel_loop3A_243 = arith.index_cast %parallel_loop3A_179 : i32 to index
        %parallel_loop3A_244 = arith.constant 112 : index
        %parallel_loop3A_245 = tpu.vector_load %arg18[%parallel_loop3A_243, %parallel_loop3A_244] {strides = array<i32>} : memref<128x128xf32, #tpu.memory_space<vmem>>, vector<16xf32>,
        tpu.vector_store %arg18[%parallel_loop3A_243, %parallel_loop3A_244], %parallel_loop3A_242 {strides = array<i32>} : memref<128x128xf32, #tpu.memory_space<vmem>>, vector<16xf32>,
      } {sc.loop_unroll_factor = 2 : i64, sc.parallel_access}
      %run_scoped3A_171 = arith.constant 0 : i32
      "tpu.region"() ({
        %run_scoped3A_179 = tpu.sem_alloc : memref<!tpu.dma_semaphore, #tpu.memory_space<semaphore_mem>>
        %dma_start3A_180 = arith.constant 0 : i32
        %dma_start3A_181 = tpu.memref_slice %arg12[%run_scoped3A_171, %dma_start3A_180] : memref<1x128xi32, #tpu.memory_space<vmem>> -> memref<1x128xi32, #tpu.memory_space<vmem>>
        %dma_start3A_182 = tpu.memref_squeeze %dma_start3A_181 : memref<1x128xi32, #tpu.memory_space<vmem>> -> memref<128xi32, #tpu.memory_space<vmem>>
        %dma_start3A_183 = arith.constant 0 : i32
        %dma_start3A_184 = arith.constant 0 : i32
        %dma_start3A_185 = tpu.memref_slice %arg19[%dma_start3A_183, %dma_start3A_184] : memref<10240x128xf32, #tpu.memory_space<vmem_shared>> -> memref<10240x128xf32, #tpu.memory_space<vmem_shared>>
        tpu.enqueue_indirect_dma source(%arg18 : memref<128x128xf32, #tpu.memory_space<vmem>>) target(%dma_start3A_185 : memref<10240x128xf32, #tpu.memory_space<vmem_shared>>) offsets(%dma_start3A_182 : memref<128xi32, #tpu.memory_space<vmem>>) semaphore(%run_scoped3A_179 : memref<!tpu.dma_semaphore, #tpu.memory_space<semaphore_mem>>) {add = true}
        %dma_wait3A_186 = arith.constant 0 : i32
        %dma_wait3A_187 = tpu.memref_slice %arg12[%run_scoped3A_171, %dma_wait3A_186] : memref<1x128xi32, #tpu.memory_space<vmem>> -> memref<1x128xi32, #tpu.memory_space<vmem>>
        %dma_wait3A_188 = tpu.memref_squeeze %dma_wait3A_187 : memref<1x128xi32, #tpu.memory_space<vmem>> -> memref<128xi32, #tpu.memory_space<vmem>>
        %dma_wait3A_189 = arith.constant 0 : i32
        %dma_wait3A_190 = arith.constant 0 : i32
        %dma_wait3A_191 = tpu.memref_slice %arg19[%dma_wait3A_189, %dma_wait3A_190] : memref<10240x128xf32, #tpu.memory_space<vmem_shared>> -> memref<10240x128xf32, #tpu.memory_space<vmem_shared>>
        tpu.wait_indirect_dma semaphore(%run_scoped3A_179 : memref<!tpu.dma_semaphore, #tpu.memory_space<semaphore_mem>>) src(%arg18 : memref<128x128xf32, #tpu.memory_space<vmem>>) dst(%dma_wait3A_191 : memref<10240x128xf32, #tpu.memory_space<vmem_shared>>)
        tpu.yield
      }) : () -> ()
      %add3A_172 = arith.constant 2 : i32
      %add3A_173 = arith.addi %add3A_139, %add3A_172 : i32
      %lt3A_174 = arith.constant 80 : i32
      %lt3A_175 = arith.cmpi slt, %add3A_173, %lt3A_174 : i32
      %convert_element_type3A_176 = arith.extui %lt3A_175 : i1 to i32
      %cond3A_177 = arith.constant 0 : i32
      %cond3A_178 = arith.cmpi ne, %convert_element_type3A_176, %cond3A_177 : i32
      scf.if %cond3A_178 {
        %add3A_179 = arith.constant 2 : i32
        %add3A_180 = arith.addi %add3A_139, %add3A_179 : i32
        %add3A_181 = arith.addi %mul3A_2, %add3A_180 : i32
        %dma_start3A_182 = arith.constant 0 : i32
        %dma_start3A_183 = tpu.memref_slice %arg2[%add3A_181, %dma_start3A_182] : memref<2560x128xi32, #tpu.memory_space<hbm>> -> memref<1x128xi32, #tpu.memory_space<hbm>>
        %dma_start3A_184 = arith.constant 0 : i32
        %dma_start3A_185 = tpu.memref_slice %arg2[%add3A_181, %dma_start3A_184] : memref<2560x128xi32, #tpu.memory_space<hbm>> -> memref<1x128xi32, #tpu.memory_space<hbm>>
        tpu.enqueue_dma source(%dma_start3A_185 : memref<1x128xi32, #tpu.memory_space<hbm>>) target(%arg10 : memref<1x128xi32, #tpu.memory_space<vmem>>) target_semaphore(%arg21 : memref<!tpu.dma_semaphore, #tpu.memory_space<semaphore_mem>>)
        %add3A_186 = arith.addi %mul3A_2, %add3A_180 : i32
        %dma_start3A_187 = arith.constant 0 : i32
        %dma_start3A_188 = tpu.memref_slice %arg3[%add3A_186, %dma_start3A_187] : memref<2560x128xi32, #tpu.memory_space<hbm>> -> memref<1x128xi32, #tpu.memory_space<hbm>>
        %dma_start3A_189 = arith.constant 0 : i32
        %dma_start3A_190 = tpu.memref_slice %arg3[%add3A_186, %dma_start3A_189] : memref<2560x128xi32, #tpu.memory_space<hbm>> -> memref<1x128xi32, #tpu.memory_space<hbm>>
        tpu.enqueue_dma source(%dma_start3A_190 : memref<1x128xi32, #tpu.memory_space<hbm>>) target(%arg12 : memref<1x128xi32, #tpu.memory_space<vmem>>) target_semaphore(%arg23 : memref<!tpu.dma_semaphore, #tpu.memory_space<semaphore_mem>>)
        %add3A_191 = arith.constant 2 : i32
        %add3A_192 = arith.addi %add3A_139, %add3A_191 : i32
        %add3A_193 = arith.addi %mul3A_2, %add3A_192 : i32
        %mul3A_194 = arith.constant 128 : i32
        %mul3A_195 = arith.muli %add3A_193, %mul3A_194 : i32
        %dma_start3A_196 = arith.constant 0 : i32
        %dma_start3A_197 = tpu.memref_slice %arg4[%mul3A_195, %dma_start3A_196] : memref<327680x16xf32, #tpu.memory_space<hbm>> -> memref<128x16xf32, #tpu.memory_space<hbm>>
        %dma_start3A_198 = arith.constant 0 : i32
        %dma_start3A_199 = tpu.memref_slice %arg4[%mul3A_195, %dma_start3A_198] : memref<327680x16xf32, #tpu.memory_space<hbm>> -> memref<128x16xf32, #tpu.memory_space<hbm>>
        tpu.enqueue_dma source(%dma_start3A_199 : memref<128x16xf32, #tpu.memory_space<hbm>>) target(%arg14 : memref<128x16xf32, #tpu.memory_space<vmem>>) target_semaphore(%arg25 : memref<!tpu.dma_semaphore, #tpu.memory_space<semaphore_mem>>)
      } else {
      }
    }
    %scan3A_90 = arith.constant 40 : i32
    %barrier3A_91 = arith.constant 0 : index
    tpu.barrier barrier_id(%barrier3A_91)
    %mul3A_92 = arith.constant 640 : i32
    %mul3A_93 = arith.muli %arg1, %mul3A_92 : i32
    %mul3A_94 = arith.constant 640 : i32
    %mul3A_95 = arith.muli %arg1, %mul3A_94 : i32
    "tpu.region"() ({
      %run_scoped3A = tpu.sem_alloc : memref<!tpu.dma_semaphore, #tpu.memory_space<semaphore_mem>>
      %dma_start3A_96 = arith.constant 0 : i32
      %dma_start3A_97 = tpu.memref_slice %arg8[%arg0, %mul3A_95, %dma_start3A_96] : memref<2x10240x128xf32, #tpu.memory_space<hbm>> -> memref<1x640x128xf32, #tpu.memory_space<hbm>>
      %dma_start3A_98 = tpu.memref_squeeze %dma_start3A_97 : memref<1x640x128xf32, #tpu.memory_space<hbm>> -> memref<640x128xf32, #tpu.memory_space<hbm>>
      %dma_start3A_99 = arith.constant 0 : i32
      %dma_start3A_100 = tpu.memref_slice %arg19[%mul3A_93, %dma_start3A_99] : memref<10240x128xf32, #tpu.memory_space<vmem_shared>> -> memref<640x128xf32, #tpu.memory_space<vmem_shared>>
      tpu.enqueue_dma source(%dma_start3A_100 : memref<640x128xf32, #tpu.memory_space<vmem_shared>>) target(%dma_start3A_98 : memref<640x128xf32, #tpu.memory_space<hbm>>) target_semaphore(%run_scoped3A : memref<!tpu.dma_semaphore, #tpu.memory_space<semaphore_mem>>)
      %dma_wait3A_101 = arith.constant 0 : i32
      %dma_wait3A_102 = tpu.memref_slice %arg8[%arg0, %mul3A_95, %dma_wait3A_101] : memref<2x10240x128xf32, #tpu.memory_space<hbm>> -> memref<1x640x128xf32, #tpu.memory_space<hbm>>
      %dma_wait3A_103 = tpu.memref_squeeze %dma_wait3A_102 : memref<1x640x128xf32, #tpu.memory_space<hbm>> -> memref<640x128xf32, #tpu.memory_space<hbm>>
      %dma_wait3A_104 = arith.constant 0 : i32
      %dma_wait3A_105 = tpu.memref_slice %arg19[%mul3A_93, %dma_wait3A_104] : memref<10240x128xf32, #tpu.memory_space<vmem_shared>> -> memref<640x128xf32, #tpu.memory_space<vmem_shared>>
      tpu.wait_dma2 semaphore(%run_scoped3A : memref<!tpu.dma_semaphore, #tpu.memory_space<semaphore_mem>>) src(%dma_wait3A_105 : memref<640x128xf32, #tpu.memory_space<vmem_shared>>) dst(%dma_wait3A_103 : memref<640x128xf32, #tpu.memory_space<hbm>>)
      tpu.yield
    }) : () -> ()
    return
  }
}

module attributes {stable_mosaic.version = 14 : i64} {
  func.func @_tc1_body(%arg0: i32, %arg1: memref<256x128xf32, #tpu.memory_space<vmem>>, %arg2: memref<128x128xf32, #tpu.memory_space<vmem>>, %arg3: memref<128x16xf32, #tpu.memory_space<vmem>>, %arg4: memref<256x128xf32, #tpu.memory_space<vmem>>, %arg5: memref<256x16xf32, #tpu.memory_space<vmem>>, %arg6: memref<256x16xf32, #tpu.memory_space<vmem>>, %arg7: memref<1x16xf32, #tpu.memory_space<vmem>>) attributes {dimension_semantics = [#tpu.dimension_semantics<arbitrary>], iteration_bounds = array<i64: 40>, scalar_prefetch = 0 : i64, scratch_operands = 0 : i64, tpu.core_type = #tpu.core_type<tc>, window_params = [{transform_indices = @transform_0, window_bounds = array<i64: 256, 128>}, {pipeline_mode = #tpu.pipeline_mode<synchronous>, transform_indices = @transform_1, window_bounds = array<i64: 128, 128>}, {pipeline_mode = #tpu.pipeline_mode<synchronous>, transform_indices = @transform_2, window_bounds = array<i64: 128, 16>}, {transform_indices = @transform_3, window_bounds = array<i64: 256, 128>}, {transform_indices = @transform_4, window_bounds = array<i64: 256, 16>}, {transform_indices = @transform_5, window_bounds = array<i64: 256, 16>}, {pipeline_mode = #tpu.pipeline_mode<synchronous>, transform_indices = @transform_6, window_bounds = array<i64: 1, 16>}]} {
    %get3A = arith.constant 0 : index
    %get3A_0 = arith.constant 0 : index
    %get3A_1 = vector.load %arg1[%get3A, %get3A_0] : memref<256x128xf32, #tpu.memory_space<vmem>>, vector<256x128xf32>
    %get3A_2 = arith.constant 0 : index
    %get3A_3 = arith.constant 0 : index
    %get3A_4 = vector.load %arg2[%get3A_2, %get3A_3] : memref<128x128xf32, #tpu.memory_space<vmem>>, vector<128x128xf32>
    %dot_general3A = arith.constant dense<0.000000e+00> : vector<256x128xf32>
    %dot_general3A_5 = tpu.matmul %get3A_1, %get3A_4, %dot_general3A {dimension_numbers = #tpu.dot_dimension_numbers<[1], [0], [0], [1], [0, 0, 1, 1], [], []>, transpose_lhs_hint = false} : vector<256x128xf32>, vector<128x128xf32>, vector<256x128xf32> -> vector<256x128xf32>
    %swap3A = arith.constant 0 : index
    %swap3A_6 = arith.constant 0 : index
    %swap3A_7 = vector.load %arg4[%swap3A, %swap3A_6] : memref<256x128xf32, #tpu.memory_space<vmem>>, vector<256x128xf32>
    tpu.vector_store %arg4[%swap3A, %swap3A_6], %dot_general3A_5 {strides = array<i32>} : memref<256x128xf32, #tpu.memory_space<vmem>>, vector<256x128xf32>,
    %get3A_8 = arith.constant 0 : index
    %get3A_9 = arith.constant 0 : index
    %get3A_10 = vector.load %arg3[%get3A_8, %get3A_9] : memref<128x16xf32, #tpu.memory_space<vmem>>, vector<128x16xf32>
    %dot_general3A_11 = arith.constant dense<0.000000e+00> : vector<256x16xf32>
    %dot_general3A_12 = tpu.matmul %dot_general3A_5, %get3A_10, %dot_general3A_11 {dimension_numbers = #tpu.dot_dimension_numbers<[1], [0], [0], [1], [0, 0, 1, 1], [], []>, transpose_lhs_hint = false} : vector<256x128xf32>, vector<128x16xf32>, vector<256x16xf32> -> vector<256x16xf32>
    %swap3A_13 = arith.constant 0 : index
    %swap3A_14 = arith.constant 0 : index
    %swap3A_15 = vector.load %arg5[%swap3A_13, %swap3A_14] : memref<256x16xf32, #tpu.memory_space<vmem>>, vector<256x16xf32>
    tpu.vector_store %arg5[%swap3A_13, %swap3A_14], %dot_general3A_12 {strides = array<i32>} : memref<256x16xf32, #tpu.memory_space<vmem>>, vector<256x16xf32>,
    %slice3A = vector.extract_strided_slice %dot_general3A_12 {offsets = [0, 8], sizes = [256, 8], strides = [1, 1]} : vector<256x16xf32> to vector<256x8xf32>
    %slice3A_16 = vector.extract_strided_slice %dot_general3A_12 {offsets = [0, 0], sizes = [256, 8], strides = [1, 1]} : vector<256x16xf32> to vector<256x8xf32>
    %concatenate3A = tpu.concatenate %slice3A, %slice3A_16 in 1 : vector<256x8xf32>, vector<256x8xf32> -> vector<256x16xf32>
    %swap3A_17 = arith.constant 0 : index
    %swap3A_18 = arith.constant 0 : index
    %swap3A_19 = vector.load %arg6[%swap3A_17, %swap3A_18] : memref<256x16xf32, #tpu.memory_space<vmem>>, vector<256x16xf32>
    tpu.vector_store %arg6[%swap3A_17, %swap3A_18], %concatenate3A {strides = array<i32>} : memref<256x16xf32, #tpu.memory_space<vmem>>, vector<256x16xf32>,
    %reduce_max3A = arith.constant dense<0xFF800000> : vector<16xf32>
    %reduce_max3A_20 = vector.multi_reduction <maximumf>, %dot_general3A_12, %reduce_max3A [0] : vector<256x16xf32> to vector<16xf32>
    %broadcast_in_dim3A = vector.shape_cast %reduce_max3A_20 : vector<16xf32> to vector<1x16xf32>
    %eq3A = arith.constant 0 : i32
    %eq3A_21 = arith.cmpi eq, %arg0, %eq3A : i32
    %convert_element_type3A = arith.extui %eq3A_21 : i1 to i32
    %cond3A = arith.constant 0 : i32
    %cond3A_22 = arith.cmpi ne, %convert_element_type3A, %cond3A : i32
    scf.if %cond3A_22 {
      %swap3A_27 = arith.constant 0 : index
      %swap3A_28 = arith.constant 0 : index
      %swap3A_29 = vector.load %arg7[%swap3A_27, %swap3A_28] : memref<1x16xf32, #tpu.memory_space<vmem>>, vector<1x16xf32>
      tpu.vector_store %arg7[%swap3A_27, %swap3A_28], %broadcast_in_dim3A {strides = array<i32>} : memref<1x16xf32, #tpu.memory_space<vmem>>, vector<1x16xf32>,
    } else {
    }
    %ne3A = arith.constant 0 : i32
    %ne3A_23 = arith.cmpi ne, %arg0, %ne3A : i32
    %convert_element_type3A_24 = arith.extui %ne3A_23 : i1 to i32
    %cond3A_25 = arith.constant 0 : i32
    %cond3A_26 = arith.cmpi ne, %convert_element_type3A_24, %cond3A_25 : i32
    scf.if %cond3A_26 {
      %get3A_27 = arith.constant 0 : index
      %get3A_28 = arith.constant 0 : index
      %get3A_29 = vector.load %arg7[%get3A_27, %get3A_28] : memref<1x16xf32, #tpu.memory_space<vmem>>, vector<1x16xf32>
      %max3A = arith.maximumf %get3A_29, %broadcast_in_dim3A : vector<1x16xf32>
      %swap3A_30 = arith.constant 0 : index
      %swap3A_31 = arith.constant 0 : index
      %swap3A_32 = vector.load %arg7[%swap3A_30, %swap3A_31] : memref<1x16xf32, #tpu.memory_space<vmem>>, vector<1x16xf32>
      tpu.vector_store %arg7[%swap3A_30, %swap3A_31], %max3A {strides = array<i32>} : memref<1x16xf32, #tpu.memory_space<vmem>>, vector<1x16xf32>,
    } else {
    }
    return
  }
  func.func @transform_0(%arg0: i32) -> (i32, i32) {
    %c0_i32 = arith.constant 0 : i32
    %c0_i32_0 = arith.constant 0 : i32
    return %arg0, %c0_i32 : i32, i32
  }
  func.func @transform_1(%arg0: i32) -> (i32, i32) {
    %c0_i32 = arith.constant 0 : i32
    %c0_i32_0 = arith.constant 0 : i32
    %c0_i32_1 = arith.constant 0 : i32
    return %c0_i32, %c0_i32_0 : i32, i32
  }
  func.func @transform_2(%arg0: i32) -> (i32, i32) {
    %c0_i32 = arith.constant 0 : i32
    %c0_i32_0 = arith.constant 0 : i32
    %c0_i32_1 = arith.constant 0 : i32
    return %c0_i32, %c0_i32_0 : i32, i32
  }
  func.func @transform_3(%arg0: i32) -> (i32, i32) {
    %c0_i32 = arith.constant 0 : i32
    %c0_i32_0 = arith.constant 0 : i32
    return %arg0, %c0_i32 : i32, i32
  }
  func.func @transform_4(%arg0: i32) -> (i32, i32) {
    %c0_i32 = arith.constant 0 : i32
    %c0_i32_0 = arith.constant 0 : i32
    return %arg0, %c0_i32 : i32, i32
  }
  func.func @transform_5(%arg0: i32) -> (i32, i32) {
    %c0_i32 = arith.constant 0 : i32
    %c0_i32_0 = arith.constant 0 : i32
    return %arg0, %c0_i32 : i32, i32
  }
  func.func @transform_6(%arg0: i32) -> (i32, i32) {
    %c0_i32 = arith.constant 0 : i32
    %c0_i32_0 = arith.constant 0 : i32
    %c0_i32_1 = arith.constant 0 : i32
    return %c0_i32, %c0_i32_0 : i32, i32
  }
}

module attributes {stable_mosaic.version = 14 : i64} {
  func.func @_tcradd_body(%arg0: i32, %arg1: memref<256x16xf32, #tpu.memory_space<vmem>>, %arg2: memref<256x16xf32, #tpu.memory_space<vmem>>, %arg3: memref<256x16xf32, #tpu.memory_space<vmem>>) attributes {dimension_semantics = [#tpu.dimension_semantics<arbitrary>], iteration_bounds = array<i64: 40>, scalar_prefetch = 0 : i64, scratch_operands = 0 : i64, tpu.core_type = #tpu.core_type<tc>, window_params = [{transform_indices = @transform_0, window_bounds = array<i64: 256, 16>}, {transform_indices = @transform_1, window_bounds = array<i64: 256, 16>}, {transform_indices = @transform_2, window_bounds = array<i64: 256, 16>}]} {
    %get3A = arith.constant 0 : index
    %get3A_0 = arith.constant 0 : index
    %get3A_1 = vector.load %arg1[%get3A, %get3A_0] : memref<256x16xf32, #tpu.memory_space<vmem>>, vector<256x16xf32>
    %get3A_2 = arith.constant 0 : index
    %get3A_3 = arith.constant 0 : index
    %get3A_4 = vector.load %arg2[%get3A_2, %get3A_3] : memref<256x16xf32, #tpu.memory_space<vmem>>, vector<256x16xf32>
    %add3A = arith.addf %get3A_1, %get3A_4 : vector<256x16xf32>
    %add3A_5 = arith.constant 1.000000e-16 : f32
    %add3A_6 = vector.broadcast %add3A_5 : f32 to vector<256x16xf32>
    %add3A_7 = arith.addf %add3A, %add3A_6 : vector<256x16xf32>
    %div3A = arith.constant 1.000000e+00 : f32
    %div3A_8 = vector.broadcast %div3A : f32 to vector<256x16xf32>
    %div3A_9 = arith.divf %div3A_8, %add3A_7 : vector<256x16xf32>
    %swap3A = arith.constant 0 : index
    %swap3A_10 = arith.constant 0 : index
    %swap3A_11 = vector.load %arg3[%swap3A, %swap3A_10] : memref<256x16xf32, #tpu.memory_space<vmem>>, vector<256x16xf32>
    tpu.vector_store %arg3[%swap3A, %swap3A_10], %div3A_9 {strides = array<i32>} : memref<256x16xf32, #tpu.memory_space<vmem>>, vector<256x16xf32>,
    return
  }
  func.func @transform_0(%arg0: i32) -> (i32, i32) {
    %c0_i32 = arith.constant 0 : i32
    %c0_i32_0 = arith.constant 0 : i32
    return %arg0, %c0_i32 : i32, i32
  }
  func.func @transform_1(%arg0: i32) -> (i32, i32) {
    %c0_i32 = arith.constant 0 : i32
    %c0_i32_0 = arith.constant 0 : i32
    return %arg0, %c0_i32 : i32, i32
  }
  func.func @transform_2(%arg0: i32) -> (i32, i32) {
    %c0_i32 = arith.constant 0 : i32
    %c0_i32_0 = arith.constant 0 : i32
    return %arg0, %c0_i32 : i32, i32
  }
}

module attributes {stable_mosaic.version = 14 : i64} {
  func.func @_tc2_body(%arg0: i32, %arg1: memref<256x128xf32, #tpu.memory_space<vmem>>, %arg2: memref<256x128xf32, #tpu.memory_space<vmem>>, %arg3: memref<1x128xf32, #tpu.memory_space<vmem>>, %arg4: memref<128x64xf32, #tpu.memory_space<vmem>>, %arg5: memref<64x16xf32, #tpu.memory_space<vmem>>, %arg6: memref<256x64xf32, #tpu.memory_space<vmem>>, %arg7: memref<256x16xf32, #tpu.memory_space<vmem>>, %arg8: memref<1x16xf32, #tpu.memory_space<vmem>>) attributes {dimension_semantics = [#tpu.dimension_semantics<arbitrary>], iteration_bounds = array<i64: 40>, scalar_prefetch = 0 : i64, scratch_operands = 0 : i64, tpu.core_type = #tpu.core_type<tc>, window_params = [{transform_indices = @transform_0, window_bounds = array<i64: 256, 128>}, {transform_indices = @transform_1, window_bounds = array<i64: 256, 128>}, {pipeline_mode = #tpu.pipeline_mode<synchronous>, transform_indices = @transform_2, window_bounds = array<i64: 1, 128>}, {pipeline_mode = #tpu.pipeline_mode<synchronous>, transform_indices = @transform_3, window_bounds = array<i64: 128, 64>}, {pipeline_mode = #tpu.pipeline_mode<synchronous>, transform_indices = @transform_4, window_bounds = array<i64: 64, 16>}, {transform_indices = @transform_5, window_bounds = array<i64: 256, 64>}, {transform_indices = @transform_6, window_bounds = array<i64: 256, 16>}, {pipeline_mode = #tpu.pipeline_mode<synchronous>, transform_indices = @transform_7, window_bounds = array<i64: 1, 16>}]} {
    %get3A = arith.constant 0 : index
    %get3A_0 = arith.constant 0 : index
    %get3A_1 = vector.load %arg1[%get3A, %get3A_0] : memref<256x128xf32, #tpu.memory_space<vmem>>, vector<256x128xf32>
    %get3A_2 = arith.constant 0 : index
    %get3A_3 = arith.constant 0 : index
    %get3A_4 = vector.load %arg2[%get3A_2, %get3A_3] : memref<256x128xf32, #tpu.memory_space<vmem>>, vector<256x128xf32>
    %add3A = arith.addf %get3A_1, %get3A_4 : vector<256x128xf32>
    %get3A_5 = arith.constant 0 : index
    %get3A_6 = arith.constant 0 : index
    %get3A_7 = vector.load %arg3[%get3A_5, %get3A_6] : memref<1x128xf32, #tpu.memory_space<vmem>>, vector<1x128xf32>
    %add3A_8 = vector.broadcast %get3A_7 : vector<1x128xf32> to vector<256x128xf32>
    %add3A_9 = arith.addf %add3A, %add3A_8 : vector<256x128xf32>
    %max3A = arith.constant 0.000000e+00 : f32
    %max3A_10 = vector.broadcast %max3A : f32 to vector<256x128xf32>
    %max3A_11 = arith.maximumf %add3A_9, %max3A_10 : vector<256x128xf32>
    %get3A_12 = arith.constant 0 : index
    %get3A_13 = arith.constant 0 : index
    %get3A_14 = vector.load %arg4[%get3A_12, %get3A_13] : memref<128x64xf32, #tpu.memory_space<vmem>>, vector<128x64xf32>
    %dot_general3A = arith.constant dense<0.000000e+00> : vector<256x64xf32>
    %dot_general3A_15 = tpu.matmul %max3A_11, %get3A_14, %dot_general3A {dimension_numbers = #tpu.dot_dimension_numbers<[1], [0], [0], [1], [0, 0, 1, 1], [], []>, transpose_lhs_hint = false} : vector<256x128xf32>, vector<128x64xf32>, vector<256x64xf32> -> vector<256x64xf32>
    %swap3A = arith.constant 0 : index
    %swap3A_16 = arith.constant 0 : index
    %swap3A_17 = vector.load %arg6[%swap3A, %swap3A_16] : memref<256x64xf32, #tpu.memory_space<vmem>>, vector<256x64xf32>
    tpu.vector_store %arg6[%swap3A, %swap3A_16], %dot_general3A_15 {strides = array<i32>} : memref<256x64xf32, #tpu.memory_space<vmem>>, vector<256x64xf32>,
    %get3A_18 = arith.constant 0 : index
    %get3A_19 = arith.constant 0 : index
    %get3A_20 = vector.load %arg5[%get3A_18, %get3A_19] : memref<64x16xf32, #tpu.memory_space<vmem>>, vector<64x16xf32>
    %dot_general3A_21 = arith.constant dense<0.000000e+00> : vector<256x16xf32>
    %dot_general3A_22 = tpu.matmul %dot_general3A_15, %get3A_20, %dot_general3A_21 {dimension_numbers = #tpu.dot_dimension_numbers<[1], [0], [0], [1], [0, 0, 1, 1], [], []>, transpose_lhs_hint = false} : vector<256x64xf32>, vector<64x16xf32>, vector<256x16xf32> -> vector<256x16xf32>
    %swap3A_23 = arith.constant 0 : index
    %swap3A_24 = arith.constant 0 : index
    %swap3A_25 = vector.load %arg7[%swap3A_23, %swap3A_24] : memref<256x16xf32, #tpu.memory_space<vmem>>, vector<256x16xf32>
    tpu.vector_store %arg7[%swap3A_23, %swap3A_24], %dot_general3A_22 {strides = array<i32>} : memref<256x16xf32, #tpu.memory_space<vmem>>, vector<256x16xf32>,
    %reduce_max3A = arith.constant dense<0xFF800000> : vector<16xf32>
    %reduce_max3A_26 = vector.multi_reduction <maximumf>, %dot_general3A_22, %reduce_max3A [0] : vector<256x16xf32> to vector<16xf32>
    %broadcast_in_dim3A = vector.shape_cast %reduce_max3A_26 : vector<16xf32> to vector<1x16xf32>
    %eq3A = arith.constant 0 : i32
    %eq3A_27 = arith.cmpi eq, %arg0, %eq3A : i32
    %convert_element_type3A = arith.extui %eq3A_27 : i1 to i32
    %cond3A = arith.constant 0 : i32
    %cond3A_28 = arith.cmpi ne, %convert_element_type3A, %cond3A : i32
    scf.if %cond3A_28 {
      %swap3A_33 = arith.constant 0 : index
      %swap3A_34 = arith.constant 0 : index
      %swap3A_35 = vector.load %arg8[%swap3A_33, %swap3A_34] : memref<1x16xf32, #tpu.memory_space<vmem>>, vector<1x16xf32>
      tpu.vector_store %arg8[%swap3A_33, %swap3A_34], %broadcast_in_dim3A {strides = array<i32>} : memref<1x16xf32, #tpu.memory_space<vmem>>, vector<1x16xf32>,
    } else {
    }
    %ne3A = arith.constant 0 : i32
    %ne3A_29 = arith.cmpi ne, %arg0, %ne3A : i32
    %convert_element_type3A_30 = arith.extui %ne3A_29 : i1 to i32
    %cond3A_31 = arith.constant 0 : i32
    %cond3A_32 = arith.cmpi ne, %convert_element_type3A_30, %cond3A_31 : i32
    scf.if %cond3A_32 {
      %get3A_33 = arith.constant 0 : index
      %get3A_34 = arith.constant 0 : index
      %get3A_35 = vector.load %arg8[%get3A_33, %get3A_34] : memref<1x16xf32, #tpu.memory_space<vmem>>, vector<1x16xf32>
      %max3A_36 = arith.maximumf %get3A_35, %broadcast_in_dim3A : vector<1x16xf32>
      %swap3A_37 = arith.constant 0 : index
      %swap3A_38 = arith.constant 0 : index
      %swap3A_39 = vector.load %arg8[%swap3A_37, %swap3A_38] : memref<1x16xf32, #tpu.memory_space<vmem>>, vector<1x16xf32>
      tpu.vector_store %arg8[%swap3A_37, %swap3A_38], %max3A_36 {strides = array<i32>} : memref<1x16xf32, #tpu.memory_space<vmem>>, vector<1x16xf32>,
    } else {
    }
    return
  }
  func.func @transform_0(%arg0: i32) -> (i32, i32) {
    %c0_i32 = arith.constant 0 : i32
    %c0_i32_0 = arith.constant 0 : i32
    return %arg0, %c0_i32 : i32, i32
  }
  func.func @transform_1(%arg0: i32) -> (i32, i32) {
    %c0_i32 = arith.constant 0 : i32
    %c0_i32_0 = arith.constant 0 : i32
    return %arg0, %c0_i32 : i32, i32
  }
  func.func @transform_2(%arg0: i32) -> (i32, i32) {
    %c0_i32 = arith.constant 0 : i32
    %c0_i32_0 = arith.constant 0 : i32
    %c0_i32_1 = arith.constant 0 : i32
    return %c0_i32, %c0_i32_0 : i32, i32
  }
  func.func @transform_3(%arg0: i32) -> (i32, i32) {
    %c0_i32 = arith.constant 0 : i32
    %c0_i32_0 = arith.constant 0 : i32
    %c0_i32_1 = arith.constant 0 : i32
    return %c0_i32, %c0_i32_0 : i32, i32
  }
  func.func @transform_4(%arg0: i32) -> (i32, i32) {
    %c0_i32 = arith.constant 0 : i32
    %c0_i32_0 = arith.constant 0 : i32
    %c0_i32_1 = arith.constant 0 : i32
    return %c0_i32, %c0_i32_0 : i32, i32
  }
  func.func @transform_5(%arg0: i32) -> (i32, i32) {
    %c0_i32 = arith.constant 0 : i32
    %c0_i32_0 = arith.constant 0 : i32
    return %arg0, %c0_i32 : i32, i32
  }
  func.func @transform_6(%arg0: i32) -> (i32, i32) {
    %c0_i32 = arith.constant 0 : i32
    %c0_i32_0 = arith.constant 0 : i32
    return %arg0, %c0_i32 : i32, i32
  }
  func.func @transform_7(%arg0: i32) -> (i32, i32) {
    %c0_i32 = arith.constant 0 : i32
    %c0_i32_0 = arith.constant 0 : i32
    %c0_i32_1 = arith.constant 0 : i32
    return %c0_i32, %c0_i32_0 : i32, i32
  }
}

module attributes {stable_mosaic.version = 14 : i64} {
  func.func @_tcradd_body(%arg0: i32, %arg1: memref<80x128xf32, #tpu.memory_space<vmem>>, %arg2: memref<80x128xf32, #tpu.memory_space<vmem>>, %arg3: memref<80x128xf32, #tpu.memory_space<vmem>>) attributes {dimension_semantics = [#tpu.dimension_semantics<arbitrary>], iteration_bounds = array<i64: 1>, scalar_prefetch = 0 : i64, scratch_operands = 0 : i64, tpu.core_type = #tpu.core_type<tc>, window_params = [{transform_indices = @transform_0, window_bounds = array<i64: 80, 128>}, {transform_indices = @transform_1, window_bounds = array<i64: 80, 128>}, {transform_indices = @transform_2, window_bounds = array<i64: 80, 128>}]} {
    %get3A = arith.constant 0 : index
    %get3A_0 = arith.constant 0 : index
    %get3A_1 = vector.load %arg1[%get3A, %get3A_0] : memref<80x128xf32, #tpu.memory_space<vmem>>, vector<80x128xf32>
    %get3A_2 = arith.constant 0 : index
    %get3A_3 = arith.constant 0 : index
    %get3A_4 = vector.load %arg2[%get3A_2, %get3A_3] : memref<80x128xf32, #tpu.memory_space<vmem>>, vector<80x128xf32>
    %add3A = arith.addf %get3A_1, %get3A_4 : vector<80x128xf32>
    %add3A_5 = arith.constant 1.000000e-16 : f32
    %add3A_6 = vector.broadcast %add3A_5 : f32 to vector<80x128xf32>
    %add3A_7 = arith.addf %add3A, %add3A_6 : vector<80x128xf32>
    %div3A = arith.constant 1.000000e+00 : f32
    %div3A_8 = vector.broadcast %div3A : f32 to vector<80x128xf32>
    %div3A_9 = arith.divf %div3A_8, %add3A_7 : vector<80x128xf32>
    %swap3A = arith.constant 0 : index
    %swap3A_10 = arith.constant 0 : index
    %swap3A_11 = vector.load %arg3[%swap3A, %swap3A_10] : memref<80x128xf32, #tpu.memory_space<vmem>>, vector<80x128xf32>
    tpu.vector_store %arg3[%swap3A, %swap3A_10], %div3A_9 {strides = array<i32>} : memref<80x128xf32, #tpu.memory_space<vmem>>, vector<80x128xf32>,
    return
  }
  func.func @transform_0(%arg0: i32) -> (i32, i32) {
    %c0_i32 = arith.constant 0 : i32
    %c0_i32_0 = arith.constant 0 : i32
    return %arg0, %c0_i32 : i32, i32
  }
  func.func @transform_1(%arg0: i32) -> (i32, i32) {
    %c0_i32 = arith.constant 0 : i32
    %c0_i32_0 = arith.constant 0 : i32
    return %arg0, %c0_i32 : i32, i32
  }
  func.func @transform_2(%arg0: i32) -> (i32, i32) {
    %c0_i32 = arith.constant 0 : i32
    %c0_i32_0 = arith.constant 0 : i32
    return %arg0, %c0_i32 : i32, i32
  }
}

module attributes {stable_mosaic.version = 14 : i64} {
  func.func @_tc3_body(%arg0: i32, %arg1: memref<256x64xf32, #tpu.memory_space<vmem>>, %arg2: memref<256x64xf32, #tpu.memory_space<vmem>>, %arg3: memref<1x64xf32, #tpu.memory_space<vmem>>, %arg4: memref<256x64xf32, #tpu.memory_space<vmem>>) attributes {dimension_semantics = [#tpu.dimension_semantics<arbitrary>], iteration_bounds = array<i64: 40>, scalar_prefetch = 0 : i64, scratch_operands = 0 : i64, tpu.core_type = #tpu.core_type<tc>, window_params = [{transform_indices = @transform_0, window_bounds = array<i64: 256, 64>}, {transform_indices = @transform_1, window_bounds = array<i64: 256, 64>}, {pipeline_mode = #tpu.pipeline_mode<synchronous>, transform_indices = @transform_2, window_bounds = array<i64: 1, 64>}, {transform_indices = @transform_3, window_bounds = array<i64: 256, 64>}]} {
    %get3A = arith.constant 0 : index
    %get3A_0 = arith.constant 0 : index
    %get3A_1 = vector.load %arg1[%get3A, %get3A_0] : memref<256x64xf32, #tpu.memory_space<vmem>>, vector<256x64xf32>
    %get3A_2 = arith.constant 0 : index
    %get3A_3 = arith.constant 0 : index
    %get3A_4 = vector.load %arg2[%get3A_2, %get3A_3] : memref<256x64xf32, #tpu.memory_space<vmem>>, vector<256x64xf32>
    %add3A = arith.addf %get3A_1, %get3A_4 : vector<256x64xf32>
    %get3A_5 = arith.constant 0 : index
    %get3A_6 = arith.constant 0 : index
    %get3A_7 = vector.load %arg3[%get3A_5, %get3A_6] : memref<1x64xf32, #tpu.memory_space<vmem>>, vector<1x64xf32>
    %add3A_8 = vector.broadcast %get3A_7 : vector<1x64xf32> to vector<256x64xf32>
    %add3A_9 = arith.addf %add3A, %add3A_8 : vector<256x64xf32>
    %reduce_max3A = arith.constant dense<0xFF800000> : vector<256xf32>
    %reduce_max3A_10 = vector.multi_reduction <maximumf>, %add3A_9, %reduce_max3A [1] : vector<256x64xf32> to vector<256xf32>
    %broadcast_in_dim3A = vector.shape_cast %reduce_max3A_10 : vector<256xf32> to vector<256x1xf32>
    %sub3A = vector.broadcast %broadcast_in_dim3A : vector<256x1xf32> to vector<256x64xf32>
    %sub3A_11 = arith.subf %add3A_9, %sub3A : vector<256x64xf32>
    %exp3A = math.exp %sub3A_11 : vector<256x64xf32>
    %reduce_sum3A = arith.constant dense<0.000000e+00> : vector<256xf32>
    %reduce_sum3A_12 = vector.multi_reduction <add>, %exp3A, %reduce_sum3A [1] : vector<256x64xf32> to vector<256xf32>
    %broadcast_in_dim3A_13 = vector.shape_cast %reduce_sum3A_12 : vector<256xf32> to vector<256x1xf32>
    %log3A = math.log %broadcast_in_dim3A_13 : vector<256x1xf32>
    %sub3A_14 = vector.broadcast %log3A : vector<256x1xf32> to vector<256x64xf32>
    %sub3A_15 = arith.subf %sub3A_11, %sub3A_14 : vector<256x64xf32>
    %swap3A = arith.constant 0 : index
    %swap3A_16 = arith.constant 0 : index
    %swap3A_17 = vector.load %arg4[%swap3A, %swap3A_16] : memref<256x64xf32, #tpu.memory_space<vmem>>, vector<256x64xf32>
    tpu.vector_store %arg4[%swap3A, %swap3A_16], %sub3A_15 {strides = array<i32>} : memref<256x64xf32, #tpu.memory_space<vmem>>, vector<256x64xf32>,
    return
  }
  func.func @transform_0(%arg0: i32) -> (i32, i32) {
    %c0_i32 = arith.constant 0 : i32
    %c0_i32_0 = arith.constant 0 : i32
    return %arg0, %c0_i32 : i32, i32
  }
  func.func @transform_1(%arg0: i32) -> (i32, i32) {
    %c0_i32 = arith.constant 0 : i32
    %c0_i32_0 = arith.constant 0 : i32
    return %arg0, %c0_i32 : i32, i32
  }
  func.func @transform_2(%arg0: i32) -> (i32, i32) {
    %c0_i32 = arith.constant 0 : i32
    %c0_i32_0 = arith.constant 0 : i32
    %c0_i32_1 = arith.constant 0 : i32
    return %c0_i32, %c0_i32_0 : i32, i32
  }
  func.func @transform_3(%arg0: i32) -> (i32, i32) {
    %c0_i32 = arith.constant 0 : i32
    %c0_i32_0 = arith.constant 0 : i32
    return %arg0, %c0_i32 : i32, i32
  }
}

</mosaic_0001>

<sc_bundles>
// kernel: kernel.11.cloned.1.call-start
scs
__scs_entry_jumppad:
0x0: {  	(pc) =	sbr.rel $0x88, $3  }
0x1: {  	(tag) =	ssettag $0x0;
	lr =	simm.s32 $0x1  }
0x2: {  	[smem:$0x3F97] =	sst lr;
	_ =	strace $0xD0000000  }
0x3: {  	_ = 	snop  }
0x4: {  	_ = 	snop  }
0x5: {  	_ = 	snop  }
0x6: {  	_ = 	snop  }
0x7: {  	_ = 	snop  }
__scs_overlays_trampoline_lowered:
0x8: {  	[smem:$0x3FA6] =	sst s0  }
0x9: {  	[smem:$0x3FA7] =	sst s1  }
0xa: {  	[smem:$0x3FA8] =	sst s2  }
0xb: {  	[smem:$0x3FA9] =	sst s3  }
0xc: {  	[smem:$0x3FAA] =	sst s4  }
0xd: {  	[smem:$0x3FAB] =	sst s5  }
0xe: {  	[smem:$0x3FAC] =	sst s6  }
0xf: {  	[smem:$0x3FAD] =	sst s7  }
0x10: {  	[smem:$0x3FAE] =	sst s8  }
0x11: {  	[smem:$0x3FAF] =	sst s9;
	s0 =	simm.s32 @!p0 $0x0  }
0x12: {  	s1 =	sld [smem:$0x3F95];
	s0 =	simm.s32 @p0 $0x1  }
0x13: {  	[smem:$0x3FB0] =	sst s0;
	s0 =	simm.s32 @!p1 $0x0  }
0x14: {  	s2 =	sld [smem:$0x3F94];
	s0 =	simm.s32 @p1 $0x1  }
0x15: {  	[smem:$0x3FB1] =	sst s0;
	s0 =	simm.s32 @!p2 $0x0  }
0x16: {  	s3 =	sld [smem:$0x3FDB];
	s0 =	simm.s32 @p2 $0x1  }
0x17: {  	s4 =	simm.s32 $0x1BF5;
	[smem:$0x3FB3] =	sst s0  }
0x18: {  	s0 =	sld [smem:$0x3F96];
	_ =	swait.ge [sflag:s4], $0x0  }
0x19: {  	s7 =	sld [smem:$0x3F97]  }
0x1a: {  	s8 =	sadd.s32 $0xFFFFE003, lr  }
0x1b: {  	s9 =	sadd.s32 $0xFFFFFEF7, lr;
	s5 =	simm.s32 $0xFFFFFFFF;
	p2 =	slt.u32 s8, $0xFFFFF086  }
0x1c: {  	p1 =	slt.u32 s9, $0xF7A;
	s5 =	simm.s32 @!p2 $0x0  }
0x1d: {  	s5 =	simm.s32 @p1 $0x1;
	p0 =	seq.s32 s7, s2  }
0x1e: {  	s7 =	smul.u32 @!p0 $0xF7A, s2;
	p2 =	seq.s32 @!p0 s5, $0x0  }
0x1f: {  	s9 =	smul.u32 $0xF7A, s1;
	s8 =	simm.s32 @!p0 $0x1BF5;
	p2 =	por !p2, p0  }
0x20: {  	[sflag:s8] =	ssyncset.s32 @!p0 $0xFFFFF086;
	s6 =	sadd.s32 @!p0 s3, s7;
	s7 =	simm.s32 @!p0 $0x108  }
0x21: {  	s3 =	sadd.s32 s3, s9;
	s6 =	sadd.s32 @!p0 $0x88, s6;
	s7 =	simm.s32 @p2 $0x1082  }
0x22: {  	[simem:s7], [sflag:s8] =	dma.local @!p0 [hbm:s6], $0xF7A  }
0x23: {  	s9 =	sor.u32 $0xD0000000, s2;
	s6 =	simm.s32 $0x108;
	_ =	swait.ge @!p0 [sflag:s8], $0x0  }
0x24: {  	s3 =	sadd.s32 $0x88, s3;
	s6 =	simm.s32 @!p1 $0x1082;
	[sflag:s4] =	ssyncset.s32 $0xFFFFF086  }
0x25: {  	[simem:s6], [sflag:s4] =	dma.local [hbm:s3], $0xF7A  }
0x26: {  	[smem:$0x3F97] =	sst s1;
	(tag) =	ssettag s2;
	_ =	strace s9  }
0x27: {  	s1 =	sld [smem:$0x3FA7]  }
0x28: {  	s2 =	sld [smem:$0x3FA8]  }
0x29: {  	s4 =	sld [smem:$0x3FAA]  }
0x2a: {  	p0 =	seq.s32 s5, $0x0;
	s5 =	sld [smem:$0x3FAB]  }
0x2b: {  	s6 =	sld [smem:$0x3FAC]  }
0x2c: {  	s7 =	sld [smem:$0x3FAD]  }
0x2d: {  	s3 =	simm.s32 $0x108;
	s8 =	sld [smem:$0x3FAE]  }
0x2e: {  	s3 =	simm.s32 @!p0 $0x1082;
	s9 =	sld [smem:$0x3FAF]  }
0x2f: {  	lr =	sadd.s32 s0, s3;
	s0 =	sld [smem:$0x3FA6]  }
0x30: {  	s3 =	sld [smem:$0x3FA9]  }
0x31: {  	[smem:$0x3FB2] =	sst s10  }
0x32: {  	s10 =	sld [smem:$0x3FB0];
	_ =	sdelay $0x3  }
0x33: {  	p0 =	seq.s32 s10, $0x1;
	s10 =	sld [smem:$0x3FB2];
	_ =	sdelay $0x3  }
0x34: {  	[smem:$0x3FB2] =	sst s10  }
0x35: {  	s10 =	sld [smem:$0x3FB1];
	_ =	sdelay $0x3  }
0x36: {  	p1 =	seq.s32 s10, $0x1;
	s10 =	sld [smem:$0x3FB2];
	_ =	sdelay $0x3  }
0x37: {  	[smem:$0x3FB2] =	sst s10  }
0x38: {  	s10 =	sld [smem:$0x3FB3]  }
0x39: {  	_ = 	snop;
	(pc) =	sbr.ind lr, $3  }
0x3a: {  	_ = 	snop  }
0x3b: {  	_ = 	snop  }
0x3c: {  	p2 =	seq.s32 s10, $0x1;
	s10 =	sld [smem:$0x3FB2]  }
0x3d: {  	_ =	shalt  }
0x3e: {  	_ =	shalt  }
0x3f: {  	_ =	shalt  }
0x40: {  	_ =	shalt  }
0x41: {  	_ =	shalt  }
0x42: {  	_ =	shalt  }
0x43: {  	_ =	shalt  }
0x44: {  	_ =	shalt  }
0x45: {  	_ =	shalt  }
0x46: {  	_ =	shalt  }
0x47: {  	_ =	shalt  }
0x48: {  	_ =	shalt  }
0x49: {  	_ =	shalt  }
0x4a: {  	_ =	shalt  }
0x4b: {  	_ =	shalt  }
0x4c: {  	_ =	shalt  }
0x4d: {  	_ =	shalt  }
0x4e: {  	_ =	shalt  }
0x4f: {  	_ =	shalt  }
0x50: {  	_ =	shalt  }
0x51: {  	_ =	shalt  }
0x52: {  	_ =	shalt  }
0x53: {  	_ =	shalt  }
0x54: {  	_ =	shalt  }
0x55: {  	_ =	shalt  }
0x56: {  	_ =	shalt  }
0x57: {  	_ =	shalt  }
0x58: {  	_ =	shalt  }
0x59: {  	_ =	shalt  }
0x5a: {  	_ =	shalt  }
0x5b: {  	_ =	shalt  }
0x5c: {  	_ =	shalt  }
0x5d: {  	_ =	shalt  }
0x5e: {  	_ =	shalt  }
0x5f: {  	_ =	shalt  }
0x60: {  	_ =	shalt  }
0x61: {  	_ =	shalt  }
0x62: {  	_ =	shalt  }
0x63: {  	_ =	shalt  }
0x64: {  	_ =	shalt  }
0x65: {  	_ =	shalt  }
0x66: {  	_ =	shalt  }
0x67: {  	_ =	shalt  }
0x68: {  	_ =	shalt  }
0x69: {  	_ =	shalt  }
0x6a: {  	_ =	shalt  }
0x6b: {  	_ =	shalt  }
0x6c: {  	_ =	shalt  }
0x6d: {  	_ =	shalt  }
0x6e: {  	_ =	shalt  }
0x6f: {  	_ =	shalt  }
0x70: {  	_ =	shalt  }
0x71: {  	_ =	shalt  }
0x72: {  	_ =	shalt  }
0x73: {  	_ =	shalt  }
0x74: {  	_ =	shalt  }
0x75: {  	_ =	shalt  }
0x76: {  	_ =	shalt  }
0x77: {  	_ =	shalt  }
0x78: {  	_ =	shalt  }
0x79: {  	_ =	shalt  }
0x7a: {  	_ =	shalt  }
0x7b: {  	_ =	shalt  }
0x7c: {  	_ =	shalt  }
0x7d: {  	_ =	shalt  }
0x7e: {  	_ =	shalt  }
0x7f: {  	_ =	shalt  }
0x80: {  	_ =	shalt  }
0x81: {  	_ =	shalt  }
0x82: {  	_ =	shalt  }
0x83: {  	_ =	shalt  }
0x84: {  	_ =	shalt  }
0x85: {  	_ =	shalt  }
0x86: {  	_ =	shalt  }
0x87: {  	_ =	shalt  }
.Lfunc_end0:
.L_simem_size_0:
called_computation_lowered:
.L_overlay_start_0:
0x88: {  	s2 =	sld [smem:$0x3FD9]  }
0x89: {  	s3 =	sld [smem:$0x3FFE];
	_ =	sdelay $0x1  }
0x8a: {  	s1 =	srdreg.scid  }
0x8b: {  	s0 =	sand.u32 $0x1, s1  }
0x8c: {  	s17 =	sshll.u32 s0, $0xA;
	s2 =	sadd.s32 s3, s2  }
0x8d: {  	s2 =	sadd.s32 s2, s17  }
0x8e: {  	[smem:$0x3FBE] =	sst s2  }
0x8f: {  	_ = 	snop  }
0x90: {  	s2 =	sld [smem:$0x3FD0];
	(tm) =	ssettm $0x1  }
0x91: {  	s18 =	sld [smem:$0x3FFB];
	_ =	sdelay $0x3  }
0x92: {  	_ =	strace s18  }
0x93: {  	s3 =	sld [smem:$0x3FFC];
	_ =	sdelay $0x3  }
0x94: {  	_ =	strace s3  }
0x95: {  	s3 =	sld [smem:$0x3FFD];
	_ =	sdelay $0x3  }
0x96: {  	_ =	strace s3  }
0x97: {  	_ =	strace $0x8FFFFFFF  }
0x98: {  	s19 =	sld [smem:$0x3FDB];
	_ =	sdelay $0x1  }
0x99: {  	s4 =	simm.s32 $_scs_section_size  }
0x9a: {  	s5 =	simm.s32 $_size__tile_overlayer_lowered;
	s6 =	simm.s32 $_tile_overlayer_lowered  }
0x9b: {  	s22 =	simm.s32 $0x1BFF;
	s21 =	sshll.u32 s6, $0x1;
	s3 =	sadd.s32 s4, s19  }
0x9c: {  	s7 =	simm.s32 $0x0;
	s20 =	sshll.u32 s5, $0x1;
	s5 =	sadd.s32 s21, s3  }
0x9d: {  	[timem:s7], [sflag:s22] =	dma.local [hbm:s5], s20  }
0x9e: {  	_ =	swait.ge [sflag:s22], s20  }
0x9f: {  	s4 =	ssub.s32 $0x0, s20;
	[sflag:s22] =	ssyncset.done $0x0  }
0xa0: {  	[sflag:s22] =	ssyncadd.s32 s4;
	_ =	sdelay $0x1  }
0xa1: {  	s23 =	simm.s32 $0x1B8B  }
0xa2: {  	_ =	swait.ge [sflag:s23], $0x1  }
0xa3: {  	[sflag:s23] =	ssyncset.done $0x0  }
0xa4: {  	s25 =	simm.s32 $0x1B8E;
	s24 =	sld [smem:$0x3FFE];
	[sflag:s23] =	ssyncadd.s32 $0xFFFFFFFF  }
0xa5: {  	s26 =	simm.s32 $execute0_lowered;
	[smem:$0x3FD2] =	sst s25  }
0xa6: {  	s5 =	sshll.u32 s26, $0x1;
	_ =	strace $0x80000046;
	[dreg:$0x1] =	wrdreg $0xFFFFFFFF  }
0xa7: {  	s28 =	simm.s32 $_size_execute0_lowered;
	s3 =	sadd.s32 s3, s5;
	[dreg:$0x0] =	wrdreg $0x0  }
0xa8: {  	s5 =	sshll.u32 s28, $0x1;
	[dreg:$0x2] =	wrdreg s3  }
0xa9: {  	[dreg:$0x3] =	wrdreg s5  }
0xaa: {  	[dreg:$0x4] =	wrdreg $0xC0  }
0xab: {  	_ =	task [dreg:s7], $0x5FFFF  }
0xac: {  	[dreg:$0x1] =	wrdreg $0xFFFFFFFF  }
0xad: {  	[dreg:$0x0] =	wrdreg $0x60  }
0xae: {  	[dreg:$0x2] =	wrdreg s24  }
0xaf: {  	[dreg:$0x3] =	wrdreg s2  }
0xb0: {  	[dreg:$0x4] =	wrdreg $0xB0100  }
0xb1: {  	[dreg:$0x5] =	wrdreg $0x9  }
0xb2: {  	_ =	task.clear_ibuf [dreg:s7], $0x6FFFF;
	_ =	strace $0x90000046  }
0xb3: {  	s29 =	simm.s32 $0x9;
	_ =	strace $0x80000048  }
0xb4: {  	_ =	swait.ge [sflag:s29], $0x1  }
0xb5: {  	[sflag:s29] =	ssyncadd.s32 $0xFFFFFFFF  }
0xb6: {  	_ =	strace $0x90000048  }
0xb7: {  	_ =	sfence  }
0xb8: {  	s30 =	sld [smem:$0x0];
	_ =	sdelay $0x2  }
0xb9: {  	s31 =	sshll.u32 s1, $0xD;
	s1 =	sshrl.u32 s1, $0x2  }
0xba: {  	s3 =	sand.u32 $0x4000, s31;
	s1 =	sadd.s32 s1, s30  }
0xbb: {  	s0 =	sor.u32 s3, s0;
	s1 =	sshll.u32 s1, $0x11  }
0xbc: {  	s0 =	sor.u32 s1, s0  }
0xbd: {  	s0 =	sadd.s32 $0x8F2B, s0  }
0xbe: {  	[sflag:s0] =	ssyncadd.remote.s32 $0x1  }
0xbf: {  	_ =	sfence.sel $0xFFFF  }
0xc0: {  	[dreg:$0x0] =	wrdreg $0xFFFFFFFF;
	(pc) =	sbr.abs _section_cstart, $3  }
0xc1: {  	[dreg:$0x1] =	wrdreg $0xFFFFFFFF  }
0xc2: {  	_ =	task.clear_ibuf [dreg:s7], $0x2FFFF;
	_ =	strace $0x9FFFFFFF  }
0xc3: {  	(tm) =	ssettm $0x7FFFFFFF  }
tec
execute0_lowered:
.L_overlay_start_1:
0x0: {  	(tag) =	ssettag $0x1  }
0x1: {  	s0 =	srdreg.scid;
	s1 =	rddreg [dreg:$0x0]  }
0x2: {  	s16 =	stileid.u32;
	s6 =	rddreg [dreg:$0x1]  }
0x3: {  	s3 =	simm.s32 $0x0;
	s15 =	simm.s32 $0x7;
	s19 =	simm.s32 $0x100  }
0x4: {  	s28 =	simm.s32 $0x9000;
	s29 =	simm.s32 $0x2;
	s30 =	simm.s32 $0x4  }
0x5: {  	s31 =	simm.s32 $0xA000;
	s0 =	sand.u32 $0x1, s0;
	s10 =	smul.u32 $0x2800, s16  }
0x6: {  	[smem:$0x7FF] =	sst s3;
	s4 =	sadd.s32 $0x2A000, s1;
	s5 =	sadd.s32 $0x2F000, s1  }
0x7: {  	s12 =	sadd.s32 $0x34000, s1;
	s26 =	sshll.u32 s16, $0x6;
	s2 =	sshll.u32 s0, $0x4  }
0x8: {  	s7 =	smul.u32 $0x28000, s0;
	s8 =	sor.u32 s16, s2;
	s2 =	rddreg [dreg:$0x2]  }
0x9: {  	s0 =	ssub.s32 $0x2, s0;
	_ =	strace $0x80000047;
	[dreg:$0x4] =	wrdreg s12  }
0xa: {  	s22 =	sshrl.u32 s10, $0x3;
	s14 =	sshrl.u32 s0, $0x1;
	s16 =	sor.u32 $0x1C07, s26  }
0xb: {  	s26 =	simm.s32 $0x3;
	s9 =	smul.u32 $0x500, s8;
	s7 =	sadd.s32 s10, s7  }
0xc: {  	s12 =	sadd.s32 s22, s1;
	s0 =	ssub.s32 s0, s14;
	s8 =	smul.u32 $0x28, s8  }
0xd: {  	s23 =	sadd.s32 s10, s2;
	s22 =	simm.s32 $0x6000;
	s14 =	simm.s32 $0x0  }
0xe: {  	s7 =	sshrl.u32 s7, $0x3;
	s24 =	sadd.s32 $0x3E200, s12;
	s17 =	sshrl.u32 s23, $0x3  }
.Ltmp0:
0xf: {  	s11 =	sadd.s32 s9, s1;
	s13 =	sadd.s32 s7, s1;
	(pc) =	sbr.rel .LBB2_1-.Ltmp0, $4  }
0x10: {  	s7 =	sadd.s32 $0x4D200, s1;
	[dreg:$0x5] =	wrdreg s24;
	s6 =	sadd.s32 s6, s9  }
0x11: {  	s24 =	simm.s32 $0x8000;
	s1 =	simm.s32 $0x5;
	s25 =	sadd.s32 $0x34200, s11  }
0x12: {  	[dreg:$0x7] =	wrdreg s6;
	s12 =	sadd.s32 $0x43200, s13;
	s13 =	smax.u32 s0, $0x1  }
0x13: {  	s0 =	simm.s32 $0x6;
	[dreg:$0x6] =	wrdreg s25;
	s25 =	simm.s32 $0x1  }
.LBB2_8:
0x14: {  	_ =	swait.ge [sflag:s1], $0x1000  }
0x15: {  	[sflag:s1] =	ssyncset.done $0x0  }
0x16: {  	[sflag:s1] =	ssyncadd.s32 $0xFFFFF000  }
0x17: {  	_ =	swait.ge [sflag:s0], $0x1000  }
0x18: {  	s14 =	sadd.s32 $0x1, s14;
	[sflag:s0] =	ssyncset.done $0x0  }
0x19: {  	p0 =	sne.s32 s14, s13;
	[sflag:s0] =	ssyncadd.s32 $0xFFFFF000  }
.Ltmp1:
0x1a: {  	[bflag:$0x0] =	sbarrier.arrive $0xFFFF;
	(pc) =	sbr.rel @!p0 .LBB2_9-.Ltmp1, $4  }
0x1b: {  	[hbm:s12], [sflag:s16] =	dma.local [spmem:s17], $0x500  }
0x1c: {  	_ =	swait.ge [sflag:s15], $0x500  }
0x1d: {  	[sflag:s15] =	ssyncset.done $0x0  }
0x1e: {  	[sflag:s15] =	ssyncadd.s32 $0xFFFFFB00  }
.LBB2_1:
0x1f: {  	s6 =	rddreg [dreg:$0x4];
	s9 =	simm.s32 $0xB000  }
0x20: {  	[tilespmem:s9], [sflag:$0x7] =	stream.linear.gather [hbm4b:s6+s3], $0x10, $0x38;
	[tilespmem:$0xD810] =	vst v63  }
0x21: {  	_ =	swait.ge [sflag:s15], $0x10  }
0x22: {  	[sflag:s15] =	ssyncset.done $0x0  }
0x23: {  	s9 =	rddreg [dreg:$0x5];
	[sflag:s15] =	ssyncadd.s32 $0xFFFFFFF0  }
0x24: {  	v0 =	vld [tilespmem:$0xB000];
	[spmem:s17], [sflag:s16] =	dma.local [hbm:s9], $0x500  }
0x25: {  	_ =	swait.ge [sflag:s15], $0x500  }
0x26: {  	[sflag:s15] =	ssyncset.done $0x0  }
0x27: {  	s10 =	rddreg [dreg:$0x6];
	[sflag:s15] =	ssyncadd.s32 $0xFFFFFB00  }
0x28: {  	[tilespmem:s3], [sflag:$0x7] =	stream.linear.gather [hbm4b:s10+s3], $0x2800, $0x38;
	[tilespmem:$0xD810] =	vst v63  }
0x29: {  	_ =	swait.ge [sflag:s15], $0x2800  }
0x2a: {  	[sflag:s15] =	ssyncset.done $0x0  }
0x2b: {  	s18 =	simm.s32 $0x2800;
	s11 =	rddreg [dreg:$0x7];
	[sflag:s15] =	ssyncadd.s32 $0xFFFFD800  }
0x2c: {  	[tilespmem:s18], [sflag:$0x7] =	stream.linear.gather [hbm4b:s11+s3], $0x2800, $0x38;
	[tilespmem:$0xD810] =	vst v63  }
0x2d: {  	_ =	swait.ge [sflag:s15], $0x2800  }
0x2e: {  	[sflag:s15] =	ssyncset.done $0x0  }
0x2f: {  	[sflag:s15] =	ssyncadd.s32 $0xFFFFD800  }
0x30: {  	s20 =	simm.s32 $0x5000;
	[bflag:$0x0] =	sbarrier.arrive $0xFFFF  }
0x31: {  	[tilespmem:s20], [sflag:$0x1] =	stream.indirect.gather [hbm4b:s4+s19], $0x10, s3, s19, $0xb8;
	[tilespmem:$0xD810] =	vst v63  }
0x32: {  	s21 =	simm.s32 $0x7000  }
0x33: {  	[tilespmem:s21], [sflag:$0x3] =	stream.indirect.gather [hbm4b:s5+s19], $0x10, s18, s19, $0xb8;
	[tilespmem:$0xD810] =	vst v63  }
0x34: {  	_ = 	snop  }
0x35: {  	[tilespmem:s22], [sflag:$0x2] =	stream.indirect.gather [hbm4b:s4+s19], $0x10, s19, s19, $0xb8;
	[tilespmem:$0xD810] =	vst v63  }
0x36: {  	s23 =	simm.s32 $0x2900;
	s20 =	simm.s32 $0x0  }
0x37: {  	[tilespmem:s24], [sflag:$0x4] =	stream.indirect.gather [hbm4b:s5+s19], $0x10, s23, s19, $0xb8;
	[tilespmem:$0xD810] =	vst v63  }
.LBB2_2:
0x38: {  	_ =	swait.ge [sflag:s25], $0x1000  }
0x39: {  	[sflag:s25] =	ssyncset.done $0x0  }
0x3a: {  	[sflag:s25] =	ssyncadd.s32 $0xFFFFF000  }
0x3b: {  	_ =	swait.ge [sflag:s26], $0x1000  }
0x3c: {  	p0 =	seq.s32 s20, $0x0;
	[sflag:s26] =	ssyncset.done $0x0  }
0x3d: {  	s6 =	simm.s32 @!p0 $0x5;
	[sflag:s26] =	ssyncadd.s32 $0xFFFFF000  }
0x3e: {  	_ =	swait.ge @!p0 [sflag:s6], $0x1000  }
0x3f: {  	[sflag:s6] =	ssyncset.done @!p0 $0x0  }
0x40: {  	s10 =	simm.s32 $0x5020;
	[sflag:s6] =	ssyncadd.s32 @!p0 $0xFFFFF000  }
0x41: {  	s9 =	simm.s32 $0x7020;
	v1 =	vld [tilespmem:s10+$0xFFFFFFE0]  }
0x42: {  	v2 =	vld [tilespmem:s9+$0x10]  }
0x43: {  	v3 =	vld [tilespmem:s10+$0x10]  }
0x44: {  	v4 =	vld [tilespmem:s9+$0x0]  }
0x45: {  	v5 =	vld [tilespmem:s10+$0x0]  }
0x46: {  	v6 =	vld [tilespmem:s9+$0xFFFFFFF0]  }
0x47: {  	v7 =	vld [tilespmem:s10+$0xFFFFFFF0]  }
0x48: {  	s18 =	simm.s32 $0x7060;
	v8 =	vld [tilespmem:s9+$0xFFFFFFE0]  }
0x49: {  	s11 =	simm.s32 $0x5060;
	v10 =	vld [tilespmem:s18+$0x10]  }
0x4a: {  	v11 =	vld [tilespmem:s11+$0x10]  }
0x4b: {  	v14 =	vld [tilespmem:s11+$0xFFFFFFF0]  }
0x4c: {  	v2 =	vadd.f32 v2, v3;
	v3 =	vadd.f32 v4, v5;
	v4 =	vld [tilespmem:s18+$0x0]  }
0x4d: {  	v5 =	vadd.f32 v6, v7;
	v6 =	vld [tilespmem:s11+$0x0]  }
0x4e: {  	v1 =	vadd.f32 v8, v1;
	v8 =	vld [tilespmem:s18+$0xFFFFFFF0];
	v7 =	vmul.f32 $2.000000030e-01, v2;
	v12 =	vmul.f32 $2.000000030e-01, v3  }
0x4f: {  	s23 =	simm.s32 $0x70A0;
	v9 =	vld [tilespmem:s11+$0xFFFFFFE0];
	v10 =	vadd.f32 v10, v11;
	v13 =	vmul.f32 $2.000000030e-01, v5  }
0x50: {  	v15 =	vld [tilespmem:s23+$0x0];
	v2 =	vmax.f32 v2, v7;
	v3 =	vmax.f32 v3, v12;
	v7 =	vmul.f32 $2.000000030e-01, v1  }
0x51: {  	s21 =	simm.s32 $0x50A0;
	v12 =	vld [tilespmem:s18+$0xFFFFFFE0];
	v5 =	vmax.f32 v5, v13;
	v3 =	vsub.f32 v3, v0;
	v2 =	vsub.f32 v2, v0  }
0x52: {  	v16 =	vld [tilespmem:s21+$0x0];
	v5 =	vsub.f32 v5, v0;
	v4 =	vadd.f32 v4, v6;
	v6 =	vmul.f32 $2.000000030e-01, v10  }
0x53: {  	v13 =	vld [tilespmem:s21+$0x10];
	v8 =	vadd.f32 v8, v14;
	v1 =	vmax.f32 v1, v7;
	v3 =	vmul.f32 $1.442695020e+00, v3  }
0x54: {  	v7 =	vld [tilespmem:s23+$0x10];
	v1 =	vsub.f32 v1, v0;
	v5 =	vmul.f32 $1.442695020e+00, v5;
	v2 =	vmul.f32 $1.442695020e+00, v2  }
0x55: {  	v11 =	vld [tilespmem:s21+$0xFFFFFFE0];
	v14 =	vmul.f32 $2.000000030e-01, v4;
	v6 =	vmax.f32 v10, v6;
	(erf) = vpow2.f32 v3  }
0x56: {  	v3 =	vadd.f32 v12, v9;
	v9 =	vld [tilespmem:s23+$0xFFFFFFF0];
	(erf) = vpow2.f32 v5;
	v5 =	vmul.f32 $2.000000030e-01, v8  }
0x57: {  	v6 =	vsub.f32 v6, v0;
	v4 =	vmax.f32 v4, v14;
	v14 =	vld [tilespmem:s23+$0xFFFFFFE0];
	(erf) = vpow2.f32 v2  }
0x58: {  	v12 =	vmul.f32 $1.442695020e+00, v1;
	v4 =	vsub.f32 v4, v0;
	v2 =	vld [tilespmem:s21+$0xFFFFFFF0];
	v5 =	vmax.f32 v8, v5  }
0x59: {  	s6 =	simm.s32 $0x50E0;
	v10 =	vmul.f32 $2.000000030e-01, v3;
	v13 =	vadd.f32 v7, v13;
	v8 =	vsub.f32 v5, v0  }
0x5a: {  	s18 =	simm.s32 $0x70E0;
	v1 =	vld [tilespmem:s6+$0xFFFFFFE0];
	(erf) = vpow2.f32 v12;
	v12 =	vadd.f32 v15, v16;
	v4 =	vmul.f32 $1.442695020e+00, v4  }
0x5b: {  	v7 =	vmax.f32 v3, v10;
	v3 =	vld [tilespmem:s18+$0x10];
	v10 =	vmul.f32 $2.000000030e-01, v13;
	v16 =	vmul.f32 $1.442695020e+00, v8  }
0x5c: {  	v5 =	vld [tilespmem:s6+$0x10];
	v15 =	vsub.f32 v7, v0;
	v8 =	vadd.f32 v14, v11;
	v11 =	vmul.f32 $1.442695020e+00, v6  }
0x5d: {  	(erf) = vpow2.f32 v4;
	v6 =	vld [tilespmem:s6+$0x0];
	v7 =	vadd.f32 v9, v2;
	v9 =	vmul.f32 $2.000000030e-01, v12  }
0x5e: {  	s21 =	simm.s32 $0x9020;
	v10 =	vmax.f32 v13, v10;
	v2 =	vld [tilespmem:s18+$0x0];
	(erf) = vpow2.f32 v16;
	v14 =	vpop (erf)  }
0x5f: {  	s10 =	simm.s32 $0xC;
	s9 =	simm.s32 $0x9020;
	v4 =	vld [tilespmem:s18+$0xFFFFFFF0];
	v13 =	vmul.f32 $2.000000030e-01, v7;
	v12 =	vmax.f32 v12, v9;
	(erf) = vpow2.f32 v11;
	[tilespmem:s21+$0x0] =	vst v14;
	v16 =	vpop (erf)  }
0x60: {  	s23 =	sshll.u32 s20, $0x1;
	v15 =	vmul.f32 $1.442695020e+00, v15;
	v9 =	vld [tilespmem:s6+$0xFFFFFFF0];
	v14 =	vmul.f32 $2.000000030e-01, v8;
	v12 =	vsub.f32 v12, v0;
	[tilespmem:s21+$0xFFFFFFF0] =	vst v16;
	v11 =	vpop (erf)  }
.LBB2_3:
0x61: {  	s10 =	sadd.s32 $0x4, s10;
	v16 =	vld [tilespmem:s18+$0xFFFFFFE0];
	v17 =	vadd.f32 v3, v5;
	s6 =	sadd.s32 $0x40, s6;
	v3 =	vmax.f32 v7, v13;
	v7 =	vsub.f32 v10, v0;
	[tilespmem:s21+$0x10] =	vst v11;
	s9 =	sadd.s32 $0x40, s9  }
0x62: {  	s18 =	sadd.s32 $0x40, s18;
	v11 =	vmovc v1;
	p1 =	slt.u32 s10, $0xFC;
	v8 =	vmax.f32 v8, v14;
	v10 =	vsub.f32 v3, v0;
	(erf) = vpow2.f32 v15;
	v1 =	vld [tilespmem:s6+$0xFFFFFFE0]  }
0x63: {  	v3 =	vld [tilespmem:s18+$0x10];
	v14 =	vadd.f32 v2, v6;
	v13 =	vmul.f32 $2.000000030e-01, v17;
	v6 =	vmul.f32 $1.442695020e+00, v12;
	v2 =	vpop (erf)  }
.Ltmp2:
0x64: {  	v15 =	vsub.f32 v8, v0;
	v18 =	vmul.f32 $1.442695020e+00, v7;
	v5 =	vld [tilespmem:s6+$0x10];
	v12 =	vmul.f32 $1.442695020e+00, v10;
	[tilespmem:s21+$0xFFFFFFE0] =	vst v2;
	s21 =	smov.u32 s9;
	(pc) =	sbr.rel @p1 .LBB2_3-.Ltmp2, $4  }
0x65: {  	v2 =	vld [tilespmem:s18+$0x0];
	v7 =	vadd.f32 v4, v9;
	v9 =	vmul.f32 $2.000000030e-01, v14;
	(erf) = vpow2.f32 v6  }
0x66: {  	v10 =	vmax.f32 v17, v13;
	v6 =	vld [tilespmem:s6+$0x0];
	v8 =	vadd.f32 v16, v11;
	(erf) = vpow2.f32 v12;
	v11 =	vpop (erf)  }
0x67: {  	v4 =	vld [tilespmem:s18+$0xFFFFFFF0];
	v13 =	vmul.f32 $2.000000030e-01, v7;
	v12 =	vmax.f32 v14, v9;
	(erf) = vpow2.f32 v18;
	[tilespmem:s9+$0x0] =	vst v11;
	v11 =	vpop (erf)  }
0x68: {  	v15 =	vmul.f32 $1.442695020e+00, v15;
	v9 =	vld [tilespmem:s6+$0xFFFFFFF0];
	v14 =	vmul.f32 $2.000000030e-01, v8;
	v12 =	vsub.f32 v12, v0;
	[tilespmem:s9+$0xFFFFFFF0] =	vst v11;
	v11 =	vpop (erf)  }
0x69: {  	v16 =	vld [tilespmem:s18+$0xFFFFFFE0];
	v3 =	vadd.f32 v3, v5;
	v5 =	vmax.f32 v7, v13  }
0x6a: {  	v7 =	vsub.f32 v10, v0;
	v8 =	vmax.f32 v8, v14;
	v5 =	vsub.f32 v5, v0  }
0x6b: {  	(erf) = vpow2.f32 v15;
	v10 =	vmul.f32 $1.442695020e+00, v12;
	v2 =	vadd.f32 v2, v6  }
0x6c: {  	v6 =	vmul.f32 $2.000000030e-01, v3;
	v8 =	vsub.f32 v8, v0;
	v7 =	vmul.f32 $1.442695020e+00, v7  }
0x6d: {  	v5 =	vmul.f32 $1.442695020e+00, v5;
	v4 =	vadd.f32 v4, v9;
	v9 =	vmul.f32 $2.000000030e-01, v2  }
0x6e: {  	(erf) = vpow2.f32 v10;
	v3 =	vmax.f32 v3, v6;
	v1 =	vadd.f32 v16, v1  }
0x6f: {  	v6 =	vmul.f32 $1.442695020e+00, v8;
	v10 =	vmul.f32 $2.000000030e-01, v4;
	v2 =	vmax.f32 v2, v9  }
0x70: {  	(erf) = vpow2.f32 v5;
	v5 =	vmul.f32 $2.000000030e-01, v1;
	v2 =	vsub.f32 v2, v0  }
0x71: {  	v3 =	vsub.f32 v3, v0;
	(erf) = vpow2.f32 v7;
	v4 =	vmax.f32 v4, v10  }
0x72: {  	v4 =	vsub.f32 v4, v0;
	v1 =	vmax.f32 v1, v5;
	v2 =	vmul.f32 $1.442695020e+00, v2  }
0x73: {  	(erf) = vpow2.f32 v6;
	v1 =	vsub.f32 v1, v0  }
0x74: {  	v3 =	vmul.f32 $1.442695020e+00, v3;
	v4 =	vmul.f32 $1.442695020e+00, v4  }
0x75: {  	[tilespmem:s21+$0x10] =	vst v11;
	v5 =	vpop (erf);
	(erf) = vpow2.f32 v2;
	v1 =	vmul.f32 $1.442695020e+00, v1  }
0x76: {  	s6 =	sadd.s32 $0x40, s9;
	[tilespmem:s21+$0xFFFFFFE0] =	vst v5;
	v2 =	vpop (erf);
	(erf) = vpow2.f32 v4  }
0x77: {  	[tilespmem:s6+$0x0] =	vst v2;
	v2 =	vpop (erf);
	(erf) = vpow2.f32 v3  }
0x78: {  	[tilespmem:s6+$0xFFFFFFF0] =	vst v2;
	v2 =	vpop (erf);
	(erf) = vpow2.f32 v1  }
0x79: {  	v1 =	vpop (erf);
	[tilespmem:s6+$0x10] =	vst v2  }
0x7a: {  	s9 =	sadd.s32 $0x40, s6;
	v2 =	vpop (erf);
	[tilespmem:s6+$0xFFFFFFE0] =	vst v1  }
0x7b: {  	v1 =	vpop (erf);
	[tilespmem:s9+$0x0] =	vst v2  }
0x7c: {  	[tilespmem:s9+$0xFFFFFFF0] =	vst v1;
	v1 =	vpop (erf)  }
0x7d: {  	[tilespmem:s9+$0x10] =	vst v1;
	v1 =	vpop (erf)  }
0x7e: {  	s11 =	sadd.s32 $0x40, s9;
	[tilespmem:s9+$0xFFFFFFE0] =	vst v1;
	v1 =	vpop (erf)  }
0x7f: {  	[tilespmem:s11+$0x0] =	vst v1;
	v1 =	vpop (erf)  }
0x80: {  	s21 =	sshll.u32 s20, $0x9;
	[tilespmem:s11+$0xFFFFFFF0] =	vst v1;
	v1 =	vpop (erf)  }
0x81: {  	s18 =	sand.u32 $0x3FFFFE00, s21;
	[tilespmem:s11+$0x10] =	vst v1;
	v1 =	vpop (erf)  }
0x82: {  	s9 =	sadd.s32 $0x2800, s18;
	[tilespmem:s11+$0xFFFFFFE0] =	vst v1  }
0x83: {  	[spmem:s2] =	stream.indirect.scatter.add.f32 [tilespmem:s28], [sflag:$0x7], $0x10, s9, s19, $0xb8;
	[tilespmem:$0xD810] =	vst v63  }
0x84: {  	s10 =	sadd.s32 s8, s23;
	_ =	swait.ge [sflag:s15], $0x1000  }
0x85: {  	s6 =	sshll.u32 s10, $0x9;
	[sflag:s15] =	ssyncset.done $0x0  }
0x86: {  	p1 =	seq.s32 s20, $0x13;
	s6 =	sadd.s32 s7, s6;
	[sflag:s15] =	ssyncadd.s32 $0xFFFFF000  }
0x87: {  	[hbm4b:s6+s3] =	stream.linear.scatter [tilespmem:s28], [sflag:$0x5], $0x1000, $0x38;
	[tilespmem:$0xD810] =	vst v63  }
0x88: {  	s6 =	sshll.u32 @!p1 s20, $0x9  }
0x89: {  	s10 =	simm.s32 @!p1 $0x100;
	s11 =	simm.s32 @!p1 $0x5000;
	s9 =	sadd.s32 @!p1 $0x200, s6  }
0x8a: {  	[tilespmem:s11], [sflag:$0x1] =	stream.indirect.gather @!p1 [hbm4b:s4+s10], $0x10, s9, s10, $0xb8;
	[tilespmem:$0xD810] =	vst v63  }
0x8b: {  	s6 =	sadd.s32 @!p1 $0x2A00, s6;
	s9 =	simm.s32 @!p1 $0x7000  }
0x8c: {  	[tilespmem:s9], [sflag:$0x3] =	stream.indirect.gather @!p1 [hbm4b:s5+s10], $0x10, s6, s10, $0xb8;
	[tilespmem:$0xD810] =	vst v63  }
0x8d: {  	_ =	swait.ge [sflag:s29], $0x1000  }
0x8e: {  	[sflag:s29] =	ssyncset.done $0x0  }
0x8f: {  	[sflag:s29] =	ssyncadd.s32 $0xFFFFF000  }
0x90: {  	_ =	swait.ge [sflag:s30], $0x1000  }
0x91: {  	[sflag:s30] =	ssyncset.done $0x0  }
0x92: {  	s6 =	simm.s32 @!p0 $0x6;
	[sflag:s30] =	ssyncadd.s32 $0xFFFFF000  }
0x93: {  	_ =	swait.ge @!p0 [sflag:s6], $0x1000  }
0x94: {  	[sflag:s6] =	ssyncset.done @!p0 $0x0  }
0x95: {  	s11 =	simm.s32 $0x6020;
	[sflag:s6] =	ssyncadd.s32 @!p0 $0xFFFFF000  }
0x96: {  	s18 =	simm.s32 $0x8020;
	v1 =	vld [tilespmem:s11+$0xFFFFFFE0]  }
0x97: {  	v2 =	vld [tilespmem:s18+$0x10]  }
0x98: {  	v3 =	vld [tilespmem:s11+$0x10]  }
0x99: {  	v4 =	vld [tilespmem:s18+$0x0]  }
0x9a: {  	v5 =	vld [tilespmem:s11+$0x0]  }
0x9b: {  	v6 =	vld [tilespmem:s18+$0xFFFFFFF0]  }
0x9c: {  	v7 =	vld [tilespmem:s11+$0xFFFFFFF0]  }
0x9d: {  	s10 =	simm.s32 $0x8060;
	v8 =	vld [tilespmem:s18+$0xFFFFFFE0]  }
0x9e: {  	s9 =	simm.s32 $0x6060;
	v10 =	vld [tilespmem:s10+$0x10]  }
0x9f: {  	v11 =	vld [tilespmem:s9+$0x10]  }
0xa0: {  	v14 =	vld [tilespmem:s9+$0xFFFFFFF0]  }
0xa1: {  	v2 =	vadd.f32 v2, v3;
	v3 =	vadd.f32 v4, v5;
	v4 =	vld [tilespmem:s10+$0x0]  }
0xa2: {  	v5 =	vadd.f32 v6, v7;
	v6 =	vld [tilespmem:s9+$0x0]  }
0xa3: {  	v1 =	vadd.f32 v8, v1;
	v8 =	vld [tilespmem:s10+$0xFFFFFFF0];
	v7 =	vmul.f32 $2.000000030e-01, v2;
	v12 =	vmul.f32 $2.000000030e-01, v3  }
0xa4: {  	v9 =	vld [tilespmem:s9+$0xFFFFFFE0];
	s18 =	simm.s32 $0x80A0;
	v10 =	vadd.f32 v10, v11;
	v13 =	vmul.f32 $2.000000030e-01, v5  }
0xa5: {  	v15 =	vld [tilespmem:s18+$0x0];
	v2 =	vmax.f32 v2, v7;
	v3 =	vmax.f32 v3, v12;
	v7 =	vmul.f32 $2.000000030e-01, v1  }
0xa6: {  	s11 =	simm.s32 $0x60A0;
	v12 =	vld [tilespmem:s10+$0xFFFFFFE0];
	v5 =	vmax.f32 v5, v13;
	v3 =	vsub.f32 v3, v0;
	v2 =	vsub.f32 v2, v0  }
0xa7: {  	v16 =	vld [tilespmem:s11+$0x0];
	v5 =	vsub.f32 v5, v0;
	v4 =	vadd.f32 v4, v6;
	v6 =	vmul.f32 $2.000000030e-01, v10  }
0xa8: {  	v13 =	vld [tilespmem:s11+$0x10];
	v8 =	vadd.f32 v8, v14;
	v1 =	vmax.f32 v1, v7;
	v3 =	vmul.f32 $1.442695020e+00, v3  }
0xa9: {  	v7 =	vld [tilespmem:s18+$0x10];
	v1 =	vsub.f32 v1, v0;
	v5 =	vmul.f32 $1.442695020e+00, v5;
	v2 =	vmul.f32 $1.442695020e+00, v2  }
0xaa: {  	v11 =	vld [tilespmem:s11+$0xFFFFFFE0];
	v14 =	vmul.f32 $2.000000030e-01, v4;
	v6 =	vmax.f32 v10, v6;
	(erf) = vpow2.f32 v3  }
0xab: {  	v3 =	vadd.f32 v12, v9;
	v9 =	vld [tilespmem:s18+$0xFFFFFFF0];
	(erf) = vpow2.f32 v5;
	v5 =	vmul.f32 $2.000000030e-01, v8  }
0xac: {  	v6 =	vsub.f32 v6, v0;
	v4 =	vmax.f32 v4, v14;
	v14 =	vld [tilespmem:s18+$0xFFFFFFE0];
	(erf) = vpow2.f32 v2  }
0xad: {  	v12 =	vmul.f32 $1.442695020e+00, v1;
	v4 =	vsub.f32 v4, v0;
	v2 =	vld [tilespmem:s11+$0xFFFFFFF0];
	v5 =	vmax.f32 v8, v5  }
0xae: {  	s9 =	simm.s32 $0x60E0;
	v10 =	vmul.f32 $2.000000030e-01, v3;
	v13 =	vadd.f32 v7, v13;
	v8 =	vsub.f32 v5, v0  }
0xaf: {  	s10 =	simm.s32 $0x80E0;
	v1 =	vld [tilespmem:s9+$0xFFFFFFE0];
	(erf) = vpow2.f32 v12;
	v12 =	vadd.f32 v15, v16;
	v4 =	vmul.f32 $1.442695020e+00, v4  }
0xb0: {  	v7 =	vmax.f32 v3, v10;
	v3 =	vld [tilespmem:s10+$0x10];
	v10 =	vmul.f32 $2.000000030e-01, v13;
	v16 =	vmul.f32 $1.442695020e+00, v8  }
0xb1: {  	v5 =	vld [tilespmem:s9+$0x10];
	v15 =	vsub.f32 v7, v0;
	v8 =	vadd.f32 v14, v11;
	v11 =	vmul.f32 $1.442695020e+00, v6  }
0xb2: {  	(erf) = vpow2.f32 v4;
	v6 =	vld [tilespmem:s9+$0x0];
	v7 =	vadd.f32 v9, v2;
	v9 =	vmul.f32 $2.000000030e-01, v12  }
0xb3: {  	s6 =	simm.s32 $0xA020;
	v10 =	vmax.f32 v13, v10;
	v2 =	vld [tilespmem:s10+$0x0];
	(erf) = vpow2.f32 v16;
	v14 =	vpop (erf)  }
0xb4: {  	s18 =	simm.s32 $0xA020;
	s11 =	simm.s32 $0xC;
	v4 =	vld [tilespmem:s10+$0xFFFFFFF0];
	v13 =	vmul.f32 $2.000000030e-01, v7;
	v12 =	vmax.f32 v12, v9;
	(erf) = vpow2.f32 v11;
	[tilespmem:s6+$0x0] =	vst v14;
	v16 =	vpop (erf)  }
0xb5: {  	s23 =	sor.u32 $0x1, s23;
	v15 =	vmul.f32 $1.442695020e+00, v15;
	v9 =	vld [tilespmem:s9+$0xFFFFFFF0];
	v14 =	vmul.f32 $2.000000030e-01, v8;
	v12 =	vsub.f32 v12, v0;
	[tilespmem:s6+$0xFFFFFFF0] =	vst v16;
	v11 =	vpop (erf)  }
.LBB2_5:
0xb6: {  	s11 =	sadd.s32 $0x4, s11;
	v16 =	vld [tilespmem:s10+$0xFFFFFFE0];
	v17 =	vadd.f32 v3, v5;
	s9 =	sadd.s32 $0x40, s9;
	v3 =	vmax.f32 v7, v13;
	v7 =	vsub.f32 v10, v0;
	[tilespmem:s6+$0x10] =	vst v11;
	s18 =	sadd.s32 $0x40, s18  }
0xb7: {  	s10 =	sadd.s32 $0x40, s10;
	v11 =	vmovc v1;
	p0 =	slt.u32 s11, $0xFC;
	v8 =	vmax.f32 v8, v14;
	v10 =	vsub.f32 v3, v0;
	(erf) = vpow2.f32 v15;
	v1 =	vld [tilespmem:s9+$0xFFFFFFE0]  }
0xb8: {  	v3 =	vld [tilespmem:s10+$0x10];
	v14 =	vadd.f32 v2, v6;
	v13 =	vmul.f32 $2.000000030e-01, v17;
	v6 =	vmul.f32 $1.442695020e+00, v12;
	v2 =	vpop (erf)  }
.Ltmp3:
0xb9: {  	v15 =	vsub.f32 v8, v0;
	v18 =	vmul.f32 $1.442695020e+00, v7;
	v5 =	vld [tilespmem:s9+$0x10];
	v12 =	vmul.f32 $1.442695020e+00, v10;
	[tilespmem:s6+$0xFFFFFFE0] =	vst v2;
	s6 =	smov.u32 s18;
	(pc) =	sbr.rel @p0 .LBB2_5-.Ltmp3, $4  }
0xba: {  	v2 =	vld [tilespmem:s10+$0x0];
	v7 =	vadd.f32 v4, v9;
	v9 =	vmul.f32 $2.000000030e-01, v14;
	(erf) = vpow2.f32 v6  }
0xbb: {  	v10 =	vmax.f32 v17, v13;
	v6 =	vld [tilespmem:s9+$0x0];
	v8 =	vadd.f32 v16, v11;
	(erf) = vpow2.f32 v12;
	v11 =	vpop (erf)  }
0xbc: {  	v4 =	vld [tilespmem:s10+$0xFFFFFFF0];
	v13 =	vmul.f32 $2.000000030e-01, v7;
	v12 =	vmax.f32 v14, v9;
	(erf) = vpow2.f32 v18;
	[tilespmem:s18+$0x0] =	vst v11;
	v11 =	vpop (erf)  }
0xbd: {  	v15 =	vmul.f32 $1.442695020e+00, v15;
	v9 =	vld [tilespmem:s9+$0xFFFFFFF0];
	v14 =	vmul.f32 $2.000000030e-01, v8;
	v12 =	vsub.f32 v12, v0;
	[tilespmem:s18+$0xFFFFFFF0] =	vst v11;
	v11 =	vpop (erf)  }
0xbe: {  	v16 =	vld [tilespmem:s10+$0xFFFFFFE0];
	v3 =	vadd.f32 v3, v5;
	v55 =	vmax.f32 v7, v13  }
0xbf: {  	v56 =	vsub.f32 v10, v0;
	v8 =	vmax.f32 v8, v14;
	v5 =	vsub.f32 v55, v0  }
0xc0: {  	(erf) = vpow2.f32 v15;
	v58 =	vmul.f32 $1.442695020e+00, v12;
	v2 =	vadd.f32 v2, v6  }
0xc1: {  	v57 =	vmul.f32 $2.000000030e-01, v3;
	v8 =	vsub.f32 v8, v0;
	v7 =	vmul.f32 $1.442695020e+00, v56  }
0xc2: {  	v5 =	vmul.f32 $1.442695020e+00, v5;
	v4 =	vadd.f32 v4, v9;
	v59 =	vmul.f32 $2.000000030e-01, v2  }
0xc3: {  	(erf) = vpow2.f32 v58;
	v3 =	vmax.f32 v3, v57;
	v1 =	vadd.f32 v16, v1  }
0xc4: {  	v62 =	vmul.f32 $1.442695020e+00, v8;
	v60 =	vmul.f32 $2.000000030e-01, v4;
	v2 =	vmax.f32 v2, v59  }
0xc5: {  	(erf) = vpow2.f32 v5;
	v61 =	vmul.f32 $2.000000030e-01, v1;
	v2 =	vsub.f32 v2, v0  }
0xc6: {  	v3 =	vsub.f32 v3, v0;
	(erf) = vpow2.f32 v7;
	v4 =	vmax.f32 v4, v60  }
0xc7: {  	v4 =	vsub.f32 v4, v0;
	v1 =	vmax.f32 v1, v61;
	v2 =	vmul.f32 $1.442695020e+00, v2  }
0xc8: {  	(erf) = vpow2.f32 v62;
	v1 =	vsub.f32 v1, v0  }
0xc9: {  	v3 =	vmul.f32 $1.442695020e+00, v3;
	v4 =	vmul.f32 $1.442695020e+00, v4  }
0xca: {  	[tilespmem:s6+$0x10] =	vst v11;
	v63 =	vpop (erf);
	(erf) = vpow2.f32 v2;
	v1 =	vmul.f32 $1.442695020e+00, v1  }
0xcb: {  	s9 =	sadd.s32 $0x40, s18;
	[tilespmem:s6+$0xFFFFFFE0] =	vst v63;
	v2 =	vpop (erf);
	(erf) = vpow2.f32 v4  }
0xcc: {  	[tilespmem:s9+$0x0] =	vst v2;
	v2 =	vpop (erf);
	(erf) = vpow2.f32 v3  }
0xcd: {  	[tilespmem:s9+$0xFFFFFFF0] =	vst v2;
	v2 =	vpop (erf);
	(erf) = vpow2.f32 v1  }
0xce: {  	v1 =	vpop (erf);
	[tilespmem:s9+$0x10] =	vst v2  }
0xcf: {  	s10 =	sadd.s32 $0x40, s9;
	v2 =	vpop (erf);
	[tilespmem:s9+$0xFFFFFFE0] =	vst v1  }
0xd0: {  	v1 =	vpop (erf);
	[tilespmem:s10+$0x0] =	vst v2  }
0xd1: {  	[tilespmem:s10+$0xFFFFFFF0] =	vst v1;
	v1 =	vpop (erf)  }
0xd2: {  	[tilespmem:s10+$0x10] =	vst v1;
	v1 =	vpop (erf)  }
0xd3: {  	s11 =	sadd.s32 $0x40, s10;
	[tilespmem:s10+$0xFFFFFFE0] =	vst v1;
	v1 =	vpop (erf)  }
0xd4: {  	[tilespmem:s11+$0x0] =	vst v1;
	v1 =	vpop (erf)  }
0xd5: {  	s18 =	sshll.u32 s23, $0x8;
	[tilespmem:s11+$0xFFFFFFF0] =	vst v1;
	v1 =	vpop (erf)  }
0xd6: {  	s6 =	sand.u32 $0x3FFFFF00, s18;
	[tilespmem:s11+$0x10] =	vst v1;
	v1 =	vpop (erf)  }
0xd7: {  	s6 =	sadd.s32 $0x2800, s6;
	[tilespmem:s11+$0xFFFFFFE0] =	vst v1  }
0xd8: {  	[spmem:s2] =	stream.indirect.scatter.add.f32 [tilespmem:s31], [sflag:$0x7], $0x10, s6, s19, $0xb8;
	[tilespmem:$0xD810] =	vst v63  }
.Ltmp4:
0xd9: {  	s23 =	sadd.s32 s8, s23;
	(pc) =	sbr.rel @p1 .LBB2_8-.Ltmp4, $4  }
0xda: {  	s6 =	sshll.u32 s23, $0x9;
	_ =	swait.ge [sflag:s15], $0x1000  }
0xdb: {  	s6 =	sand.u32 $0x1FFFFE00, s6;
	[sflag:s15] =	ssyncset.done $0x0  }
0xdc: {  	s6 =	sadd.s32 s7, s6;
	[sflag:s15] =	ssyncadd.s32 $0xFFFFF000  }
0xdd: {  	[hbm4b:s6+s3] =	stream.linear.scatter [tilespmem:s31], [sflag:$0x6], $0x1000, $0x38;
	[tilespmem:$0xD810] =	vst v63  }
.Ltmp5:
0xde: {  	(pc) =	sbr.rel .LBB2_2-.Ltmp5, $4  }
0xdf: {  	s6 =	sadd.s32 $0x300, s21  }
0xe0: {  	[tilespmem:s22], [sflag:$0x2] =	stream.indirect.gather [hbm4b:s4+s19], $0x10, s6, s19, $0xb8;
	[tilespmem:$0xD810] =	vst v63  }
0xe1: {  	s23 =	sadd.s32 $0x2B00, s21;
	s20 =	sadd.s32 $0x1, s20  }
0xe2: {  	[tilespmem:s24], [sflag:$0x4] =	stream.indirect.gather [hbm4b:s5+s19], $0x10, s23, s19, $0xb8;
	[tilespmem:$0xD810] =	vst v63  }
.LBB2_9:
0xe3: {  	_ =	sfence.sel $0x180000  }
0xe4: {  	[bflag:$0x0] =	sbarrier.arrive $0xFFFF  }
0xe5: {  	_ =	strace $0x90000047  }
0xe6: {  	s0 =	stileid.u32;
	[bflag:$0x2] =	sbarrier.arrive $0xFFFF  }
0xe7: {  	p0 =	sne.s32 s0, $0x0;
	s0 =	rddreg [dreg:$0x3]  }
0xe8: {  	s0 =	sadd.s32 @!p0 $0x100000, s0  }
0xe9: {  	[sflag:s0] =	ssyncadd.tile.s32 @!p0 $0x1;
	_ =	shalt  }
.Lfunc_end2:
_tile_overlayer_lowered:
.L_overlay_start_2:
0xea: {  	(tag) =	ssettag $0x2  }
0xeb: {  	s0 =	rddreg [dreg:$0x0];
	s2 =	stileid.u32  }
0xec: {  	s1 =	rddreg [dreg:$0x1];
	p0 =	sne.s32 s2, $0x0  }
0xed: {  	s3 =	rddreg [dreg:$0x2];
	[bflag:$0x3] =	sbarrier.arrive $0xFFFF;
	s2 =	simm.s32 @!p0 $0x1C07  }
0xee: {  	[timem:s3], [sflag:s2] =	dma.local @!p0 [hbm:s0], s1  }
0xef: {  	s0 =	simm.s32 @!p0 $0x7  }
0xf0: {  	_ =	swait.ge @!p0 [sflag:s0], s1  }
0xf1: {  	s1 =	ssub.s32 @!p0 $0x0, s1;
	[sflag:s0] =	ssyncset.done @!p0 $0x0  }
0xf2: {  	[sflag:s0] =	ssyncadd.s32 @!p0 s1  }
0xf3: {  	[bflag:$0x3] =	sbarrier.arrive $0xFFFF  }
0xf4: {  	_ =	shalt  }

// kernel: kernel.14.cloned.1.call-start
scs
__scs_entry_jumppad:
0x0: {  	(pc) =	sbr.rel $0x88, $3  }
0x1: {  	(tag) =	ssettag $0x0;
	lr =	simm.s32 $0x1  }
0x2: {  	[smem:$0x3F97] =	sst lr;
	_ =	strace $0xD0000000  }
0x3: {  	_ = 	snop  }
0x4: {  	_ = 	snop  }
0x5: {  	_ = 	snop  }
0x6: {  	_ = 	snop  }
0x7: {  	_ = 	snop  }
__scs_overlays_trampoline_lowered:
0x8: {  	[smem:$0x3FA6] =	sst s0  }
0x9: {  	[smem:$0x3FA7] =	sst s1  }
0xa: {  	[smem:$0x3FA8] =	sst s2  }
0xb: {  	[smem:$0x3FA9] =	sst s3  }
0xc: {  	[smem:$0x3FAA] =	sst s4  }
0xd: {  	[smem:$0x3FAB] =	sst s5  }
0xe: {  	[smem:$0x3FAC] =	sst s6  }
0xf: {  	[smem:$0x3FAD] =	sst s7  }
0x10: {  	[smem:$0x3FAE] =	sst s8  }
0x11: {  	[smem:$0x3FAF] =	sst s9;
	s0 =	simm.s32 @!p0 $0x0  }
0x12: {  	s1 =	sld [smem:$0x3F95];
	s0 =	simm.s32 @p0 $0x1  }
0x13: {  	[smem:$0x3FB0] =	sst s0;
	s0 =	simm.s32 @!p1 $0x0  }
0x14: {  	s2 =	sld [smem:$0x3F94];
	s0 =	simm.s32 @p1 $0x1  }
0x15: {  	[smem:$0x3FB1] =	sst s0;
	s0 =	simm.s32 @!p2 $0x0  }
0x16: {  	s3 =	sld [smem:$0x3FDB];
	s0 =	simm.s32 @p2 $0x1  }
0x17: {  	s4 =	simm.s32 $0x1BF5;
	[smem:$0x3FB3] =	sst s0  }
0x18: {  	s0 =	sld [smem:$0x3F96];
	_ =	swait.ge [sflag:s4], $0x0  }
0x19: {  	s7 =	sld [smem:$0x3F97]  }
0x1a: {  	s8 =	sadd.s32 $0xFFFFE003, lr  }
0x1b: {  	s9 =	sadd.s32 $0xFFFFFEF7, lr;
	s5 =	simm.s32 $0xFFFFFFFF;
	p2 =	slt.u32 s8, $0xFFFFF086  }
0x1c: {  	p1 =	slt.u32 s9, $0xF7A;
	s5 =	simm.s32 @!p2 $0x0  }
0x1d: {  	s5 =	simm.s32 @p1 $0x1;
	p0 =	seq.s32 s7, s2  }
0x1e: {  	s7 =	smul.u32 @!p0 $0xF7A, s2;
	p2 =	seq.s32 @!p0 s5, $0x0  }
0x1f: {  	s9 =	smul.u32 $0xF7A, s1;
	s8 =	simm.s32 @!p0 $0x1BF5;
	p2 =	por !p2, p0  }
0x20: {  	[sflag:s8] =	ssyncset.s32 @!p0 $0xFFFFF086;
	s6 =	sadd.s32 @!p0 s3, s7;
	s7 =	simm.s32 @!p0 $0x108  }
0x21: {  	s3 =	sadd.s32 s3, s9;
	s6 =	sadd.s32 @!p0 $0x88, s6;
	s7 =	simm.s32 @p2 $0x1082  }
0x22: {  	[simem:s7], [sflag:s8] =	dma.local @!p0 [hbm:s6], $0xF7A  }
0x23: {  	s9 =	sor.u32 $0xD0000000, s2;
	s6 =	simm.s32 $0x108;
	_ =	swait.ge @!p0 [sflag:s8], $0x0  }
0x24: {  	s3 =	sadd.s32 $0x88, s3;
	s6 =	simm.s32 @!p1 $0x1082;
	[sflag:s4] =	ssyncset.s32 $0xFFFFF086  }
0x25: {  	[simem:s6], [sflag:s4] =	dma.local [hbm:s3], $0xF7A  }
0x26: {  	[smem:$0x3F97] =	sst s1;
	(tag) =	ssettag s2;
	_ =	strace s9  }
0x27: {  	s1 =	sld [smem:$0x3FA7]  }
0x28: {  	s2 =	sld [smem:$0x3FA8]  }
0x29: {  	s4 =	sld [smem:$0x3FAA]  }
0x2a: {  	p0 =	seq.s32 s5, $0x0;
	s5 =	sld [smem:$0x3FAB]  }
0x2b: {  	s6 =	sld [smem:$0x3FAC]  }
0x2c: {  	s7 =	sld [smem:$0x3FAD]  }
0x2d: {  	s3 =	simm.s32 $0x108;
	s8 =	sld [smem:$0x3FAE]  }
0x2e: {  	s3 =	simm.s32 @!p0 $0x1082;
	s9 =	sld [smem:$0x3FAF]  }
0x2f: {  	lr =	sadd.s32 s0, s3;
	s0 =	sld [smem:$0x3FA6]  }
0x30: {  	s3 =	sld [smem:$0x3FA9]  }
0x31: {  	[smem:$0x3FB2] =	sst s10  }
0x32: {  	s10 =	sld [smem:$0x3FB0];
	_ =	sdelay $0x3  }
0x33: {  	p0 =	seq.s32 s10, $0x1;
	s10 =	sld [smem:$0x3FB2];
	_ =	sdelay $0x3  }
0x34: {  	[smem:$0x3FB2] =	sst s10  }
0x35: {  	s10 =	sld [smem:$0x3FB1];
	_ =	sdelay $0x3  }
0x36: {  	p1 =	seq.s32 s10, $0x1;
	s10 =	sld [smem:$0x3FB2];
	_ =	sdelay $0x3  }
0x37: {  	[smem:$0x3FB2] =	sst s10  }
0x38: {  	s10 =	sld [smem:$0x3FB3]  }
0x39: {  	_ = 	snop;
	(pc) =	sbr.ind lr, $3  }
0x3a: {  	_ = 	snop  }
0x3b: {  	_ = 	snop  }
0x3c: {  	p2 =	seq.s32 s10, $0x1;
	s10 =	sld [smem:$0x3FB2]  }
0x3d: {  	_ =	shalt  }
0x3e: {  	_ =	shalt  }
0x3f: {  	_ =	shalt  }
0x40: {  	_ =	shalt  }
0x41: {  	_ =	shalt  }
0x42: {  	_ =	shalt  }
0x43: {  	_ =	shalt  }
0x44: {  	_ =	shalt  }
0x45: {  	_ =	shalt  }
0x46: {  	_ =	shalt  }
0x47: {  	_ =	shalt  }
0x48: {  	_ =	shalt  }
0x49: {  	_ =	shalt  }
0x4a: {  	_ =	shalt  }
0x4b: {  	_ =	shalt  }
0x4c: {  	_ =	shalt  }
0x4d: {  	_ =	shalt  }
0x4e: {  	_ =	shalt  }
0x4f: {  	_ =	shalt  }
0x50: {  	_ =	shalt  }
0x51: {  	_ =	shalt  }
0x52: {  	_ =	shalt  }
0x53: {  	_ =	shalt  }
0x54: {  	_ =	shalt  }
0x55: {  	_ =	shalt  }
0x56: {  	_ =	shalt  }
0x57: {  	_ =	shalt  }
0x58: {  	_ =	shalt  }
0x59: {  	_ =	shalt  }
0x5a: {  	_ =	shalt  }
0x5b: {  	_ =	shalt  }
0x5c: {  	_ =	shalt  }
0x5d: {  	_ =	shalt  }
0x5e: {  	_ =	shalt  }
0x5f: {  	_ =	shalt  }
0x60: {  	_ =	shalt  }
0x61: {  	_ =	shalt  }
0x62: {  	_ =	shalt  }
0x63: {  	_ =	shalt  }
0x64: {  	_ =	shalt  }
0x65: {  	_ =	shalt  }
0x66: {  	_ =	shalt  }
0x67: {  	_ =	shalt  }
0x68: {  	_ =	shalt  }
0x69: {  	_ =	shalt  }
0x6a: {  	_ =	shalt  }
0x6b: {  	_ =	shalt  }
0x6c: {  	_ =	shalt  }
0x6d: {  	_ =	shalt  }
0x6e: {  	_ =	shalt  }
0x6f: {  	_ =	shalt  }
0x70: {  	_ =	shalt  }
0x71: {  	_ =	shalt  }
0x72: {  	_ =	shalt  }
0x73: {  	_ =	shalt  }
0x74: {  	_ =	shalt  }
0x75: {  	_ =	shalt  }
0x76: {  	_ =	shalt  }
0x77: {  	_ =	shalt  }
0x78: {  	_ =	shalt  }
0x79: {  	_ =	shalt  }
0x7a: {  	_ =	shalt  }
0x7b: {  	_ =	shalt  }
0x7c: {  	_ =	shalt  }
0x7d: {  	_ =	shalt  }
0x7e: {  	_ =	shalt  }
0x7f: {  	_ =	shalt  }
0x80: {  	_ =	shalt  }
0x81: {  	_ =	shalt  }
0x82: {  	_ =	shalt  }
0x83: {  	_ =	shalt  }
0x84: {  	_ =	shalt  }
0x85: {  	_ =	shalt  }
0x86: {  	_ =	shalt  }
0x87: {  	_ =	shalt  }
.Lfunc_end0:
.L_simem_size_0:
called_computation.1_lowered:
.L_overlay_start_0:
0x88: {  	s2 =	sld [smem:$0x3FD9]  }
0x89: {  	s3 =	sld [smem:$0x3FFE];
	_ =	sdelay $0x1  }
0x8a: {  	s1 =	srdreg.scid  }
0x8b: {  	s0 =	sand.u32 $0x1, s1  }
0x8c: {  	s17 =	sshll.u32 s0, $0xA;
	s2 =	sadd.s32 s3, s2  }
0x8d: {  	s2 =	sadd.s32 s2, s17  }
0x8e: {  	[smem:$0x3FBE] =	sst s2  }
0x8f: {  	_ = 	snop  }
0x90: {  	s2 =	sld [smem:$0x3FD0];
	(tm) =	ssettm $0x1  }
0x91: {  	s18 =	sld [smem:$0x3FFB];
	_ =	sdelay $0x3  }
0x92: {  	_ =	strace s18  }
0x93: {  	s3 =	sld [smem:$0x3FFC];
	_ =	sdelay $0x3  }
0x94: {  	_ =	strace s3  }
0x95: {  	s3 =	sld [smem:$0x3FFD];
	_ =	sdelay $0x3  }
0x96: {  	_ =	strace s3  }
0x97: {  	_ =	strace $0x8FFFFFFF  }
0x98: {  	s19 =	sld [smem:$0x3FDB];
	_ =	sdelay $0x1  }
0x99: {  	s4 =	simm.s32 $_scs_section_size  }
0x9a: {  	s5 =	simm.s32 $_size__tile_overlayer_lowered;
	s6 =	simm.s32 $_tile_overlayer_lowered  }
0x9b: {  	s22 =	simm.s32 $0x1BFF;
	s21 =	sshll.u32 s6, $0x1;
	s3 =	sadd.s32 s4, s19  }
0x9c: {  	s7 =	simm.s32 $0x0;
	s20 =	sshll.u32 s5, $0x1;
	s5 =	sadd.s32 s21, s3  }
0x9d: {  	[timem:s7], [sflag:s22] =	dma.local [hbm:s5], s20  }
0x9e: {  	_ =	swait.ge [sflag:s22], s20  }
0x9f: {  	s4 =	ssub.s32 $0x0, s20;
	[sflag:s22] =	ssyncset.done $0x0  }
0xa0: {  	[sflag:s22] =	ssyncadd.s32 s4;
	_ =	sdelay $0x1  }
0xa1: {  	s23 =	simm.s32 $0x1B8B  }
0xa2: {  	_ =	swait.ge [sflag:s23], $0x1  }
0xa3: {  	[sflag:s23] =	ssyncset.done $0x0  }
0xa4: {  	s25 =	simm.s32 $0x1B8E;
	s24 =	sld [smem:$0x3FFE];
	[sflag:s23] =	ssyncadd.s32 $0xFFFFFFFF  }
0xa5: {  	s26 =	simm.s32 $execute0_lowered;
	[smem:$0x3FD2] =	sst s25  }
0xa6: {  	s5 =	sshll.u32 s26, $0x1;
	_ =	strace $0x80000049;
	[dreg:$0x1] =	wrdreg $0xFFFFFFFF  }
0xa7: {  	s28 =	simm.s32 $_size_execute0_lowered;
	s3 =	sadd.s32 s3, s5;
	[dreg:$0x0] =	wrdreg $0x0  }
0xa8: {  	s5 =	sshll.u32 s28, $0x1;
	[dreg:$0x2] =	wrdreg s3  }
0xa9: {  	[dreg:$0x3] =	wrdreg s5  }
0xaa: {  	[dreg:$0x4] =	wrdreg $0xC0  }
0xab: {  	_ =	task [dreg:s7], $0x5FFFF  }
0xac: {  	[dreg:$0x1] =	wrdreg $0xFFFFFFFF  }
0xad: {  	[dreg:$0x0] =	wrdreg $0x60  }
0xae: {  	[dreg:$0x2] =	wrdreg s24  }
0xaf: {  	[dreg:$0x3] =	wrdreg s2  }
0xb0: {  	[dreg:$0x4] =	wrdreg $0xA2000  }
0xb1: {  	[dreg:$0x5] =	wrdreg $0x9  }
0xb2: {  	_ =	task.clear_ibuf [dreg:s7], $0x6FFFF;
	_ =	strace $0x90000049  }
0xb3: {  	s29 =	simm.s32 $0x9;
	_ =	strace $0x8000004B  }
0xb4: {  	_ =	swait.ge [sflag:s29], $0x1  }
0xb5: {  	[sflag:s29] =	ssyncadd.s32 $0xFFFFFFFF  }
0xb6: {  	_ =	strace $0x9000004B  }
0xb7: {  	_ =	sfence  }
0xb8: {  	s30 =	sld [smem:$0x0];
	_ =	sdelay $0x2  }
0xb9: {  	s31 =	sshll.u32 s1, $0xD;
	s1 =	sshrl.u32 s1, $0x2  }
0xba: {  	s3 =	sand.u32 $0x4000, s31;
	s1 =	sadd.s32 s1, s30  }
0xbb: {  	s0 =	sor.u32 s3, s0;
	s1 =	sshll.u32 s1, $0x11  }
0xbc: {  	s0 =	sor.u32 s1, s0  }
0xbd: {  	s0 =	sadd.s32 $0x8F2B, s0  }
0xbe: {  	[sflag:s0] =	ssyncadd.remote.s32 $0x1  }
0xbf: {  	_ =	sfence.sel $0xFFFF  }
0xc0: {  	[dreg:$0x0] =	wrdreg $0xFFFFFFFF;
	(pc) =	sbr.abs _section_cstart, $3  }
0xc1: {  	[dreg:$0x1] =	wrdreg $0xFFFFFFFF  }
0xc2: {  	_ =	task.clear_ibuf [dreg:s7], $0x2FFFF;
	_ =	strace $0x9FFFFFFF  }
0xc3: {  	(tm) =	ssettm $0x7FFFFFFF  }
tec
execute0_lowered:
.L_overlay_start_1:
0x0: {  	(tag) =	ssettag $0x1  }
0x1: {  	s0 =	rddreg [dreg:$0x0]  }
0x2: {  	s1 =	rddreg [dreg:$0x1]  }
0x3: {  	s3 =	rddreg [dreg:$0x2];
	s4 =	simm.s32 $0x0;
	s14 =	stileid.u32  }
0x4: {  	s2 =	srdreg.scid;
	s29 =	simm.s32 $0x80;
	s31 =	simm.s32 $0x2200  }
0x5: {  	s30 =	simm.s32 $0x1A00;
	s15 =	simm.s32 $0x8;
	s16 =	simm.s32 $0xA  }
0x6: {  	[smem:$0x7FF] =	sst s4;
	s9 =	smul.u32 $0x14000, s14;
	s2 =	sand.u32 $0x1, s2  }
0x7: {  	s5 =	sadd.s32 $0x34200, s0;
	s6 =	sadd.s32 $0x4D200, s0;
	s7 =	sadd.s32 $0x2A000, s0  }
0x8: {  	s8 =	sadd.s32 $0x2000, s0;
	s20 =	sshll.u32 s14, $0x6;
	_ =	strace $0x8000004A  }
0x9: {  	s10 =	smul.u32 $0x140000, s2;
	s12 =	sshll.u32 s2, $0x4;
	s2 =	ssub.s32 $0x2, s2  }
0xa: {  	s11 =	sshrl.u32 s9, $0x3;
	s12 =	sor.u32 s14, s12;
	s17 =	sshrl.u32 s2, $0x1  }
0xb: {  	s14 =	simm.s32 $0x6;
	s11 =	sadd.s32 s11, s0;
	s13 =	smul.u32 $0x50, s12  }
0xc: {  	s10 =	sadd.s32 s9, s10;
	s2 =	ssub.s32 s2, s17;
	s18 =	smul.u32 $0x2800, s12  }
0xd: {  	s9 =	sadd.s32 s9, s3;
	s21 =	smul.u32 $0x500, s12;
	s17 =	sor.u32 $0x1C0B, s20  }
0xe: {  	s22 =	smul.u32 $0x5000, s12;
	s12 =	simm.s32 $0x7;
	s20 =	simm.s32 $0x0  }
0xf: {  	s10 =	sshrl.u32 s10, $0x3;
	[dreg:$0x4] =	wrdreg s9;
	s19 =	sadd.s32 $0xED200, s11  }
0x10: {  	s28 =	smax.u32 s2, $0x1;
	s2 =	simm.s32 $0x2;
	[dreg:$0x6] =	wrdreg s17  }
0x11: {  	s0 =	sadd.s32 s10, s0;
	[dreg:$0x5] =	wrdreg s19;
	s9 =	sor.u32 $0x80, s18  }
0x12: {  	s23 =	sadd.s32 s5, s21;
	s11 =	sadd.s32 s1, s21;
	[dreg:$0xe] =	wrdreg s28  }
0x13: {  	s10 =	sadd.s32 s6, s22;
	s18 =	sor.u32 $0x2, s13;
	[dreg:$0x7] =	wrdreg s23  }
0x14: {  	s19 =	sor.u32 $0x3, s13;
	s22 =	simm.s32 $0xB;
	[dreg:$0x8] =	wrdreg s11  }
0x15: {  	s13 =	simm.s32 $0x9;
	s24 =	sshll.u32 s9, $0x1;
	[dreg:$0x9] =	wrdreg s10  }
.Ltmp0:
0x16: {  	s9 =	sshrl.u32 s9, $0x3;
	s0 =	sadd.s32 $0x115200, s0;
	(pc) =	sbr.rel .LBB2_1-.Ltmp0, $4  }
0x17: {  	s23 =	simm.s32 $0x100;
	s25 =	sadd.s32 s6, s24;
	[dreg:$0xd] =	wrdreg s0  }
0x18: {  	s10 =	simm.s32 $0x5;
	s26 =	sadd.s32 s5, s9;
	[dreg:$0xa] =	wrdreg s25  }
0x19: {  	v0 =	vlaneseq.u32;
	s9 =	sadd.s32 s1, s9;
	s0 =	simm.s32 $0x180;
	[dreg:$0xb] =	wrdreg s26  }
0x1a: {  	v0 =	vand.u32 $0x7, v0;
	s24 =	simm.s32 $0x4;
	[dreg:$0xc] =	wrdreg s9;
	s9 =	simm.s32 $0x6200  }
.LBB2_8:
0x1b: {  	[bflag:$0x0] =	sbarrier.arrive $0xFFFF  }
0x1c: {  	s17 =	rddreg [dreg:$0x6]  }
0x1d: {  	s11 =	rddreg [dreg:$0xd]  }
0x1e: {  	s20 =	rddreg [dreg:$0x10]  }
0x1f: {  	[hbm:s11], [sflag:s17] =	dma.local [spmem:s20], $0x2800  }
0x20: {  	_ =	swait.ge [sflag:s22], $0x2800  }
0x21: {  	s26 =	rddreg [dreg:$0xf]  }
0x22: {  	s28 =	rddreg [dreg:$0xe];
	s20 =	sadd.s32 $0x1, s26  }
0x23: {  	p0 =	sne.s32 s20, s28  }
.Ltmp1:
0x24: {  	_ = 	snop;
	(pc) =	sbr.rel @!p0 .LBB2_9-.Ltmp1, $3  }
0x25: {  	_ =	sdelay $0x1  }
0x26: {  	[sflag:s22] =	ssyncset.done $0x0  }
0x27: {  	[sflag:s22] =	ssyncadd.s32 $0xFFFFD800  }
.LBB2_1:
0x28: {  	[dreg:$0xf] =	wrdreg s20  }
0x29: {  	s11 =	rddreg [dreg:$0x4]  }
0x2a: {  	s28 =	rddreg [dreg:$0x5];
	s26 =	sshrl.u32 s11, $0x3  }
0x2b: {  	[dreg:$0x10] =	wrdreg s26  }
0x2c: {  	[spmem:s26], [sflag:s17] =	dma.local [hbm:s28], $0x2800  }
0x2d: {  	_ =	swait.ge [sflag:s22], $0x2800  }
0x2e: {  	[sflag:s22] =	ssyncset.done $0x0  }
0x2f: {  	[sflag:s22] =	ssyncadd.s32 $0xFFFFD800  }
0x30: {  	[bflag:$0x0] =	sbarrier.arrive $0xFFFF  }
0x31: {  	s17 =	rddreg [dreg:$0x7]  }
0x32: {  	[tilespmem:s4], [sflag:$0x1] =	stream.linear.gather [hbm4b:s17+s4], $0x80, $0x38;
	[tilespmem:$0x1E200] =	vst v63  }
0x33: {  	s20 =	rddreg [dreg:$0x8]  }
0x34: {  	[tilespmem:s23], [sflag:$0x3] =	stream.linear.gather [hbm4b:s20+s4], $0x80, $0x38;
	[tilespmem:$0x1E200] =	vst v63  }
0x35: {  	s25 =	simm.s32 $0x200;
	s21 =	rddreg [dreg:$0x9]  }
0x36: {  	[tilespmem:s25], [sflag:$0x5] =	stream.linear.gather [hbm4b:s21+s4], $0x800, $0x38;
	[tilespmem:$0x1E200] =	vst v63  }
0x37: {  	s28 =	simm.s32 $0xA00;
	s26 =	rddreg [dreg:$0xa];
	s20 =	simm.s32 $0x1  }
0x38: {  	[tilespmem:s28], [sflag:$0x6] =	stream.linear.gather [hbm4b:s26+s4], $0x800, $0x38;
	[tilespmem:$0x1E200] =	vst v63  }
0x39: {  	_ =	swait.ge [sflag:s20], $0x80  }
0x3a: {  	[sflag:s20] =	ssyncset.done $0x0  }
0x3b: {  	s21 =	simm.s32 $0x3;
	[sflag:s20] =	ssyncadd.s32 $0xFFFFFF80  }
0x3c: {  	_ =	swait.ge [sflag:s21], $0x80  }
0x3d: {  	[sflag:s21] =	ssyncset.done $0x0  }
0x3e: {  	s25 =	simm.s32 $0x1200;
	[sflag:s21] =	ssyncadd.s32 $0xFFFFFF80  }
0x3f: {  	[tilespmem:s25], [sflag:$0x7] =	stream.indirect.gather [hbm4b:s7+s29], $0x10, s23, s29, $0xb8;
	[tilespmem:$0x1E200] =	vst v63  }
0x40: {  	_ = 	snop  }
0x41: {  	[tilespmem:s31], [sflag:$0x9] =	stream.indirect.gather [hbm4b:s8+s29], $0x80, s4, s29, $0xb8;
	[tilespmem:$0x1E200] =	vst v63  }
0x42: {  	s26 =	rddreg [dreg:$0xb]  }
0x43: {  	[tilespmem:s29], [sflag:$0x2] =	stream.linear.gather [hbm4b:s26+s4], $0x80, $0x38;
	[tilespmem:$0x1E200] =	vst v63  }
0x44: {  	s28 =	rddreg [dreg:$0xc];
	s21 =	simm.s32 $0x0  }
0x45: {  	[tilespmem:s0], [sflag:$0x4] =	stream.linear.gather [hbm4b:s28+s4], $0x80, $0x38;
	[tilespmem:$0x1E200] =	vst v63  }
.LBB2_2:
0x46: {  	_ =	swait.ge [sflag:s2], $0x80  }
0x47: {  	[sflag:s2] =	ssyncset.done $0x0  }
0x48: {  	[sflag:s2] =	ssyncadd.s32 $0xFFFFFF80  }
0x49: {  	_ =	swait.ge [sflag:s24], $0x80  }
0x4a: {  	[sflag:s24] =	ssyncset.done $0x0  }
0x4b: {  	[sflag:s24] =	ssyncadd.s32 $0xFFFFFF80  }
0x4c: {  	[tilespmem:s30], [sflag:$0x8] =	stream.indirect.gather [hbm4b:s7+s29], $0x10, s0, s29, $0xb8;
	[tilespmem:$0x1E200] =	vst v63  }
0x4d: {  	_ = 	snop  }
0x4e: {  	[tilespmem:s9], [sflag:$0xA] =	stream.indirect.gather [hbm4b:s8+s29], $0x80, s29, s29, $0xb8;
	[tilespmem:$0x1E200] =	vst v63  }
0x4f: {  	_ =	swait.ge [sflag:s10], $0x800  }
0x50: {  	[sflag:s10] =	ssyncset.done $0x0  }
0x51: {  	[sflag:s10] =	ssyncadd.s32 $0xFFFFF800  }
0x52: {  	_ =	swait.ge [sflag:s12], $0x800  }
0x53: {  	[sflag:s12] =	ssyncset.done $0x0  }
0x54: {  	[sflag:s12] =	ssyncadd.s32 $0xFFFFF800  }
0x55: {  	_ =	swait.ge [sflag:s13], $0x4000  }
0x56: {  	[sflag:s13] =	ssyncset.done $0x0  }
0x57: {  	s11 =	simm.s32 $0x210;
	[sflag:s13] =	ssyncadd.s32 $0xFFFFC000  }
0x58: {  	s28 =	simm.s32 $0x1210;
	v1 =	vld [tilespmem:s11+$0x0]  }
0x59: {  	v2 =	vld [tilespmem:s28+$0x0]  }
0x5a: {  	v3 =	vld [tilespmem:s28+$0xFFFFFFF0]  }
0x5b: {  	v4 =	vld [tilespmem:s11+$0xFFFFFFF0]  }
0x5c: {  	s26 =	simm.s32 $0x2280  }
0x5d: {  	v5 =	vld [tilespmem:s26+$0x70]  }
0x5e: {  	v6 =	vld [tilespmem:s26+$0xFFFFFF80]  }
0x5f: {  	v7 =	vld [tilespmem:s26+$0xFFFFFFB0];
	v1 =	vmul.f32 v2, v1  }
0x60: {  	v9 =	vld [tilespmem:s26+$0xFFFFFFD0];
	v3 =	vmul.f32 v3, v4  }
0x61: {  	v4 =	vld [tilespmem:s26+$0xFFFFFFA0];
	v1 =	vperm.xlane v1, v0  }
0x62: {  	v2 =	vld [tilespmem:s26+$0xFFFFFF90];
	v8 =	vperm.xlane v3, v0  }
0x63: {  	v3 =	vld [tilespmem:s26+$0xFFFFFFC0];
	v5 =	vmul.f32 v5, v1  }
0x64: {  	v10 =	vld [tilespmem:s26+$0xFFFFFFE0];
	v6 =	vmul.f32 v6, v8  }
0x65: {  	v11 =	vld [tilespmem:s26+$0xFFFFFFF0];
	v7 =	vmul.f32 v7, v8;
	[tilespmem:s26+$0x70] =	vst v5  }
0x66: {  	v5 =	vmul.f32 v4, v8;
	[tilespmem:s26+$0xFFFFFF80] =	vst v6;
	v6 =	vld [tilespmem:s26+$0x0]  }
0x67: {  	v2 =	vmul.f32 v2, v8;
	v4 =	vld [tilespmem:s26+$0x10];
	[tilespmem:s26+$0xFFFFFFB0] =	vst v7  }
0x68: {  	v3 =	vmul.f32 v3, v8;
	[tilespmem:s26+$0xFFFFFFA0] =	vst v5;
	v5 =	vld [tilespmem:s26+$0x20]  }
0x69: {  	v9 =	vmul.f32 v9, v8;
	[tilespmem:s26+$0xFFFFFF90] =	vst v2;
	v2 =	vld [tilespmem:s26+$0x30]  }
0x6a: {  	v7 =	vmul.f32 v10, v8;
	[tilespmem:s26+$0xFFFFFFC0] =	vst v3;
	v3 =	vld [tilespmem:s26+$0x40]  }
0x6b: {  	s20 =	simm.s32 $0x0;
	s17 =	simm.s32 $0x230;
	s11 =	simm.s32 $0x2280;
	[tilespmem:s26+$0xFFFFFFD0] =	vst v9;
	v8 =	vmul.f32 v11, v8;
	v9 =	vmul.f32 v6, v1;
	v6 =	vld [tilespmem:s26+$0x50]  }
.LBB2_3:
0x6c: {  	v10 =	vld [tilespmem:s17+$0x0];
	[tilespmem:s26+$0xFFFFFFE0] =	vst v7;
	v4 =	vmul.f32 v4, v1;
	s28 =	sadd.s32 $0x20, s28  }
0x6d: {  	s20 =	sadd.s32 $0x2, s20;
	v7 =	vld [tilespmem:s28+$0x0];
	[tilespmem:s26+$0xFFFFFFF0] =	vst v8;
	v5 =	vmul.f32 v5, v1  }
0x6e: {  	p0 =	slt.u32 s20, $0x7E;
	v8 =	vld [tilespmem:s28+$0xFFFFFFF0];
	[tilespmem:s26+$0x0] =	vst v9;
	v2 =	vmul.f32 v2, v1  }
0x6f: {  	v9 =	vld [tilespmem:s17+$0xFFFFFFF0];
	[tilespmem:s26+$0x10] =	vst v4;
	v3 =	vmul.f32 v3, v1  }
0x70: {  	s26 =	sadd.s32 $0x100, s26;
	[tilespmem:s11+$0x20] =	vst v5;
	v4 =	vmul.f32 v6, v1;
	v5 =	vld [tilespmem:s11+$0x60]  }
0x71: {  	v6 =	vld [tilespmem:s26+$0x70];
	[tilespmem:s11+$0x30] =	vst v2  }
0x72: {  	v2 =	vld [tilespmem:s26+$0xFFFFFF80];
	v7 =	vmul.f32 v7, v10;
	[tilespmem:s11+$0x40] =	vst v3  }
0x73: {  	v3 =	vld [tilespmem:s26+$0xFFFFFF90];
	[tilespmem:s11+$0x50] =	vst v4  }
0x74: {  	v4 =	vmul.f32 v8, v9;
	v8 =	vld [tilespmem:s26+$0xFFFFFFA0];
	v7 =	vperm.xlane v7, v0  }
0x75: {  	v9 =	vld [tilespmem:s26+$0xFFFFFFB0];
	v5 =	vmul.f32 v5, v1  }
0x76: {  	v10 =	vperm.xlane v4, v0;
	v4 =	vld [tilespmem:s26+$0xFFFFFFC0];
	v6 =	vmul.f32 v6, v7;
	v1 =	vmov v7  }
0x77: {  	v7 =	vld [tilespmem:s26+$0xFFFFFFD0];
	[tilespmem:s11+$0x60] =	vst v5;
	s11 =	smov.u32 s26  }
0x78: {  	v2 =	vmul.f32 v2, v10;
	v3 =	vmul.f32 v3, v10;
	v11 =	vld [tilespmem:s26+$0xFFFFFFE0];
	[tilespmem:s26+$0x70] =	vst v6  }
0x79: {  	v5 =	vmul.f32 v8, v10;
	v6 =	vld [tilespmem:s26+$0xFFFFFFF0]  }
0x7a: {  	[tilespmem:s26+$0xFFFFFF80] =	vst v2;
	v2 =	vmul.f32 v9, v10;
	v9 =	vld [tilespmem:s26+$0x0]  }
.Ltmp2:
0x7b: {  	[tilespmem:s26+$0xFFFFFF90] =	vst v3;
	v3 =	vmul.f32 v4, v10;
	v4 =	vld [tilespmem:s26+$0x10];
	(pc) =	sbr.rel @p0 .LBB2_3-.Ltmp2, $4  }
0x7c: {  	[tilespmem:s26+$0xFFFFFFA0] =	vst v5;
	v12 =	vmul.f32 v7, v10;
	v5 =	vld [tilespmem:s26+$0x20]  }
0x7d: {  	[tilespmem:s26+$0xFFFFFFB0] =	vst v2;
	v7 =	vmul.f32 v11, v10;
	v2 =	vld [tilespmem:s26+$0x30]  }
0x7e: {  	[tilespmem:s26+$0xFFFFFFC0] =	vst v3;
	v8 =	vmul.f32 v6, v10;
	v3 =	vld [tilespmem:s26+$0x40]  }
0x7f: {  	s17 =	sadd.s32 $0x20, s17;
	[tilespmem:s26+$0xFFFFFFD0] =	vst v12;
	v9 =	vmul.f32 v9, v1;
	v6 =	vld [tilespmem:s26+$0x50]  }
0x80: {  	v4 =	vmul.f32 v4, v1  }
0x81: {  	[tilespmem:s26+$0x0] =	vst v9  }
0x82: {  	[tilespmem:s26+$0x10] =	vst v4  }
0x83: {  	v4 =	vld [tilespmem:s11+$0x60]  }
0x84: {  	[tilespmem:s26+$0xFFFFFFE0] =	vst v7;
	v5 =	vmul.f32 v5, v1  }
0x85: {  	[tilespmem:s26+$0xFFFFFFF0] =	vst v8;
	v2 =	vmul.f32 v2, v1  }
0x86: {  	[tilespmem:s11+$0x20] =	vst v5;
	v3 =	vmul.f32 v3, v1  }
0x87: {  	v5 =	vmul.f32 v6, v1;
	[tilespmem:s11+$0x30] =	vst v2  }
0x88: {  	[tilespmem:s11+$0x40] =	vst v3;
	v1 =	vmul.f32 v4, v1  }
0x89: {  	p0 =	seq.s32 s21, $0x27;
	s26 =	sshll.u32 s21, $0x1;
	[tilespmem:s11+$0x50] =	vst v5  }
0x8a: {  	[tilespmem:s11+$0x60] =	vst v1;
	s11 =	sadd.s32 @!p0 s26, s18  }
0x8b: {  	[spmem:s3] =	stream.indirect.scatter.add.f32 [tilespmem:s31], [sflag:$0xB], $0x80, s23, s29, $0xb8;
	[tilespmem:$0x1E200] =	vst v63  }
0x8c: {  	s17 =	sshll.u32 @!p0 s11, $0x4;
	_ =	swait.ge [sflag:s22], $0x4000  }
0x8d: {  	s25 =	simm.s32 @!p0 $0x0;
	s17 =	sand.u32 @!p0 $0x1FFFFFE0, s17;
	[sflag:s22] =	ssyncset.done $0x0  }
0x8e: {  	s11 =	sshll.u32 @!p0 s11, $0x8;
	s20 =	sadd.s32 @!p0 s5, s17;
	[sflag:s22] =	ssyncadd.s32 $0xFFFFC000  }
0x8f: {  	[tilespmem:s25], [sflag:$0x1] =	stream.linear.gather @!p0 [hbm4b:s20+s25], $0x80, $0x38;
	[tilespmem:$0x1E200] =	vst v63  }
0x90: {  	s11 =	sand.u32 @!p0 $0x1FFFFE00, s11;
	s17 =	sadd.s32 @!p0 s1, s17;
	s20 =	simm.s32 @!p0 $0x100  }
0x91: {  	[tilespmem:s20], [sflag:$0x3] =	stream.linear.gather @!p0 [hbm4b:s17+s25], $0x80, $0x38;
	[tilespmem:$0x1E200] =	vst v63  }
0x92: {  	s11 =	sadd.s32 @!p0 s6, s11;
	s17 =	simm.s32 @!p0 $0x200  }
0x93: {  	[tilespmem:s17], [sflag:$0x5] =	stream.linear.gather @!p0 [hbm4b:s11+s25], $0x800, $0x38;
	[tilespmem:$0x1E200] =	vst v63  }
0x94: {  	s11 =	simm.s32 @!p0 $0x1  }
0x95: {  	_ =	swait.ge @!p0 [sflag:s11], $0x80  }
0x96: {  	[sflag:s11] =	ssyncset.done @!p0 $0x0  }
0x97: {  	[sflag:s11] =	ssyncadd.s32 @!p0 $0xFFFFFF80;
	s11 =	simm.s32 @!p0 $0x3  }
0x98: {  	_ =	swait.ge @!p0 [sflag:s11], $0x80  }
0x99: {  	[sflag:s11] =	ssyncset.done @!p0 $0x0  }
0x9a: {  	s17 =	simm.s32 @!p0 $0x1200;
	[sflag:s11] =	ssyncadd.s32 @!p0 $0xFFFFFF80;
	s11 =	simm.s32 @!p0 $0x80  }
0x9b: {  	[tilespmem:s17], [sflag:$0x7] =	stream.indirect.gather @!p0 [hbm4b:s7+s11], $0x10, s20, s11, $0xb8;
	[tilespmem:$0x1E200] =	vst v63  }
0x9c: {  	s17 =	simm.s32 @!p0 $0x2200  }
0x9d: {  	[tilespmem:s17], [sflag:$0x9] =	stream.indirect.gather @!p0 [hbm4b:s8+s11], $0x80, s25, s11, $0xb8;
	[tilespmem:$0x1E200] =	vst v63  }
0x9e: {  	_ =	swait.ge [sflag:s14], $0x800  }
0x9f: {  	[sflag:s14] =	ssyncset.done $0x0  }
0xa0: {  	[sflag:s14] =	ssyncadd.s32 $0xFFFFF800  }
0xa1: {  	_ =	swait.ge [sflag:s15], $0x800  }
0xa2: {  	[sflag:s15] =	ssyncset.done $0x0  }
0xa3: {  	[sflag:s15] =	ssyncadd.s32 $0xFFFFF800  }
0xa4: {  	_ =	swait.ge [sflag:s16], $0x4000  }
0xa5: {  	[sflag:s16] =	ssyncset.done $0x0  }
0xa6: {  	s25 =	simm.s32 $0xA10;
	[sflag:s16] =	ssyncadd.s32 $0xFFFFC000  }
0xa7: {  	s11 =	simm.s32 $0x1A10;
	v1 =	vld [tilespmem:s25+$0x0]  }
0xa8: {  	v2 =	vld [tilespmem:s11+$0x0]  }
0xa9: {  	v3 =	vld [tilespmem:s11+$0xFFFFFFF0]  }
0xaa: {  	v4 =	vld [tilespmem:s25+$0xFFFFFFF0]  }
0xab: {  	s28 =	simm.s32 $0x6280  }
0xac: {  	v5 =	vld [tilespmem:s28+$0x70]  }
0xad: {  	v6 =	vld [tilespmem:s28+$0xFFFFFF80]  }
0xae: {  	v7 =	vld [tilespmem:s28+$0xFFFFFFB0];
	v1 =	vmul.f32 v2, v1  }
0xaf: {  	v9 =	vld [tilespmem:s28+$0xFFFFFFD0];
	v3 =	vmul.f32 v3, v4  }
0xb0: {  	v4 =	vld [tilespmem:s28+$0xFFFFFFA0];
	v1 =	vperm.xlane v1, v0  }
0xb1: {  	v2 =	vld [tilespmem:s28+$0xFFFFFF90];
	v8 =	vperm.xlane v3, v0  }
0xb2: {  	v3 =	vld [tilespmem:s28+$0xFFFFFFC0];
	v5 =	vmul.f32 v5, v1  }
0xb3: {  	v10 =	vld [tilespmem:s28+$0xFFFFFFE0];
	v6 =	vmul.f32 v6, v8  }
0xb4: {  	v11 =	vld [tilespmem:s28+$0xFFFFFFF0];
	v7 =	vmul.f32 v7, v8;
	[tilespmem:s28+$0x70] =	vst v5  }
0xb5: {  	v5 =	vmul.f32 v4, v8;
	[tilespmem:s28+$0xFFFFFF80] =	vst v6;
	v6 =	vld [tilespmem:s28+$0x0]  }
0xb6: {  	v2 =	vmul.f32 v2, v8;
	v4 =	vld [tilespmem:s28+$0x10];
	[tilespmem:s28+$0xFFFFFFB0] =	vst v7  }
0xb7: {  	v3 =	vmul.f32 v3, v8;
	[tilespmem:s28+$0xFFFFFFA0] =	vst v5;
	v5 =	vld [tilespmem:s28+$0x20]  }
0xb8: {  	v9 =	vmul.f32 v9, v8;
	[tilespmem:s28+$0xFFFFFF90] =	vst v2;
	v2 =	vld [tilespmem:s28+$0x30]  }
0xb9: {  	v7 =	vmul.f32 v10, v8;
	[tilespmem:s28+$0xFFFFFFC0] =	vst v3;
	v3 =	vld [tilespmem:s28+$0x40]  }
0xba: {  	s20 =	simm.s32 $0x6280;
	s17 =	simm.s32 $0x0;
	s25 =	simm.s32 $0xA30;
	[tilespmem:s28+$0xFFFFFFD0] =	vst v9;
	v8 =	vmul.f32 v11, v8;
	v9 =	vmul.f32 v6, v1;
	v6 =	vld [tilespmem:s28+$0x50]  }
.LBB2_5:
0xbb: {  	v10 =	vld [tilespmem:s25+$0x0];
	[tilespmem:s28+$0xFFFFFFE0] =	vst v7;
	v4 =	vmul.f32 v4, v1;
	s11 =	sadd.s32 $0x20, s11  }
0xbc: {  	s17 =	sadd.s32 $0x2, s17;
	v7 =	vld [tilespmem:s11+$0x0];
	[tilespmem:s28+$0xFFFFFFF0] =	vst v8;
	v5 =	vmul.f32 v5, v1  }
0xbd: {  	p1 =	slt.u32 s17, $0x7E;
	v8 =	vld [tilespmem:s11+$0xFFFFFFF0];
	[tilespmem:s28+$0x0] =	vst v9;
	v2 =	vmul.f32 v2, v1  }
0xbe: {  	v9 =	vld [tilespmem:s25+$0xFFFFFFF0];
	[tilespmem:s28+$0x10] =	vst v4;
	v3 =	vmul.f32 v3, v1  }
0xbf: {  	s28 =	sadd.s32 $0x100, s28;
	[tilespmem:s20+$0x20] =	vst v5;
	v4 =	vmul.f32 v6, v1;
	v5 =	vld [tilespmem:s20+$0x60]  }
0xc0: {  	v6 =	vld [tilespmem:s28+$0x70];
	[tilespmem:s20+$0x30] =	vst v2  }
0xc1: {  	v2 =	vld [tilespmem:s28+$0xFFFFFF80];
	v7 =	vmul.f32 v7, v10;
	[tilespmem:s20+$0x40] =	vst v3  }
0xc2: {  	v3 =	vld [tilespmem:s28+$0xFFFFFF90];
	[tilespmem:s20+$0x50] =	vst v4  }
0xc3: {  	v4 =	vmul.f32 v8, v9;
	v8 =	vld [tilespmem:s28+$0xFFFFFFA0];
	v7 =	vperm.xlane v7, v0  }
0xc4: {  	v9 =	vld [tilespmem:s28+$0xFFFFFFB0];
	v5 =	vmul.f32 v5, v1  }
0xc5: {  	v10 =	vperm.xlane v4, v0;
	v4 =	vld [tilespmem:s28+$0xFFFFFFC0];
	v6 =	vmul.f32 v6, v7;
	v1 =	vmov v7  }
0xc6: {  	v7 =	vld [tilespmem:s28+$0xFFFFFFD0];
	[tilespmem:s20+$0x60] =	vst v5;
	s20 =	smov.u32 s28  }
0xc7: {  	v2 =	vmul.f32 v2, v10;
	v3 =	vmul.f32 v3, v10;
	v11 =	vld [tilespmem:s28+$0xFFFFFFE0];
	[tilespmem:s28+$0x70] =	vst v6  }
0xc8: {  	v5 =	vmul.f32 v8, v10;
	v6 =	vld [tilespmem:s28+$0xFFFFFFF0]  }
0xc9: {  	[tilespmem:s28+$0xFFFFFF80] =	vst v2;
	v2 =	vmul.f32 v9, v10;
	v9 =	vld [tilespmem:s28+$0x0]  }
.Ltmp3:
0xca: {  	[tilespmem:s28+$0xFFFFFF90] =	vst v3;
	v3 =	vmul.f32 v4, v10;
	v4 =	vld [tilespmem:s28+$0x10];
	(pc) =	sbr.rel @p1 .LBB2_5-.Ltmp3, $4  }
0xcb: {  	[tilespmem:s28+$0xFFFFFFA0] =	vst v5;
	v12 =	vmul.f32 v7, v10;
	v5 =	vld [tilespmem:s28+$0x20]  }
0xcc: {  	[tilespmem:s28+$0xFFFFFFB0] =	vst v2;
	v7 =	vmul.f32 v11, v10;
	v2 =	vld [tilespmem:s28+$0x30]  }
0xcd: {  	[tilespmem:s28+$0xFFFFFFC0] =	vst v3;
	v8 =	vmul.f32 v6, v10;
	v3 =	vld [tilespmem:s28+$0x40]  }
0xce: {  	s25 =	sadd.s32 $0x20, s25;
	[tilespmem:s28+$0xFFFFFFD0] =	vst v12;
	v9 =	vmul.f32 v9, v1;
	v6 =	vld [tilespmem:s28+$0x50]  }
0xcf: {  	v4 =	vmul.f32 v4, v1  }
0xd0: {  	[tilespmem:s28+$0x0] =	vst v9  }
0xd1: {  	[tilespmem:s28+$0x10] =	vst v4  }
0xd2: {  	v4 =	vld [tilespmem:s20+$0x60]  }
0xd3: {  	[tilespmem:s28+$0xFFFFFFE0] =	vst v7;
	v5 =	vmul.f32 v5, v1  }
0xd4: {  	[tilespmem:s28+$0xFFFFFFF0] =	vst v8;
	v2 =	vmul.f32 v2, v1  }
0xd5: {  	[tilespmem:s20+$0x20] =	vst v5;
	v3 =	vmul.f32 v3, v1  }
0xd6: {  	v63 =	vmul.f32 v6, v1;
	[tilespmem:s20+$0x30] =	vst v2  }
0xd7: {  	[tilespmem:s20+$0x40] =	vst v3;
	v1 =	vmul.f32 v4, v1  }
0xd8: {  	[tilespmem:s20+$0x50] =	vst v63  }
.Ltmp4:
0xd9: {  	[tilespmem:s20+$0x60] =	vst v1;
	(pc) =	sbr.rel @p0 .LBB2_8-.Ltmp4, $4  }
0xda: {  	[spmem:s3] =	stream.indirect.scatter.add.f32 [tilespmem:s9], [sflag:$0xB], $0x80, s0, s29, $0xb8;
	[tilespmem:$0x1E200] =	vst v63  }
0xdb: {  	_ =	swait.ge [sflag:s22], $0x4000  }
0xdc: {  	[sflag:s22] =	ssyncset.done $0x0  }
0xdd: {  	[sflag:s22] =	ssyncadd.s32 $0xFFFFC000  }
0xde: {  	s11 =	sadd.s32 s26, s19  }
0xdf: {  	s17 =	sshll.u32 s11, $0x4  }
0xe0: {  	s17 =	sand.u32 $0x1FFFFFF0, s17  }
0xe1: {  	s20 =	sadd.s32 s5, s17  }
0xe2: {  	[tilespmem:s29], [sflag:$0x2] =	stream.linear.gather [hbm4b:s20+s4], $0x80, $0x38;
	[tilespmem:$0x1E200] =	vst v63  }
.Ltmp5:
0xe3: {  	s11 =	sshll.u32 s11, $0x8;
	(pc) =	sbr.rel .LBB2_2-.Ltmp5, $4  }
0xe4: {  	s11 =	sand.u32 $0x1FFFFF00, s11;
	s17 =	sadd.s32 s1, s17  }
0xe5: {  	[tilespmem:s0], [sflag:$0x4] =	stream.linear.gather [hbm4b:s17+s4], $0x80, $0x38;
	[tilespmem:$0x1E200] =	vst v63  }
0xe6: {  	s28 =	simm.s32 $0xA00;
	s21 =	sadd.s32 $0x1, s21;
	s11 =	sadd.s32 s6, s11  }
0xe7: {  	[tilespmem:s28], [sflag:$0x6] =	stream.linear.gather [hbm4b:s11+s4], $0x800, $0x38;
	[tilespmem:$0x1E200] =	vst v63  }
.LBB2_9:
0xe8: {  	_ =	sfence.sel $0x180000  }
0xe9: {  	[bflag:$0x0] =	sbarrier.arrive $0xFFFF  }
0xea: {  	_ =	strace $0x9000004A  }
0xeb: {  	s0 =	stileid.u32;
	[bflag:$0x2] =	sbarrier.arrive $0xFFFF  }
0xec: {  	p0 =	sne.s32 s0, $0x0;
	s0 =	rddreg [dreg:$0x3]  }
0xed: {  	s0 =	sadd.s32 @!p0 $0x100000, s0  }
0xee: {  	[sflag:s0] =	ssyncadd.tile.s32 @!p0 $0x1;
	_ =	shalt  }
.Lfunc_end2:
_tile_overlayer_lowered:
.L_overlay_start_2:
0xef: {  	(tag) =	ssettag $0x2  }
0xf0: {  	s0 =	rddreg [dreg:$0x0];
	s2 =	stileid.u32  }
0xf1: {  	s1 =	rddreg [dreg:$0x1];
	p0 =	sne.s32 s2, $0x0  }
0xf2: {  	s3 =	rddreg [dreg:$0x2];
	[bflag:$0x3] =	sbarrier.arrive $0xFFFF;
	s2 =	simm.s32 @!p0 $0x1C0B  }
0xf3: {  	[timem:s3], [sflag:s2] =	dma.local @!p0 [hbm:s0], s1  }
0xf4: {  	s0 =	simm.s32 @!p0 $0xB  }
0xf5: {  	_ =	swait.ge @!p0 [sflag:s0], s1  }
0xf6: {  	s1 =	ssub.s32 @!p0 $0x0, s1;
	[sflag:s0] =	ssyncset.done @!p0 $0x0  }
0xf7: {  	[sflag:s0] =	ssyncadd.s32 @!p0 s1  }
0xf8: {  	[bflag:$0x3] =	sbarrier.arrive $0xFFFF  }
0xf9: {  	_ =	shalt  }

// kernel: kernel.17.cloned.1.call-start
scs
__scs_entry_jumppad:
0x0: {  	(pc) =	sbr.rel $0x88, $3  }
0x1: {  	(tag) =	ssettag $0x0;
	lr =	simm.s32 $0x1  }
0x2: {  	[smem:$0x3F97] =	sst lr;
	_ =	strace $0xD0000000  }
0x3: {  	_ = 	snop  }
0x4: {  	_ = 	snop  }
0x5: {  	_ = 	snop  }
0x6: {  	_ = 	snop  }
0x7: {  	_ = 	snop  }
__scs_overlays_trampoline_lowered:
0x8: {  	[smem:$0x3FA6] =	sst s0  }
0x9: {  	[smem:$0x3FA7] =	sst s1  }
0xa: {  	[smem:$0x3FA8] =	sst s2  }
0xb: {  	[smem:$0x3FA9] =	sst s3  }
0xc: {  	[smem:$0x3FAA] =	sst s4  }
0xd: {  	[smem:$0x3FAB] =	sst s5  }
0xe: {  	[smem:$0x3FAC] =	sst s6  }
0xf: {  	[smem:$0x3FAD] =	sst s7  }
0x10: {  	[smem:$0x3FAE] =	sst s8  }
0x11: {  	[smem:$0x3FAF] =	sst s9;
	s0 =	simm.s32 @!p0 $0x0  }
0x12: {  	s1 =	sld [smem:$0x3F95];
	s0 =	simm.s32 @p0 $0x1  }
0x13: {  	[smem:$0x3FB0] =	sst s0;
	s0 =	simm.s32 @!p1 $0x0  }
0x14: {  	s2 =	sld [smem:$0x3F94];
	s0 =	simm.s32 @p1 $0x1  }
0x15: {  	[smem:$0x3FB1] =	sst s0;
	s0 =	simm.s32 @!p2 $0x0  }
0x16: {  	s3 =	sld [smem:$0x3FDB];
	s0 =	simm.s32 @p2 $0x1  }
0x17: {  	s4 =	simm.s32 $0x1BF5;
	[smem:$0x3FB3] =	sst s0  }
0x18: {  	s0 =	sld [smem:$0x3F96];
	_ =	swait.ge [sflag:s4], $0x0  }
0x19: {  	s7 =	sld [smem:$0x3F97]  }
0x1a: {  	s8 =	sadd.s32 $0xFFFFE003, lr  }
0x1b: {  	s9 =	sadd.s32 $0xFFFFFEF7, lr;
	s5 =	simm.s32 $0xFFFFFFFF;
	p2 =	slt.u32 s8, $0xFFFFF086  }
0x1c: {  	p1 =	slt.u32 s9, $0xF7A;
	s5 =	simm.s32 @!p2 $0x0  }
0x1d: {  	s5 =	simm.s32 @p1 $0x1;
	p0 =	seq.s32 s7, s2  }
0x1e: {  	s7 =	smul.u32 @!p0 $0xF7A, s2;
	p2 =	seq.s32 @!p0 s5, $0x0  }
0x1f: {  	s9 =	smul.u32 $0xF7A, s1;
	s8 =	simm.s32 @!p0 $0x1BF5;
	p2 =	por !p2, p0  }
0x20: {  	[sflag:s8] =	ssyncset.s32 @!p0 $0xFFFFF086;
	s6 =	sadd.s32 @!p0 s3, s7;
	s7 =	simm.s32 @!p0 $0x108  }
0x21: {  	s3 =	sadd.s32 s3, s9;
	s6 =	sadd.s32 @!p0 $0x88, s6;
	s7 =	simm.s32 @p2 $0x1082  }
0x22: {  	[simem:s7], [sflag:s8] =	dma.local @!p0 [hbm:s6], $0xF7A  }
0x23: {  	s9 =	sor.u32 $0xD0000000, s2;
	s6 =	simm.s32 $0x108;
	_ =	swait.ge @!p0 [sflag:s8], $0x0  }
0x24: {  	s3 =	sadd.s32 $0x88, s3;
	s6 =	simm.s32 @!p1 $0x1082;
	[sflag:s4] =	ssyncset.s32 $0xFFFFF086  }
0x25: {  	[simem:s6], [sflag:s4] =	dma.local [hbm:s3], $0xF7A  }
0x26: {  	[smem:$0x3F97] =	sst s1;
	(tag) =	ssettag s2;
	_ =	strace s9  }
0x27: {  	s1 =	sld [smem:$0x3FA7]  }
0x28: {  	s2 =	sld [smem:$0x3FA8]  }
0x29: {  	s4 =	sld [smem:$0x3FAA]  }
0x2a: {  	p0 =	seq.s32 s5, $0x0;
	s5 =	sld [smem:$0x3FAB]  }
0x2b: {  	s6 =	sld [smem:$0x3FAC]  }
0x2c: {  	s7 =	sld [smem:$0x3FAD]  }
0x2d: {  	s3 =	simm.s32 $0x108;
	s8 =	sld [smem:$0x3FAE]  }
0x2e: {  	s3 =	simm.s32 @!p0 $0x1082;
	s9 =	sld [smem:$0x3FAF]  }
0x2f: {  	lr =	sadd.s32 s0, s3;
	s0 =	sld [smem:$0x3FA6]  }
0x30: {  	s3 =	sld [smem:$0x3FA9]  }
0x31: {  	[smem:$0x3FB2] =	sst s10  }
0x32: {  	s10 =	sld [smem:$0x3FB0];
	_ =	sdelay $0x3  }
0x33: {  	p0 =	seq.s32 s10, $0x1;
	s10 =	sld [smem:$0x3FB2];
	_ =	sdelay $0x3  }
0x34: {  	[smem:$0x3FB2] =	sst s10  }
0x35: {  	s10 =	sld [smem:$0x3FB1];
	_ =	sdelay $0x3  }
0x36: {  	p1 =	seq.s32 s10, $0x1;
	s10 =	sld [smem:$0x3FB2];
	_ =	sdelay $0x3  }
0x37: {  	[smem:$0x3FB2] =	sst s10  }
0x38: {  	s10 =	sld [smem:$0x3FB3]  }
0x39: {  	_ = 	snop;
	(pc) =	sbr.ind lr, $3  }
0x3a: {  	_ = 	snop  }
0x3b: {  	_ = 	snop  }
0x3c: {  	p2 =	seq.s32 s10, $0x1;
	s10 =	sld [smem:$0x3FB2]  }
0x3d: {  	_ =	shalt  }
0x3e: {  	_ =	shalt  }
0x3f: {  	_ =	shalt  }
0x40: {  	_ =	shalt  }
0x41: {  	_ =	shalt  }
0x42: {  	_ =	shalt  }
0x43: {  	_ =	shalt  }
0x44: {  	_ =	shalt  }
0x45: {  	_ =	shalt  }
0x46: {  	_ =	shalt  }
0x47: {  	_ =	shalt  }
0x48: {  	_ =	shalt  }
0x49: {  	_ =	shalt  }
0x4a: {  	_ =	shalt  }
0x4b: {  	_ =	shalt  }
0x4c: {  	_ =	shalt  }
0x4d: {  	_ =	shalt  }
0x4e: {  	_ =	shalt  }
0x4f: {  	_ =	shalt  }
0x50: {  	_ =	shalt  }
0x51: {  	_ =	shalt  }
0x52: {  	_ =	shalt  }
0x53: {  	_ =	shalt  }
0x54: {  	_ =	shalt  }
0x55: {  	_ =	shalt  }
0x56: {  	_ =	shalt  }
0x57: {  	_ =	shalt  }
0x58: {  	_ =	shalt  }
0x59: {  	_ =	shalt  }
0x5a: {  	_ =	shalt  }
0x5b: {  	_ =	shalt  }
0x5c: {  	_ =	shalt  }
0x5d: {  	_ =	shalt  }
0x5e: {  	_ =	shalt  }
0x5f: {  	_ =	shalt  }
0x60: {  	_ =	shalt  }
0x61: {  	_ =	shalt  }
0x62: {  	_ =	shalt  }
0x63: {  	_ =	shalt  }
0x64: {  	_ =	shalt  }
0x65: {  	_ =	shalt  }
0x66: {  	_ =	shalt  }
0x67: {  	_ =	shalt  }
0x68: {  	_ =	shalt  }
0x69: {  	_ =	shalt  }
0x6a: {  	_ =	shalt  }
0x6b: {  	_ =	shalt  }
0x6c: {  	_ =	shalt  }
0x6d: {  	_ =	shalt  }
0x6e: {  	_ =	shalt  }
0x6f: {  	_ =	shalt  }
0x70: {  	_ =	shalt  }
0x71: {  	_ =	shalt  }
0x72: {  	_ =	shalt  }
0x73: {  	_ =	shalt  }
0x74: {  	_ =	shalt  }
0x75: {  	_ =	shalt  }
0x76: {  	_ =	shalt  }
0x77: {  	_ =	shalt  }
0x78: {  	_ =	shalt  }
0x79: {  	_ =	shalt  }
0x7a: {  	_ =	shalt  }
0x7b: {  	_ =	shalt  }
0x7c: {  	_ =	shalt  }
0x7d: {  	_ =	shalt  }
0x7e: {  	_ =	shalt  }
0x7f: {  	_ =	shalt  }
0x80: {  	_ =	shalt  }
0x81: {  	_ =	shalt  }
0x82: {  	_ =	shalt  }
0x83: {  	_ =	shalt  }
0x84: {  	_ =	shalt  }
0x85: {  	_ =	shalt  }
0x86: {  	_ =	shalt  }
0x87: {  	_ =	shalt  }
.Lfunc_end0:
.L_simem_size_0:
called_computation.2_lowered:
.L_overlay_start_0:
0x88: {  	s2 =	sld [smem:$0x3FD9]  }
0x89: {  	s3 =	sld [smem:$0x3FFE];
	_ =	sdelay $0x1  }
0x8a: {  	s1 =	srdreg.scid  }
0x8b: {  	s0 =	sand.u32 $0x1, s1  }
0x8c: {  	s17 =	sshll.u32 s0, $0xA;
	s2 =	sadd.s32 s3, s2  }
0x8d: {  	s2 =	sadd.s32 s2, s17  }
0x8e: {  	[smem:$0x3FBE] =	sst s2  }
0x8f: {  	_ = 	snop  }
0x90: {  	s2 =	sld [smem:$0x3FD0];
	(tm) =	ssettm $0x1  }
0x91: {  	s18 =	sld [smem:$0x3FFB];
	_ =	sdelay $0x3  }
0x92: {  	_ =	strace s18  }
0x93: {  	s3 =	sld [smem:$0x3FFC];
	_ =	sdelay $0x3  }
0x94: {  	_ =	strace s3  }
0x95: {  	s3 =	sld [smem:$0x3FFD];
	_ =	sdelay $0x3  }
0x96: {  	_ =	strace s3  }
0x97: {  	_ =	strace $0x8FFFFFFF  }
0x98: {  	s19 =	sld [smem:$0x3FDB];
	_ =	sdelay $0x1  }
0x99: {  	s4 =	simm.s32 $_scs_section_size  }
0x9a: {  	s5 =	simm.s32 $_size__tile_overlayer_lowered;
	s6 =	simm.s32 $_tile_overlayer_lowered  }
0x9b: {  	s22 =	simm.s32 $0x1BFF;
	s21 =	sshll.u32 s6, $0x1;
	s3 =	sadd.s32 s4, s19  }
0x9c: {  	s7 =	simm.s32 $0x0;
	s20 =	sshll.u32 s5, $0x1;
	s5 =	sadd.s32 s21, s3  }
0x9d: {  	[timem:s7], [sflag:s22] =	dma.local [hbm:s5], s20  }
0x9e: {  	_ =	swait.ge [sflag:s22], s20  }
0x9f: {  	s4 =	ssub.s32 $0x0, s20;
	[sflag:s22] =	ssyncset.done $0x0  }
0xa0: {  	[sflag:s22] =	ssyncadd.s32 s4;
	_ =	sdelay $0x1  }
0xa1: {  	s23 =	simm.s32 $0x1B8B  }
0xa2: {  	_ =	swait.ge [sflag:s23], $0x1  }
0xa3: {  	[sflag:s23] =	ssyncset.done $0x0  }
0xa4: {  	s25 =	simm.s32 $0x1B8E;
	s24 =	sld [smem:$0x3FFE];
	[sflag:s23] =	ssyncadd.s32 $0xFFFFFFFF  }
0xa5: {  	s26 =	simm.s32 $execute0_lowered;
	[smem:$0x3FD2] =	sst s25  }
0xa6: {  	s5 =	sshll.u32 s26, $0x1;
	_ =	strace $0x8000004C;
	[dreg:$0x1] =	wrdreg $0xFFFFFFFF  }
0xa7: {  	s28 =	simm.s32 $_size_execute0_lowered;
	s3 =	sadd.s32 s3, s5;
	[dreg:$0x0] =	wrdreg $0x0  }
0xa8: {  	s5 =	sshll.u32 s28, $0x1;
	[dreg:$0x2] =	wrdreg s3  }
0xa9: {  	[dreg:$0x3] =	wrdreg s5  }
0xaa: {  	[dreg:$0x4] =	wrdreg $0xC0  }
0xab: {  	_ =	task [dreg:s7], $0x5FFFF  }
0xac: {  	[dreg:$0x1] =	wrdreg $0xFFFFFFFF  }
0xad: {  	[dreg:$0x0] =	wrdreg $0x60  }
0xae: {  	[dreg:$0x2] =	wrdreg s24  }
0xaf: {  	[dreg:$0x3] =	wrdreg s2  }
0xb0: {  	[dreg:$0x4] =	wrdreg $0xC8100  }
0xb1: {  	[dreg:$0x5] =	wrdreg $0x9  }
0xb2: {  	_ =	task.clear_ibuf [dreg:s7], $0x6FFFF;
	_ =	strace $0x9000004C  }
0xb3: {  	s29 =	simm.s32 $0x9;
	_ =	strace $0x8000004E  }
0xb4: {  	_ =	swait.ge [sflag:s29], $0x1  }
0xb5: {  	[sflag:s29] =	ssyncadd.s32 $0xFFFFFFFF  }
0xb6: {  	_ =	strace $0x9000004E  }
0xb7: {  	_ =	sfence  }
0xb8: {  	s30 =	sld [smem:$0x0];
	_ =	sdelay $0x2  }
0xb9: {  	s31 =	sshll.u32 s1, $0xD;
	s1 =	sshrl.u32 s1, $0x2  }
0xba: {  	s3 =	sand.u32 $0x4000, s31;
	s1 =	sadd.s32 s1, s30  }
0xbb: {  	s0 =	sor.u32 s3, s0;
	s1 =	sshll.u32 s1, $0x11  }
0xbc: {  	s0 =	sor.u32 s1, s0  }
0xbd: {  	s0 =	sadd.s32 $0x8F2B, s0  }
0xbe: {  	[sflag:s0] =	ssyncadd.remote.s32 $0x1  }
0xbf: {  	_ =	sfence.sel $0xFFFF  }
0xc0: {  	[dreg:$0x0] =	wrdreg $0xFFFFFFFF;
	(pc) =	sbr.abs _section_cstart, $3  }
0xc1: {  	[dreg:$0x1] =	wrdreg $0xFFFFFFFF  }
0xc2: {  	_ =	task.clear_ibuf [dreg:s7], $0x2FFFF;
	_ =	strace $0x9FFFFFFF  }
0xc3: {  	(tm) =	ssettm $0x7FFFFFFF  }
tec
execute0_lowered:
.L_overlay_start_1:
0x0: {  	(tag) =	ssettag $0x1  }
0x1: {  	s7 =	rddreg [dreg:$0x0]  }
0x2: {  	s9 =	rddreg [dreg:$0x1]  }
0x3: {  	s1 =	rddreg [dreg:$0x2];
	s3 =	simm.s32 $0x0;
	s2 =	stileid.u32  }
0x4: {  	s5 =	srdreg.scid;
	s16 =	simm.s32 $0xA000;
	s19 =	simm.s32 $0x2800  }
0x5: {  	s20 =	simm.s32 $0x80;
	s21 =	simm.s32 $0x5000;
	s22 =	simm.s32 $0x0  }
0x6: {  	[smem:$0x7FF] =	sst s3;
	s4 =	sadd.s32 $0x2600, s7;
	s8 =	smul.u32 $0x280, s2  }
0x7: {  	s10 =	sand.u32 $0x1, s5;
	s5 =	sadd.s32 $0x2000, s7;
	s6 =	sadd.s32 $0x2C00, s7  }
0x8: {  	s17 =	sshll.u32 s2, $0x6;
	_ =	strace $0x8000004D;
	s11 =	smul.u32 $0x2800, s10  }
0x9: {  	s12 =	sshll.u32 s10, $0x4;
	s10 =	ssub.s32 $0x2, s10;
	s17 =	sor.u32 $0x1C01, s17  }
0xa: {  	s13 =	sshrl.u32 s8, $0x3;
	s12 =	sor.u32 s2, s12;
	s14 =	sshrl.u32 s10, $0x1  }
0xb: {  	s18 =	sadd.s32 s8, s1;
	s11 =	sadd.s32 s8, s11;
	s12 =	smul.u32 $0x500, s12  }
0xc: {  	s13 =	sadd.s32 s13, s7;
	s14 =	ssub.s32 s10, s14;
	s11 =	sshrl.u32 s11, $0x3  }
0xd: {  	s18 =	sshrl.u32 s18, $0x3;
	s11 =	sadd.s32 s11, s7;
	s15 =	sadd.s32 s12, s7  }
0xe: {  	s7 =	sadd.s32 $0x2E00, s13;
	s9 =	sadd.s32 s9, s12;
	s12 =	smax.u32 s14, $0x1  }
0xf: {  	s13 =	simm.s32 $0xC800;
	s14 =	simm.s32 $0x1;
	s8 =	sadd.s32 $0x34200, s15  }
0x10: {  	s10 =	sadd.s32 $0x3E00, s15;
	s11 =	sadd.s32 $0x3400, s11;
	s15 =	simm.s32 $0x7800  }
.LBB2_1:
0x11: {  	[tilespmem:s13], [sflag:$0x1] =	stream.linear.gather [hbm4b:s6+s3], $0x10, $0x38;
	[tilespmem:$0xCA90] =	vst v63  }
0x12: {  	_ =	swait.ge [sflag:s14], $0x10  }
0x13: {  	[sflag:s14] =	ssyncset.done $0x0  }
0x14: {  	[sflag:s14] =	ssyncadd.s32 $0xFFFFFFF0  }
0x15: {  	v0 =	vld [tilespmem:$0xC800];
	[tilespmem:s15], [sflag:$0x1] =	stream.linear.gather [hbm4b:s4+s3], $0x2800, $0x38  }
0x16: {  	_ =	swait.ge [sflag:s14], $0x2800  }
0x17: {  	[sflag:s14] =	ssyncset.done $0x0  }
0x18: {  	[sflag:s14] =	ssyncadd.s32 $0xFFFFD800  }
0x19: {  	[tilespmem:s16], [sflag:$0x1] =	stream.linear.gather [hbm4b:s5+s3], $0x2800, $0x38;
	[tilespmem:$0xCA90] =	vst v63  }
0x1a: {  	_ =	swait.ge [sflag:s14], $0x2800  }
0x1b: {  	[sflag:s14] =	ssyncset.done $0x0  }
0x1c: {  	[sflag:s14] =	ssyncadd.s32 $0xFFFFD800  }
0x1d: {  	[spmem:s18], [sflag:s17] =	dma.local [hbm:s7], $0x50  }
0x1e: {  	_ =	swait.ge [sflag:s14], $0x50  }
0x1f: {  	[sflag:s14] =	ssyncset.done $0x0  }
0x20: {  	[sflag:s14] =	ssyncadd.s32 $0xFFFFFFB0  }
0x21: {  	[tilespmem:s3], [sflag:$0x1] =	stream.linear.gather [hbm4b:s8+s3], $0x2800, $0x38;
	[tilespmem:$0xCA90] =	vst v63  }
0x22: {  	_ =	swait.ge [sflag:s14], $0x2800  }
0x23: {  	[sflag:s14] =	ssyncset.done $0x0  }
0x24: {  	[sflag:s14] =	ssyncadd.s32 $0xFFFFD800  }
0x25: {  	[tilespmem:s19], [sflag:$0x1] =	stream.linear.gather [hbm4b:s9+s3], $0x2800, $0x38;
	[tilespmem:$0xCA90] =	vst v63  }
0x26: {  	_ =	swait.ge [sflag:s14], $0x2800  }
0x27: {  	[sflag:s14] =	ssyncset.done $0x0  }
0x28: {  	[sflag:s14] =	ssyncadd.s32 $0xFFFFD800  }
0x29: {  	s23 =	simm.s32 $0x0;
	[bflag:$0x0] =	sbarrier.arrive $0xFFFF  }
.LBB2_2:
0x2a: {  	s24 =	sshll.u32 s23, $0x7;
	s29 =	simm.s32 $0x0;
	p0 =	por $0x1, $0x1  }
0x2b: {  	s25 =	sor.u32 $0x10, s24;
	s26 =	sor.u32 $0x20, s24;
	s28 =	sor.u32 $0x30, s24  }
.LBB2_3:
0x2c: {  	s30 =	sor.u32 s24, s29  }
0x2d: {  	v1 =	vld [tilespmem:s30+$0x0]  }
0x2e: {  	s31 =	sor.u32 s25, s29;
	v2 =	vld [tilespmem:s30+$0x2800]  }
0x2f: {  	v3 =	vld [tilespmem:s31+$0x0]  }
0x30: {  	s0 =	sor.u32 s26, s29;
	v4 =	vld [tilespmem:s31+$0x2800]  }
0x31: {  	v5 =	vld [tilespmem:s0+$0x0]  }
0x32: {  	s29 =	sor.u32 s28, s29;
	v6 =	vld [tilespmem:s0+$0x2800]  }
0x33: {  	v7 =	vld [tilespmem:s29+$0x0]  }
0x34: {  	v8 =	vld [tilespmem:s29+$0x2800]  }
0x35: {  	v1 =	vld.idx.msk [tilespmem:v1+s15+$0x0], $0xffff  }
0x36: {  	v2 =	vld.idx.msk [tilespmem:v2+s16+$0x0], $0xffff  }
0x37: {  	v3 =	vld.idx.msk [tilespmem:v3+s15+$0x0], $0xffff  }
0x38: {  	v4 =	vld.idx.msk [tilespmem:v4+s16+$0x0], $0xffff  }
0x39: {  	v5 =	vld.idx.msk [tilespmem:v5+s15+$0x0], $0xffff  }
0x3a: {  	v6 =	vld.idx.msk [tilespmem:v6+s16+$0x0], $0xffff  }
0x3b: {  	v7 =	vld.idx.msk [tilespmem:v7+s15+$0x0], $0xffff  }
0x3c: {  	v8 =	vld.idx.msk [tilespmem:v8+s16+$0x0], $0xffff;
	_ =	sdelay $0x1  }
0x3d: {  	v1 =	vadd.f32 v2, v1  }
0x3e: {  	v2 =	vadd.f32 v4, v3  }
0x3f: {  	v3 =	vadd.f32 v6, v5;
	v58 =	vmul.f32 $2.000000030e-01, v1  }
0x40: {  	v59 =	vadd.f32 v8, v7;
	v60 =	vmul.f32 $2.000000030e-01, v2  }
0x41: {  	v61 =	vmul.f32 $2.000000030e-01, v3;
	v1 =	vmax.f32 v1, v58  }
0x42: {  	v62 =	vmul.f32 $2.000000030e-01, v59;
	v2 =	vmax.f32 v2, v60;
	v1 =	vsub.f32 v1, v0  }
0x43: {  	v3 =	vmax.f32 v3, v61;
	v2 =	vsub.f32 v2, v0  }
0x44: {  	v63 =	vmax.f32 v59, v62;
	v3 =	vsub.f32 v3, v0;
	v1 =	vmul.f32 $1.442695020e+00, v1  }
0x45: {  	v4 =	vsub.f32 v63, v0;
	v2 =	vmul.f32 $1.442695020e+00, v2  }
0x46: {  	(erf) = vpow2.f32 v1;
	v1 =	vmul.f32 $1.442695020e+00, v3  }
0x47: {  	(erf) = vpow2.f32 v2;
	v2 =	vmul.f32 $1.442695020e+00, v4  }
0x48: {  	(erf) = vpow2.f32 v1  }
0x49: {  	(erf) = vpow2.f32 v2;
	_ =	sdelay $0x4  }
0x4a: {  	p1 =	por p0, p0  }
.Ltmp0:
0x4b: {  	v1 =	vpop (erf);
	(pc) =	sbr.rel @p1 .LBB2_3-.Ltmp0, $4  }
0x4c: {  	[tilespmem:s30+$0x5000] =	vst v1;
	v1 =	vpop (erf)  }
0x4d: {  	[tilespmem:s31+$0x5000] =	vst v1;
	v1 =	vpop (erf)  }
0x4e: {  	[tilespmem:s0+$0x5000] =	vst v1;
	v1 =	vpop (erf)  }
0x4f: {  	p0 =	por $0x0, $0x0;
	[tilespmem:s29+$0x5000] =	vst v1;
	s29 =	simm.s32 $0x40  }
0x50: {  	s23 =	sadd.s32 $0x1, s23  }
0x51: {  	p0 =	sne.s32 s23, $0x50  }
.Ltmp1:
0x52: {  	s0 =	sadd.s32 $0x5000, s24;
	s31 =	sadd.s32 $0x2800, s24;
	(pc) =	sbr.rel @p0 .LBB2_2-.Ltmp1, $4  }
0x53: {  	[spmem:s1] =	stream.indirect.scatter.add.f32 [tilespmem:s0], [sflag:$0x1], $0x1, s31, s20, $0xb8;
	[tilespmem:$0xCA90] =	vst v63  }
0x54: {  	_ =	swait.ge [sflag:s14], $0x80  }
0x55: {  	[sflag:s14] =	ssyncset.done $0x0  }
0x56: {  	[sflag:s14] =	ssyncadd.s32 $0xFFFFFF80  }
0x57: {  	[hbm4b:s10+s3] =	stream.linear.scatter [tilespmem:s21], [sflag:$0x1], $0x2800, $0x38;
	[tilespmem:$0xCA90] =	vst v63  }
0x58: {  	_ =	swait.ge [sflag:s14], $0x2800  }
0x59: {  	s22 =	sadd.s32 $0x1, s22;
	[sflag:s14] =	ssyncset.done $0x0  }
0x5a: {  	p0 =	sne.s32 s22, s12;
	[sflag:s14] =	ssyncadd.s32 $0xFFFFD800  }
.Ltmp2:
0x5b: {  	[bflag:$0x0] =	sbarrier.arrive $0xFFFF;
	(pc) =	sbr.rel @p0 .LBB2_1-.Ltmp2, $4  }
0x5c: {  	[hbm:s11], [sflag:s17] =	dma.local [spmem:s18], $0x50  }
0x5d: {  	_ =	swait.ge [sflag:s14], $0x50  }
0x5e: {  	[sflag:s14] =	ssyncset.done $0x0  }
0x5f: {  	[sflag:s14] =	ssyncadd.s32 $0xFFFFFFB0  }
0x60: {  	_ =	sfence.sel $0x180000  }
0x61: {  	[bflag:$0x0] =	sbarrier.arrive $0xFFFF  }
0x62: {  	_ =	strace $0x9000004D  }
0x63: {  	[bflag:$0x2] =	sbarrier.arrive $0xFFFF  }
0x64: {  	p0 =	sne.s32 s2, $0x0;
	s0 =	rddreg [dreg:$0x3]  }
0x65: {  	s0 =	sadd.s32 @!p0 $0x100000, s0  }
0x66: {  	[sflag:s0] =	ssyncadd.tile.s32 @!p0 $0x1;
	_ =	shalt  }
.Lfunc_end2:
_tile_overlayer_lowered:
.L_overlay_start_2:
0x67: {  	(tag) =	ssettag $0x2  }
0x68: {  	s0 =	rddreg [dreg:$0x0];
	s2 =	stileid.u32  }
0x69: {  	s1 =	rddreg [dreg:$0x1];
	p0 =	sne.s32 s2, $0x0  }
0x6a: {  	s3 =	rddreg [dreg:$0x2];
	[bflag:$0x3] =	sbarrier.arrive $0xFFFF;
	s2 =	simm.s32 @!p0 $0x1C01  }
0x6b: {  	[timem:s3], [sflag:s2] =	dma.local @!p0 [hbm:s0], s1  }
0x6c: {  	s0 =	simm.s32 @!p0 $0x1  }
0x6d: {  	_ =	swait.ge @!p0 [sflag:s0], s1  }
0x6e: {  	s1 =	ssub.s32 @!p0 $0x0, s1;
	[sflag:s0] =	ssyncset.done @!p0 $0x0  }
0x6f: {  	[sflag:s0] =	ssyncadd.s32 @!p0 s1  }
0x70: {  	[bflag:$0x3] =	sbarrier.arrive $0xFFFF  }
0x71: {  	_ =	shalt  }

// kernel: kernel.20.cloned.1.call-start
scs
__scs_entry_jumppad:
0x0: {  	(pc) =	sbr.rel $0x88, $3  }
0x1: {  	(tag) =	ssettag $0x0;
	lr =	simm.s32 $0x1  }
0x2: {  	[smem:$0x3F97] =	sst lr;
	_ =	strace $0xD0000000  }
0x3: {  	_ = 	snop  }
0x4: {  	_ = 	snop  }
0x5: {  	_ = 	snop  }
0x6: {  	_ = 	snop  }
0x7: {  	_ = 	snop  }
__scs_overlays_trampoline_lowered:
0x8: {  	[smem:$0x3FA6] =	sst s0  }
0x9: {  	[smem:$0x3FA7] =	sst s1  }
0xa: {  	[smem:$0x3FA8] =	sst s2  }
0xb: {  	[smem:$0x3FA9] =	sst s3  }
0xc: {  	[smem:$0x3FAA] =	sst s4  }
0xd: {  	[smem:$0x3FAB] =	sst s5  }
0xe: {  	[smem:$0x3FAC] =	sst s6  }
0xf: {  	[smem:$0x3FAD] =	sst s7  }
0x10: {  	[smem:$0x3FAE] =	sst s8  }
0x11: {  	[smem:$0x3FAF] =	sst s9;
	s0 =	simm.s32 @!p0 $0x0  }
0x12: {  	s1 =	sld [smem:$0x3F95];
	s0 =	simm.s32 @p0 $0x1  }
0x13: {  	[smem:$0x3FB0] =	sst s0;
	s0 =	simm.s32 @!p1 $0x0  }
0x14: {  	s2 =	sld [smem:$0x3F94];
	s0 =	simm.s32 @p1 $0x1  }
0x15: {  	[smem:$0x3FB1] =	sst s0;
	s0 =	simm.s32 @!p2 $0x0  }
0x16: {  	s3 =	sld [smem:$0x3FDB];
	s0 =	simm.s32 @p2 $0x1  }
0x17: {  	s4 =	simm.s32 $0x1BF5;
	[smem:$0x3FB3] =	sst s0  }
0x18: {  	s0 =	sld [smem:$0x3F96];
	_ =	swait.ge [sflag:s4], $0x0  }
0x19: {  	s7 =	sld [smem:$0x3F97]  }
0x1a: {  	s8 =	sadd.s32 $0xFFFFE003, lr  }
0x1b: {  	s9 =	sadd.s32 $0xFFFFFEF7, lr;
	s5 =	simm.s32 $0xFFFFFFFF;
	p2 =	slt.u32 s8, $0xFFFFF086  }
0x1c: {  	p1 =	slt.u32 s9, $0xF7A;
	s5 =	simm.s32 @!p2 $0x0  }
0x1d: {  	s5 =	simm.s32 @p1 $0x1;
	p0 =	seq.s32 s7, s2  }
0x1e: {  	s7 =	smul.u32 @!p0 $0xF7A, s2;
	p2 =	seq.s32 @!p0 s5, $0x0  }
0x1f: {  	s9 =	smul.u32 $0xF7A, s1;
	s8 =	simm.s32 @!p0 $0x1BF5;
	p2 =	por !p2, p0  }
0x20: {  	[sflag:s8] =	ssyncset.s32 @!p0 $0xFFFFF086;
	s6 =	sadd.s32 @!p0 s3, s7;
	s7 =	simm.s32 @!p0 $0x108  }
0x21: {  	s3 =	sadd.s32 s3, s9;
	s6 =	sadd.s32 @!p0 $0x88, s6;
	s7 =	simm.s32 @p2 $0x1082  }
0x22: {  	[simem:s7], [sflag:s8] =	dma.local @!p0 [hbm:s6], $0xF7A  }
0x23: {  	s9 =	sor.u32 $0xD0000000, s2;
	s6 =	simm.s32 $0x108;
	_ =	swait.ge @!p0 [sflag:s8], $0x0  }
0x24: {  	s3 =	sadd.s32 $0x88, s3;
	s6 =	simm.s32 @!p1 $0x1082;
	[sflag:s4] =	ssyncset.s32 $0xFFFFF086  }
0x25: {  	[simem:s6], [sflag:s4] =	dma.local [hbm:s3], $0xF7A  }
0x26: {  	[smem:$0x3F97] =	sst s1;
	(tag) =	ssettag s2;
	_ =	strace s9  }
0x27: {  	s1 =	sld [smem:$0x3FA7]  }
0x28: {  	s2 =	sld [smem:$0x3FA8]  }
0x29: {  	s4 =	sld [smem:$0x3FAA]  }
0x2a: {  	p0 =	seq.s32 s5, $0x0;
	s5 =	sld [smem:$0x3FAB]  }
0x2b: {  	s6 =	sld [smem:$0x3FAC]  }
0x2c: {  	s7 =	sld [smem:$0x3FAD]  }
0x2d: {  	s3 =	simm.s32 $0x108;
	s8 =	sld [smem:$0x3FAE]  }
0x2e: {  	s3 =	simm.s32 @!p0 $0x1082;
	s9 =	sld [smem:$0x3FAF]  }
0x2f: {  	lr =	sadd.s32 s0, s3;
	s0 =	sld [smem:$0x3FA6]  }
0x30: {  	s3 =	sld [smem:$0x3FA9]  }
0x31: {  	[smem:$0x3FB2] =	sst s10  }
0x32: {  	s10 =	sld [smem:$0x3FB0];
	_ =	sdelay $0x3  }
0x33: {  	p0 =	seq.s32 s10, $0x1;
	s10 =	sld [smem:$0x3FB2];
	_ =	sdelay $0x3  }
0x34: {  	[smem:$0x3FB2] =	sst s10  }
0x35: {  	s10 =	sld [smem:$0x3FB1];
	_ =	sdelay $0x3  }
0x36: {  	p1 =	seq.s32 s10, $0x1;
	s10 =	sld [smem:$0x3FB2];
	_ =	sdelay $0x3  }
0x37: {  	[smem:$0x3FB2] =	sst s10  }
0x38: {  	s10 =	sld [smem:$0x3FB3]  }
0x39: {  	_ = 	snop;
	(pc) =	sbr.ind lr, $3  }
0x3a: {  	_ = 	snop  }
0x3b: {  	_ = 	snop  }
0x3c: {  	p2 =	seq.s32 s10, $0x1;
	s10 =	sld [smem:$0x3FB2]  }
0x3d: {  	_ =	shalt  }
0x3e: {  	_ =	shalt  }
0x3f: {  	_ =	shalt  }
0x40: {  	_ =	shalt  }
0x41: {  	_ =	shalt  }
0x42: {  	_ =	shalt  }
0x43: {  	_ =	shalt  }
0x44: {  	_ =	shalt  }
0x45: {  	_ =	shalt  }
0x46: {  	_ =	shalt  }
0x47: {  	_ =	shalt  }
0x48: {  	_ =	shalt  }
0x49: {  	_ =	shalt  }
0x4a: {  	_ =	shalt  }
0x4b: {  	_ =	shalt  }
0x4c: {  	_ =	shalt  }
0x4d: {  	_ =	shalt  }
0x4e: {  	_ =	shalt  }
0x4f: {  	_ =	shalt  }
0x50: {  	_ =	shalt  }
0x51: {  	_ =	shalt  }
0x52: {  	_ =	shalt  }
0x53: {  	_ =	shalt  }
0x54: {  	_ =	shalt  }
0x55: {  	_ =	shalt  }
0x56: {  	_ =	shalt  }
0x57: {  	_ =	shalt  }
0x58: {  	_ =	shalt  }
0x59: {  	_ =	shalt  }
0x5a: {  	_ =	shalt  }
0x5b: {  	_ =	shalt  }
0x5c: {  	_ =	shalt  }
0x5d: {  	_ =	shalt  }
0x5e: {  	_ =	shalt  }
0x5f: {  	_ =	shalt  }
0x60: {  	_ =	shalt  }
0x61: {  	_ =	shalt  }
0x62: {  	_ =	shalt  }
0x63: {  	_ =	shalt  }
0x64: {  	_ =	shalt  }
0x65: {  	_ =	shalt  }
0x66: {  	_ =	shalt  }
0x67: {  	_ =	shalt  }
0x68: {  	_ =	shalt  }
0x69: {  	_ =	shalt  }
0x6a: {  	_ =	shalt  }
0x6b: {  	_ =	shalt  }
0x6c: {  	_ =	shalt  }
0x6d: {  	_ =	shalt  }
0x6e: {  	_ =	shalt  }
0x6f: {  	_ =	shalt  }
0x70: {  	_ =	shalt  }
0x71: {  	_ =	shalt  }
0x72: {  	_ =	shalt  }
0x73: {  	_ =	shalt  }
0x74: {  	_ =	shalt  }
0x75: {  	_ =	shalt  }
0x76: {  	_ =	shalt  }
0x77: {  	_ =	shalt  }
0x78: {  	_ =	shalt  }
0x79: {  	_ =	shalt  }
0x7a: {  	_ =	shalt  }
0x7b: {  	_ =	shalt  }
0x7c: {  	_ =	shalt  }
0x7d: {  	_ =	shalt  }
0x7e: {  	_ =	shalt  }
0x7f: {  	_ =	shalt  }
0x80: {  	_ =	shalt  }
0x81: {  	_ =	shalt  }
0x82: {  	_ =	shalt  }
0x83: {  	_ =	shalt  }
0x84: {  	_ =	shalt  }
0x85: {  	_ =	shalt  }
0x86: {  	_ =	shalt  }
0x87: {  	_ =	shalt  }
.Lfunc_end0:
.L_simem_size_0:
called_computation.3_lowered:
.L_overlay_start_0:
0x88: {  	s2 =	sld [smem:$0x3FD9]  }
0x89: {  	s3 =	sld [smem:$0x3FFE];
	_ =	sdelay $0x1  }
0x8a: {  	s1 =	srdreg.scid  }
0x8b: {  	s0 =	sand.u32 $0x1, s1  }
0x8c: {  	s17 =	sshll.u32 s0, $0xA;
	s2 =	sadd.s32 s3, s2  }
0x8d: {  	s2 =	sadd.s32 s2, s17  }
0x8e: {  	[smem:$0x3FBE] =	sst s2  }
0x8f: {  	_ = 	snop  }
0x90: {  	s2 =	sld [smem:$0x3FD0];
	(tm) =	ssettm $0x1  }
0x91: {  	s18 =	sld [smem:$0x3FFB];
	_ =	sdelay $0x3  }
0x92: {  	_ =	strace s18  }
0x93: {  	s3 =	sld [smem:$0x3FFC];
	_ =	sdelay $0x3  }
0x94: {  	_ =	strace s3  }
0x95: {  	s3 =	sld [smem:$0x3FFD];
	_ =	sdelay $0x3  }
0x96: {  	_ =	strace s3  }
0x97: {  	_ =	strace $0x8FFFFFFF  }
0x98: {  	s19 =	sld [smem:$0x3FDB];
	_ =	sdelay $0x1  }
0x99: {  	s4 =	simm.s32 $_scs_section_size  }
0x9a: {  	s5 =	simm.s32 $_size__tile_overlayer_lowered;
	s6 =	simm.s32 $_tile_overlayer_lowered  }
0x9b: {  	s22 =	simm.s32 $0x1BFF;
	s21 =	sshll.u32 s6, $0x1;
	s3 =	sadd.s32 s4, s19  }
0x9c: {  	s7 =	simm.s32 $0x0;
	s20 =	sshll.u32 s5, $0x1;
	s5 =	sadd.s32 s21, s3  }
0x9d: {  	[timem:s7], [sflag:s22] =	dma.local [hbm:s5], s20  }
0x9e: {  	_ =	swait.ge [sflag:s22], s20  }
0x9f: {  	s4 =	ssub.s32 $0x0, s20;
	[sflag:s22] =	ssyncset.done $0x0  }
0xa0: {  	[sflag:s22] =	ssyncadd.s32 s4;
	_ =	sdelay $0x1  }
0xa1: {  	s23 =	simm.s32 $0x1B8B  }
0xa2: {  	_ =	swait.ge [sflag:s23], $0x1  }
0xa3: {  	[sflag:s23] =	ssyncset.done $0x0  }
0xa4: {  	s25 =	simm.s32 $0x1B8E;
	s24 =	sld [smem:$0x3FFE];
	[sflag:s23] =	ssyncadd.s32 $0xFFFFFFFF  }
0xa5: {  	s26 =	simm.s32 $execute0_lowered;
	[smem:$0x3FD2] =	sst s25  }
0xa6: {  	s5 =	sshll.u32 s26, $0x1;
	_ =	strace $0x8000004F;
	[dreg:$0x1] =	wrdreg $0xFFFFFFFF  }
0xa7: {  	s28 =	simm.s32 $_size_execute0_lowered;
	s3 =	sadd.s32 s3, s5;
	[dreg:$0x0] =	wrdreg $0x0  }
0xa8: {  	s5 =	sshll.u32 s28, $0x1;
	[dreg:$0x2] =	wrdreg s3  }
0xa9: {  	[dreg:$0x3] =	wrdreg s5  }
0xaa: {  	[dreg:$0x4] =	wrdreg $0xC0  }
0xab: {  	_ =	task [dreg:s7], $0x5FFFF  }
0xac: {  	[dreg:$0x1] =	wrdreg $0xFFFFFFFF  }
0xad: {  	[dreg:$0x0] =	wrdreg $0x60  }
0xae: {  	[dreg:$0x2] =	wrdreg s24  }
0xaf: {  	[dreg:$0x3] =	wrdreg s2  }
0xb0: {  	[dreg:$0x4] =	wrdreg $0x100800  }
0xb1: {  	[dreg:$0x5] =	wrdreg $0x9  }
0xb2: {  	_ =	task.clear_ibuf [dreg:s7], $0x6FFFF;
	_ =	strace $0x9000004F  }
0xb3: {  	s29 =	simm.s32 $0x9;
	_ =	strace $0x80000051  }
0xb4: {  	_ =	swait.ge [sflag:s29], $0x1  }
0xb5: {  	[sflag:s29] =	ssyncadd.s32 $0xFFFFFFFF  }
0xb6: {  	_ =	strace $0x90000051  }
0xb7: {  	_ =	sfence  }
0xb8: {  	s30 =	sld [smem:$0x0];
	_ =	sdelay $0x2  }
0xb9: {  	s31 =	sshll.u32 s1, $0xD;
	s1 =	sshrl.u32 s1, $0x2  }
0xba: {  	s3 =	sand.u32 $0x4000, s31;
	s1 =	sadd.s32 s1, s30  }
0xbb: {  	s0 =	sor.u32 s3, s0;
	s1 =	sshll.u32 s1, $0x11  }
0xbc: {  	s0 =	sor.u32 s1, s0  }
0xbd: {  	s0 =	sadd.s32 $0x8F2B, s0  }
0xbe: {  	[sflag:s0] =	ssyncadd.remote.s32 $0x1  }
0xbf: {  	_ =	sfence.sel $0xFFFF  }
0xc0: {  	[dreg:$0x0] =	wrdreg $0xFFFFFFFF;
	(pc) =	sbr.abs _section_cstart, $3  }
0xc1: {  	[dreg:$0x1] =	wrdreg $0xFFFFFFFF  }
0xc2: {  	_ =	task.clear_ibuf [dreg:s7], $0x2FFFF;
	_ =	strace $0x9FFFFFFF  }
0xc3: {  	(tm) =	ssettm $0x7FFFFFFF  }
tec
execute0_lowered:
.L_overlay_start_1:
0x0: {  	(tag) =	ssettag $0x1  }
0x1: {  	s0 =	srdreg.scid;
	s1 =	rddreg [dreg:$0x0]  }
0x2: {  	s13 =	stileid.u32;
	s8 =	rddreg [dreg:$0x1]  }
0x3: {  	s17 =	simm.s32 $0x5000;
	s18 =	simm.s32 $0x80;
	s19 =	simm.s32 $0xA080  }
0x4: {  	s20 =	simm.s32 $0xC080;
	s21 =	simm.s32 $0x1;
	s22 =	simm.s32 $0xE080  }
0x5: {  	s23 =	simm.s32 $0x2;
	s24 =	simm.s32 $0x0;
	s0 =	sand.u32 $0x1, s0  }
0x6: {  	s6 =	smul.u32 $0xA000, s13;
	s4 =	sadd.s32 $0x2000, s1;
	s5 =	sadd.s32 $0xDE00, s1  }
0x7: {  	s31 =	sshll.u32 s13, $0x6;
	s2 =	sshll.u32 s0, $0x4;
	s7 =	smul.u32 $0xA0000, s0  }
0x8: {  	s0 =	ssub.s32 $0x2, s0;
	s14 =	sor.u32 $0x1C03, s31;
	s3 =	sor.u32 s13, s2  }
0x9: {  	s2 =	rddreg [dreg:$0x2];
	s11 =	sshrl.u32 s6, $0x3;
	s12 =	sshrl.u32 s0, $0x1  }
0xa: {  	s13 =	simm.s32 $0x3;
	s9 =	smul.u32 $0x500, s3;
	s3 =	simm.s32 $0x0  }
0xb: {  	v0 =	vimm.s32 $0x0;
	s7 =	sadd.s32 s6, s7;
	s11 =	sadd.s32 s11, s1;
	s0 =	ssub.s32 s0, s12  }
.Ltmp0:
0xc: {  	v1 =	vimm.s32 $0x1;
	v2 =	vimm.s32 $0x2;
	v3 =	vimm.s32 $0x3;
	s15 =	sadd.s32 s6, s2;
	s12 =	simm.s32 $0x7880;
	(pc) =	sbr.rel .LBB2_1-.Ltmp0, $4  }
0xd: {  	v4 =	vimm.s32 $0x4;
	v5 =	vimm.s32 $0x5;
	v6 =	vimm.s32 $0x6;
	[smem:$0x7FF] =	sst s3;
	s7 =	sshrl.u32 s7, $0x3;
	s6 =	sadd.s32 $0x3E200, s11  }
0xe: {  	v7 =	vimm.s32 $0x7;
	v8 =	vimm.s32 $0x8;
	v9 =	vimm.s32 $0x9;
	s11 =	smax.u32 s0, $0x1;
	s15 =	sshrl.u32 s15, $0x3;
	_ =	strace $0x80000050  }
0xf: {  	v10 =	vimm.s32 $0xA;
	v11 =	vimm.s32 $0xB;
	v12 =	vimm.s32 $0xC;
	s10 =	sadd.s32 s9, s1;
	s1 =	sadd.s32 s7, s1;
	s8 =	sadd.s32 s8, s9  }
0x10: {  	v13 =	vimm.s32 $0xD;
	v14 =	vimm.s32 $0xE;
	v15 =	vimm.s32 $0xF;
	s7 =	sadd.s32 $0x34200, s10;
	s9 =	sadd.s32 $0x3E00, s10;
	s10 =	sadd.s32 $0x52200, s1  }
.LBB2_12:
0x11: {  	s24 =	sadd.s32 $0x1, s24  }
0x12: {  	p0 =	sne.s32 s24, s11  }
.Ltmp1:
0x13: {  	[bflag:$0x0] =	sbarrier.arrive $0xFFFF;
	(pc) =	sbr.rel @!p0 .LBB2_13-.Ltmp1, $4  }
0x14: {  	[hbm:s10], [sflag:s14] =	dma.local [spmem:s15], $0x1400  }
0x15: {  	_ =	swait.ge [sflag:s13], $0x1400  }
0x16: {  	[sflag:s13] =	ssyncset.done $0x0  }
0x17: {  	[sflag:s13] =	ssyncadd.s32 $0xFFFFEC00  }
.LBB2_1:
0x18: {  	[tilespmem:s12], [sflag:$0x3] =	stream.linear.gather [hbm4b:s4+s3], $0x2800, $0x38;
	[tilespmem:$0x1A080] =	vst v63  }
0x19: {  	_ =	swait.ge [sflag:s13], $0x2800  }
0x1a: {  	[sflag:s13] =	ssyncset.done $0x0  }
0x1b: {  	[sflag:s13] =	ssyncadd.s32 $0xFFFFD800  }
0x1c: {  	[spmem:s15], [sflag:s14] =	dma.local [hbm:s6], $0x1400  }
0x1d: {  	_ =	swait.ge [sflag:s13], $0x1400  }
0x1e: {  	[sflag:s13] =	ssyncset.done $0x0  }
0x1f: {  	[sflag:s13] =	ssyncadd.s32 $0xFFFFEC00  }
0x20: {  	[tilespmem:s3], [sflag:$0x3] =	stream.linear.gather [hbm4b:s7+s3], $0x2800, $0x38;
	[tilespmem:$0x1A080] =	vst v63  }
0x21: {  	_ =	swait.ge [sflag:s13], $0x2800  }
0x22: {  	[sflag:s13] =	ssyncset.done $0x0  }
0x23: {  	s0 =	simm.s32 $0x2800;
	[sflag:s13] =	ssyncadd.s32 $0xFFFFD800  }
0x24: {  	[tilespmem:s0], [sflag:$0x3] =	stream.linear.gather [hbm4b:s8+s3], $0x2800, $0x38;
	[tilespmem:$0x1A080] =	vst v63  }
0x25: {  	_ =	swait.ge [sflag:s13], $0x2800  }
0x26: {  	[sflag:s13] =	ssyncset.done $0x0  }
0x27: {  	[sflag:s13] =	ssyncadd.s32 $0xFFFFD800  }
0x28: {  	[tilespmem:s17], [sflag:$0x3] =	stream.linear.gather [hbm4b:s9+s3], $0x2800, $0x38;
	[tilespmem:$0x1A080] =	vst v63  }
0x29: {  	_ =	swait.ge [sflag:s13], $0x2800  }
0x2a: {  	[sflag:s13] =	ssyncset.done $0x0  }
0x2b: {  	[sflag:s13] =	ssyncadd.s32 $0xFFFFD800  }
0x2c: {  	[bflag:$0x0] =	sbarrier.arrive $0xFFFF  }
0x2d: {  	[tilespmem:s19], [sflag:$0x1] =	stream.indirect.gather [hbm4b:s5+s18], $0x40, s3, s18, $0xb8;
	[tilespmem:$0x1A080] =	vst v63  }
0x2e: {  	s25 =	simm.s32 $0x0  }
0x2f: {  	[tilespmem:s20], [sflag:$0x2] =	stream.indirect.gather [hbm4b:s5+s18], $0x40, s18, s18, $0xb8;
	[tilespmem:$0x1A080] =	vst v63  }
.LBB2_2:
0x30: {  	s0 =	sshll.u32 s25, $0x8;
	s1 =	simm.s32 $0x0;
	p0 =	por $0x1, $0x1  }
.LBB2_3:
0x31: {  	s16 =	sor.u32 s0, s1  }
0x32: {  	v16 =	vld [tilespmem:s16+$0x2800];
	s26 =	sor.u32 $0x10, s16  }
0x33: {  	s28 =	sor.u32 $0x20, s16;
	v17 =	vld [tilespmem:s26+$0x2800]  }
0x34: {  	s29 =	sor.u32 $0x30, s16;
	v18 =	vld [tilespmem:s28+$0x2800]  }
0x35: {  	v19 =	vld [tilespmem:s29+$0x2800]  }
0x36: {  	v20 =	vld [tilespmem:s16+$0x5000]  }
0x37: {  	v21 =	vld [tilespmem:s26+$0x5000]  }
0x38: {  	v22 =	vld [tilespmem:s28+$0x5000]  }
0x39: {  	v23 =	vld [tilespmem:s29+$0x5000]  }
0x3a: {  	v16 =	vld.idx.msk [tilespmem:v16+s12+$0x0], $0xffff  }
0x3b: {  	v17 =	vld.idx.msk [tilespmem:v17+s12+$0x0], $0xffff  }
0x3c: {  	v18 =	vld.idx.msk [tilespmem:v18+s12+$0x0], $0xffff  }
0x3d: {  	v19 =	vld.idx.msk [tilespmem:v19+s12+$0x0], $0xffff;
	_ =	sdelay $0x1  }
0x3e: {  	p1 =	por p0, p0;
	v16 =	vmul.f32 v20, v16  }
.Ltmp2:
0x3f: {  	v17 =	vmul.f32 v21, v17;
	(pc) =	sbr.rel @p1 .LBB2_3-.Ltmp2, $4  }
0x40: {  	[tilespmem:s1+$0x7800] =	vst v16;
	v16 =	vmul.f32 v22, v18  }
0x41: {  	[tilespmem:s1+$0x7810] =	vst v17;
	v17 =	vmul.f32 v23, v19  }
0x42: {  	[tilespmem:s1+$0x7820] =	vst v16  }
0x43: {  	p0 =	por $0x0, $0x0;
	[tilespmem:s1+$0x7830] =	vst v17;
	s1 =	simm.s32 $0x40  }
0x44: {  	_ =	swait.ge [sflag:s21], $0x2000  }
0x45: {  	[sflag:s21] =	ssyncset.done $0x0  }
0x46: {  	s0 =	simm.s32 $0x7800;
	[sflag:s21] =	ssyncadd.s32 $0xFFFFE000  }
0x47: {  	s28 =	simm.s32 $0x0;
	v18 =	vld [tilespmem:s0+$0x0]  }
0x48: {  	v16 =	vld [tilespmem:s28+$0xA470]  }
0x49: {  	v19 =	vld [tilespmem:s28+$0xA080]  }
0x4a: {  	v20 =	vld [tilespmem:s28+$0xA090]  }
0x4b: {  	v21 =	vld [tilespmem:s28+$0xA0A0]  }
0x4c: {  	v22 =	vld [tilespmem:s28+$0xA0B0]  }
0x4d: {  	v23 =	vld [tilespmem:s28+$0xA0C0]  }
0x4e: {  	v24 =	vld [tilespmem:s28+$0xA0D0]  }
0x4f: {  	v25 =	vld [tilespmem:s28+$0xA0E0]  }
0x50: {  	v27 =	vld [tilespmem:s28+$0xA100]  }
0x51: {  	v28 =	vld [tilespmem:s28+$0xA110]  }
0x52: {  	v29 =	vld [tilespmem:s28+$0xA120];
	v17 =	vperm.xlane v18, v15  }
0x53: {  	v30 =	vld [tilespmem:s28+$0xA130];
	v26 =	vperm.xlane v18, v0  }
0x54: {  	v31 =	vld [tilespmem:s28+$0xA140];
	v16 =	vmul.f32 v16, v17  }
0x55: {  	s26 =	simm.s32 $0x400;
	v32 =	vld [tilespmem:s28+$0xA1D0];
	v19 =	vmul.f32 v19, v26  }
0x56: {  	v33 =	vld [tilespmem:s26+$0xA470];
	v20 =	vmul.f32 v20, v26;
	[tilespmem:s28+$0xE470] =	vst v16  }
0x57: {  	v34 =	vld [tilespmem:s26+$0xA080];
	v43 =	vperm.xlane v18, v3;
	v22 =	vmul.f32 v22, v26;
	[tilespmem:s28+$0xE080] =	vst v19  }
0x58: {  	v16 =	vld [tilespmem:s28+$0xA0F0];
	v19 =	vmul.f32 v21, v26;
	[tilespmem:s28+$0xE090] =	vst v20;
	v21 =	vperm.xlane v18, v1  }
0x59: {  	v31 =	vmul.f32 v31, v43;
	v20 =	vld [tilespmem:s28+$0xA150];
	[tilespmem:s28+$0xE0B0] =	vst v22  }
0x5a: {  	v26 =	vld [tilespmem:s28+$0xA160];
	[tilespmem:s28+$0xE0A0] =	vst v19;
	v19 =	vmul.f32 v23, v21  }
0x5b: {  	v35 =	vld [tilespmem:s26+$0xA090];
	[tilespmem:s28+$0xE140] =	vst v31;
	v23 =	vmul.f32 v24, v21  }
0x5c: {  	v22 =	vld [tilespmem:s28+$0xA170];
	[tilespmem:s28+$0xE0C0] =	vst v19;
	v19 =	vmul.f32 v25, v21  }
0x5d: {  	v36 =	vld [tilespmem:s26+$0xA0A0];
	[tilespmem:s28+$0xE0D0] =	vst v23;
	v16 =	vmul.f32 v16, v21  }
0x5e: {  	v37 =	vld [tilespmem:s26+$0xA0B0];
	v25 =	vperm.xlane v18, v2;
	v20 =	vmul.f32 v20, v43;
	[tilespmem:s28+$0xE0E0] =	vst v19  }
0x5f: {  	v24 =	vld [tilespmem:s28+$0xA180];
	v26 =	vmul.f32 v26, v43;
	[tilespmem:s28+$0xE0F0] =	vst v16  }
0x60: {  	v23 =	vld [tilespmem:s28+$0xA190];
	v19 =	vmul.f32 v27, v25;
	[tilespmem:s28+$0xE150] =	vst v20  }
0x61: {  	s31 =	simm.s32 $0x7810;
	v21 =	vld [tilespmem:s28+$0xA1A0];
	v22 =	vmul.f32 v22, v43;
	[tilespmem:s28+$0xE160] =	vst v26  }
0x62: {  	v29 =	vmul.f32 v29, v25;
	[tilespmem:s28+$0xE100] =	vst v19;
	v19 =	vld [tilespmem:s31+$0x0]  }
0x63: {  	v53 =	vperm.xlane v18, v4;
	v27 =	vld [tilespmem:s28+$0xA1B0];
	v16 =	vmul.f32 v28, v25;
	[tilespmem:s28+$0xE170] =	vst v22  }
0x64: {  	v38 =	vld [tilespmem:s26+$0xA0C0];
	v25 =	vmul.f32 v30, v25;
	[tilespmem:s28+$0xE120] =	vst v29  }
0x65: {  	v39 =	vld [tilespmem:s26+$0xA0D0];
	v24 =	vmul.f32 v24, v53;
	[tilespmem:s28+$0xE110] =	vst v16  }
0x66: {  	v40 =	vld [tilespmem:s28+$0xA1E0];
	[tilespmem:s28+$0xE130] =	vst v25;
	v23 =	vmul.f32 v23, v53  }
0x67: {  	v49 =	vld [tilespmem:s26+$0xA0F0];
	[tilespmem:s28+$0xE180] =	vst v24;
	v21 =	vmul.f32 v21, v53;
	v16 =	vperm.xlane v19, v15  }
0x68: {  	v42 =	vld [tilespmem:s26+$0xA100];
	[tilespmem:s28+$0xE190] =	vst v23;
	v27 =	vmul.f32 v27, v53;
	v41 =	vperm.xlane v19, v0  }
0x69: {  	v44 =	vld [tilespmem:s26+$0xA120];
	[tilespmem:s28+$0xE1A0] =	vst v21;
	v33 =	vmul.f32 v33, v16  }
0x6a: {  	v45 =	vld [tilespmem:s28+$0xA1F0];
	[tilespmem:s28+$0xE1B0] =	vst v27;
	v34 =	vmul.f32 v34, v41  }
0x6b: {  	v29 =	vld [tilespmem:s26+$0xA0E0];
	v35 =	vmul.f32 v35, v41;
	[tilespmem:s26+$0xE470] =	vst v33  }
0x6c: {  	v50 =	vld [tilespmem:s28+$0xA200];
	v52 =	vperm.xlane v19, v1;
	v36 =	vmul.f32 v36, v41;
	[tilespmem:s26+$0xE080] =	vst v34  }
0x6d: {  	v30 =	vld [tilespmem:s26+$0xA110];
	v37 =	vmul.f32 v37, v41;
	[tilespmem:s26+$0xE090] =	vst v35  }
0x6e: {  	v51 =	vld [tilespmem:s28+$0xA210];
	v38 =	vmul.f32 v38, v52;
	[tilespmem:s26+$0xE0A0] =	vst v36  }
0x6f: {  	v25 =	vld [tilespmem:s26+$0xA130];
	v58 =	vperm.xlane v19, v2;
	v39 =	vmul.f32 v39, v52;
	[tilespmem:s26+$0xE0B0] =	vst v37  }
0x70: {  	v31 =	vld [tilespmem:s26+$0xA140];
	v29 =	vmul.f32 v29, v52;
	[tilespmem:s26+$0xE0C0] =	vst v38  }
0x71: {  	v20 =	vld [tilespmem:s26+$0xA150];
	v42 =	vmul.f32 v42, v58;
	[tilespmem:s26+$0xE0D0] =	vst v39  }
0x72: {  	v26 =	vld [tilespmem:s26+$0xA160];
	v30 =	vmul.f32 v30, v58;
	[tilespmem:s26+$0xE0E0] =	vst v29  }
0x73: {  	v22 =	vld [tilespmem:s26+$0xA170];
	v63 =	vperm.xlane v19, v3;
	v44 =	vmul.f32 v44, v58;
	[tilespmem:s26+$0xE100] =	vst v42  }
0x74: {  	v24 =	vld [tilespmem:s26+$0xA180];
	v25 =	vmul.f32 v25, v58;
	[tilespmem:s26+$0xE110] =	vst v30  }
0x75: {  	v23 =	vld [tilespmem:s26+$0xA190];
	v31 =	vmul.f32 v31, v63;
	[tilespmem:s26+$0xE120] =	vst v44  }
0x76: {  	v54 =	vld [tilespmem:s28+$0xA220];
	v20 =	vmul.f32 v20, v63;
	[tilespmem:s26+$0xE130] =	vst v25  }
0x77: {  	v55 =	vld [tilespmem:s28+$0xA230];
	v53 =	vperm.xlane v19, v4;
	v26 =	vmul.f32 v26, v63;
	[tilespmem:s26+$0xE140] =	vst v31  }
0x78: {  	v56 =	vld [tilespmem:s28+$0xA240];
	v22 =	vmul.f32 v22, v63;
	[tilespmem:s26+$0xE150] =	vst v20  }
0x79: {  	v57 =	vld [tilespmem:s28+$0xA250];
	v24 =	vmul.f32 v24, v53;
	[tilespmem:s26+$0xE160] =	vst v26  }
0x7a: {  	v59 =	vld [tilespmem:s28+$0xA260];
	v48 =	vperm.xlane v18, v6;
	v23 =	vmul.f32 v23, v53;
	[tilespmem:s26+$0xE170] =	vst v22  }
0x7b: {  	v21 =	vld [tilespmem:s26+$0xA1A0];
	v33 =	vmul.f32 v49, v52;
	[tilespmem:s26+$0xE180] =	vst v24  }
0x7c: {  	v27 =	vld [tilespmem:s26+$0xA1B0];
	v25 =	vmul.f32 v50, v48;
	[tilespmem:s26+$0xE190] =	vst v23  }
0x7d: {  	v28 =	vld [tilespmem:s28+$0xA1C0];
	v31 =	vmul.f32 v51, v48;
	[tilespmem:s26+$0xE0F0] =	vst v33  }
0x7e: {  	v60 =	vld [tilespmem:s28+$0xA270];
	v20 =	vmul.f32 v54, v48;
	[tilespmem:s28+$0xE200] =	vst v25  }
0x7f: {  	v61 =	vld [tilespmem:s28+$0xA280];
	v37 =	vmul.f32 v55, v48;
	[tilespmem:s28+$0xE210] =	vst v31  }
0x80: {  	v62 =	vld [tilespmem:s28+$0xA290];
	v29 =	vperm.xlane v18, v5;
	v21 =	vmul.f32 v21, v53;
	[tilespmem:s28+$0xE220] =	vst v20  }
0x81: {  	v58 =	vld [tilespmem:s28+$0xA310];
	v27 =	vmul.f32 v27, v53;
	[tilespmem:s28+$0xE230] =	vst v37  }
0x82: {  	v63 =	vld [tilespmem:s28+$0xA350];
	v28 =	vmul.f32 v28, v29;
	[tilespmem:s26+$0xE1A0] =	vst v21  }
0x83: {  	v49 =	vld [tilespmem:s28+$0xA2A0];
	v32 =	vmul.f32 v32, v29;
	[tilespmem:s26+$0xE1B0] =	vst v27  }
0x84: {  	v50 =	vld [tilespmem:s28+$0xA2B0];
	v26 =	vperm.xlane v18, v7;
	v30 =	vmul.f32 v40, v29;
	[tilespmem:s28+$0xE1C0] =	vst v28  }
0x85: {  	v51 =	vld [tilespmem:s28+$0xA2C0];
	v29 =	vmul.f32 v45, v29;
	[tilespmem:s28+$0xE1D0] =	vst v32  }
0x86: {  	v55 =	vld [tilespmem:s26+$0xA230];
	v22 =	vmul.f32 v56, v26;
	[tilespmem:s28+$0xE1E0] =	vst v30  }
0x87: {  	v25 =	vld [tilespmem:s26+$0xA200];
	v24 =	vmul.f32 v57, v26;
	[tilespmem:s28+$0xE1F0] =	vst v29  }
0x88: {  	v31 =	vld [tilespmem:s26+$0xA210];
	v23 =	vmul.f32 v59, v26;
	v21 =	vperm.xlane v18, v8;
	[tilespmem:s28+$0xE240] =	vst v22  }
0x89: {  	v48 =	vperm.xlane v19, v6;
	v20 =	vld [tilespmem:s26+$0xA220];
	v26 =	vmul.f32 v60, v26;
	[tilespmem:s28+$0xE250] =	vst v24  }
0x8a: {  	v28 =	vld [tilespmem:s26+$0xA1C0];
	[tilespmem:s28+$0xE260] =	vst v23;
	v27 =	vmul.f32 v61, v21  }
0x8b: {  	v32 =	vld [tilespmem:s26+$0xA1D0];
	[tilespmem:s28+$0xE270] =	vst v26;
	v37 =	vmul.f32 v55, v48  }
0x8c: {  	v30 =	vld [tilespmem:s26+$0xA1E0];
	[tilespmem:s28+$0xE280] =	vst v27;
	v25 =	vmul.f32 v25, v48  }
0x8d: {  	v59 =	vperm.xlane v19, v5;
	v29 =	vld [tilespmem:s26+$0xA1F0];
	v31 =	vmul.f32 v31, v48;
	[tilespmem:s26+$0xE230] =	vst v37  }
0x8e: {  	v22 =	vld [tilespmem:s26+$0xA240];
	v20 =	vmul.f32 v20, v48;
	[tilespmem:s26+$0xE200] =	vst v25  }
0x8f: {  	v24 =	vld [tilespmem:s26+$0xA250];
	v28 =	vmul.f32 v28, v59;
	[tilespmem:s26+$0xE210] =	vst v31  }
0x90: {  	v23 =	vld [tilespmem:s26+$0xA260];
	v32 =	vmul.f32 v32, v59;
	[tilespmem:s26+$0xE220] =	vst v20  }
0x91: {  	v53 =	vperm.xlane v19, v7;
	v26 =	vld [tilespmem:s26+$0xA270];
	v30 =	vmul.f32 v30, v59;
	[tilespmem:s26+$0xE1C0] =	vst v28  }
0x92: {  	v52 =	vld [tilespmem:s28+$0xA2D0];
	v29 =	vmul.f32 v29, v59;
	[tilespmem:s26+$0xE1D0] =	vst v32  }
0x93: {  	v54 =	vld [tilespmem:s28+$0xA2E0];
	v22 =	vmul.f32 v22, v53;
	[tilespmem:s26+$0xE1E0] =	vst v30  }
0x94: {  	v44 =	vld [tilespmem:s28+$0xA390];
	v24 =	vmul.f32 v24, v53;
	[tilespmem:s26+$0xE1F0] =	vst v29  }
0x95: {  	v57 =	vld [tilespmem:s28+$0xA300];
	v23 =	vmul.f32 v23, v53;
	[tilespmem:s26+$0xE240] =	vst v22  }
0x96: {  	v56 =	vld [tilespmem:s28+$0xA2F0];
	v26 =	vmul.f32 v26, v53;
	[tilespmem:s26+$0xE250] =	vst v24  }
0x97: {  	v60 =	vld [tilespmem:s28+$0xA320];
	v28 =	vmul.f32 v62, v21;
	[tilespmem:s26+$0xE260] =	vst v23  }
0x98: {  	v61 =	vld [tilespmem:s28+$0xA330];
	v20 =	vperm.xlane v18, v10;
	v62 =	vmul.f32 v49, v21;
	[tilespmem:s26+$0xE270] =	vst v26  }
0x99: {  	v40 =	vld [tilespmem:s28+$0xA340];
	v21 =	vmul.f32 v50, v21;
	[tilespmem:s28+$0xE290] =	vst v28  }
0x9a: {  	v27 =	vld [tilespmem:s26+$0xA280];
	v55 =	vmul.f32 v57, v20;
	[tilespmem:s28+$0xE2A0] =	vst v62  }
0x9b: {  	v48 =	vld [tilespmem:s28+$0xA410];
	v22 =	vmul.f32 v58, v20;
	[tilespmem:s28+$0xE2B0] =	vst v21  }
0x9c: {  	v59 =	vld [tilespmem:s28+$0xA3D0];
	v30 =	vperm.xlane v18, v9;
	v24 =	vmul.f32 v60, v20;
	[tilespmem:s28+$0xE300] =	vst v55  }
0x9d: {  	v53 =	vld [tilespmem:s28+$0xA440];
	v20 =	vmul.f32 v61, v20;
	[tilespmem:s28+$0xE310] =	vst v22  }
0x9e: {  	v49 =	vld [tilespmem:s26+$0xA2A0];
	v29 =	vmul.f32 v51, v30;
	[tilespmem:s28+$0xE320] =	vst v24  }
0x9f: {  	v50 =	vld [tilespmem:s28+$0xA360];
	v25 =	vmul.f32 v52, v30;
	[tilespmem:s28+$0xE330] =	vst v20  }
0xa0: {  	v57 =	vld [tilespmem:s26+$0xA300];
	v60 =	vperm.xlane v19, v8;
	v31 =	vmul.f32 v54, v30;
	[tilespmem:s28+$0xE2C0] =	vst v29  }
0xa1: {  	v58 =	vld [tilespmem:s28+$0xA3C0];
	v23 =	vperm.xlane v18, v11;
	v30 =	vmul.f32 v56, v30;
	[tilespmem:s28+$0xE2D0] =	vst v25  }
0xa2: {  	v28 =	vld [tilespmem:s26+$0xA290];
	v27 =	vmul.f32 v27, v60;
	[tilespmem:s28+$0xE2E0] =	vst v31  }
0xa3: {  	v21 =	vld [tilespmem:s26+$0xA2B0];
	v26 =	vmul.f32 v40, v23;
	[tilespmem:s28+$0xE2F0] =	vst v30  }
0xa4: {  	v22 =	vld [tilespmem:s26+$0xA310];
	v55 =	vperm.xlane v19, v10;
	[tilespmem:s26+$0xE280] =	vst v27;
	v27 =	vmul.f32 v63, v23  }
0xa5: {  	v24 =	vld [tilespmem:s26+$0xA320];
	[tilespmem:s28+$0xE340] =	vst v26;
	v32 =	vmul.f32 v49, v60  }
0xa6: {  	v20 =	vld [tilespmem:s26+$0xA330];
	v36 =	vmul.f32 v57, v55;
	[tilespmem:s28+$0xE350] =	vst v27  }
0xa7: {  	v61 =	vld [tilespmem:s28+$0xA3E0];
	v28 =	vmul.f32 v28, v60;
	[tilespmem:s26+$0xE2A0] =	vst v32  }
0xa8: {  	v51 =	vld [tilespmem:s28+$0xA370];
	v21 =	vmul.f32 v21, v60;
	[tilespmem:s26+$0xE300] =	vst v36  }
0xa9: {  	v29 =	vld [tilespmem:s26+$0xA2C0];
	v22 =	vmul.f32 v22, v55;
	[tilespmem:s26+$0xE290] =	vst v28  }
0xaa: {  	v25 =	vld [tilespmem:s26+$0xA2D0];
	v24 =	vmul.f32 v24, v55;
	[tilespmem:s26+$0xE2B0] =	vst v21  }
0xab: {  	v31 =	vld [tilespmem:s26+$0xA2E0];
	v20 =	vmul.f32 v20, v55;
	[tilespmem:s26+$0xE310] =	vst v22  }
0xac: {  	v30 =	vld [tilespmem:s26+$0xA2F0];
	v49 =	vperm.xlane v19, v9;
	v28 =	vmul.f32 v50, v23;
	[tilespmem:s26+$0xE320] =	vst v24  }
0xad: {  	v52 =	vld [tilespmem:s28+$0xA380];
	v23 =	vmul.f32 v51, v23;
	[tilespmem:s26+$0xE330] =	vst v20  }
0xae: {  	v54 =	vld [tilespmem:s28+$0xA3A0];
	v29 =	vmul.f32 v29, v49;
	[tilespmem:s28+$0xE360] =	vst v28  }
0xaf: {  	v56 =	vld [tilespmem:s28+$0xA3B0];
	v25 =	vmul.f32 v25, v49;
	[tilespmem:s28+$0xE370] =	vst v23  }
0xb0: {  	v62 =	vld [tilespmem:s28+$0xA3F0];
	v50 =	vperm.xlane v18, v12;
	v31 =	vmul.f32 v31, v49;
	[tilespmem:s26+$0xE2C0] =	vst v29  }
0xb1: {  	v26 =	vld [tilespmem:s26+$0xA340];
	v30 =	vmul.f32 v30, v49;
	[tilespmem:s26+$0xE2D0] =	vst v25  }
0xb2: {  	v63 =	vld [tilespmem:s28+$0xA400];
	v21 =	vmul.f32 v52, v50;
	[tilespmem:s26+$0xE2E0] =	vst v31  }
0xb3: {  	v57 =	vld [tilespmem:s28+$0xA460];
	v29 =	vmul.f32 v44, v50;
	[tilespmem:s26+$0xE2F0] =	vst v30  }
0xb4: {  	v27 =	vld [tilespmem:s26+$0xA350];
	v25 =	vmul.f32 v54, v50;
	v31 =	vperm.xlane v18, v13;
	[tilespmem:s28+$0xE380] =	vst v21  }
0xb5: {  	v60 =	vld [tilespmem:s26+$0xA3E0];
	v32 =	vmul.f32 v56, v50;
	[tilespmem:s28+$0xE390] =	vst v29  }
0xb6: {  	v51 =	vld [tilespmem:s28+$0xA420];
	[tilespmem:s28+$0xE3A0] =	vst v25;
	v30 =	vmul.f32 v58, v31  }
0xb7: {  	v28 =	vld [tilespmem:s26+$0xA360];
	[tilespmem:s28+$0xE3B0] =	vst v32;
	v33 =	vmul.f32 v59, v31  }
0xb8: {  	v23 =	vld [tilespmem:s26+$0xA370];
	v18 =	vperm.xlane v18, v14;
	v22 =	vmul.f32 v61, v31;
	[tilespmem:s28+$0xE3C0] =	vst v30  }
0xb9: {  	v52 =	vld [tilespmem:s28+$0xA430];
	v59 =	vperm.xlane v19, v11;
	v24 =	vmul.f32 v62, v31;
	[tilespmem:s28+$0xE3D0] =	vst v33  }
0xba: {  	v54 =	vld [tilespmem:s28+$0xA450];
	v20 =	vmul.f32 v63, v18;
	[tilespmem:s28+$0xE3E0] =	vst v22  }
0xbb: {  	v56 =	vld [tilespmem:s26+$0xA3B0];
	v22 =	vmul.f32 v26, v59;
	[tilespmem:s28+$0xE3F0] =	vst v24  }
0xbc: {  	v21 =	vld [tilespmem:s26+$0xA380];
	v24 =	vmul.f32 v27, v59;
	[tilespmem:s28+$0xE400] =	vst v20  }
0xbd: {  	v29 =	vld [tilespmem:s26+$0xA390];
	v27 =	vmul.f32 v28, v59;
	[tilespmem:s26+$0xE340] =	vst v22  }
0xbe: {  	v25 =	vld [tilespmem:s26+$0xA3A0];
	v23 =	vmul.f32 v23, v59;
	[tilespmem:s26+$0xE350] =	vst v24  }
0xbf: {  	v58 =	vld [tilespmem:s26+$0xA3D0];
	v62 =	vmul.f32 v54, v17;
	[tilespmem:s26+$0xE360] =	vst v27  }
0xc0: {  	v61 =	vld [tilespmem:s26+$0xA410];
	v28 =	vperm.xlane v19, v12;
	v22 =	vmul.f32 v48, v18;
	[tilespmem:s26+$0xE370] =	vst v23  }
0xc1: {  	v30 =	vld [tilespmem:s26+$0xA3C0];
	v24 =	vmul.f32 v51, v18;
	v18 =	vmul.f32 v52, v18;
	[tilespmem:s28+$0xE450] =	vst v62  }
0xc2: {  	v26 =	vld [tilespmem:s26+$0xA3F0];
	v27 =	vmul.f32 v53, v17;
	v21 =	vmul.f32 v21, v28;
	[tilespmem:s28+$0xE410] =	vst v22  }
0xc3: {  	v20 =	vld [tilespmem:s26+$0xA400];
	v17 =	vmul.f32 v57, v17;
	v29 =	vmul.f32 v29, v28;
	[tilespmem:s28+$0xE420] =	vst v24  }
0xc4: {  	v63 =	vmul.f32 v25, v28;
	v22 =	vld [tilespmem:s26+$0xA420];
	[tilespmem:s28+$0xE430] =	vst v18;
	v18 =	vperm.xlane v19, v13  }
0xc5: {  	v23 =	vld [tilespmem:s26+$0xA430];
	v31 =	vmul.f32 v56, v28;
	v19 =	vperm.xlane v19, v14;
	[tilespmem:s26+$0xE380] =	vst v21  }
0xc6: {  	v24 =	vld [tilespmem:s26+$0xA440];
	[tilespmem:s28+$0xE440] =	vst v27;
	v21 =	vmul.f32 v30, v18;
	v27 =	vmul.f32 v58, v18  }
0xc7: {  	s29 =	simm.s32 $0x7820;
	v25 =	vld [tilespmem:s26+$0xA450];
	[tilespmem:s26+$0xE390] =	vst v29;
	v29 =	vmul.f32 v60, v18;
	v26 =	vmul.f32 v26, v18  }
0xc8: {  	s30 =	simm.s32 $0x2000;
	s1 =	simm.s32 $0x3000;
	[tilespmem:s26+$0xE3A0] =	vst v63;
	v28 =	vmul.f32 v20, v19;
	v18 =	vld [tilespmem:s29+$0x0];
	v30 =	vmul.f32 v61, v19  }
.LBB2_5:
0xc9: {  	p0 =	sne.s32 s1, $0x7000;
	s0 =	sshra.s32 s30, $0x2;
	[tilespmem:s26+$0xE3B0] =	vst v31;
	v20 =	vmul.f32 v22, v19;
	v31 =	vld [tilespmem:s26+$0xA460];
	s30 =	smov.u32 s1  }
0xca: {  	v22 =	vld [tilespmem:s0+$0xA470];
	[tilespmem:s26+$0xE3C0] =	vst v21;
	v19 =	vmul.f32 v23, v19  }
0xcb: {  	v32 =	vld [tilespmem:s0+$0xA080];
	[tilespmem:s26+$0xE3D0] =	vst v27;
	v21 =	vmul.f32 v24, v16  }
0xcc: {  	v27 =	vld [tilespmem:s0+$0xA090];
	[tilespmem:s26+$0xE3E0] =	vst v29;
	v29 =	vmul.f32 v25, v16  }
0xcd: {  	v33 =	vperm.xlane v18, v0;
	v34 =	vld [tilespmem:s0+$0xA0A0];
	v35 =	vperm.xlane v18, v15;
	[tilespmem:s26+$0xE3F0] =	vst v26  }
0xce: {  	v37 =	vperm.xlane v18, v1;
	v38 =	vperm.xlane v18, v2;
	v36 =	vld [tilespmem:s0+$0xA0B0];
	[tilespmem:s26+$0xE400] =	vst v28  }
0xcf: {  	v39 =	vperm.xlane v18, v3;
	v28 =	vld [tilespmem:s0+$0xA0C0];
	v22 =	vmul.f32 v22, v35;
	[tilespmem:s26+$0xE410] =	vst v30  }
0xd0: {  	v40 =	vperm.xlane v18, v4;
	v41 =	vperm.xlane v18, v5;
	v30 =	vld [tilespmem:s0+$0xA0D0];
	[tilespmem:s26+$0xE420] =	vst v20  }
0xd1: {  	v43 =	vperm.xlane v18, v6;
	v26 =	vperm.xlane v18, v7;
	v42 =	vld [tilespmem:s0+$0xA0E0];
	[tilespmem:s0+$0xE470] =	vst v22  }
0xd2: {  	v25 =	vperm.xlane v18, v8;
	v24 =	vperm.xlane v18, v9;
	v44 =	vld [tilespmem:s0+$0xA0F0];
	[tilespmem:s26+$0xE430] =	vst v19  }
0xd3: {  	v23 =	vperm.xlane v18, v10;
	v22 =	vperm.xlane v18, v11;
	v45 =	vld [tilespmem:s0+$0xA100];
	[tilespmem:s26+$0xE440] =	vst v21  }
0xd4: {  	v20 =	vperm.xlane v18, v13;
	v21 =	vperm.xlane v18, v12;
	v46 =	vld [tilespmem:s0+$0xA110];
	[tilespmem:s26+$0xE450] =	vst v29  }
0xd5: {  	v19 =	vperm.xlane v18, v14;
	v29 =	vmul.f32 v32, v33;
	v32 =	vld [tilespmem:s0+$0xA120];
	[tilespmem:s28+$0xE460] =	vst v17;
	s28 =	smov.u32 s26;
	s26 =	smov.u32 s0  }
0xd6: {  	v18 =	vmul.f32 v34, v33;
	v17 =	vmul.f32 v27, v33;
	v27 =	vld [tilespmem:s26+$0xA130]  }
0xd7: {  	v28 =	vmul.f32 v28, v37;
	[tilespmem:s26+$0xE080] =	vst v29;
	v29 =	vmul.f32 v36, v33;
	v33 =	vld [tilespmem:s26+$0xA140]  }
0xd8: {  	v30 =	vmul.f32 v30, v37;
	v34 =	vmul.f32 v42, v37;
	[tilespmem:s26+$0xE090] =	vst v17;
	v36 =	vld [tilespmem:s26+$0xA150]  }
0xd9: {  	[tilespmem:s26+$0xE0A0] =	vst v18;
	v18 =	vmul.f32 v44, v37;
	v37 =	vmul.f32 v45, v38;
	v42 =	vld [tilespmem:s26+$0xA160]  }
0xda: {  	[tilespmem:s26+$0xE0B0] =	vst v29;
	v29 =	vmul.f32 v46, v38;
	v32 =	vmul.f32 v32, v38;
	v44 =	vld [tilespmem:s26+$0xA170]  }
0xdb: {  	v17 =	vmul.f32 v31, v16;
	v16 =	vmov v35;
	[tilespmem:s26+$0xE0C0] =	vst v28;
	v27 =	vmul.f32 v27, v38;
	v28 =	vld [tilespmem:s26+$0xA180]  }
0xdc: {  	[tilespmem:s26+$0xE0D0] =	vst v30;
	v30 =	vmul.f32 v33, v39;
	v31 =	vld [tilespmem:s26+$0xA190]  }
0xdd: {  	[tilespmem:s26+$0xE0E0] =	vst v34;
	v33 =	vmul.f32 v36, v39;
	v34 =	vld [tilespmem:s26+$0xA1A0]  }
0xde: {  	[tilespmem:s26+$0xE0F0] =	vst v18;
	v18 =	vmul.f32 v42, v39;
	v35 =	vld [tilespmem:s26+$0xA1B0]  }
0xdf: {  	[tilespmem:s26+$0xE100] =	vst v37;
	v36 =	vmul.f32 v44, v39;
	v37 =	vld [tilespmem:s26+$0xA1C0]  }
0xe0: {  	[tilespmem:s26+$0xE110] =	vst v29;
	v28 =	vmul.f32 v28, v40;
	v29 =	vld [tilespmem:s26+$0xA1D0]  }
0xe1: {  	[tilespmem:s26+$0xE120] =	vst v32;
	v31 =	vmul.f32 v31, v40;
	v32 =	vld [tilespmem:s26+$0xA1E0]  }
0xe2: {  	[tilespmem:s26+$0xE130] =	vst v27;
	v27 =	vmul.f32 v34, v40;
	v34 =	vld [tilespmem:s26+$0xA1F0]  }
0xe3: {  	[tilespmem:s26+$0xE140] =	vst v30;
	v30 =	vmul.f32 v35, v40;
	v35 =	vld [tilespmem:s26+$0xA200]  }
0xe4: {  	[tilespmem:s26+$0xE150] =	vst v33;
	v33 =	vmul.f32 v37, v41;
	v37 =	vld [tilespmem:s26+$0xA210]  }
0xe5: {  	[tilespmem:s26+$0xE160] =	vst v18;
	v18 =	vmul.f32 v29, v41;
	v29 =	vld [tilespmem:s26+$0xA220]  }
0xe6: {  	[tilespmem:s26+$0xE170] =	vst v36;
	v32 =	vmul.f32 v32, v41;
	v36 =	vld [tilespmem:s26+$0xA230]  }
0xe7: {  	[tilespmem:s26+$0xE180] =	vst v28;
	v28 =	vmul.f32 v34, v41;
	v34 =	vld [tilespmem:s26+$0xA240]  }
0xe8: {  	[tilespmem:s26+$0xE190] =	vst v31;
	v31 =	vmul.f32 v35, v43;
	v35 =	vld [tilespmem:s26+$0xA250]  }
0xe9: {  	[tilespmem:s26+$0xE1A0] =	vst v27;
	v27 =	vmul.f32 v37, v43;
	v37 =	vld [tilespmem:s26+$0xA260]  }
0xea: {  	[tilespmem:s26+$0xE1B0] =	vst v30;
	v29 =	vmul.f32 v29, v43;
	v30 =	vld [tilespmem:s26+$0xA270]  }
0xeb: {  	[tilespmem:s26+$0xE1C0] =	vst v33;
	v33 =	vmul.f32 v36, v43;
	v36 =	vld [tilespmem:s26+$0xA280]  }
0xec: {  	[tilespmem:s26+$0xE1D0] =	vst v18;
	v18 =	vmul.f32 v34, v26;
	v34 =	vld [tilespmem:s26+$0xA290]  }
0xed: {  	[tilespmem:s26+$0xE1E0] =	vst v32;
	v32 =	vmul.f32 v35, v26;
	v35 =	vld [tilespmem:s26+$0xA2A0]  }
0xee: {  	[tilespmem:s26+$0xE1F0] =	vst v28;
	v28 =	vmul.f32 v37, v26;
	v37 =	vld [tilespmem:s26+$0xA2B0]  }
0xef: {  	[tilespmem:s26+$0xE200] =	vst v31;
	v26 =	vmul.f32 v30, v26;
	v30 =	vld [tilespmem:s26+$0xA2C0]  }
0xf0: {  	[tilespmem:s26+$0xE210] =	vst v27;
	v27 =	vmul.f32 v36, v25;
	v31 =	vld [tilespmem:s26+$0xA2D0]  }
0xf1: {  	[tilespmem:s26+$0xE220] =	vst v29;
	v29 =	vmul.f32 v34, v25;
	v34 =	vld [tilespmem:s26+$0xA2E0]  }
0xf2: {  	[tilespmem:s26+$0xE230] =	vst v33;
	v33 =	vmul.f32 v35, v25;
	v35 =	vld [tilespmem:s26+$0xA2F0]  }
0xf3: {  	[tilespmem:s26+$0xE240] =	vst v18;
	v18 =	vmul.f32 v37, v25;
	v25 =	vld [tilespmem:s26+$0xA300]  }
0xf4: {  	[tilespmem:s26+$0xE250] =	vst v32;
	v30 =	vmul.f32 v30, v24;
	v32 =	vld [tilespmem:s26+$0xA310]  }
0xf5: {  	[tilespmem:s26+$0xE260] =	vst v28;
	v28 =	vmul.f32 v31, v24;
	v31 =	vld [tilespmem:s26+$0xA320]  }
0xf6: {  	[tilespmem:s26+$0xE270] =	vst v26;
	v26 =	vmul.f32 v34, v24;
	v34 =	vld [tilespmem:s26+$0xA330]  }
0xf7: {  	[tilespmem:s26+$0xE280] =	vst v27;
	v24 =	vmul.f32 v35, v24;
	v27 =	vld [tilespmem:s26+$0xA340]  }
0xf8: {  	[tilespmem:s26+$0xE290] =	vst v29;
	v25 =	vmul.f32 v25, v23;
	v29 =	vld [tilespmem:s26+$0xA350]  }
0xf9: {  	[tilespmem:s26+$0xE2A0] =	vst v33;
	v32 =	vmul.f32 v32, v23;
	v33 =	vld [tilespmem:s26+$0xA360]  }
0xfa: {  	[tilespmem:s26+$0xE2B0] =	vst v18;
	v18 =	vmul.f32 v31, v23;
	v31 =	vld [tilespmem:s26+$0xA370]  }
0xfb: {  	[tilespmem:s26+$0xE2C0] =	vst v30;
	v23 =	vmul.f32 v34, v23;
	v30 =	vld [tilespmem:s26+$0xA380]  }
0xfc: {  	[tilespmem:s26+$0xE2D0] =	vst v28;
	v27 =	vmul.f32 v27, v22;
	v28 =	vld [tilespmem:s26+$0xA390]  }
0xfd: {  	[tilespmem:s26+$0xE2E0] =	vst v26;
	v26 =	vmul.f32 v29, v22;
	v29 =	vld [tilespmem:s26+$0xA3A0]  }
0xfe: {  	[tilespmem:s26+$0xE2F0] =	vst v24;
	v24 =	vmul.f32 v33, v22;
	v33 =	vld [tilespmem:s26+$0xA3B0]  }
0xff: {  	[tilespmem:s26+$0xE300] =	vst v25;
	v25 =	vmul.f32 v31, v22;
	v22 =	vld [tilespmem:s26+$0xA3C0]  }
0x100: {  	[tilespmem:s26+$0xE310] =	vst v32;
	v30 =	vmul.f32 v30, v21;
	v32 =	vld [tilespmem:s26+$0xA3D0]  }
0x101: {  	[tilespmem:s26+$0xE320] =	vst v18;
	v18 =	vmul.f32 v28, v21;
	v28 =	vld [tilespmem:s26+$0xA3E0]  }
0x102: {  	[tilespmem:s26+$0xE330] =	vst v23;
	v34 =	vmul.f32 v29, v21;
	v35 =	vld [tilespmem:s26+$0xA3F0]  }
0x103: {  	[tilespmem:s26+$0xE340] =	vst v27;
	v31 =	vmul.f32 v33, v21;
	v33 =	vld [tilespmem:s26+$0xA400]  }
0x104: {  	[tilespmem:s26+$0xE350] =	vst v26;
	v21 =	vmul.f32 v22, v20;
	v36 =	vld [tilespmem:s26+$0xA410]  }
.Ltmp3:
0x105: {  	[tilespmem:s26+$0xE360] =	vst v24;
	v27 =	vmul.f32 v32, v20;
	v22 =	vld [tilespmem:s26+$0xA420];
	(pc) =	sbr.rel @p0 .LBB2_5-.Ltmp3, $4  }
0x106: {  	[tilespmem:s26+$0xE370] =	vst v25;
	v29 =	vmul.f32 v28, v20;
	v23 =	vld [tilespmem:s26+$0xA430]  }
0x107: {  	[tilespmem:s26+$0xE380] =	vst v30;
	v26 =	vmul.f32 v35, v20;
	v24 =	vld [tilespmem:s26+$0xA440]  }
0x108: {  	s29 =	sadd.s32 $0x10, s29;
	[tilespmem:s26+$0xE390] =	vst v18;
	v28 =	vmul.f32 v33, v19;
	v25 =	vld [tilespmem:s26+$0xA450]  }
0x109: {  	s1 =	sadd.s32 $0x1000, s1;
	v18 =	vld [tilespmem:s29+$0x0];
	[tilespmem:s26+$0xE3A0] =	vst v34;
	v30 =	vmul.f32 v36, v19  }
0x10a: {  	[tilespmem:s26+$0xE3B0] =	vst v31  }
0x10b: {  	[tilespmem:s26+$0xE3C0] =	vst v21  }
0x10c: {  	s0 =	sshra.s32 s30, $0x2;
	v20 =	vld [tilespmem:s26+$0xA460];
	[tilespmem:s26+$0xE3D0] =	vst v27  }
0x10d: {  	[tilespmem:s26+$0xE3E0] =	vst v29;
	v43 =	vld [tilespmem:s0+$0xA470]  }
0x10e: {  	[tilespmem:s26+$0xE3F0] =	vst v26;
	v44 =	vld [tilespmem:s0+$0xA080]  }
0x10f: {  	[tilespmem:s26+$0xE400] =	vst v28;
	v47 =	vld [tilespmem:s0+$0xA090]  }
0x110: {  	v22 =	vmul.f32 v22, v19;
	[tilespmem:s28+$0xE460] =	vst v17;
	v49 =	vld [tilespmem:s0+$0xA0A0]  }
0x111: {  	[tilespmem:s26+$0xE410] =	vst v30;
	v46 =	vmul.f32 v23, v19;
	v51 =	vld [tilespmem:s0+$0xA0B0]  }
0x112: {  	v52 =	vld [tilespmem:s0+$0xA0C0];
	[tilespmem:s26+$0xE420] =	vst v22;
	v48 =	vmul.f32 v24, v16  }
0x113: {  	v53 =	vld [tilespmem:s0+$0xA0D0];
	v25 =	vmul.f32 v25, v16;
	[tilespmem:s26+$0xE430] =	vst v46;
	v21 =	vperm.xlane v18, v15  }
0x114: {  	v55 =	vld [tilespmem:s0+$0xA0E0];
	v50 =	vperm.xlane v18, v0;
	[tilespmem:s26+$0xE440] =	vst v48;
	v16 =	vmul.f32 v20, v16  }
0x115: {  	v57 =	vld [tilespmem:s0+$0xA0F0];
	[tilespmem:s26+$0xE450] =	vst v25;
	v45 =	vmul.f32 v43, v21  }
0x116: {  	v58 =	vld [tilespmem:s0+$0xA100];
	v54 =	vmul.f32 v44, v50;
	[tilespmem:s26+$0xE460] =	vst v16  }
0x117: {  	v59 =	vld [tilespmem:s0+$0xA120];
	v17 =	vmul.f32 v47, v50;
	[tilespmem:s0+$0xE470] =	vst v45  }
0x118: {  	v61 =	vld [tilespmem:s0+$0xA130];
	v56 =	vperm.xlane v18, v1;
	v24 =	vmul.f32 v49, v50;
	[tilespmem:s0+$0xE080] =	vst v54  }
0x119: {  	v62 =	vld [tilespmem:s0+$0xA140];
	v27 =	vmul.f32 v51, v50;
	[tilespmem:s0+$0xE090] =	vst v17  }
0x11a: {  	v63 =	vld [tilespmem:s0+$0xA150];
	v19 =	vmul.f32 v52, v56;
	[tilespmem:s0+$0xE0A0] =	vst v24  }
0x11b: {  	v36 =	vld [tilespmem:s0+$0xA180];
	v22 =	vmul.f32 v53, v56;
	[tilespmem:s0+$0xE0B0] =	vst v27  }
0x11c: {  	v40 =	vld [tilespmem:s0+$0xA1B0];
	v60 =	vperm.xlane v18, v2;
	v26 =	vmul.f32 v55, v56;
	[tilespmem:s0+$0xE0C0] =	vst v19  }
0x11d: {  	v32 =	vld [tilespmem:s0+$0xA160];
	v23 =	vmul.f32 v57, v56;
	[tilespmem:s0+$0xE0D0] =	vst v22  }
0x11e: {  	v34 =	vld [tilespmem:s0+$0xA170];
	v39 =	vperm.xlane v18, v4;
	v25 =	vmul.f32 v58, v60;
	[tilespmem:s0+$0xE0E0] =	vst v26  }
0x11f: {  	v37 =	vld [tilespmem:s0+$0xA190];
	v35 =	vmul.f32 v61, v60;
	[tilespmem:s0+$0xE0F0] =	vst v23  }
0x120: {  	v38 =	vld [tilespmem:s0+$0xA1A0];
	v42 =	vmul.f32 v36, v39;
	[tilespmem:s0+$0xE100] =	vst v25  }
0x121: {  	v41 =	vld [tilespmem:s0+$0xA1C0];
	v33 =	vperm.xlane v18, v3;
	v46 =	vmul.f32 v40, v39;
	[tilespmem:s0+$0xE130] =	vst v35  }
0x122: {  	v47 =	vld [tilespmem:s0+$0xA200];
	v24 =	vmul.f32 v59, v60;
	[tilespmem:s0+$0xE180] =	vst v42  }
0x123: {  	v49 =	vld [tilespmem:s0+$0xA210];
	v22 =	vmul.f32 v63, v33;
	[tilespmem:s0+$0xE1B0] =	vst v46  }
0x124: {  	v17 =	vld [tilespmem:s0+$0xA110];
	v26 =	vmul.f32 v32, v33;
	[tilespmem:s0+$0xE120] =	vst v24  }
0x125: {  	v51 =	vld [tilespmem:s0+$0xA220];
	v52 =	vperm.xlane v18, v6;
	v19 =	vmul.f32 v37, v39;
	[tilespmem:s0+$0xE150] =	vst v22  }
0x126: {  	v43 =	vld [tilespmem:s0+$0xA1D0];
	[tilespmem:s0+$0xE160] =	vst v26;
	v24 =	vmul.f32 v38, v39  }
0x127: {  	v53 =	vld [tilespmem:s0+$0xA230];
	[tilespmem:s0+$0xE190] =	vst v19;
	v55 =	vmul.f32 v47, v52  }
0x128: {  	v61 =	vld [tilespmem:s0+$0xA2A0];
	v23 =	vmul.f32 v49, v52;
	[tilespmem:s0+$0xE1A0] =	vst v24  }
0x129: {  	v59 =	vld [tilespmem:s0+$0xA280];
	v17 =	vmul.f32 v17, v60;
	[tilespmem:s0+$0xE200] =	vst v55  }
0x12a: {  	v36 =	vld [tilespmem:s0+$0xA300];
	v27 =	vmul.f32 v51, v52;
	[tilespmem:s0+$0xE210] =	vst v23  }
0x12b: {  	v63 =	vld [tilespmem:s0+$0xA2B0];
	[tilespmem:s0+$0xE110] =	vst v17;
	v17 =	vmul.f32 v62, v33  }
0x12c: {  	v22 =	vmul.f32 v53, v52;
	v60 =	vld [tilespmem:s0+$0xA290];
	[tilespmem:s0+$0xE220] =	vst v27;
	v62 =	vperm.xlane v18, v8  }
0x12d: {  	v40 =	vld [tilespmem:s0+$0xA330];
	[tilespmem:s0+$0xE140] =	vst v17;
	v17 =	vmul.f32 v34, v33  }
0x12e: {  	v38 =	vld [tilespmem:s0+$0xA320];
	[tilespmem:s0+$0xE230] =	vst v22;
	v24 =	vmul.f32 v59, v62  }
0x12f: {  	v37 =	vld [tilespmem:s0+$0xA310];
	v27 =	vmul.f32 v61, v62;
	[tilespmem:s0+$0xE170] =	vst v17  }
0x130: {  	v44 =	vld [tilespmem:s0+$0xA1E0];
	v39 =	vperm.xlane v18, v10;
	v22 =	vmul.f32 v63, v62;
	[tilespmem:s0+$0xE280] =	vst v24  }
0x131: {  	v45 =	vld [tilespmem:s0+$0xA1F0];
	v23 =	vmul.f32 v60, v62;
	[tilespmem:s0+$0xE2A0] =	vst v27  }
0x132: {  	[tilespmem:s0+$0xE2B0] =	vst v22;
	v24 =	vmul.f32 v36, v39  }
0x133: {  	v56 =	vld [tilespmem:s0+$0xA250];
	v17 =	vperm.xlane v18, v5;
	v27 =	vmul.f32 v38, v39;
	[tilespmem:s0+$0xE290] =	vst v23  }
0x134: {  	v57 =	vld [tilespmem:s0+$0xA260];
	v22 =	vmul.f32 v40, v39;
	v23 =	vmul.f32 v37, v39;
	[tilespmem:s0+$0xE300] =	vst v24  }
0x135: {  	v54 =	vld [tilespmem:s0+$0xA240];
	v48 =	vmul.f32 v41, v17;
	v50 =	vmul.f32 v43, v17;
	[tilespmem:s0+$0xE320] =	vst v27  }
0x136: {  	v58 =	vld [tilespmem:s0+$0xA270];
	v26 =	vmul.f32 v44, v17;
	v17 =	vmul.f32 v45, v17;
	[tilespmem:s0+$0xE330] =	vst v22  }
0x137: {  	v32 =	vld [tilespmem:s0+$0xA2C0];
	[tilespmem:s0+$0xE310] =	vst v23  }
0x138: {  	v35 =	vld [tilespmem:s0+$0xA2F0];
	[tilespmem:s0+$0xE1F0] =	vst v17;
	v17 =	vperm.xlane v18, v7  }
0x139: {  	v46 =	vld [tilespmem:s0+$0xA390];
	[tilespmem:s0+$0xE1C0] =	vst v48  }
0x13a: {  	v47 =	vld [tilespmem:s0+$0xA3A0];
	[tilespmem:s0+$0xE1D0] =	vst v50;
	v19 =	vmul.f32 v54, v17  }
0x13b: {  	v49 =	vld [tilespmem:s0+$0xA3B0];
	[tilespmem:s0+$0xE1E0] =	vst v26;
	v25 =	vmul.f32 v56, v17  }
0x13c: {  	v45 =	vld [tilespmem:s0+$0xA380];
	v48 =	vperm.xlane v18, v12;
	v26 =	vmul.f32 v57, v17;
	[tilespmem:s0+$0xE240] =	vst v19  }
0x13d: {  	v55 =	vld [tilespmem:s0+$0xA410];
	v17 =	vmul.f32 v58, v17;
	[tilespmem:s0+$0xE250] =	vst v25  }
0x13e: {  	v33 =	vld [tilespmem:s0+$0xA2D0];
	v23 =	vmul.f32 v46, v48;
	[tilespmem:s0+$0xE260] =	vst v26  }
0x13f: {  	v34 =	vld [tilespmem:s0+$0xA2E0];
	v27 =	vmul.f32 v47, v48;
	[tilespmem:s0+$0xE270] =	vst v17  }
0x140: {  	v42 =	vld [tilespmem:s0+$0xA350];
	v22 =	vmul.f32 v49, v48;
	v57 =	vperm.xlane v18, v14;
	[tilespmem:s0+$0xE390] =	vst v23  }
0x141: {  	v41 =	vld [tilespmem:s0+$0xA340];
	v24 =	vmul.f32 v45, v48;
	v17 =	vperm.xlane v18, v9;
	[tilespmem:s0+$0xE3A0] =	vst v27  }
0x142: {  	v54 =	vld [tilespmem:s0+$0xA400];
	[tilespmem:s0+$0xE3B0] =	vst v22;
	v62 =	vmul.f32 v55, v57  }
0x143: {  	v43 =	vld [tilespmem:s0+$0xA360];
	[tilespmem:s0+$0xE380] =	vst v24;
	v19 =	vmul.f32 v32, v17;
	v25 =	vmul.f32 v33, v17  }
0x144: {  	v44 =	vld [tilespmem:s0+$0xA370];
	v26 =	vmul.f32 v34, v17;
	v17 =	vmul.f32 v35, v17;
	[tilespmem:s0+$0xE410] =	vst v62  }
0x145: {  	v51 =	vld [tilespmem:s0+$0xA3D0];
	[tilespmem:s0+$0xE2C0] =	vst v19  }
0x146: {  	v52 =	vld [tilespmem:s0+$0xA3E0];
	[tilespmem:s0+$0xE2F0] =	vst v17;
	v17 =	vperm.xlane v18, v11  }
0x147: {  	v59 =	vld [tilespmem:s0+$0xA430];
	v24 =	vmul.f32 v54, v57;
	[tilespmem:s0+$0xE2D0] =	vst v25  }
0x148: {  	v50 =	vld [tilespmem:s0+$0xA3C0];
	[tilespmem:s0+$0xE2E0] =	vst v26;
	v19 =	vmul.f32 v41, v17;
	v25 =	vmul.f32 v42, v17  }
0x149: {  	v53 =	vld [tilespmem:s0+$0xA3F0];
	[tilespmem:s0+$0xE400] =	vst v24;
	v26 =	vmul.f32 v43, v17;
	v17 =	vmul.f32 v44, v17  }
0x14a: {  	[tilespmem:s0+$0xE340] =	vst v19  }
0x14b: {  	v56 =	vld [tilespmem:s0+$0xA420];
	[tilespmem:s0+$0xE370] =	vst v17;
	v17 =	vperm.xlane v18, v13  }
0x14c: {  	[tilespmem:s0+$0xE350] =	vst v25;
	v18 =	vmul.f32 v59, v57  }
0x14d: {  	v61 =	vld [tilespmem:s0+$0xA450];
	[tilespmem:s0+$0xE360] =	vst v26;
	v19 =	vmul.f32 v50, v17;
	v25 =	vmul.f32 v51, v17  }
0x14e: {  	v60 =	vld [tilespmem:s0+$0xA440];
	v58 =	vmul.f32 v52, v17;
	v17 =	vmul.f32 v53, v17;
	[tilespmem:s0+$0xE430] =	vst v18  }
0x14f: {  	v63 =	vld [tilespmem:s0+$0xA460];
	[tilespmem:s0+$0xE3C0] =	vst v19  }
0x150: {  	[tilespmem:s0+$0xE3F0] =	vst v17;
	v17 =	vmul.f32 v56, v57  }
0x151: {  	[tilespmem:s0+$0xE3D0] =	vst v25  }
0x152: {  	[tilespmem:s0+$0xE420] =	vst v17;
	v17 =	vmul.f32 v61, v21  }
0x153: {  	[tilespmem:s0+$0xE3E0] =	vst v58;
	v19 =	vmul.f32 v60, v21  }
0x154: {  	s1 =	sshll.u32 s25, $0xA;
	[tilespmem:s0+$0xE450] =	vst v17;
	v17 =	vmul.f32 v63, v21  }
0x155: {  	s26 =	sshrl.u32 s1, $0x2;
	[tilespmem:s0+$0xE440] =	vst v19  }
0x156: {  	p0 =	seq.s32 s25, $0x27;
	s30 =	sadd.s32 $0x2800, s26;
	[tilespmem:s0+$0xE460] =	vst v17  }
0x157: {  	[spmem:s2] =	stream.indirect.scatter.add.f32 [tilespmem:s22], [sflag:$0x3], $0x40, s30, s18, $0xb8;
	[tilespmem:$0x1A080] =	vst v63  }
0x158: {  	s31 =	sshll.u32 s25, $0x1;
	s16 =	simm.s32 @!p0 $0x80;
	_ =	swait.ge [sflag:s13], $0x2000  }
0x159: {  	s28 =	simm.s32 @!p0 $0xA080;
	s1 =	sshrl.u32 @!p0 s1, $0x2;
	[sflag:s13] =	ssyncset.done $0x0  }
0x15a: {  	s1 =	sadd.s32 @!p0 $0x100, s1;
	s0 =	sor.u32 $0x1, s31;
	[sflag:s13] =	ssyncadd.s32 $0xFFFFE000  }
0x15b: {  	[tilespmem:s28], [sflag:$0x1] =	stream.indirect.gather @!p0 [hbm4b:s5+s16], $0x40, s1, s16, $0xb8;
	[tilespmem:$0x1A080] =	vst v63  }
0x15c: {  	p1 =	por $0x1, $0x1;
	s28 =	sshll.u32 s0, $0x7;
	s0 =	simm.s32 $0x0  }
.LBB2_7:
0x15d: {  	s1 =	sor.u32 s28, s0  }
0x15e: {  	v16 =	vld [tilespmem:s1+$0x2800];
	s16 =	sor.u32 $0x10, s1  }
0x15f: {  	s29 =	sor.u32 $0x20, s1;
	v17 =	vld [tilespmem:s16+$0x2800]  }
0x160: {  	s30 =	sor.u32 $0x30, s1;
	v18 =	vld [tilespmem:s29+$0x2800]  }
0x161: {  	v19 =	vld [tilespmem:s30+$0x2800]  }
0x162: {  	v20 =	vld [tilespmem:s1+$0x5000]  }
0x163: {  	v21 =	vld [tilespmem:s16+$0x5000]  }
0x164: {  	v22 =	vld [tilespmem:s29+$0x5000]  }
0x165: {  	v23 =	vld [tilespmem:s30+$0x5000]  }
0x166: {  	v16 =	vld.idx.msk [tilespmem:v16+s12+$0x0], $0xffff  }
0x167: {  	v17 =	vld.idx.msk [tilespmem:v17+s12+$0x0], $0xffff  }
0x168: {  	v18 =	vld.idx.msk [tilespmem:v18+s12+$0x0], $0xffff  }
0x169: {  	v19 =	vld.idx.msk [tilespmem:v19+s12+$0x0], $0xffff;
	_ =	sdelay $0x1  }
0x16a: {  	p2 =	por p1, p1;
	v16 =	vmul.f32 v20, v16  }
.Ltmp4:
0x16b: {  	v17 =	vmul.f32 v21, v17;
	(pc) =	sbr.rel @p2 .LBB2_7-.Ltmp4, $4  }
0x16c: {  	[tilespmem:s0+$0x7800] =	vst v16;
	v16 =	vmul.f32 v22, v18  }
0x16d: {  	[tilespmem:s0+$0x7810] =	vst v17;
	v17 =	vmul.f32 v23, v19  }
0x16e: {  	[tilespmem:s0+$0x7820] =	vst v16  }
0x16f: {  	p1 =	por $0x0, $0x0;
	[tilespmem:s0+$0x7830] =	vst v17;
	s0 =	simm.s32 $0x40  }
0x170: {  	_ =	swait.ge [sflag:s23], $0x2000  }
0x171: {  	[sflag:s23] =	ssyncset.done $0x0  }
0x172: {  	s0 =	simm.s32 $0x7800;
	[sflag:s23] =	ssyncadd.s32 $0xFFFFE000  }
0x173: {  	s30 =	simm.s32 $0x0;
	v18 =	vld [tilespmem:s0+$0x0]  }
0x174: {  	v16 =	vld [tilespmem:s30+$0xC470]  }
0x175: {  	v19 =	vld [tilespmem:s30+$0xC080]  }
0x176: {  	v20 =	vld [tilespmem:s30+$0xC090]  }
0x177: {  	v21 =	vld [tilespmem:s30+$0xC0A0]  }
0x178: {  	v22 =	vld [tilespmem:s30+$0xC0B0]  }
0x179: {  	v23 =	vld [tilespmem:s30+$0xC0C0]  }
0x17a: {  	v24 =	vld [tilespmem:s30+$0xC0D0]  }
0x17b: {  	v25 =	vld [tilespmem:s30+$0xC0E0]  }
0x17c: {  	v27 =	vld [tilespmem:s30+$0xC100]  }
0x17d: {  	v28 =	vld [tilespmem:s30+$0xC110]  }
0x17e: {  	v29 =	vld [tilespmem:s30+$0xC120];
	v17 =	vperm.xlane v18, v15  }
0x17f: {  	v30 =	vld [tilespmem:s30+$0xC130];
	v26 =	vperm.xlane v18, v0  }
0x180: {  	v31 =	vld [tilespmem:s30+$0xC140];
	v16 =	vmul.f32 v16, v17  }
0x181: {  	s29 =	simm.s32 $0x400;
	v32 =	vld [tilespmem:s30+$0xC1D0];
	v19 =	vmul.f32 v19, v26  }
0x182: {  	v33 =	vld [tilespmem:s29+$0xC470];
	v20 =	vmul.f32 v20, v26;
	[tilespmem:s30+$0xE470] =	vst v16  }
0x183: {  	v34 =	vld [tilespmem:s29+$0xC080];
	v43 =	vperm.xlane v18, v3;
	v22 =	vmul.f32 v22, v26;
	[tilespmem:s30+$0xE080] =	vst v19  }
0x184: {  	v16 =	vld [tilespmem:s30+$0xC0F0];
	v19 =	vmul.f32 v21, v26;
	[tilespmem:s30+$0xE090] =	vst v20;
	v21 =	vperm.xlane v18, v1  }
0x185: {  	v31 =	vmul.f32 v31, v43;
	v20 =	vld [tilespmem:s30+$0xC150];
	[tilespmem:s30+$0xE0B0] =	vst v22  }
0x186: {  	v26 =	vld [tilespmem:s30+$0xC160];
	[tilespmem:s30+$0xE0A0] =	vst v19;
	v19 =	vmul.f32 v23, v21  }
0x187: {  	v35 =	vld [tilespmem:s29+$0xC090];
	[tilespmem:s30+$0xE140] =	vst v31;
	v23 =	vmul.f32 v24, v21  }
0x188: {  	v22 =	vld [tilespmem:s30+$0xC170];
	[tilespmem:s30+$0xE0C0] =	vst v19;
	v19 =	vmul.f32 v25, v21  }
0x189: {  	v36 =	vld [tilespmem:s29+$0xC0A0];
	[tilespmem:s30+$0xE0D0] =	vst v23;
	v16 =	vmul.f32 v16, v21  }
0x18a: {  	v37 =	vld [tilespmem:s29+$0xC0B0];
	v25 =	vperm.xlane v18, v2;
	v20 =	vmul.f32 v20, v43;
	[tilespmem:s30+$0xE0E0] =	vst v19  }
0x18b: {  	v24 =	vld [tilespmem:s30+$0xC180];
	v26 =	vmul.f32 v26, v43;
	[tilespmem:s30+$0xE0F0] =	vst v16  }
0x18c: {  	v23 =	vld [tilespmem:s30+$0xC190];
	v19 =	vmul.f32 v27, v25;
	[tilespmem:s30+$0xE150] =	vst v20  }
0x18d: {  	s16 =	simm.s32 $0x7810;
	v21 =	vld [tilespmem:s30+$0xC1A0];
	v22 =	vmul.f32 v22, v43;
	[tilespmem:s30+$0xE160] =	vst v26  }
0x18e: {  	v29 =	vmul.f32 v29, v25;
	[tilespmem:s30+$0xE100] =	vst v19;
	v19 =	vld [tilespmem:s16+$0x0]  }
0x18f: {  	v53 =	vperm.xlane v18, v4;
	v27 =	vld [tilespmem:s30+$0xC1B0];
	v16 =	vmul.f32 v28, v25;
	[tilespmem:s30+$0xE170] =	vst v22  }
0x190: {  	v38 =	vld [tilespmem:s29+$0xC0C0];
	v25 =	vmul.f32 v30, v25;
	[tilespmem:s30+$0xE120] =	vst v29  }
0x191: {  	v39 =	vld [tilespmem:s29+$0xC0D0];
	v24 =	vmul.f32 v24, v53;
	[tilespmem:s30+$0xE110] =	vst v16  }
0x192: {  	v40 =	vld [tilespmem:s30+$0xC1E0];
	[tilespmem:s30+$0xE130] =	vst v25;
	v23 =	vmul.f32 v23, v53  }
0x193: {  	v49 =	vld [tilespmem:s29+$0xC0F0];
	[tilespmem:s30+$0xE180] =	vst v24;
	v21 =	vmul.f32 v21, v53;
	v16 =	vperm.xlane v19, v15  }
0x194: {  	v42 =	vld [tilespmem:s29+$0xC100];
	[tilespmem:s30+$0xE190] =	vst v23;
	v27 =	vmul.f32 v27, v53;
	v41 =	vperm.xlane v19, v0  }
0x195: {  	v44 =	vld [tilespmem:s29+$0xC120];
	[tilespmem:s30+$0xE1A0] =	vst v21;
	v33 =	vmul.f32 v33, v16  }
0x196: {  	v45 =	vld [tilespmem:s30+$0xC1F0];
	[tilespmem:s30+$0xE1B0] =	vst v27;
	v34 =	vmul.f32 v34, v41  }
0x197: {  	v29 =	vld [tilespmem:s29+$0xC0E0];
	v35 =	vmul.f32 v35, v41;
	[tilespmem:s29+$0xE470] =	vst v33  }
0x198: {  	v50 =	vld [tilespmem:s30+$0xC200];
	v52 =	vperm.xlane v19, v1;
	v36 =	vmul.f32 v36, v41;
	[tilespmem:s29+$0xE080] =	vst v34  }
0x199: {  	v30 =	vld [tilespmem:s29+$0xC110];
	v37 =	vmul.f32 v37, v41;
	[tilespmem:s29+$0xE090] =	vst v35  }
0x19a: {  	v51 =	vld [tilespmem:s30+$0xC210];
	v38 =	vmul.f32 v38, v52;
	[tilespmem:s29+$0xE0A0] =	vst v36  }
0x19b: {  	v25 =	vld [tilespmem:s29+$0xC130];
	v58 =	vperm.xlane v19, v2;
	v39 =	vmul.f32 v39, v52;
	[tilespmem:s29+$0xE0B0] =	vst v37  }
0x19c: {  	v31 =	vld [tilespmem:s29+$0xC140];
	v29 =	vmul.f32 v29, v52;
	[tilespmem:s29+$0xE0C0] =	vst v38  }
0x19d: {  	v20 =	vld [tilespmem:s29+$0xC150];
	v42 =	vmul.f32 v42, v58;
	[tilespmem:s29+$0xE0D0] =	vst v39  }
0x19e: {  	v26 =	vld [tilespmem:s29+$0xC160];
	v30 =	vmul.f32 v30, v58;
	[tilespmem:s29+$0xE0E0] =	vst v29  }
0x19f: {  	v22 =	vld [tilespmem:s29+$0xC170];
	v63 =	vperm.xlane v19, v3;
	v44 =	vmul.f32 v44, v58;
	[tilespmem:s29+$0xE100] =	vst v42  }
0x1a0: {  	v24 =	vld [tilespmem:s29+$0xC180];
	v25 =	vmul.f32 v25, v58;
	[tilespmem:s29+$0xE110] =	vst v30  }
0x1a1: {  	v23 =	vld [tilespmem:s29+$0xC190];
	v31 =	vmul.f32 v31, v63;
	[tilespmem:s29+$0xE120] =	vst v44  }
0x1a2: {  	v54 =	vld [tilespmem:s30+$0xC220];
	v20 =	vmul.f32 v20, v63;
	[tilespmem:s29+$0xE130] =	vst v25  }
0x1a3: {  	v55 =	vld [tilespmem:s30+$0xC230];
	v53 =	vperm.xlane v19, v4;
	v26 =	vmul.f32 v26, v63;
	[tilespmem:s29+$0xE140] =	vst v31  }
0x1a4: {  	v56 =	vld [tilespmem:s30+$0xC240];
	v22 =	vmul.f32 v22, v63;
	[tilespmem:s29+$0xE150] =	vst v20  }
0x1a5: {  	v57 =	vld [tilespmem:s30+$0xC250];
	v24 =	vmul.f32 v24, v53;
	[tilespmem:s29+$0xE160] =	vst v26  }
0x1a6: {  	v59 =	vld [tilespmem:s30+$0xC260];
	v48 =	vperm.xlane v18, v6;
	v23 =	vmul.f32 v23, v53;
	[tilespmem:s29+$0xE170] =	vst v22  }
0x1a7: {  	v21 =	vld [tilespmem:s29+$0xC1A0];
	v33 =	vmul.f32 v49, v52;
	[tilespmem:s29+$0xE180] =	vst v24  }
0x1a8: {  	v27 =	vld [tilespmem:s29+$0xC1B0];
	v25 =	vmul.f32 v50, v48;
	[tilespmem:s29+$0xE190] =	vst v23  }
0x1a9: {  	v28 =	vld [tilespmem:s30+$0xC1C0];
	v31 =	vmul.f32 v51, v48;
	[tilespmem:s29+$0xE0F0] =	vst v33  }
0x1aa: {  	v60 =	vld [tilespmem:s30+$0xC270];
	v20 =	vmul.f32 v54, v48;
	[tilespmem:s30+$0xE200] =	vst v25  }
0x1ab: {  	v61 =	vld [tilespmem:s30+$0xC280];
	v37 =	vmul.f32 v55, v48;
	[tilespmem:s30+$0xE210] =	vst v31  }
0x1ac: {  	v62 =	vld [tilespmem:s30+$0xC290];
	v29 =	vperm.xlane v18, v5;
	v21 =	vmul.f32 v21, v53;
	[tilespmem:s30+$0xE220] =	vst v20  }
0x1ad: {  	v58 =	vld [tilespmem:s30+$0xC310];
	v27 =	vmul.f32 v27, v53;
	[tilespmem:s30+$0xE230] =	vst v37  }
0x1ae: {  	v63 =	vld [tilespmem:s30+$0xC350];
	v28 =	vmul.f32 v28, v29;
	[tilespmem:s29+$0xE1A0] =	vst v21  }
0x1af: {  	v49 =	vld [tilespmem:s30+$0xC2A0];
	v32 =	vmul.f32 v32, v29;
	[tilespmem:s29+$0xE1B0] =	vst v27  }
0x1b0: {  	v50 =	vld [tilespmem:s30+$0xC2B0];
	v26 =	vperm.xlane v18, v7;
	v30 =	vmul.f32 v40, v29;
	[tilespmem:s30+$0xE1C0] =	vst v28  }
0x1b1: {  	v51 =	vld [tilespmem:s30+$0xC2C0];
	v29 =	vmul.f32 v45, v29;
	[tilespmem:s30+$0xE1D0] =	vst v32  }
0x1b2: {  	v55 =	vld [tilespmem:s29+$0xC230];
	v22 =	vmul.f32 v56, v26;
	[tilespmem:s30+$0xE1E0] =	vst v30  }
0x1b3: {  	v25 =	vld [tilespmem:s29+$0xC200];
	v24 =	vmul.f32 v57, v26;
	[tilespmem:s30+$0xE1F0] =	vst v29  }
0x1b4: {  	v31 =	vld [tilespmem:s29+$0xC210];
	v23 =	vmul.f32 v59, v26;
	v21 =	vperm.xlane v18, v8;
	[tilespmem:s30+$0xE240] =	vst v22  }
0x1b5: {  	v48 =	vperm.xlane v19, v6;
	v20 =	vld [tilespmem:s29+$0xC220];
	v26 =	vmul.f32 v60, v26;
	[tilespmem:s30+$0xE250] =	vst v24  }
0x1b6: {  	v28 =	vld [tilespmem:s29+$0xC1C0];
	[tilespmem:s30+$0xE260] =	vst v23;
	v27 =	vmul.f32 v61, v21  }
0x1b7: {  	v32 =	vld [tilespmem:s29+$0xC1D0];
	[tilespmem:s30+$0xE270] =	vst v26;
	v37 =	vmul.f32 v55, v48  }
0x1b8: {  	v30 =	vld [tilespmem:s29+$0xC1E0];
	[tilespmem:s30+$0xE280] =	vst v27;
	v25 =	vmul.f32 v25, v48  }
0x1b9: {  	v59 =	vperm.xlane v19, v5;
	v29 =	vld [tilespmem:s29+$0xC1F0];
	v31 =	vmul.f32 v31, v48;
	[tilespmem:s29+$0xE230] =	vst v37  }
0x1ba: {  	v22 =	vld [tilespmem:s29+$0xC240];
	v20 =	vmul.f32 v20, v48;
	[tilespmem:s29+$0xE200] =	vst v25  }
0x1bb: {  	v24 =	vld [tilespmem:s29+$0xC250];
	v28 =	vmul.f32 v28, v59;
	[tilespmem:s29+$0xE210] =	vst v31  }
0x1bc: {  	v23 =	vld [tilespmem:s29+$0xC260];
	v32 =	vmul.f32 v32, v59;
	[tilespmem:s29+$0xE220] =	vst v20  }
0x1bd: {  	v53 =	vperm.xlane v19, v7;
	v26 =	vld [tilespmem:s29+$0xC270];
	v30 =	vmul.f32 v30, v59;
	[tilespmem:s29+$0xE1C0] =	vst v28  }
0x1be: {  	v52 =	vld [tilespmem:s30+$0xC2D0];
	v29 =	vmul.f32 v29, v59;
	[tilespmem:s29+$0xE1D0] =	vst v32  }
0x1bf: {  	v54 =	vld [tilespmem:s30+$0xC2E0];
	v22 =	vmul.f32 v22, v53;
	[tilespmem:s29+$0xE1E0] =	vst v30  }
0x1c0: {  	v44 =	vld [tilespmem:s30+$0xC390];
	v24 =	vmul.f32 v24, v53;
	[tilespmem:s29+$0xE1F0] =	vst v29  }
0x1c1: {  	v57 =	vld [tilespmem:s30+$0xC300];
	v23 =	vmul.f32 v23, v53;
	[tilespmem:s29+$0xE240] =	vst v22  }
0x1c2: {  	v56 =	vld [tilespmem:s30+$0xC2F0];
	v26 =	vmul.f32 v26, v53;
	[tilespmem:s29+$0xE250] =	vst v24  }
0x1c3: {  	v60 =	vld [tilespmem:s30+$0xC320];
	v28 =	vmul.f32 v62, v21;
	[tilespmem:s29+$0xE260] =	vst v23  }
0x1c4: {  	v61 =	vld [tilespmem:s30+$0xC330];
	v20 =	vperm.xlane v18, v10;
	v62 =	vmul.f32 v49, v21;
	[tilespmem:s29+$0xE270] =	vst v26  }
0x1c5: {  	v40 =	vld [tilespmem:s30+$0xC340];
	v21 =	vmul.f32 v50, v21;
	[tilespmem:s30+$0xE290] =	vst v28  }
0x1c6: {  	v27 =	vld [tilespmem:s29+$0xC280];
	v55 =	vmul.f32 v57, v20;
	[tilespmem:s30+$0xE2A0] =	vst v62  }
0x1c7: {  	v48 =	vld [tilespmem:s30+$0xC410];
	v22 =	vmul.f32 v58, v20;
	[tilespmem:s30+$0xE2B0] =	vst v21  }
0x1c8: {  	v59 =	vld [tilespmem:s30+$0xC3D0];
	v30 =	vperm.xlane v18, v9;
	v24 =	vmul.f32 v60, v20;
	[tilespmem:s30+$0xE300] =	vst v55  }
0x1c9: {  	v53 =	vld [tilespmem:s30+$0xC440];
	v20 =	vmul.f32 v61, v20;
	[tilespmem:s30+$0xE310] =	vst v22  }
0x1ca: {  	v49 =	vld [tilespmem:s29+$0xC2A0];
	v29 =	vmul.f32 v51, v30;
	[tilespmem:s30+$0xE320] =	vst v24  }
0x1cb: {  	v50 =	vld [tilespmem:s30+$0xC360];
	v25 =	vmul.f32 v52, v30;
	[tilespmem:s30+$0xE330] =	vst v20  }
0x1cc: {  	v57 =	vld [tilespmem:s29+$0xC300];
	v60 =	vperm.xlane v19, v8;
	v31 =	vmul.f32 v54, v30;
	[tilespmem:s30+$0xE2C0] =	vst v29  }
0x1cd: {  	v58 =	vld [tilespmem:s30+$0xC3C0];
	v23 =	vperm.xlane v18, v11;
	v30 =	vmul.f32 v56, v30;
	[tilespmem:s30+$0xE2D0] =	vst v25  }
0x1ce: {  	v28 =	vld [tilespmem:s29+$0xC290];
	v27 =	vmul.f32 v27, v60;
	[tilespmem:s30+$0xE2E0] =	vst v31  }
0x1cf: {  	v21 =	vld [tilespmem:s29+$0xC2B0];
	v26 =	vmul.f32 v40, v23;
	[tilespmem:s30+$0xE2F0] =	vst v30  }
0x1d0: {  	v22 =	vld [tilespmem:s29+$0xC310];
	v55 =	vperm.xlane v19, v10;
	[tilespmem:s29+$0xE280] =	vst v27;
	v27 =	vmul.f32 v63, v23  }
0x1d1: {  	v24 =	vld [tilespmem:s29+$0xC320];
	[tilespmem:s30+$0xE340] =	vst v26;
	v32 =	vmul.f32 v49, v60  }
0x1d2: {  	v20 =	vld [tilespmem:s29+$0xC330];
	v36 =	vmul.f32 v57, v55;
	[tilespmem:s30+$0xE350] =	vst v27  }
0x1d3: {  	v61 =	vld [tilespmem:s30+$0xC3E0];
	v28 =	vmul.f32 v28, v60;
	[tilespmem:s29+$0xE2A0] =	vst v32  }
0x1d4: {  	v51 =	vld [tilespmem:s30+$0xC370];
	v21 =	vmul.f32 v21, v60;
	[tilespmem:s29+$0xE300] =	vst v36  }
0x1d5: {  	v29 =	vld [tilespmem:s29+$0xC2C0];
	v22 =	vmul.f32 v22, v55;
	[tilespmem:s29+$0xE290] =	vst v28  }
0x1d6: {  	v25 =	vld [tilespmem:s29+$0xC2D0];
	v24 =	vmul.f32 v24, v55;
	[tilespmem:s29+$0xE2B0] =	vst v21  }
0x1d7: {  	v31 =	vld [tilespmem:s29+$0xC2E0];
	v20 =	vmul.f32 v20, v55;
	[tilespmem:s29+$0xE310] =	vst v22  }
0x1d8: {  	v30 =	vld [tilespmem:s29+$0xC2F0];
	v49 =	vperm.xlane v19, v9;
	v28 =	vmul.f32 v50, v23;
	[tilespmem:s29+$0xE320] =	vst v24  }
0x1d9: {  	v52 =	vld [tilespmem:s30+$0xC380];
	v23 =	vmul.f32 v51, v23;
	[tilespmem:s29+$0xE330] =	vst v20  }
0x1da: {  	v54 =	vld [tilespmem:s30+$0xC3A0];
	v29 =	vmul.f32 v29, v49;
	[tilespmem:s30+$0xE360] =	vst v28  }
0x1db: {  	v56 =	vld [tilespmem:s30+$0xC3B0];
	v25 =	vmul.f32 v25, v49;
	[tilespmem:s30+$0xE370] =	vst v23  }
0x1dc: {  	v62 =	vld [tilespmem:s30+$0xC3F0];
	v50 =	vperm.xlane v18, v12;
	v31 =	vmul.f32 v31, v49;
	[tilespmem:s29+$0xE2C0] =	vst v29  }
0x1dd: {  	v26 =	vld [tilespmem:s29+$0xC340];
	v30 =	vmul.f32 v30, v49;
	[tilespmem:s29+$0xE2D0] =	vst v25  }
0x1de: {  	v63 =	vld [tilespmem:s30+$0xC400];
	v21 =	vmul.f32 v52, v50;
	[tilespmem:s29+$0xE2E0] =	vst v31  }
0x1df: {  	v57 =	vld [tilespmem:s30+$0xC460];
	v29 =	vmul.f32 v44, v50;
	[tilespmem:s29+$0xE2F0] =	vst v30  }
0x1e0: {  	v27 =	vld [tilespmem:s29+$0xC350];
	v25 =	vmul.f32 v54, v50;
	v31 =	vperm.xlane v18, v13;
	[tilespmem:s30+$0xE380] =	vst v21  }
0x1e1: {  	v60 =	vld [tilespmem:s29+$0xC3E0];
	v32 =	vmul.f32 v56, v50;
	[tilespmem:s30+$0xE390] =	vst v29  }
0x1e2: {  	v51 =	vld [tilespmem:s30+$0xC420];
	[tilespmem:s30+$0xE3A0] =	vst v25;
	v30 =	vmul.f32 v58, v31  }
0x1e3: {  	v28 =	vld [tilespmem:s29+$0xC360];
	[tilespmem:s30+$0xE3B0] =	vst v32;
	v33 =	vmul.f32 v59, v31  }
0x1e4: {  	v23 =	vld [tilespmem:s29+$0xC370];
	v18 =	vperm.xlane v18, v14;
	v22 =	vmul.f32 v61, v31;
	[tilespmem:s30+$0xE3C0] =	vst v30  }
0x1e5: {  	v52 =	vld [tilespmem:s30+$0xC430];
	v59 =	vperm.xlane v19, v11;
	v24 =	vmul.f32 v62, v31;
	[tilespmem:s30+$0xE3D0] =	vst v33  }
0x1e6: {  	v54 =	vld [tilespmem:s30+$0xC450];
	v20 =	vmul.f32 v63, v18;
	[tilespmem:s30+$0xE3E0] =	vst v22  }
0x1e7: {  	v56 =	vld [tilespmem:s29+$0xC3B0];
	v22 =	vmul.f32 v26, v59;
	[tilespmem:s30+$0xE3F0] =	vst v24  }
0x1e8: {  	v21 =	vld [tilespmem:s29+$0xC380];
	v24 =	vmul.f32 v27, v59;
	[tilespmem:s30+$0xE400] =	vst v20  }
0x1e9: {  	v29 =	vld [tilespmem:s29+$0xC390];
	v27 =	vmul.f32 v28, v59;
	[tilespmem:s29+$0xE340] =	vst v22  }
0x1ea: {  	v25 =	vld [tilespmem:s29+$0xC3A0];
	v23 =	vmul.f32 v23, v59;
	[tilespmem:s29+$0xE350] =	vst v24  }
0x1eb: {  	v58 =	vld [tilespmem:s29+$0xC3D0];
	v62 =	vmul.f32 v54, v17;
	[tilespmem:s29+$0xE360] =	vst v27  }
0x1ec: {  	v61 =	vld [tilespmem:s29+$0xC410];
	v28 =	vperm.xlane v19, v12;
	v22 =	vmul.f32 v48, v18;
	[tilespmem:s29+$0xE370] =	vst v23  }
0x1ed: {  	v30 =	vld [tilespmem:s29+$0xC3C0];
	v24 =	vmul.f32 v51, v18;
	v18 =	vmul.f32 v52, v18;
	[tilespmem:s30+$0xE450] =	vst v62  }
0x1ee: {  	v26 =	vld [tilespmem:s29+$0xC3F0];
	v27 =	vmul.f32 v53, v17;
	v21 =	vmul.f32 v21, v28;
	[tilespmem:s30+$0xE410] =	vst v22  }
0x1ef: {  	v20 =	vld [tilespmem:s29+$0xC400];
	v17 =	vmul.f32 v57, v17;
	v29 =	vmul.f32 v29, v28;
	[tilespmem:s30+$0xE420] =	vst v24  }
0x1f0: {  	v63 =	vmul.f32 v25, v28;
	v22 =	vld [tilespmem:s29+$0xC420];
	[tilespmem:s30+$0xE430] =	vst v18;
	v18 =	vperm.xlane v19, v13  }
0x1f1: {  	v23 =	vld [tilespmem:s29+$0xC430];
	v31 =	vmul.f32 v56, v28;
	v19 =	vperm.xlane v19, v14;
	[tilespmem:s29+$0xE380] =	vst v21  }
0x1f2: {  	v24 =	vld [tilespmem:s29+$0xC440];
	[tilespmem:s30+$0xE440] =	vst v27;
	v21 =	vmul.f32 v30, v18;
	v27 =	vmul.f32 v58, v18  }
0x1f3: {  	s31 =	simm.s32 $0x7820;
	v25 =	vld [tilespmem:s29+$0xC450];
	[tilespmem:s29+$0xE390] =	vst v29;
	v29 =	vmul.f32 v60, v18;
	v26 =	vmul.f32 v26, v18  }
0x1f4: {  	s1 =	simm.s32 $0x2000;
	s0 =	simm.s32 $0x3000;
	[tilespmem:s29+$0xE3A0] =	vst v63;
	v28 =	vmul.f32 v20, v19;
	v18 =	vld [tilespmem:s31+$0x0];
	v30 =	vmul.f32 v61, v19  }
.LBB2_9:
0x1f5: {  	p1 =	sne.s32 s0, $0x7000;
	s16 =	sshra.s32 s1, $0x2;
	[tilespmem:s29+$0xE3B0] =	vst v31;
	v20 =	vmul.f32 v22, v19;
	v31 =	vld [tilespmem:s29+$0xC460];
	s1 =	smov.u32 s0  }
0x1f6: {  	v22 =	vld [tilespmem:s16+$0xC470];
	[tilespmem:s29+$0xE3C0] =	vst v21;
	v19 =	vmul.f32 v23, v19  }
0x1f7: {  	v32 =	vld [tilespmem:s16+$0xC080];
	[tilespmem:s29+$0xE3D0] =	vst v27;
	v21 =	vmul.f32 v24, v16  }
0x1f8: {  	v27 =	vld [tilespmem:s16+$0xC090];
	[tilespmem:s29+$0xE3E0] =	vst v29;
	v29 =	vmul.f32 v25, v16  }
0x1f9: {  	v33 =	vperm.xlane v18, v0;
	v34 =	vld [tilespmem:s16+$0xC0A0];
	v35 =	vperm.xlane v18, v15;
	[tilespmem:s29+$0xE3F0] =	vst v26  }
0x1fa: {  	v37 =	vperm.xlane v18, v1;
	v38 =	vperm.xlane v18, v2;
	v36 =	vld [tilespmem:s16+$0xC0B0];
	[tilespmem:s29+$0xE400] =	vst v28  }
0x1fb: {  	v39 =	vperm.xlane v18, v3;
	v28 =	vld [tilespmem:s16+$0xC0C0];
	v22 =	vmul.f32 v22, v35;
	[tilespmem:s29+$0xE410] =	vst v30  }
0x1fc: {  	v40 =	vperm.xlane v18, v4;
	v41 =	vperm.xlane v18, v5;
	v30 =	vld [tilespmem:s16+$0xC0D0];
	[tilespmem:s29+$0xE420] =	vst v20  }
0x1fd: {  	v43 =	vperm.xlane v18, v6;
	v26 =	vperm.xlane v18, v7;
	v42 =	vld [tilespmem:s16+$0xC0E0];
	[tilespmem:s16+$0xE470] =	vst v22  }
0x1fe: {  	v25 =	vperm.xlane v18, v8;
	v24 =	vperm.xlane v18, v9;
	v44 =	vld [tilespmem:s16+$0xC0F0];
	[tilespmem:s29+$0xE430] =	vst v19  }
0x1ff: {  	v23 =	vperm.xlane v18, v10;
	v22 =	vperm.xlane v18, v11;
	v45 =	vld [tilespmem:s16+$0xC100];
	[tilespmem:s29+$0xE440] =	vst v21  }
0x200: {  	v20 =	vperm.xlane v18, v13;
	v21 =	vperm.xlane v18, v12;
	v46 =	vld [tilespmem:s16+$0xC110];
	[tilespmem:s29+$0xE450] =	vst v29  }
0x201: {  	v19 =	vperm.xlane v18, v14;
	v29 =	vmul.f32 v32, v33;
	v32 =	vld [tilespmem:s16+$0xC120];
	[tilespmem:s30+$0xE460] =	vst v17;
	s30 =	smov.u32 s29;
	s29 =	smov.u32 s16  }
0x202: {  	v18 =	vmul.f32 v34, v33;
	v17 =	vmul.f32 v27, v33;
	v27 =	vld [tilespmem:s29+$0xC130]  }
0x203: {  	v28 =	vmul.f32 v28, v37;
	[tilespmem:s29+$0xE080] =	vst v29;
	v29 =	vmul.f32 v36, v33;
	v33 =	vld [tilespmem:s29+$0xC140]  }
0x204: {  	v30 =	vmul.f32 v30, v37;
	v34 =	vmul.f32 v42, v37;
	[tilespmem:s29+$0xE090] =	vst v17;
	v36 =	vld [tilespmem:s29+$0xC150]  }
0x205: {  	[tilespmem:s29+$0xE0A0] =	vst v18;
	v18 =	vmul.f32 v44, v37;
	v37 =	vmul.f32 v45, v38;
	v42 =	vld [tilespmem:s29+$0xC160]  }
0x206: {  	[tilespmem:s29+$0xE0B0] =	vst v29;
	v29 =	vmul.f32 v46, v38;
	v32 =	vmul.f32 v32, v38;
	v44 =	vld [tilespmem:s29+$0xC170]  }
0x207: {  	v17 =	vmul.f32 v31, v16;
	v16 =	vmov v35;
	[tilespmem:s29+$0xE0C0] =	vst v28;
	v27 =	vmul.f32 v27, v38;
	v28 =	vld [tilespmem:s29+$0xC180]  }
0x208: {  	[tilespmem:s29+$0xE0D0] =	vst v30;
	v30 =	vmul.f32 v33, v39;
	v31 =	vld [tilespmem:s29+$0xC190]  }
0x209: {  	[tilespmem:s29+$0xE0E0] =	vst v34;
	v33 =	vmul.f32 v36, v39;
	v34 =	vld [tilespmem:s29+$0xC1A0]  }
0x20a: {  	[tilespmem:s29+$0xE0F0] =	vst v18;
	v18 =	vmul.f32 v42, v39;
	v35 =	vld [tilespmem:s29+$0xC1B0]  }
0x20b: {  	[tilespmem:s29+$0xE100] =	vst v37;
	v36 =	vmul.f32 v44, v39;
	v37 =	vld [tilespmem:s29+$0xC1C0]  }
0x20c: {  	[tilespmem:s29+$0xE110] =	vst v29;
	v28 =	vmul.f32 v28, v40;
	v29 =	vld [tilespmem:s29+$0xC1D0]  }
0x20d: {  	[tilespmem:s29+$0xE120] =	vst v32;
	v31 =	vmul.f32 v31, v40;
	v32 =	vld [tilespmem:s29+$0xC1E0]  }
0x20e: {  	[tilespmem:s29+$0xE130] =	vst v27;
	v27 =	vmul.f32 v34, v40;
	v34 =	vld [tilespmem:s29+$0xC1F0]  }
0x20f: {  	[tilespmem:s29+$0xE140] =	vst v30;
	v30 =	vmul.f32 v35, v40;
	v35 =	vld [tilespmem:s29+$0xC200]  }
0x210: {  	[tilespmem:s29+$0xE150] =	vst v33;
	v33 =	vmul.f32 v37, v41;
	v37 =	vld [tilespmem:s29+$0xC210]  }
0x211: {  	[tilespmem:s29+$0xE160] =	vst v18;
	v18 =	vmul.f32 v29, v41;
	v29 =	vld [tilespmem:s29+$0xC220]  }
0x212: {  	[tilespmem:s29+$0xE170] =	vst v36;
	v32 =	vmul.f32 v32, v41;
	v36 =	vld [tilespmem:s29+$0xC230]  }
0x213: {  	[tilespmem:s29+$0xE180] =	vst v28;
	v28 =	vmul.f32 v34, v41;
	v34 =	vld [tilespmem:s29+$0xC240]  }
0x214: {  	[tilespmem:s29+$0xE190] =	vst v31;
	v31 =	vmul.f32 v35, v43;
	v35 =	vld [tilespmem:s29+$0xC250]  }
0x215: {  	[tilespmem:s29+$0xE1A0] =	vst v27;
	v27 =	vmul.f32 v37, v43;
	v37 =	vld [tilespmem:s29+$0xC260]  }
0x216: {  	[tilespmem:s29+$0xE1B0] =	vst v30;
	v29 =	vmul.f32 v29, v43;
	v30 =	vld [tilespmem:s29+$0xC270]  }
0x217: {  	[tilespmem:s29+$0xE1C0] =	vst v33;
	v33 =	vmul.f32 v36, v43;
	v36 =	vld [tilespmem:s29+$0xC280]  }
0x218: {  	[tilespmem:s29+$0xE1D0] =	vst v18;
	v18 =	vmul.f32 v34, v26;
	v34 =	vld [tilespmem:s29+$0xC290]  }
0x219: {  	[tilespmem:s29+$0xE1E0] =	vst v32;
	v32 =	vmul.f32 v35, v26;
	v35 =	vld [tilespmem:s29+$0xC2A0]  }
0x21a: {  	[tilespmem:s29+$0xE1F0] =	vst v28;
	v28 =	vmul.f32 v37, v26;
	v37 =	vld [tilespmem:s29+$0xC2B0]  }
0x21b: {  	[tilespmem:s29+$0xE200] =	vst v31;
	v26 =	vmul.f32 v30, v26;
	v30 =	vld [tilespmem:s29+$0xC2C0]  }
0x21c: {  	[tilespmem:s29+$0xE210] =	vst v27;
	v27 =	vmul.f32 v36, v25;
	v31 =	vld [tilespmem:s29+$0xC2D0]  }
0x21d: {  	[tilespmem:s29+$0xE220] =	vst v29;
	v29 =	vmul.f32 v34, v25;
	v34 =	vld [tilespmem:s29+$0xC2E0]  }
0x21e: {  	[tilespmem:s29+$0xE230] =	vst v33;
	v33 =	vmul.f32 v35, v25;
	v35 =	vld [tilespmem:s29+$0xC2F0]  }
0x21f: {  	[tilespmem:s29+$0xE240] =	vst v18;
	v18 =	vmul.f32 v37, v25;
	v25 =	vld [tilespmem:s29+$0xC300]  }
0x220: {  	[tilespmem:s29+$0xE250] =	vst v32;
	v30 =	vmul.f32 v30, v24;
	v32 =	vld [tilespmem:s29+$0xC310]  }
0x221: {  	[tilespmem:s29+$0xE260] =	vst v28;
	v28 =	vmul.f32 v31, v24;
	v31 =	vld [tilespmem:s29+$0xC320]  }
0x222: {  	[tilespmem:s29+$0xE270] =	vst v26;
	v26 =	vmul.f32 v34, v24;
	v34 =	vld [tilespmem:s29+$0xC330]  }
0x223: {  	[tilespmem:s29+$0xE280] =	vst v27;
	v24 =	vmul.f32 v35, v24;
	v27 =	vld [tilespmem:s29+$0xC340]  }
0x224: {  	[tilespmem:s29+$0xE290] =	vst v29;
	v25 =	vmul.f32 v25, v23;
	v29 =	vld [tilespmem:s29+$0xC350]  }
0x225: {  	[tilespmem:s29+$0xE2A0] =	vst v33;
	v32 =	vmul.f32 v32, v23;
	v33 =	vld [tilespmem:s29+$0xC360]  }
0x226: {  	[tilespmem:s29+$0xE2B0] =	vst v18;
	v18 =	vmul.f32 v31, v23;
	v31 =	vld [tilespmem:s29+$0xC370]  }
0x227: {  	[tilespmem:s29+$0xE2C0] =	vst v30;
	v23 =	vmul.f32 v34, v23;
	v30 =	vld [tilespmem:s29+$0xC380]  }
0x228: {  	[tilespmem:s29+$0xE2D0] =	vst v28;
	v27 =	vmul.f32 v27, v22;
	v28 =	vld [tilespmem:s29+$0xC390]  }
0x229: {  	[tilespmem:s29+$0xE2E0] =	vst v26;
	v26 =	vmul.f32 v29, v22;
	v29 =	vld [tilespmem:s29+$0xC3A0]  }
0x22a: {  	[tilespmem:s29+$0xE2F0] =	vst v24;
	v24 =	vmul.f32 v33, v22;
	v33 =	vld [tilespmem:s29+$0xC3B0]  }
0x22b: {  	[tilespmem:s29+$0xE300] =	vst v25;
	v25 =	vmul.f32 v31, v22;
	v22 =	vld [tilespmem:s29+$0xC3C0]  }
0x22c: {  	[tilespmem:s29+$0xE310] =	vst v32;
	v30 =	vmul.f32 v30, v21;
	v32 =	vld [tilespmem:s29+$0xC3D0]  }
0x22d: {  	[tilespmem:s29+$0xE320] =	vst v18;
	v18 =	vmul.f32 v28, v21;
	v28 =	vld [tilespmem:s29+$0xC3E0]  }
0x22e: {  	[tilespmem:s29+$0xE330] =	vst v23;
	v34 =	vmul.f32 v29, v21;
	v35 =	vld [tilespmem:s29+$0xC3F0]  }
0x22f: {  	[tilespmem:s29+$0xE340] =	vst v27;
	v31 =	vmul.f32 v33, v21;
	v33 =	vld [tilespmem:s29+$0xC400]  }
0x230: {  	[tilespmem:s29+$0xE350] =	vst v26;
	v21 =	vmul.f32 v22, v20;
	v36 =	vld [tilespmem:s29+$0xC410]  }
.Ltmp5:
0x231: {  	[tilespmem:s29+$0xE360] =	vst v24;
	v27 =	vmul.f32 v32, v20;
	v22 =	vld [tilespmem:s29+$0xC420];
	(pc) =	sbr.rel @p1 .LBB2_9-.Ltmp5, $4  }
0x232: {  	[tilespmem:s29+$0xE370] =	vst v25;
	v29 =	vmul.f32 v28, v20;
	v23 =	vld [tilespmem:s29+$0xC430]  }
0x233: {  	[tilespmem:s29+$0xE380] =	vst v30;
	v26 =	vmul.f32 v35, v20;
	v24 =	vld [tilespmem:s29+$0xC440]  }
0x234: {  	s31 =	sadd.s32 $0x10, s31;
	[tilespmem:s29+$0xE390] =	vst v18;
	v28 =	vmul.f32 v33, v19;
	v25 =	vld [tilespmem:s29+$0xC450]  }
0x235: {  	s0 =	sadd.s32 $0x1000, s0;
	v18 =	vld [tilespmem:s31+$0x0];
	[tilespmem:s29+$0xE3A0] =	vst v34;
	v30 =	vmul.f32 v36, v19  }
0x236: {  	[tilespmem:s29+$0xE3B0] =	vst v31  }
0x237: {  	[tilespmem:s29+$0xE3C0] =	vst v21  }
0x238: {  	s0 =	sshra.s32 s1, $0x2;
	v20 =	vld [tilespmem:s29+$0xC460];
	[tilespmem:s29+$0xE3D0] =	vst v27  }
0x239: {  	[tilespmem:s29+$0xE3E0] =	vst v29;
	v43 =	vld [tilespmem:s0+$0xC470]  }
0x23a: {  	[tilespmem:s29+$0xE3F0] =	vst v26;
	v44 =	vld [tilespmem:s0+$0xC080]  }
0x23b: {  	[tilespmem:s29+$0xE400] =	vst v28;
	v47 =	vld [tilespmem:s0+$0xC090]  }
0x23c: {  	v22 =	vmul.f32 v22, v19;
	[tilespmem:s30+$0xE460] =	vst v17;
	v49 =	vld [tilespmem:s0+$0xC0A0]  }
0x23d: {  	[tilespmem:s29+$0xE410] =	vst v30;
	v46 =	vmul.f32 v23, v19;
	v51 =	vld [tilespmem:s0+$0xC0B0]  }
0x23e: {  	v52 =	vld [tilespmem:s0+$0xC0C0];
	[tilespmem:s29+$0xE420] =	vst v22;
	v48 =	vmul.f32 v24, v16  }
0x23f: {  	v53 =	vld [tilespmem:s0+$0xC0D0];
	v25 =	vmul.f32 v25, v16;
	[tilespmem:s29+$0xE430] =	vst v46;
	v21 =	vperm.xlane v18, v15  }
0x240: {  	v55 =	vld [tilespmem:s0+$0xC0E0];
	v50 =	vperm.xlane v18, v0;
	[tilespmem:s29+$0xE440] =	vst v48;
	v16 =	vmul.f32 v20, v16  }
0x241: {  	v57 =	vld [tilespmem:s0+$0xC0F0];
	[tilespmem:s29+$0xE450] =	vst v25;
	v45 =	vmul.f32 v43, v21  }
0x242: {  	v58 =	vld [tilespmem:s0+$0xC100];
	v54 =	vmul.f32 v44, v50;
	[tilespmem:s29+$0xE460] =	vst v16  }
0x243: {  	v59 =	vld [tilespmem:s0+$0xC120];
	v17 =	vmul.f32 v47, v50;
	[tilespmem:s0+$0xE470] =	vst v45  }
0x244: {  	v61 =	vld [tilespmem:s0+$0xC130];
	v56 =	vperm.xlane v18, v1;
	v24 =	vmul.f32 v49, v50;
	[tilespmem:s0+$0xE080] =	vst v54  }
0x245: {  	v62 =	vld [tilespmem:s0+$0xC140];
	v27 =	vmul.f32 v51, v50;
	[tilespmem:s0+$0xE090] =	vst v17  }
0x246: {  	v63 =	vld [tilespmem:s0+$0xC150];
	v19 =	vmul.f32 v52, v56;
	[tilespmem:s0+$0xE0A0] =	vst v24  }
0x247: {  	v36 =	vld [tilespmem:s0+$0xC180];
	v22 =	vmul.f32 v53, v56;
	[tilespmem:s0+$0xE0B0] =	vst v27  }
0x248: {  	v40 =	vld [tilespmem:s0+$0xC1B0];
	v60 =	vperm.xlane v18, v2;
	v26 =	vmul.f32 v55, v56;
	[tilespmem:s0+$0xE0C0] =	vst v19  }
0x249: {  	v32 =	vld [tilespmem:s0+$0xC160];
	v23 =	vmul.f32 v57, v56;
	[tilespmem:s0+$0xE0D0] =	vst v22  }
0x24a: {  	v34 =	vld [tilespmem:s0+$0xC170];
	v39 =	vperm.xlane v18, v4;
	v25 =	vmul.f32 v58, v60;
	[tilespmem:s0+$0xE0E0] =	vst v26  }
0x24b: {  	v37 =	vld [tilespmem:s0+$0xC190];
	v35 =	vmul.f32 v61, v60;
	[tilespmem:s0+$0xE0F0] =	vst v23  }
0x24c: {  	v38 =	vld [tilespmem:s0+$0xC1A0];
	v42 =	vmul.f32 v36, v39;
	[tilespmem:s0+$0xE100] =	vst v25  }
0x24d: {  	v41 =	vld [tilespmem:s0+$0xC1C0];
	v33 =	vperm.xlane v18, v3;
	v46 =	vmul.f32 v40, v39;
	[tilespmem:s0+$0xE130] =	vst v35  }
0x24e: {  	v47 =	vld [tilespmem:s0+$0xC200];
	v24 =	vmul.f32 v59, v60;
	[tilespmem:s0+$0xE180] =	vst v42  }
0x24f: {  	v49 =	vld [tilespmem:s0+$0xC210];
	v22 =	vmul.f32 v63, v33;
	[tilespmem:s0+$0xE1B0] =	vst v46  }
0x250: {  	v17 =	vld [tilespmem:s0+$0xC110];
	v26 =	vmul.f32 v32, v33;
	[tilespmem:s0+$0xE120] =	vst v24  }
0x251: {  	v51 =	vld [tilespmem:s0+$0xC220];
	v52 =	vperm.xlane v18, v6;
	v19 =	vmul.f32 v37, v39;
	[tilespmem:s0+$0xE150] =	vst v22  }
0x252: {  	v43 =	vld [tilespmem:s0+$0xC1D0];
	[tilespmem:s0+$0xE160] =	vst v26;
	v24 =	vmul.f32 v38, v39  }
0x253: {  	v53 =	vld [tilespmem:s0+$0xC230];
	[tilespmem:s0+$0xE190] =	vst v19;
	v55 =	vmul.f32 v47, v52  }
0x254: {  	v61 =	vld [tilespmem:s0+$0xC2A0];
	v23 =	vmul.f32 v49, v52;
	[tilespmem:s0+$0xE1A0] =	vst v24  }
0x255: {  	v59 =	vld [tilespmem:s0+$0xC280];
	v17 =	vmul.f32 v17, v60;
	[tilespmem:s0+$0xE200] =	vst v55  }
0x256: {  	v36 =	vld [tilespmem:s0+$0xC300];
	v27 =	vmul.f32 v51, v52;
	[tilespmem:s0+$0xE210] =	vst v23  }
0x257: {  	v63 =	vld [tilespmem:s0+$0xC2B0];
	[tilespmem:s0+$0xE110] =	vst v17;
	v17 =	vmul.f32 v62, v33  }
0x258: {  	v22 =	vmul.f32 v53, v52;
	v60 =	vld [tilespmem:s0+$0xC290];
	[tilespmem:s0+$0xE220] =	vst v27;
	v62 =	vperm.xlane v18, v8  }
0x259: {  	v40 =	vld [tilespmem:s0+$0xC330];
	[tilespmem:s0+$0xE140] =	vst v17;
	v17 =	vmul.f32 v34, v33  }
0x25a: {  	v38 =	vld [tilespmem:s0+$0xC320];
	[tilespmem:s0+$0xE230] =	vst v22;
	v24 =	vmul.f32 v59, v62  }
0x25b: {  	v37 =	vld [tilespmem:s0+$0xC310];
	v27 =	vmul.f32 v61, v62;
	[tilespmem:s0+$0xE170] =	vst v17  }
0x25c: {  	v44 =	vld [tilespmem:s0+$0xC1E0];
	v39 =	vperm.xlane v18, v10;
	v22 =	vmul.f32 v63, v62;
	[tilespmem:s0+$0xE280] =	vst v24  }
0x25d: {  	v45 =	vld [tilespmem:s0+$0xC1F0];
	v23 =	vmul.f32 v60, v62;
	[tilespmem:s0+$0xE2A0] =	vst v27  }
0x25e: {  	[tilespmem:s0+$0xE2B0] =	vst v22;
	v24 =	vmul.f32 v36, v39  }
0x25f: {  	v56 =	vld [tilespmem:s0+$0xC250];
	v17 =	vperm.xlane v18, v5;
	v27 =	vmul.f32 v38, v39;
	[tilespmem:s0+$0xE290] =	vst v23  }
0x260: {  	v57 =	vld [tilespmem:s0+$0xC260];
	v22 =	vmul.f32 v40, v39;
	v23 =	vmul.f32 v37, v39;
	[tilespmem:s0+$0xE300] =	vst v24  }
0x261: {  	v54 =	vld [tilespmem:s0+$0xC240];
	v48 =	vmul.f32 v41, v17;
	v50 =	vmul.f32 v43, v17;
	[tilespmem:s0+$0xE320] =	vst v27  }
0x262: {  	v58 =	vld [tilespmem:s0+$0xC270];
	v26 =	vmul.f32 v44, v17;
	v17 =	vmul.f32 v45, v17;
	[tilespmem:s0+$0xE330] =	vst v22  }
0x263: {  	v32 =	vld [tilespmem:s0+$0xC2C0];
	[tilespmem:s0+$0xE310] =	vst v23  }
0x264: {  	v35 =	vld [tilespmem:s0+$0xC2F0];
	[tilespmem:s0+$0xE1F0] =	vst v17;
	v17 =	vperm.xlane v18, v7  }
0x265: {  	v46 =	vld [tilespmem:s0+$0xC390];
	[tilespmem:s0+$0xE1C0] =	vst v48  }
0x266: {  	v47 =	vld [tilespmem:s0+$0xC3A0];
	[tilespmem:s0+$0xE1D0] =	vst v50;
	v19 =	vmul.f32 v54, v17  }
0x267: {  	v49 =	vld [tilespmem:s0+$0xC3B0];
	[tilespmem:s0+$0xE1E0] =	vst v26;
	v25 =	vmul.f32 v56, v17  }
0x268: {  	v45 =	vld [tilespmem:s0+$0xC380];
	v48 =	vperm.xlane v18, v12;
	v26 =	vmul.f32 v57, v17;
	[tilespmem:s0+$0xE240] =	vst v19  }
0x269: {  	v55 =	vld [tilespmem:s0+$0xC410];
	v17 =	vmul.f32 v58, v17;
	[tilespmem:s0+$0xE250] =	vst v25  }
0x26a: {  	v33 =	vld [tilespmem:s0+$0xC2D0];
	v23 =	vmul.f32 v46, v48;
	[tilespmem:s0+$0xE260] =	vst v26  }
0x26b: {  	v34 =	vld [tilespmem:s0+$0xC2E0];
	v27 =	vmul.f32 v47, v48;
	[tilespmem:s0+$0xE270] =	vst v17  }
0x26c: {  	v42 =	vld [tilespmem:s0+$0xC350];
	v22 =	vmul.f32 v49, v48;
	v57 =	vperm.xlane v18, v14;
	[tilespmem:s0+$0xE390] =	vst v23  }
0x26d: {  	v41 =	vld [tilespmem:s0+$0xC340];
	v24 =	vmul.f32 v45, v48;
	v17 =	vperm.xlane v18, v9;
	[tilespmem:s0+$0xE3A0] =	vst v27  }
0x26e: {  	v54 =	vld [tilespmem:s0+$0xC400];
	[tilespmem:s0+$0xE3B0] =	vst v22;
	v62 =	vmul.f32 v55, v57  }
0x26f: {  	v43 =	vld [tilespmem:s0+$0xC360];
	[tilespmem:s0+$0xE380] =	vst v24;
	v19 =	vmul.f32 v32, v17;
	v25 =	vmul.f32 v33, v17  }
0x270: {  	v44 =	vld [tilespmem:s0+$0xC370];
	v26 =	vmul.f32 v34, v17;
	v17 =	vmul.f32 v35, v17;
	[tilespmem:s0+$0xE410] =	vst v62  }
0x271: {  	v51 =	vld [tilespmem:s0+$0xC3D0];
	[tilespmem:s0+$0xE2C0] =	vst v19  }
0x272: {  	v52 =	vld [tilespmem:s0+$0xC3E0];
	[tilespmem:s0+$0xE2F0] =	vst v17;
	v17 =	vperm.xlane v18, v11  }
0x273: {  	v59 =	vld [tilespmem:s0+$0xC430];
	v24 =	vmul.f32 v54, v57;
	[tilespmem:s0+$0xE2D0] =	vst v25  }
0x274: {  	v50 =	vld [tilespmem:s0+$0xC3C0];
	[tilespmem:s0+$0xE2E0] =	vst v26;
	v19 =	vmul.f32 v41, v17;
	v25 =	vmul.f32 v42, v17  }
0x275: {  	v53 =	vld [tilespmem:s0+$0xC3F0];
	[tilespmem:s0+$0xE400] =	vst v24;
	v26 =	vmul.f32 v43, v17;
	v17 =	vmul.f32 v44, v17  }
0x276: {  	[tilespmem:s0+$0xE340] =	vst v19  }
0x277: {  	v56 =	vld [tilespmem:s0+$0xC420];
	[tilespmem:s0+$0xE370] =	vst v17;
	v17 =	vperm.xlane v18, v13  }
0x278: {  	[tilespmem:s0+$0xE350] =	vst v25;
	v18 =	vmul.f32 v59, v57  }
0x279: {  	v61 =	vld [tilespmem:s0+$0xC450];
	[tilespmem:s0+$0xE360] =	vst v26;
	v19 =	vmul.f32 v50, v17;
	v25 =	vmul.f32 v51, v17  }
0x27a: {  	v60 =	vld [tilespmem:s0+$0xC440];
	v58 =	vmul.f32 v52, v17;
	v17 =	vmul.f32 v53, v17;
	[tilespmem:s0+$0xE430] =	vst v18  }
0x27b: {  	v63 =	vld [tilespmem:s0+$0xC460];
	[tilespmem:s0+$0xE3C0] =	vst v19  }
0x27c: {  	[tilespmem:s0+$0xE3F0] =	vst v17;
	v17 =	vmul.f32 v56, v57  }
0x27d: {  	[tilespmem:s0+$0xE3D0] =	vst v25  }
0x27e: {  	[tilespmem:s0+$0xE420] =	vst v17;
	v17 =	vmul.f32 v61, v21  }
0x27f: {  	[tilespmem:s0+$0xE3E0] =	vst v58;
	v19 =	vmul.f32 v60, v21  }
0x280: {  	[tilespmem:s0+$0xE450] =	vst v17;
	v17 =	vmul.f32 v63, v21  }
0x281: {  	s30 =	sand.u32 $0x3FFFFF80, s28;
	[tilespmem:s0+$0xE440] =	vst v19  }
.Ltmp6:
0x282: {  	s31 =	sadd.s32 $0x2800, s30;
	[tilespmem:s0+$0xE460] =	vst v17;
	(pc) =	sbr.rel @p0 .LBB2_12-.Ltmp6, $4  }
0x283: {  	[spmem:s2] =	stream.indirect.scatter.add.f32 [tilespmem:s22], [sflag:$0x3], $0x40, s31, s18, $0xb8;
	[tilespmem:$0x1A080] =	vst v63  }
0x284: {  	_ =	swait.ge [sflag:s13], $0x2000  }
0x285: {  	[sflag:s13] =	ssyncset.done $0x0  }
0x286: {  	[sflag:s13] =	ssyncadd.s32 $0xFFFFE000  }
.Ltmp7:
0x287: {  	(pc) =	sbr.rel .LBB2_2-.Ltmp7, $3  }
0x288: {  	_ =	sdelay $0x1  }
0x289: {  	s0 =	sadd.s32 $0x180, s26;
	s25 =	sadd.s32 $0x1, s25  }
0x28a: {  	[tilespmem:s20], [sflag:$0x2] =	stream.indirect.gather [hbm4b:s5+s18], $0x40, s0, s18, $0xb8;
	[tilespmem:$0x1A080] =	vst v63  }
.LBB2_13:
0x28b: {  	_ =	sfence.sel $0x180000  }
0x28c: {  	[bflag:$0x0] =	sbarrier.arrive $0xFFFF  }
0x28d: {  	_ =	strace $0x90000050  }
0x28e: {  	s0 =	stileid.u32;
	[bflag:$0x2] =	sbarrier.arrive $0xFFFF  }
0x28f: {  	p0 =	sne.s32 s0, $0x0;
	s0 =	rddreg [dreg:$0x3]  }
0x290: {  	s0 =	sadd.s32 @!p0 $0x100000, s0  }
0x291: {  	[sflag:s0] =	ssyncadd.tile.s32 @!p0 $0x1;
	_ =	shalt  }
.Lfunc_end2:
_tile_overlayer_lowered:
.L_overlay_start_2:
0x292: {  	(tag) =	ssettag $0x2  }
0x293: {  	s0 =	rddreg [dreg:$0x0];
	s2 =	stileid.u32  }
0x294: {  	s1 =	rddreg [dreg:$0x1];
	p0 =	sne.s32 s2, $0x0  }
0x295: {  	s3 =	rddreg [dreg:$0x2];
	[bflag:$0x3] =	sbarrier.arrive $0xFFFF;
	s2 =	simm.s32 @!p0 $0x1C03  }
0x296: {  	[timem:s3], [sflag:s2] =	dma.local @!p0 [hbm:s0], s1  }
0x297: {  	s0 =	simm.s32 @!p0 $0x3  }
0x298: {  	_ =	swait.ge @!p0 [sflag:s0], s1  }
0x299: {  	s1 =	ssub.s32 @!p0 $0x0, s1;
	[sflag:s0] =	ssyncset.done @!p0 $0x0  }
0x29a: {  	[sflag:s0] =	ssyncadd.s32 @!p0 s1  }
0x29b: {  	[bflag:$0x3] =	sbarrier.arrive $0xFFFF  }
0x29c: {  	_ =	shalt  }

</sc_bundles>
